<compile_context>
chip_gen: v7x
topology: tpu7x:2x2x1
jax: 0.10.2.dev20260603
libtpu: 0.0.44.dev20260713+nightly
codegen_flags: <defaults>
</compile_context>

<pallas_src>
import functools

import jax
import jax.numpy as jnp
from jax import lax
from jax.experimental import pallas as pl
from jax.experimental.pallas import tpu as pltpu
from jax.experimental.pallas import tpu_sc as plsc

N = 10000
E = 320000
D = 128
C = 128
ED = 16

NUM_CORES = 2
NUM_SUBCORES = 16
NW = NUM_CORES * NUM_SUBCORES
EDGES_PER_W = E // NW
CHUNK = 40
NCHUNK = EDGES_PER_W // CHUNK
IBATCH = 10
NPAD = 10240
ROWS_PER_TILE = NPAD // NUM_SUBCORES
ZROWS = 128
DN_ROWS = NPAD // 8
DN_PER_TILE = DN_ROWS // NUM_SUBCORES


def _lin_body(x_ref, wl_ref, bl_ref, wr_ref, br_ref, xl_ref, xr_ref):
    x = x_ref[...]
    xl_ref[...] = jnp.dot(x, wl_ref[...], preferred_element_type=jnp.float32) + bl_ref[...]
    xr_ref[...] = jnp.dot(x, wr_ref[...], preferred_element_type=jnp.float32) + br_ref[...]


def _edge_lin_body(ef_ref, we_ref, e_ref):
    e_ref[...] = jnp.dot(ef_ref[...], we_ref[...], preferred_element_type=jnp.float32)


def _epilogue_body(u_ref, d_ref, b_ref, o_ref):
    u = u_ref[0] + u_ref[1]
    d = d_ref[0] + d_ref[1]
    o_ref[...] = u / (d + 1e-16) + b_ref[...]


def _lane_sum(v):
    for sh in (8, 4, 2, 1):
        idx = lax.iota(jnp.int32, 16) ^ sh
        v = v + v.at[idx].get(mode="promise_in_bounds")
    return v



def _sc_edge_body(xl_hbm, xr_hbm, e_hbm, src_hbm, dst_hbm, att_hbm,
                  u_hbm, dn_hbm,
                  u_acc, dn_acc,
                  att_v, src_b, dst_b, dst_v, dstrow_v, xl_v, xr_v, e_v,
                  sbuf_v, drow_v,
                  sem1, sem2, sem3, sem4):
    core = lax.axis_index("c")
    sub = lax.axis_index("s")
    wid = sub * NUM_CORES + core

    def zero_row(i, _):
        for j in range(D // 16):
            xl_v[i, pl.ds(j * 16, 16)] = jnp.zeros((16,), jnp.float32)
            drow_v[i, pl.ds(j * 16, 16)] = jnp.zeros((16,), jnp.float32)
        return 0

    lax.fori_loop(0, CHUNK, zero_row, 0)

    row0 = sub * ROWS_PER_TILE
    dnrow0 = sub * DN_PER_TILE
    for k in range(ROWS_PER_TILE // CHUNK):
        pltpu.sync_copy(xl_v, u_acc.at[pl.ds(row0 + k * CHUNK, CHUNK)])
    for k in range(DN_PER_TILE // CHUNK):
        pltpu.sync_copy(drow_v, dn_acc.at[pl.ds(dnrow0 + k * CHUNK, CHUNK)])
    plsc.subcore_barrier()

    pltpu.sync_copy(att_hbm, att_v)

    starts0 = list(range(0, CHUNK - 15, 16))
    if CHUNK % 16:
        starts0.append(CHUNK - 16)

    def do_chunk(c, _):
        k = c % IBATCH
        off = k * CHUNK

        @pl.when(c > 0)
        def _():
            pltpu.make_async_copy(xl_v, u_acc.at[dst_v], sem3).wait()
            pltpu.make_async_copy(drow_v, dn_acc.at[dstrow_v], sem4).wait()

        for k0 in starts0:
            sl = pl.ds(k0, 16)
            d16 = dst_b[pl.ds(off + k0, 16)]
            dst_v[sl] = d16
            dstrow_v[sl] = lax.shift_right_logical(d16, 3)

        g1 = pltpu.async_copy(xl_hbm.at[src_b.at[pl.ds(off, CHUNK)]], xl_v, sem1)
        g2 = pltpu.async_copy(xr_hbm.at[dst_v], xr_v, sem2)
        base = wid * EDGES_PER_W + c * CHUNK
        pltpu.sync_copy(e_hbm.at[pl.ds(base, CHUNK)], e_v)
        g1.wait()
        g2.wait()

        def edge_row(i, _):
            acc = jnp.zeros((16,), jnp.float32)
            for j in range(D // 16):
                sl = pl.ds(j * 16, 16)
                z = xl_v[i, sl] + xr_v[i, sl] + e_v[i, sl]
                z = jnp.maximum(z, 0.2 * z)
                acc = acc + z * att_v[sl]
            s_row = jnp.exp(_lane_sum(acc))
            sbuf_v[i, pl.ds(0, 16)] = s_row
            for j in range(D // 16):
                sl = pl.ds(j * 16, 16)
                xl_v[i, sl] = s_row * xl_v[i, sl]
            return 0

        lax.fori_loop(0, CHUNK, edge_row, 0)

        lane_iota = lax.iota(jnp.int32, 16)
        for k0 in starts0:
            lanes16 = dst_v[pl.ds(k0, 16)] & 7
            for j in range(16):
                i = k0 + j
                mask = lane_iota == lanes16[j]
                srow = sbuf_v[i, pl.ds(0, 16)]
                drow_v[i, pl.ds(0, 16)] = jnp.where(mask, srow, 0.0)

        pltpu.async_copy(xl_v, u_acc.at[dst_v], sem3, add=True)
        pltpu.async_copy(drow_v, dn_acc.at[dstrow_v], sem4, add=True)
        return 0

    def do_batch(b, _):
        bbase = wid * EDGES_PER_W + b * IBATCH * CHUNK
        pltpu.sync_copy(src_hbm.at[pl.ds(bbase, IBATCH * CHUNK)], src_b)
        pltpu.sync_copy(dst_hbm.at[pl.ds(bbase, IBATCH * CHUNK)], dst_b)
        lax.fori_loop(b * IBATCH, (b + 1) * IBATCH, do_chunk, 0)
        return 0

    lax.fori_loop(0, NCHUNK // IBATCH, do_batch, 0)
    pltpu.make_async_copy(xl_v, u_acc.at[dst_v], sem3).wait()
    pltpu.make_async_copy(drow_v, dn_acc.at[dstrow_v], sem4).wait()
    plsc.subcore_barrier()

    pltpu.sync_copy(u_acc.at[pl.ds(row0, ROWS_PER_TILE)],
                    u_hbm.at[core, pl.ds(row0, ROWS_PER_TILE)])
    pltpu.sync_copy(dn_acc.at[pl.ds(dnrow0, DN_PER_TILE)],
                    dn_hbm.at[core, pl.ds(dnrow0, DN_PER_TILE)])


def _sc_edge_pass(xl, xr, e, src_idx, dst_idx, att_vec):
    mesh = plsc.VectorSubcoreMesh(core_axis_name="c", subcore_axis_name="s")
    kern = pl.kernel(
        _sc_edge_body,
        out_type=[
            jax.ShapeDtypeStruct((NUM_CORES, NPAD, D), jnp.float32),
            jax.ShapeDtypeStruct((NUM_CORES, DN_ROWS, D), jnp.float32),
        ],
        mesh=mesh,
        scratch_types=[
            pltpu.VMEM_SHARED((NPAD, D), jnp.float32),
            pltpu.VMEM_SHARED((DN_ROWS, D), jnp.float32),
            pltpu.VMEM((D,), jnp.float32),
            pltpu.VMEM((IBATCH * CHUNK,), jnp.int32),
            pltpu.VMEM((IBATCH * CHUNK,), jnp.int32),
            pltpu.VMEM((CHUNK,), jnp.int32),
            pltpu.VMEM((CHUNK,), jnp.int32),
            pltpu.VMEM((CHUNK, D), jnp.float32),
            pltpu.VMEM((CHUNK, D), jnp.float32),
            pltpu.VMEM((CHUNK, D), jnp.float32),
            pltpu.VMEM((CHUNK, 16), jnp.float32),
            pltpu.VMEM((CHUNK, D), jnp.float32),
            pltpu.SemaphoreType.DMA,
            pltpu.SemaphoreType.DMA,
            pltpu.SemaphoreType.DMA,
            pltpu.SemaphoreType.DMA,
        ],
    )
    return kern(xl, xr, e, src_idx, dst_idx, att_vec)


def kernel(node_feats, edge_index, edge_feats, W_l, b_l, W_r, b_r, W_e, att, bias):
    mm = pl.pallas_call(
        _lin_body,
        grid=(10,),
        in_specs=[
            pl.BlockSpec((N // 10, D), lambda i: (i, 0)),
            pl.BlockSpec((D, C), lambda i: (0, 0)),
            pl.BlockSpec((1, C), lambda i: (0, 0)),
            pl.BlockSpec((D, C), lambda i: (0, 0)),
            pl.BlockSpec((1, C), lambda i: (0, 0)),
        ],
        out_specs=[
            pl.BlockSpec((N // 10, C), lambda i: (i, 0)),
            pl.BlockSpec((N // 10, C), lambda i: (i, 0)),
        ],
        out_shape=[
            jax.ShapeDtypeStruct((N, C), jnp.float32),
            jax.ShapeDtypeStruct((N, C), jnp.float32),
        ],
    )
    xl, xr = mm(node_feats, W_l, b_l.reshape(1, C), W_r, b_r.reshape(1, C))

    e = pl.pallas_call(
        _edge_lin_body,
        grid=(40,),
        in_specs=[
            pl.BlockSpec((E // 40, ED), lambda i: (i, 0)),
            pl.BlockSpec((ED, C), lambda i: (0, 0)),
        ],
        out_specs=pl.BlockSpec((E // 40, C), lambda i: (i, 0)),
        out_shape=jax.ShapeDtypeStruct((E, C), jnp.float32),
    )(edge_feats, W_e)

    u, dn = _sc_edge_pass(xl, xr, e, edge_index[0], edge_index[1], att.reshape(C))

    d = dn[:, :, :8].reshape(NUM_CORES, NPAD)[:, :N, None]

    out = pl.pallas_call(
        _epilogue_body,
        grid=(10,),
        in_specs=[
            pl.BlockSpec((NUM_CORES, N // 10, C), lambda i: (0, i, 0)),
            pl.BlockSpec((NUM_CORES, N // 10, 1), lambda i: (0, i, 0)),
            pl.BlockSpec((1, C), lambda i: (0, 0)),
        ],
        out_specs=pl.BlockSpec((N // 10, C), lambda i: (i, 0)),
        out_shape=jax.ShapeDtypeStruct((N, C), jnp.float32),
    )(u, d, bias.reshape(1, C))
    return out

# --- scband reference (transcript-rebuilt; emitter-appended) ---
"""Pipeline reference for scband-graph-conv-73237782331695 (READ-ONLY COPY).

The authoritative reference and input builder live on the scoring server;
editing this copy changes nothing except your own understanding.
"""

import jax, jax.numpy as jnp
import numpy as np

N = 10000
E = 320000
D = 128
H = 1
C = 128
ED = 16


def setup_inputs(seed: int = 0) -> dict:
    key = jax.random.key(seed)
    ks = jax.random.split(key, 10)
    return {
        "node_feats": jax.random.normal(ks[0], (N, D), dtype=jnp.float32),
        "edge_index": jax.random.randint(ks[1], (2, E), 0, N, dtype=jnp.int32),
        "edge_feats": jax.random.normal(ks[2], (E, ED), dtype=jnp.float32),
        "W_l": jax.random.normal(ks[3], (D, H * C), dtype=jnp.float32) * 0.05,
        "b_l": jnp.zeros((H * C,), dtype=jnp.float32),
        "W_r": jax.random.normal(ks[4], (D, H * C), dtype=jnp.float32) * 0.05,
        "b_r": jnp.zeros((H * C,), dtype=jnp.float32),
        "W_e": jax.random.normal(ks[5], (ED, H * C), dtype=jnp.float32) * 0.05,
        "att": jax.random.normal(ks[6], (H, C), dtype=jnp.float32) * 0.05,
        "bias": jnp.zeros((H * C,), dtype=jnp.float32),
    }


def reference(node_feats, edge_index, edge_feats, W_l, b_l, W_r, b_r, W_e, att, bias):
    # Faithful GATv2Conv (add_self_loops=False, edge_dim=16, heads=1, concat)
    src = edge_index[0]
    dst = edge_index[1]
    x_l = (node_feats @ W_l + b_l).reshape(-1, H, C)   # lin_l(x), source-side
    x_r = (node_feats @ W_r + b_r).reshape(-1, H, C)   # lin_r(x), target-side
    e = (edge_feats @ W_e).reshape(-1, H, C)           # lin_edge(edge_attr), no bias
    # attention logits (GATv2: apply att AFTER leaky_relu of the sum)
    z = x_l[src] + x_r[dst] + e                         # [E, H, C]
    z = jax.nn.leaky_relu(z, negative_slope=0.2)
    alpha = jnp.sum(z * att[None, :, :], axis=-1)       # [E, H]
    # numerically stable segment softmax over incoming edges of each dst node
    amax = jax.ops.segment_max(alpha, dst, num_segments=N)  # [N, H]
    amax = jnp.where(jnp.isfinite(amax), amax, 0.0)
    ex = jnp.exp(alpha - amax[dst])
    denom = jax.ops.segment_sum(ex, dst, num_segments=N)    # [N, H]
    a = ex / (denom[dst] + 1e-16)                        # [E, H]
    # message = alpha * x_l[src]; scatter-add into dst
    msg = x_l[src] * a[:, :, None]                       # [E, H, C]
    out = jax.ops.segment_sum(msg, dst, num_segments=N)  # [N, H, C]
    out = out.reshape(N, H * C) + bias                   # concat heads + bias
    # original forward returns (out, None); second element carries no computation
    return out

if __name__ == "__main__":
    import jax
    _d = setup_inputs()
    print(jax.jit(kernel)(*tuple(_d.values())))

</pallas_src>

<mosaic_0001>
#map = affine_map<(d0, d1) -> (0, 0)>
#map1 = affine_map<(d0, d1) -> (0)>
#map2 = affine_map<(d0, d1) -> (0, 0, 0)>
module attributes {stable_mosaic.version = 14 : i64} {
  func.func @_sc_edge_body(%arg0: i32, %arg1: i32, %arg2: memref<10000x128xf32, #tpu.memory_space<hbm>>, %arg3: memref<10000x128xf32, #tpu.memory_space<hbm>>, %arg4: memref<320000x128xf32, #tpu.memory_space<hbm>>, %arg5: memref<320000xi32, #tpu.memory_space<hbm>>, %arg6: memref<320000xi32, #tpu.memory_space<hbm>>, %arg7: memref<128xf32, #tpu.memory_space<hbm>>, %arg8: memref<2x10240x128xf32, #tpu.memory_space<hbm>>, %arg9: memref<2x1280x128xf32, #tpu.memory_space<hbm>>, %arg10: memref<10240x128xf32, #tpu.memory_space<vmem_shared>>, %arg11: memref<1280x128xf32, #tpu.memory_space<vmem_shared>>, %arg12: memref<128xf32, #tpu.memory_space<vmem>>, %arg13: memref<400xi32, #tpu.memory_space<vmem>>, %arg14: memref<400xi32, #tpu.memory_space<vmem>>, %arg15: memref<40xi32, #tpu.memory_space<vmem>>, %arg16: memref<40xi32, #tpu.memory_space<vmem>>, %arg17: memref<40x128xf32, #tpu.memory_space<vmem>>, %arg18: memref<40x128xf32, #tpu.memory_space<vmem>>, %arg19: memref<40x128xf32, #tpu.memory_space<vmem>>, %arg20: memref<40x16xf32, #tpu.memory_space<vmem>>, %arg21: memref<40x128xf32, #tpu.memory_space<vmem>>, %arg22: memref<!tpu.dma_semaphore, #tpu.memory_space<semaphore_mem>>, %arg23: memref<!tpu.dma_semaphore, #tpu.memory_space<semaphore_mem>>, %arg24: memref<!tpu.dma_semaphore, #tpu.memory_space<semaphore_mem>>, %arg25: memref<!tpu.dma_semaphore, #tpu.memory_space<semaphore_mem>>) attributes {dimension_semantics = [#tpu.dimension_semantics<core_parallel>, #tpu.dimension_semantics<subcore_parallel>], iteration_bounds = array<i64: 2, 16>, scalar_prefetch = 0 : i64, scratch_operands = 16 : i64, tpu.core_type = #tpu.core_type<sc_vector_subcore>, window_params = [{transform_indices = #map}, {transform_indices = #map}, {transform_indices = #map}, {transform_indices = #map1}, {transform_indices = #map1}, {transform_indices = #map1}, {transform_indices = #map2}, {transform_indices = #map2}]} {
    %mul3A = arith.constant 2 : i32
    %mul3A_0 = arith.muli %arg1, %mul3A : i32
    %add3A = arith.addi %mul3A_0, %arg0 : i32
    %scan3A = arith.constant 0 : i32
    %scan3A_1 = arith.constant 0 : i32
    %scan3A_2 = arith.constant 40 : i32
    %scan3A_3 = arith.addi %scan3A_1, %scan3A_2 : i32
    %scan3A_4 = arith.constant 1 : i32
    %scan3A_5 = scf.for %scan3A_60 = %scan3A_1 to %scan3A_3 step %scan3A_4 iter_args(%scan3A_61 = %scan3A) -> (i32)  : i32 {
      %broadcast_in_dim3A = arith.constant 0.000000e+00 : f32
      %broadcast_in_dim3A_62 = vector.broadcast %broadcast_in_dim3A : f32 to vector<16xf32>
      %swap3A = arith.index_cast %scan3A_60 : i32 to index
      %swap3A_63 = arith.constant 0 : index
      %swap3A_64 = tpu.vector_load %arg17[%swap3A, %swap3A_63] {strides = array<i32>} : memref<40x128xf32, #tpu.memory_space<vmem>>, vector<1x16xf32>,
      %swap3A_65 = vector.shape_cast %swap3A_64 : vector<1x16xf32> to vector<16xf32>
      %swap3A_66 = vector.shape_cast %broadcast_in_dim3A_62 : vector<16xf32> to vector<1x16xf32>
      tpu.vector_store %arg17[%swap3A, %swap3A_63], %swap3A_66 {strides = array<i32>} : memref<40x128xf32, #tpu.memory_space<vmem>>, vector<1x16xf32>,
      %broadcast_in_dim3A_67 = arith.constant 0.000000e+00 : f32
      %broadcast_in_dim3A_68 = vector.broadcast %broadcast_in_dim3A_67 : f32 to vector<16xf32>
      %swap3A_69 = arith.index_cast %scan3A_60 : i32 to index
      %swap3A_70 = arith.constant 0 : index
      %swap3A_71 = tpu.vector_load %arg21[%swap3A_69, %swap3A_70] {strides = array<i32>} : memref<40x128xf32, #tpu.memory_space<vmem>>, vector<1x16xf32>,
      %swap3A_72 = vector.shape_cast %swap3A_71 : vector<1x16xf32> to vector<16xf32>
      %swap3A_73 = vector.shape_cast %broadcast_in_dim3A_68 : vector<16xf32> to vector<1x16xf32>
      tpu.vector_store %arg21[%swap3A_69, %swap3A_70], %swap3A_73 {strides = array<i32>} : memref<40x128xf32, #tpu.memory_space<vmem>>, vector<1x16xf32>,
      %broadcast_in_dim3A_74 = arith.constant 0.000000e+00 : f32
      %broadcast_in_dim3A_75 = vector.broadcast %broadcast_in_dim3A_74 : f32 to vector<16xf32>
      %swap3A_76 = arith.index_cast %scan3A_60 : i32 to index
      %swap3A_77 = arith.constant 16 : index
      %swap3A_78 = tpu.vector_load %arg17[%swap3A_76, %swap3A_77] {strides = array<i32>} : memref<40x128xf32, #tpu.memory_space<vmem>>, vector<1x16xf32>,
      %swap3A_79 = vector.shape_cast %swap3A_78 : vector<1x16xf32> to vector<16xf32>
      %swap3A_80 = vector.shape_cast %broadcast_in_dim3A_75 : vector<16xf32> to vector<1x16xf32>
      tpu.vector_store %arg17[%swap3A_76, %swap3A_77], %swap3A_80 {strides = array<i32>} : memref<40x128xf32, #tpu.memory_space<vmem>>, vector<1x16xf32>,
      %broadcast_in_dim3A_81 = arith.constant 0.000000e+00 : f32
      %broadcast_in_dim3A_82 = vector.broadcast %broadcast_in_dim3A_81 : f32 to vector<16xf32>
      %swap3A_83 = arith.index_cast %scan3A_60 : i32 to index
      %swap3A_84 = arith.constant 16 : index
      %swap3A_85 = tpu.vector_load %arg21[%swap3A_83, %swap3A_84] {strides = array<i32>} : memref<40x128xf32, #tpu.memory_space<vmem>>, vector<1x16xf32>,
      %swap3A_86 = vector.shape_cast %swap3A_85 : vector<1x16xf32> to vector<16xf32>
      %swap3A_87 = vector.shape_cast %broadcast_in_dim3A_82 : vector<16xf32> to vector<1x16xf32>
      tpu.vector_store %arg21[%swap3A_83, %swap3A_84], %swap3A_87 {strides = array<i32>} : memref<40x128xf32, #tpu.memory_space<vmem>>, vector<1x16xf32>,
      %broadcast_in_dim3A_88 = arith.constant 0.000000e+00 : f32
      %broadcast_in_dim3A_89 = vector.broadcast %broadcast_in_dim3A_88 : f32 to vector<16xf32>
      %swap3A_90 = arith.index_cast %scan3A_60 : i32 to index
      %swap3A_91 = arith.constant 32 : index
      %swap3A_92 = tpu.vector_load %arg17[%swap3A_90, %swap3A_91] {strides = array<i32>} : memref<40x128xf32, #tpu.memory_space<vmem>>, vector<1x16xf32>,
      %swap3A_93 = vector.shape_cast %swap3A_92 : vector<1x16xf32> to vector<16xf32>
      %swap3A_94 = vector.shape_cast %broadcast_in_dim3A_89 : vector<16xf32> to vector<1x16xf32>
      tpu.vector_store %arg17[%swap3A_90, %swap3A_91], %swap3A_94 {strides = array<i32>} : memref<40x128xf32, #tpu.memory_space<vmem>>, vector<1x16xf32>,
      %broadcast_in_dim3A_95 = arith.constant 0.000000e+00 : f32
      %broadcast_in_dim3A_96 = vector.broadcast %broadcast_in_dim3A_95 : f32 to vector<16xf32>
      %swap3A_97 = arith.index_cast %scan3A_60 : i32 to index
      %swap3A_98 = arith.constant 32 : index
      %swap3A_99 = tpu.vector_load %arg21[%swap3A_97, %swap3A_98] {strides = array<i32>} : memref<40x128xf32, #tpu.memory_space<vmem>>, vector<1x16xf32>,
      %swap3A_100 = vector.shape_cast %swap3A_99 : vector<1x16xf32> to vector<16xf32>
      %swap3A_101 = vector.shape_cast %broadcast_in_dim3A_96 : vector<16xf32> to vector<1x16xf32>
      tpu.vector_store %arg21[%swap3A_97, %swap3A_98], %swap3A_101 {strides = array<i32>} : memref<40x128xf32, #tpu.memory_space<vmem>>, vector<1x16xf32>,
      %broadcast_in_dim3A_102 = arith.constant 0.000000e+00 : f32
      %broadcast_in_dim3A_103 = vector.broadcast %broadcast_in_dim3A_102 : f32 to vector<16xf32>
      %swap3A_104 = arith.index_cast %scan3A_60 : i32 to index
      %swap3A_105 = arith.constant 48 : index
      %swap3A_106 = tpu.vector_load %arg17[%swap3A_104, %swap3A_105] {strides = array<i32>} : memref<40x128xf32, #tpu.memory_space<vmem>>, vector<1x16xf32>,
      %swap3A_107 = vector.shape_cast %swap3A_106 : vector<1x16xf32> to vector<16xf32>
      %swap3A_108 = vector.shape_cast %broadcast_in_dim3A_103 : vector<16xf32> to vector<1x16xf32>
      tpu.vector_store %arg17[%swap3A_104, %swap3A_105], %swap3A_108 {strides = array<i32>} : memref<40x128xf32, #tpu.memory_space<vmem>>, vector<1x16xf32>,
      %broadcast_in_dim3A_109 = arith.constant 0.000000e+00 : f32
      %broadcast_in_dim3A_110 = vector.broadcast %broadcast_in_dim3A_109 : f32 to vector<16xf32>
      %swap3A_111 = arith.index_cast %scan3A_60 : i32 to index
      %swap3A_112 = arith.constant 48 : index
      %swap3A_113 = tpu.vector_load %arg21[%swap3A_111, %swap3A_112] {strides = array<i32>} : memref<40x128xf32, #tpu.memory_space<vmem>>, vector<1x16xf32>,
      %swap3A_114 = vector.shape_cast %swap3A_113 : vector<1x16xf32> to vector<16xf32>
      %swap3A_115 = vector.shape_cast %broadcast_in_dim3A_110 : vector<16xf32> to vector<1x16xf32>
      tpu.vector_store %arg21[%swap3A_111, %swap3A_112], %swap3A_115 {strides = array<i32>} : memref<40x128xf32, #tpu.memory_space<vmem>>, vector<1x16xf32>,
      %broadcast_in_dim3A_116 = arith.constant 0.000000e+00 : f32
      %broadcast_in_dim3A_117 = vector.broadcast %broadcast_in_dim3A_116 : f32 to vector<16xf32>
      %swap3A_118 = arith.index_cast %scan3A_60 : i32 to index
      %swap3A_119 = arith.constant 64 : index
      %swap3A_120 = tpu.vector_load %arg17[%swap3A_118, %swap3A_119] {strides = array<i32>} : memref<40x128xf32, #tpu.memory_space<vmem>>, vector<1x16xf32>,
      %swap3A_121 = vector.shape_cast %swap3A_120 : vector<1x16xf32> to vector<16xf32>
      %swap3A_122 = vector.shape_cast %broadcast_in_dim3A_117 : vector<16xf32> to vector<1x16xf32>
      tpu.vector_store %arg17[%swap3A_118, %swap3A_119], %swap3A_122 {strides = array<i32>} : memref<40x128xf32, #tpu.memory_space<vmem>>, vector<1x16xf32>,
      %broadcast_in_dim3A_123 = arith.constant 0.000000e+00 : f32
      %broadcast_in_dim3A_124 = vector.broadcast %broadcast_in_dim3A_123 : f32 to vector<16xf32>
      %swap3A_125 = arith.index_cast %scan3A_60 : i32 to index
      %swap3A_126 = arith.constant 64 : index
      %swap3A_127 = tpu.vector_load %arg21[%swap3A_125, %swap3A_126] {strides = array<i32>} : memref<40x128xf32, #tpu.memory_space<vmem>>, vector<1x16xf32>,
      %swap3A_128 = vector.shape_cast %swap3A_127 : vector<1x16xf32> to vector<16xf32>
      %swap3A_129 = vector.shape_cast %broadcast_in_dim3A_124 : vector<16xf32> to vector<1x16xf32>
      tpu.vector_store %arg21[%swap3A_125, %swap3A_126], %swap3A_129 {strides = array<i32>} : memref<40x128xf32, #tpu.memory_space<vmem>>, vector<1x16xf32>,
      %broadcast_in_dim3A_130 = arith.constant 0.000000e+00 : f32
      %broadcast_in_dim3A_131 = vector.broadcast %broadcast_in_dim3A_130 : f32 to vector<16xf32>
      %swap3A_132 = arith.index_cast %scan3A_60 : i32 to index
      %swap3A_133 = arith.constant 80 : index
      %swap3A_134 = tpu.vector_load %arg17[%swap3A_132, %swap3A_133] {strides = array<i32>} : memref<40x128xf32, #tpu.memory_space<vmem>>, vector<1x16xf32>,
      %swap3A_135 = vector.shape_cast %swap3A_134 : vector<1x16xf32> to vector<16xf32>
      %swap3A_136 = vector.shape_cast %broadcast_in_dim3A_131 : vector<16xf32> to vector<1x16xf32>
      tpu.vector_store %arg17[%swap3A_132, %swap3A_133], %swap3A_136 {strides = array<i32>} : memref<40x128xf32, #tpu.memory_space<vmem>>, vector<1x16xf32>,
      %broadcast_in_dim3A_137 = arith.constant 0.000000e+00 : f32
      %broadcast_in_dim3A_138 = vector.broadcast %broadcast_in_dim3A_137 : f32 to vector<16xf32>
      %swap3A_139 = arith.index_cast %scan3A_60 : i32 to index
      %swap3A_140 = arith.constant 80 : index
      %swap3A_141 = tpu.vector_load %arg21[%swap3A_139, %swap3A_140] {strides = array<i32>} : memref<40x128xf32, #tpu.memory_space<vmem>>, vector<1x16xf32>,
      %swap3A_142 = vector.shape_cast %swap3A_141 : vector<1x16xf32> to vector<16xf32>
      %swap3A_143 = vector.shape_cast %broadcast_in_dim3A_138 : vector<16xf32> to vector<1x16xf32>
      tpu.vector_store %arg21[%swap3A_139, %swap3A_140], %swap3A_143 {strides = array<i32>} : memref<40x128xf32, #tpu.memory_space<vmem>>, vector<1x16xf32>,
      %broadcast_in_dim3A_144 = arith.constant 0.000000e+00 : f32
      %broadcast_in_dim3A_145 = vector.broadcast %broadcast_in_dim3A_144 : f32 to vector<16xf32>
      %swap3A_146 = arith.index_cast %scan3A_60 : i32 to index
      %swap3A_147 = arith.constant 96 : index
      %swap3A_148 = tpu.vector_load %arg17[%swap3A_146, %swap3A_147] {strides = array<i32>} : memref<40x128xf32, #tpu.memory_space<vmem>>, vector<1x16xf32>,
      %swap3A_149 = vector.shape_cast %swap3A_148 : vector<1x16xf32> to vector<16xf32>
      %swap3A_150 = vector.shape_cast %broadcast_in_dim3A_145 : vector<16xf32> to vector<1x16xf32>
      tpu.vector_store %arg17[%swap3A_146, %swap3A_147], %swap3A_150 {strides = array<i32>} : memref<40x128xf32, #tpu.memory_space<vmem>>, vector<1x16xf32>,
      %broadcast_in_dim3A_151 = arith.constant 0.000000e+00 : f32
      %broadcast_in_dim3A_152 = vector.broadcast %broadcast_in_dim3A_151 : f32 to vector<16xf32>
      %swap3A_153 = arith.index_cast %scan3A_60 : i32 to index
      %swap3A_154 = arith.constant 96 : index
      %swap3A_155 = tpu.vector_load %arg21[%swap3A_153, %swap3A_154] {strides = array<i32>} : memref<40x128xf32, #tpu.memory_space<vmem>>, vector<1x16xf32>,
      %swap3A_156 = vector.shape_cast %swap3A_155 : vector<1x16xf32> to vector<16xf32>
      %swap3A_157 = vector.shape_cast %broadcast_in_dim3A_152 : vector<16xf32> to vector<1x16xf32>
      tpu.vector_store %arg21[%swap3A_153, %swap3A_154], %swap3A_157 {strides = array<i32>} : memref<40x128xf32, #tpu.memory_space<vmem>>, vector<1x16xf32>,
      %broadcast_in_dim3A_158 = arith.constant 0.000000e+00 : f32
      %broadcast_in_dim3A_159 = vector.broadcast %broadcast_in_dim3A_158 : f32 to vector<16xf32>
      %swap3A_160 = arith.index_cast %scan3A_60 : i32 to index
      %swap3A_161 = arith.constant 112 : index
      %swap3A_162 = tpu.vector_load %arg17[%swap3A_160, %swap3A_161] {strides = array<i32>} : memref<40x128xf32, #tpu.memory_space<vmem>>, vector<1x16xf32>,
      %swap3A_163 = vector.shape_cast %swap3A_162 : vector<1x16xf32> to vector<16xf32>
      %swap3A_164 = vector.shape_cast %broadcast_in_dim3A_159 : vector<16xf32> to vector<1x16xf32>
      tpu.vector_store %arg17[%swap3A_160, %swap3A_161], %swap3A_164 {strides = array<i32>} : memref<40x128xf32, #tpu.memory_space<vmem>>, vector<1x16xf32>,
      %broadcast_in_dim3A_165 = arith.constant 0.000000e+00 : f32
      %broadcast_in_dim3A_166 = vector.broadcast %broadcast_in_dim3A_165 : f32 to vector<16xf32>
      %swap3A_167 = arith.index_cast %scan3A_60 : i32 to index
      %swap3A_168 = arith.constant 112 : index
      %swap3A_169 = tpu.vector_load %arg21[%swap3A_167, %swap3A_168] {strides = array<i32>} : memref<40x128xf32, #tpu.memory_space<vmem>>, vector<1x16xf32>,
      %swap3A_170 = vector.shape_cast %swap3A_169 : vector<1x16xf32> to vector<16xf32>
      %swap3A_171 = vector.shape_cast %broadcast_in_dim3A_166 : vector<16xf32> to vector<1x16xf32>
      tpu.vector_store %arg21[%swap3A_167, %swap3A_168], %swap3A_171 {strides = array<i32>} : memref<40x128xf32, #tpu.memory_space<vmem>>, vector<1x16xf32>,
      %scan3A_172 = arith.constant 0 : i32
      scf.yield %scan3A_172 : i32
    }
    %scan3A_6 = arith.constant 40 : i32
    %mul3A_7 = arith.constant 640 : i32
    %mul3A_8 = arith.muli %arg1, %mul3A_7 : i32
    %mul3A_9 = arith.constant 80 : i32
    %mul3A_10 = arith.muli %arg1, %mul3A_9 : i32
    %add3A_11 = arith.constant 0 : i32
    %add3A_12 = arith.addi %mul3A_8, %add3A_11 : i32
    "tpu.region"() ({
      %run_scoped3A = tpu.sem_alloc : memref<!tpu.dma_semaphore, #tpu.memory_space<semaphore_mem>>
      %dma_start3A = arith.constant 0 : i32
      %dma_start3A_60 = tpu.memref_slice %arg10[%add3A_12, %dma_start3A] : memref<10240x128xf32, #tpu.memory_space<vmem_shared>> -> memref<40x128xf32, #tpu.memory_space<vmem_shared>>
      %dma_start3A_61 = arith.constant 0 : i32
      %dma_start3A_62 = tpu.memref_slice %arg10[%add3A_12, %dma_start3A_61] : memref<10240x128xf32, #tpu.memory_space<vmem_shared>> -> memref<40x128xf32, #tpu.memory_space<vmem_shared>>
      tpu.enqueue_dma source(%arg17 : memref<40x128xf32, #tpu.memory_space<vmem>>) target(%dma_start3A_62 : memref<40x128xf32, #tpu.memory_space<vmem_shared>>) target_semaphore(%run_scoped3A : memref<!tpu.dma_semaphore, #tpu.memory_space<semaphore_mem>>)
      %dma_wait3A_63 = arith.constant 0 : i32
      %dma_wait3A_64 = tpu.memref_slice %arg10[%add3A_12, %dma_wait3A_63] : memref<10240x128xf32, #tpu.memory_space<vmem_shared>> -> memref<40x128xf32, #tpu.memory_space<vmem_shared>>
      %dma_wait3A_65 = arith.constant 0 : i32
      %dma_wait3A_66 = tpu.memref_slice %arg10[%add3A_12, %dma_wait3A_65] : memref<10240x128xf32, #tpu.memory_space<vmem_shared>> -> memref<40x128xf32, #tpu.memory_space<vmem_shared>>
      tpu.wait_dma2 semaphore(%run_scoped3A : memref<!tpu.dma_semaphore, #tpu.memory_space<semaphore_mem>>) src(%arg17 : memref<40x128xf32, #tpu.memory_space<vmem>>) dst(%dma_wait3A_66 : memref<40x128xf32, #tpu.memory_space<vmem_shared>>)
      tpu.yield
    }) : () -> ()
    %add3A_13 = arith.constant 40 : i32
    %add3A_14 = arith.addi %mul3A_8, %add3A_13 : i32
    "tpu.region"() ({
      %run_scoped3A = tpu.sem_alloc : memref<!tpu.dma_semaphore, #tpu.memory_space<semaphore_mem>>
      %dma_start3A = arith.constant 0 : i32
      %dma_start3A_60 = tpu.memref_slice %arg10[%add3A_14, %dma_start3A] : memref<10240x128xf32, #tpu.memory_space<vmem_shared>> -> memref<40x128xf32, #tpu.memory_space<vmem_shared>>
      %dma_start3A_61 = arith.constant 0 : i32
      %dma_start3A_62 = tpu.memref_slice %arg10[%add3A_14, %dma_start3A_61] : memref<10240x128xf32, #tpu.memory_space<vmem_shared>> -> memref<40x128xf32, #tpu.memory_space<vmem_shared>>
      tpu.enqueue_dma source(%arg17 : memref<40x128xf32, #tpu.memory_space<vmem>>) target(%dma_start3A_62 : memref<40x128xf32, #tpu.memory_space<vmem_shared>>) target_semaphore(%run_scoped3A : memref<!tpu.dma_semaphore, #tpu.memory_space<semaphore_mem>>)
      %dma_wait3A_63 = arith.constant 0 : i32
      %dma_wait3A_64 = tpu.memref_slice %arg10[%add3A_14, %dma_wait3A_63] : memref<10240x128xf32, #tpu.memory_space<vmem_shared>> -> memref<40x128xf32, #tpu.memory_space<vmem_shared>>
      %dma_wait3A_65 = arith.constant 0 : i32
      %dma_wait3A_66 = tpu.memref_slice %arg10[%add3A_14, %dma_wait3A_65] : memref<10240x128xf32, #tpu.memory_space<vmem_shared>> -> memref<40x128xf32, #tpu.memory_space<vmem_shared>>
      tpu.wait_dma2 semaphore(%run_scoped3A : memref<!tpu.dma_semaphore, #tpu.memory_space<semaphore_mem>>) src(%arg17 : memref<40x128xf32, #tpu.memory_space<vmem>>) dst(%dma_wait3A_66 : memref<40x128xf32, #tpu.memory_space<vmem_shared>>)
      tpu.yield
    }) : () -> ()
    %add3A_15 = arith.constant 80 : i32
    %add3A_16 = arith.addi %mul3A_8, %add3A_15 : i32
    "tpu.region"() ({
      %run_scoped3A = tpu.sem_alloc : memref<!tpu.dma_semaphore, #tpu.memory_space<semaphore_mem>>
      %dma_start3A = arith.constant 0 : i32
      %dma_start3A_60 = tpu.memref_slice %arg10[%add3A_16, %dma_start3A] : memref<10240x128xf32, #tpu.memory_space<vmem_shared>> -> memref<40x128xf32, #tpu.memory_space<vmem_shared>>
      %dma_start3A_61 = arith.constant 0 : i32
      %dma_start3A_62 = tpu.memref_slice %arg10[%add3A_16, %dma_start3A_61] : memref<10240x128xf32, #tpu.memory_space<vmem_shared>> -> memref<40x128xf32, #tpu.memory_space<vmem_shared>>
      tpu.enqueue_dma source(%arg17 : memref<40x128xf32, #tpu.memory_space<vmem>>) target(%dma_start3A_62 : memref<40x128xf32, #tpu.memory_space<vmem_shared>>) target_semaphore(%run_scoped3A : memref<!tpu.dma_semaphore, #tpu.memory_space<semaphore_mem>>)
      %dma_wait3A_63 = arith.constant 0 : i32
      %dma_wait3A_64 = tpu.memref_slice %arg10[%add3A_16, %dma_wait3A_63] : memref<10240x128xf32, #tpu.memory_space<vmem_shared>> -> memref<40x128xf32, #tpu.memory_space<vmem_shared>>
      %dma_wait3A_65 = arith.constant 0 : i32
      %dma_wait3A_66 = tpu.memref_slice %arg10[%add3A_16, %dma_wait3A_65] : memref<10240x128xf32, #tpu.memory_space<vmem_shared>> -> memref<40x128xf32, #tpu.memory_space<vmem_shared>>
      tpu.wait_dma2 semaphore(%run_scoped3A : memref<!tpu.dma_semaphore, #tpu.memory_space<semaphore_mem>>) src(%arg17 : memref<40x128xf32, #tpu.memory_space<vmem>>) dst(%dma_wait3A_66 : memref<40x128xf32, #tpu.memory_space<vmem_shared>>)
      tpu.yield
    }) : () -> ()
    %add3A_17 = arith.constant 120 : i32
    %add3A_18 = arith.addi %mul3A_8, %add3A_17 : i32
    "tpu.region"() ({
      %run_scoped3A = tpu.sem_alloc : memref<!tpu.dma_semaphore, #tpu.memory_space<semaphore_mem>>
      %dma_start3A = arith.constant 0 : i32
      %dma_start3A_60 = tpu.memref_slice %arg10[%add3A_18, %dma_start3A] : memref<10240x128xf32, #tpu.memory_space<vmem_shared>> -> memref<40x128xf32, #tpu.memory_space<vmem_shared>>
      %dma_start3A_61 = arith.constant 0 : i32
      %dma_start3A_62 = tpu.memref_slice %arg10[%add3A_18, %dma_start3A_61] : memref<10240x128xf32, #tpu.memory_space<vmem_shared>> -> memref<40x128xf32, #tpu.memory_space<vmem_shared>>
      tpu.enqueue_dma source(%arg17 : memref<40x128xf32, #tpu.memory_space<vmem>>) target(%dma_start3A_62 : memref<40x128xf32, #tpu.memory_space<vmem_shared>>) target_semaphore(%run_scoped3A : memref<!tpu.dma_semaphore, #tpu.memory_space<semaphore_mem>>)
      %dma_wait3A_63 = arith.constant 0 : i32
      %dma_wait3A_64 = tpu.memref_slice %arg10[%add3A_18, %dma_wait3A_63] : memref<10240x128xf32, #tpu.memory_space<vmem_shared>> -> memref<40x128xf32, #tpu.memory_space<vmem_shared>>
      %dma_wait3A_65 = arith.constant 0 : i32
      %dma_wait3A_66 = tpu.memref_slice %arg10[%add3A_18, %dma_wait3A_65] : memref<10240x128xf32, #tpu.memory_space<vmem_shared>> -> memref<40x128xf32, #tpu.memory_space<vmem_shared>>
      tpu.wait_dma2 semaphore(%run_scoped3A : memref<!tpu.dma_semaphore, #tpu.memory_space<semaphore_mem>>) src(%arg17 : memref<40x128xf32, #tpu.memory_space<vmem>>) dst(%dma_wait3A_66 : memref<40x128xf32, #tpu.memory_space<vmem_shared>>)
      tpu.yield
    }) : () -> ()
    %add3A_19 = arith.constant 160 : i32
    %add3A_20 = arith.addi %mul3A_8, %add3A_19 : i32
    "tpu.region"() ({
      %run_scoped3A = tpu.sem_alloc : memref<!tpu.dma_semaphore, #tpu.memory_space<semaphore_mem>>
      %dma_start3A = arith.constant 0 : i32
      %dma_start3A_60 = tpu.memref_slice %arg10[%add3A_20, %dma_start3A] : memref<10240x128xf32, #tpu.memory_space<vmem_shared>> -> memref<40x128xf32, #tpu.memory_space<vmem_shared>>
      %dma_start3A_61 = arith.constant 0 : i32
      %dma_start3A_62 = tpu.memref_slice %arg10[%add3A_20, %dma_start3A_61] : memref<10240x128xf32, #tpu.memory_space<vmem_shared>> -> memref<40x128xf32, #tpu.memory_space<vmem_shared>>
      tpu.enqueue_dma source(%arg17 : memref<40x128xf32, #tpu.memory_space<vmem>>) target(%dma_start3A_62 : memref<40x128xf32, #tpu.memory_space<vmem_shared>>) target_semaphore(%run_scoped3A : memref<!tpu.dma_semaphore, #tpu.memory_space<semaphore_mem>>)
      %dma_wait3A_63 = arith.constant 0 : i32
      %dma_wait3A_64 = tpu.memref_slice %arg10[%add3A_20, %dma_wait3A_63] : memref<10240x128xf32, #tpu.memory_space<vmem_shared>> -> memref<40x128xf32, #tpu.memory_space<vmem_shared>>
      %dma_wait3A_65 = arith.constant 0 : i32
      %dma_wait3A_66 = tpu.memref_slice %arg10[%add3A_20, %dma_wait3A_65] : memref<10240x128xf32, #tpu.memory_space<vmem_shared>> -> memref<40x128xf32, #tpu.memory_space<vmem_shared>>
      tpu.wait_dma2 semaphore(%run_scoped3A : memref<!tpu.dma_semaphore, #tpu.memory_space<semaphore_mem>>) src(%arg17 : memref<40x128xf32, #tpu.memory_space<vmem>>) dst(%dma_wait3A_66 : memref<40x128xf32, #tpu.memory_space<vmem_shared>>)
      tpu.yield
    }) : () -> ()
    %add3A_21 = arith.constant 200 : i32
    %add3A_22 = arith.addi %mul3A_8, %add3A_21 : i32
    "tpu.region"() ({
      %run_scoped3A = tpu.sem_alloc : memref<!tpu.dma_semaphore, #tpu.memory_space<semaphore_mem>>
      %dma_start3A = arith.constant 0 : i32
      %dma_start3A_60 = tpu.memref_slice %arg10[%add3A_22, %dma_start3A] : memref<10240x128xf32, #tpu.memory_space<vmem_shared>> -> memref<40x128xf32, #tpu.memory_space<vmem_shared>>
      %dma_start3A_61 = arith.constant 0 : i32
      %dma_start3A_62 = tpu.memref_slice %arg10[%add3A_22, %dma_start3A_61] : memref<10240x128xf32, #tpu.memory_space<vmem_shared>> -> memref<40x128xf32, #tpu.memory_space<vmem_shared>>
      tpu.enqueue_dma source(%arg17 : memref<40x128xf32, #tpu.memory_space<vmem>>) target(%dma_start3A_62 : memref<40x128xf32, #tpu.memory_space<vmem_shared>>) target_semaphore(%run_scoped3A : memref<!tpu.dma_semaphore, #tpu.memory_space<semaphore_mem>>)
      %dma_wait3A_63 = arith.constant 0 : i32
      %dma_wait3A_64 = tpu.memref_slice %arg10[%add3A_22, %dma_wait3A_63] : memref<10240x128xf32, #tpu.memory_space<vmem_shared>> -> memref<40x128xf32, #tpu.memory_space<vmem_shared>>
      %dma_wait3A_65 = arith.constant 0 : i32
      %dma_wait3A_66 = tpu.memref_slice %arg10[%add3A_22, %dma_wait3A_65] : memref<10240x128xf32, #tpu.memory_space<vmem_shared>> -> memref<40x128xf32, #tpu.memory_space<vmem_shared>>
      tpu.wait_dma2 semaphore(%run_scoped3A : memref<!tpu.dma_semaphore, #tpu.memory_space<semaphore_mem>>) src(%arg17 : memref<40x128xf32, #tpu.memory_space<vmem>>) dst(%dma_wait3A_66 : memref<40x128xf32, #tpu.memory_space<vmem_shared>>)
      tpu.yield
    }) : () -> ()
    %add3A_23 = arith.constant 240 : i32
    %add3A_24 = arith.addi %mul3A_8, %add3A_23 : i32
    "tpu.region"() ({
      %run_scoped3A = tpu.sem_alloc : memref<!tpu.dma_semaphore, #tpu.memory_space<semaphore_mem>>
      %dma_start3A = arith.constant 0 : i32
      %dma_start3A_60 = tpu.memref_slice %arg10[%add3A_24, %dma_start3A] : memref<10240x128xf32, #tpu.memory_space<vmem_shared>> -> memref<40x128xf32, #tpu.memory_space<vmem_shared>>
      %dma_start3A_61 = arith.constant 0 : i32
      %dma_start3A_62 = tpu.memref_slice %arg10[%add3A_24, %dma_start3A_61] : memref<10240x128xf32, #tpu.memory_space<vmem_shared>> -> memref<40x128xf32, #tpu.memory_space<vmem_shared>>
      tpu.enqueue_dma source(%arg17 : memref<40x128xf32, #tpu.memory_space<vmem>>) target(%dma_start3A_62 : memref<40x128xf32, #tpu.memory_space<vmem_shared>>) target_semaphore(%run_scoped3A : memref<!tpu.dma_semaphore, #tpu.memory_space<semaphore_mem>>)
      %dma_wait3A_63 = arith.constant 0 : i32
      %dma_wait3A_64 = tpu.memref_slice %arg10[%add3A_24, %dma_wait3A_63] : memref<10240x128xf32, #tpu.memory_space<vmem_shared>> -> memref<40x128xf32, #tpu.memory_space<vmem_shared>>
      %dma_wait3A_65 = arith.constant 0 : i32
      %dma_wait3A_66 = tpu.memref_slice %arg10[%add3A_24, %dma_wait3A_65] : memref<10240x128xf32, #tpu.memory_space<vmem_shared>> -> memref<40x128xf32, #tpu.memory_space<vmem_shared>>
      tpu.wait_dma2 semaphore(%run_scoped3A : memref<!tpu.dma_semaphore, #tpu.memory_space<semaphore_mem>>) src(%arg17 : memref<40x128xf32, #tpu.memory_space<vmem>>) dst(%dma_wait3A_66 : memref<40x128xf32, #tpu.memory_space<vmem_shared>>)
      tpu.yield
    }) : () -> ()
    %add3A_25 = arith.constant 280 : i32
    %add3A_26 = arith.addi %mul3A_8, %add3A_25 : i32
    "tpu.region"() ({
      %run_scoped3A = tpu.sem_alloc : memref<!tpu.dma_semaphore, #tpu.memory_space<semaphore_mem>>
      %dma_start3A = arith.constant 0 : i32
      %dma_start3A_60 = tpu.memref_slice %arg10[%add3A_26, %dma_start3A] : memref<10240x128xf32, #tpu.memory_space<vmem_shared>> -> memref<40x128xf32, #tpu.memory_space<vmem_shared>>
      %dma_start3A_61 = arith.constant 0 : i32
      %dma_start3A_62 = tpu.memref_slice %arg10[%add3A_26, %dma_start3A_61] : memref<10240x128xf32, #tpu.memory_space<vmem_shared>> -> memref<40x128xf32, #tpu.memory_space<vmem_shared>>
      tpu.enqueue_dma source(%arg17 : memref<40x128xf32, #tpu.memory_space<vmem>>) target(%dma_start3A_62 : memref<40x128xf32, #tpu.memory_space<vmem_shared>>) target_semaphore(%run_scoped3A : memref<!tpu.dma_semaphore, #tpu.memory_space<semaphore_mem>>)
      %dma_wait3A_63 = arith.constant 0 : i32
      %dma_wait3A_64 = tpu.memref_slice %arg10[%add3A_26, %dma_wait3A_63] : memref<10240x128xf32, #tpu.memory_space<vmem_shared>> -> memref<40x128xf32, #tpu.memory_space<vmem_shared>>
      %dma_wait3A_65 = arith.constant 0 : i32
      %dma_wait3A_66 = tpu.memref_slice %arg10[%add3A_26, %dma_wait3A_65] : memref<10240x128xf32, #tpu.memory_space<vmem_shared>> -> memref<40x128xf32, #tpu.memory_space<vmem_shared>>
      tpu.wait_dma2 semaphore(%run_scoped3A : memref<!tpu.dma_semaphore, #tpu.memory_space<semaphore_mem>>) src(%arg17 : memref<40x128xf32, #tpu.memory_space<vmem>>) dst(%dma_wait3A_66 : memref<40x128xf32, #tpu.memory_space<vmem_shared>>)
      tpu.yield
    }) : () -> ()
    %add3A_27 = arith.constant 320 : i32
    %add3A_28 = arith.addi %mul3A_8, %add3A_27 : i32
    "tpu.region"() ({
      %run_scoped3A = tpu.sem_alloc : memref<!tpu.dma_semaphore, #tpu.memory_space<semaphore_mem>>
      %dma_start3A = arith.constant 0 : i32
      %dma_start3A_60 = tpu.memref_slice %arg10[%add3A_28, %dma_start3A] : memref<10240x128xf32, #tpu.memory_space<vmem_shared>> -> memref<40x128xf32, #tpu.memory_space<vmem_shared>>
      %dma_start3A_61 = arith.constant 0 : i32
      %dma_start3A_62 = tpu.memref_slice %arg10[%add3A_28, %dma_start3A_61] : memref<10240x128xf32, #tpu.memory_space<vmem_shared>> -> memref<40x128xf32, #tpu.memory_space<vmem_shared>>
      tpu.enqueue_dma source(%arg17 : memref<40x128xf32, #tpu.memory_space<vmem>>) target(%dma_start3A_62 : memref<40x128xf32, #tpu.memory_space<vmem_shared>>) target_semaphore(%run_scoped3A : memref<!tpu.dma_semaphore, #tpu.memory_space<semaphore_mem>>)
      %dma_wait3A_63 = arith.constant 0 : i32
      %dma_wait3A_64 = tpu.memref_slice %arg10[%add3A_28, %dma_wait3A_63] : memref<10240x128xf32, #tpu.memory_space<vmem_shared>> -> memref<40x128xf32, #tpu.memory_space<vmem_shared>>
      %dma_wait3A_65 = arith.constant 0 : i32
      %dma_wait3A_66 = tpu.memref_slice %arg10[%add3A_28, %dma_wait3A_65] : memref<10240x128xf32, #tpu.memory_space<vmem_shared>> -> memref<40x128xf32, #tpu.memory_space<vmem_shared>>
      tpu.wait_dma2 semaphore(%run_scoped3A : memref<!tpu.dma_semaphore, #tpu.memory_space<semaphore_mem>>) src(%arg17 : memref<40x128xf32, #tpu.memory_space<vmem>>) dst(%dma_wait3A_66 : memref<40x128xf32, #tpu.memory_space<vmem_shared>>)
      tpu.yield
    }) : () -> ()
    %add3A_29 = arith.constant 360 : i32
    %add3A_30 = arith.addi %mul3A_8, %add3A_29 : i32
    "tpu.region"() ({
      %run_scoped3A = tpu.sem_alloc : memref<!tpu.dma_semaphore, #tpu.memory_space<semaphore_mem>>
      %dma_start3A = arith.constant 0 : i32
      %dma_start3A_60 = tpu.memref_slice %arg10[%add3A_30, %dma_start3A] : memref<10240x128xf32, #tpu.memory_space<vmem_shared>> -> memref<40x128xf32, #tpu.memory_space<vmem_shared>>
      %dma_start3A_61 = arith.constant 0 : i32
      %dma_start3A_62 = tpu.memref_slice %arg10[%add3A_30, %dma_start3A_61] : memref<10240x128xf32, #tpu.memory_space<vmem_shared>> -> memref<40x128xf32, #tpu.memory_space<vmem_shared>>
      tpu.enqueue_dma source(%arg17 : memref<40x128xf32, #tpu.memory_space<vmem>>) target(%dma_start3A_62 : memref<40x128xf32, #tpu.memory_space<vmem_shared>>) target_semaphore(%run_scoped3A : memref<!tpu.dma_semaphore, #tpu.memory_space<semaphore_mem>>)
      %dma_wait3A_63 = arith.constant 0 : i32
      %dma_wait3A_64 = tpu.memref_slice %arg10[%add3A_30, %dma_wait3A_63] : memref<10240x128xf32, #tpu.memory_space<vmem_shared>> -> memref<40x128xf32, #tpu.memory_space<vmem_shared>>
      %dma_wait3A_65 = arith.constant 0 : i32
      %dma_wait3A_66 = tpu.memref_slice %arg10[%add3A_30, %dma_wait3A_65] : memref<10240x128xf32, #tpu.memory_space<vmem_shared>> -> memref<40x128xf32, #tpu.memory_space<vmem_shared>>
      tpu.wait_dma2 semaphore(%run_scoped3A : memref<!tpu.dma_semaphore, #tpu.memory_space<semaphore_mem>>) src(%arg17 : memref<40x128xf32, #tpu.memory_space<vmem>>) dst(%dma_wait3A_66 : memref<40x128xf32, #tpu.memory_space<vmem_shared>>)
      tpu.yield
    }) : () -> ()
    %add3A_31 = arith.constant 400 : i32
    %add3A_32 = arith.addi %mul3A_8, %add3A_31 : i32
    "tpu.region"() ({
      %run_scoped3A = tpu.sem_alloc : memref<!tpu.dma_semaphore, #tpu.memory_space<semaphore_mem>>
      %dma_start3A = arith.constant 0 : i32
      %dma_start3A_60 = tpu.memref_slice %arg10[%add3A_32, %dma_start3A] : memref<10240x128xf32, #tpu.memory_space<vmem_shared>> -> memref<40x128xf32, #tpu.memory_space<vmem_shared>>
      %dma_start3A_61 = arith.constant 0 : i32
      %dma_start3A_62 = tpu.memref_slice %arg10[%add3A_32, %dma_start3A_61] : memref<10240x128xf32, #tpu.memory_space<vmem_shared>> -> memref<40x128xf32, #tpu.memory_space<vmem_shared>>
      tpu.enqueue_dma source(%arg17 : memref<40x128xf32, #tpu.memory_space<vmem>>) target(%dma_start3A_62 : memref<40x128xf32, #tpu.memory_space<vmem_shared>>) target_semaphore(%run_scoped3A : memref<!tpu.dma_semaphore, #tpu.memory_space<semaphore_mem>>)
      %dma_wait3A_63 = arith.constant 0 : i32
      %dma_wait3A_64 = tpu.memref_slice %arg10[%add3A_32, %dma_wait3A_63] : memref<10240x128xf32, #tpu.memory_space<vmem_shared>> -> memref<40x128xf32, #tpu.memory_space<vmem_shared>>
      %dma_wait3A_65 = arith.constant 0 : i32
      %dma_wait3A_66 = tpu.memref_slice %arg10[%add3A_32, %dma_wait3A_65] : memref<10240x128xf32, #tpu.memory_space<vmem_shared>> -> memref<40x128xf32, #tpu.memory_space<vmem_shared>>
      tpu.wait_dma2 semaphore(%run_scoped3A : memref<!tpu.dma_semaphore, #tpu.memory_space<semaphore_mem>>) src(%arg17 : memref<40x128xf32, #tpu.memory_space<vmem>>) dst(%dma_wait3A_66 : memref<40x128xf32, #tpu.memory_space<vmem_shared>>)
      tpu.yield
    }) : () -> ()
    %add3A_33 = arith.constant 440 : i32
    %add3A_34 = arith.addi %mul3A_8, %add3A_33 : i32
    "tpu.region"() ({
      %run_scoped3A = tpu.sem_alloc : memref<!tpu.dma_semaphore, #tpu.memory_space<semaphore_mem>>
      %dma_start3A = arith.constant 0 : i32
      %dma_start3A_60 = tpu.memref_slice %arg10[%add3A_34, %dma_start3A] : memref<10240x128xf32, #tpu.memory_space<vmem_shared>> -> memref<40x128xf32, #tpu.memory_space<vmem_shared>>
      %dma_start3A_61 = arith.constant 0 : i32
      %dma_start3A_62 = tpu.memref_slice %arg10[%add3A_34, %dma_start3A_61] : memref<10240x128xf32, #tpu.memory_space<vmem_shared>> -> memref<40x128xf32, #tpu.memory_space<vmem_shared>>
      tpu.enqueue_dma source(%arg17 : memref<40x128xf32, #tpu.memory_space<vmem>>) target(%dma_start3A_62 : memref<40x128xf32, #tpu.memory_space<vmem_shared>>) target_semaphore(%run_scoped3A : memref<!tpu.dma_semaphore, #tpu.memory_space<semaphore_mem>>)
      %dma_wait3A_63 = arith.constant 0 : i32
      %dma_wait3A_64 = tpu.memref_slice %arg10[%add3A_34, %dma_wait3A_63] : memref<10240x128xf32, #tpu.memory_space<vmem_shared>> -> memref<40x128xf32, #tpu.memory_space<vmem_shared>>
      %dma_wait3A_65 = arith.constant 0 : i32
      %dma_wait3A_66 = tpu.memref_slice %arg10[%add3A_34, %dma_wait3A_65] : memref<10240x128xf32, #tpu.memory_space<vmem_shared>> -> memref<40x128xf32, #tpu.memory_space<vmem_shared>>
      tpu.wait_dma2 semaphore(%run_scoped3A : memref<!tpu.dma_semaphore, #tpu.memory_space<semaphore_mem>>) src(%arg17 : memref<40x128xf32, #tpu.memory_space<vmem>>) dst(%dma_wait3A_66 : memref<40x128xf32, #tpu.memory_space<vmem_shared>>)
      tpu.yield
    }) : () -> ()
    %add3A_35 = arith.constant 480 : i32
    %add3A_36 = arith.addi %mul3A_8, %add3A_35 : i32
    "tpu.region"() ({
      %run_scoped3A = tpu.sem_alloc : memref<!tpu.dma_semaphore, #tpu.memory_space<semaphore_mem>>
      %dma_start3A = arith.constant 0 : i32
      %dma_start3A_60 = tpu.memref_slice %arg10[%add3A_36, %dma_start3A] : memref<10240x128xf32, #tpu.memory_space<vmem_shared>> -> memref<40x128xf32, #tpu.memory_space<vmem_shared>>
      %dma_start3A_61 = arith.constant 0 : i32
      %dma_start3A_62 = tpu.memref_slice %arg10[%add3A_36, %dma_start3A_61] : memref<10240x128xf32, #tpu.memory_space<vmem_shared>> -> memref<40x128xf32, #tpu.memory_space<vmem_shared>>
      tpu.enqueue_dma source(%arg17 : memref<40x128xf32, #tpu.memory_space<vmem>>) target(%dma_start3A_62 : memref<40x128xf32, #tpu.memory_space<vmem_shared>>) target_semaphore(%run_scoped3A : memref<!tpu.dma_semaphore, #tpu.memory_space<semaphore_mem>>)
      %dma_wait3A_63 = arith.constant 0 : i32
      %dma_wait3A_64 = tpu.memref_slice %arg10[%add3A_36, %dma_wait3A_63] : memref<10240x128xf32, #tpu.memory_space<vmem_shared>> -> memref<40x128xf32, #tpu.memory_space<vmem_shared>>
      %dma_wait3A_65 = arith.constant 0 : i32
      %dma_wait3A_66 = tpu.memref_slice %arg10[%add3A_36, %dma_wait3A_65] : memref<10240x128xf32, #tpu.memory_space<vmem_shared>> -> memref<40x128xf32, #tpu.memory_space<vmem_shared>>
      tpu.wait_dma2 semaphore(%run_scoped3A : memref<!tpu.dma_semaphore, #tpu.memory_space<semaphore_mem>>) src(%arg17 : memref<40x128xf32, #tpu.memory_space<vmem>>) dst(%dma_wait3A_66 : memref<40x128xf32, #tpu.memory_space<vmem_shared>>)
      tpu.yield
    }) : () -> ()
    %add3A_37 = arith.constant 520 : i32
    %add3A_38 = arith.addi %mul3A_8, %add3A_37 : i32
    "tpu.region"() ({
      %run_scoped3A = tpu.sem_alloc : memref<!tpu.dma_semaphore, #tpu.memory_space<semaphore_mem>>
      %dma_start3A = arith.constant 0 : i32
      %dma_start3A_60 = tpu.memref_slice %arg10[%add3A_38, %dma_start3A] : memref<10240x128xf32, #tpu.memory_space<vmem_shared>> -> memref<40x128xf32, #tpu.memory_space<vmem_shared>>
      %dma_start3A_61 = arith.constant 0 : i32
      %dma_start3A_62 = tpu.memref_slice %arg10[%add3A_38, %dma_start3A_61] : memref<10240x128xf32, #tpu.memory_space<vmem_shared>> -> memref<40x128xf32, #tpu.memory_space<vmem_shared>>
      tpu.enqueue_dma source(%arg17 : memref<40x128xf32, #tpu.memory_space<vmem>>) target(%dma_start3A_62 : memref<40x128xf32, #tpu.memory_space<vmem_shared>>) target_semaphore(%run_scoped3A : memref<!tpu.dma_semaphore, #tpu.memory_space<semaphore_mem>>)
      %dma_wait3A_63 = arith.constant 0 : i32
      %dma_wait3A_64 = tpu.memref_slice %arg10[%add3A_38, %dma_wait3A_63] : memref<10240x128xf32, #tpu.memory_space<vmem_shared>> -> memref<40x128xf32, #tpu.memory_space<vmem_shared>>
      %dma_wait3A_65 = arith.constant 0 : i32
      %dma_wait3A_66 = tpu.memref_slice %arg10[%add3A_38, %dma_wait3A_65] : memref<10240x128xf32, #tpu.memory_space<vmem_shared>> -> memref<40x128xf32, #tpu.memory_space<vmem_shared>>
      tpu.wait_dma2 semaphore(%run_scoped3A : memref<!tpu.dma_semaphore, #tpu.memory_space<semaphore_mem>>) src(%arg17 : memref<40x128xf32, #tpu.memory_space<vmem>>) dst(%dma_wait3A_66 : memref<40x128xf32, #tpu.memory_space<vmem_shared>>)
      tpu.yield
    }) : () -> ()
    %add3A_39 = arith.constant 560 : i32
    %add3A_40 = arith.addi %mul3A_8, %add3A_39 : i32
    "tpu.region"() ({
      %run_scoped3A = tpu.sem_alloc : memref<!tpu.dma_semaphore, #tpu.memory_space<semaphore_mem>>
      %dma_start3A = arith.constant 0 : i32
      %dma_start3A_60 = tpu.memref_slice %arg10[%add3A_40, %dma_start3A] : memref<10240x128xf32, #tpu.memory_space<vmem_shared>> -> memref<40x128xf32, #tpu.memory_space<vmem_shared>>
      %dma_start3A_61 = arith.constant 0 : i32
      %dma_start3A_62 = tpu.memref_slice %arg10[%add3A_40, %dma_start3A_61] : memref<10240x128xf32, #tpu.memory_space<vmem_shared>> -> memref<40x128xf32, #tpu.memory_space<vmem_shared>>
      tpu.enqueue_dma source(%arg17 : memref<40x128xf32, #tpu.memory_space<vmem>>) target(%dma_start3A_62 : memref<40x128xf32, #tpu.memory_space<vmem_shared>>) target_semaphore(%run_scoped3A : memref<!tpu.dma_semaphore, #tpu.memory_space<semaphore_mem>>)
      %dma_wait3A_63 = arith.constant 0 : i32
      %dma_wait3A_64 = tpu.memref_slice %arg10[%add3A_40, %dma_wait3A_63] : memref<10240x128xf32, #tpu.memory_space<vmem_shared>> -> memref<40x128xf32, #tpu.memory_space<vmem_shared>>
      %dma_wait3A_65 = arith.constant 0 : i32
      %dma_wait3A_66 = tpu.memref_slice %arg10[%add3A_40, %dma_wait3A_65] : memref<10240x128xf32, #tpu.memory_space<vmem_shared>> -> memref<40x128xf32, #tpu.memory_space<vmem_shared>>
      tpu.wait_dma2 semaphore(%run_scoped3A : memref<!tpu.dma_semaphore, #tpu.memory_space<semaphore_mem>>) src(%arg17 : memref<40x128xf32, #tpu.memory_space<vmem>>) dst(%dma_wait3A_66 : memref<40x128xf32, #tpu.memory_space<vmem_shared>>)
      tpu.yield
    }) : () -> ()
    %add3A_41 = arith.constant 600 : i32
    %add3A_42 = arith.addi %mul3A_8, %add3A_41 : i32
    "tpu.region"() ({
      %run_scoped3A = tpu.sem_alloc : memref<!tpu.dma_semaphore, #tpu.memory_space<semaphore_mem>>
      %dma_start3A = arith.constant 0 : i32
      %dma_start3A_60 = tpu.memref_slice %arg10[%add3A_42, %dma_start3A] : memref<10240x128xf32, #tpu.memory_space<vmem_shared>> -> memref<40x128xf32, #tpu.memory_space<vmem_shared>>
      %dma_start3A_61 = arith.constant 0 : i32
      %dma_start3A_62 = tpu.memref_slice %arg10[%add3A_42, %dma_start3A_61] : memref<10240x128xf32, #tpu.memory_space<vmem_shared>> -> memref<40x128xf32, #tpu.memory_space<vmem_shared>>
      tpu.enqueue_dma source(%arg17 : memref<40x128xf32, #tpu.memory_space<vmem>>) target(%dma_start3A_62 : memref<40x128xf32, #tpu.memory_space<vmem_shared>>) target_semaphore(%run_scoped3A : memref<!tpu.dma_semaphore, #tpu.memory_space<semaphore_mem>>)
      %dma_wait3A_63 = arith.constant 0 : i32
      %dma_wait3A_64 = tpu.memref_slice %arg10[%add3A_42, %dma_wait3A_63] : memref<10240x128xf32, #tpu.memory_space<vmem_shared>> -> memref<40x128xf32, #tpu.memory_space<vmem_shared>>
      %dma_wait3A_65 = arith.constant 0 : i32
      %dma_wait3A_66 = tpu.memref_slice %arg10[%add3A_42, %dma_wait3A_65] : memref<10240x128xf32, #tpu.memory_space<vmem_shared>> -> memref<40x128xf32, #tpu.memory_space<vmem_shared>>
      tpu.wait_dma2 semaphore(%run_scoped3A : memref<!tpu.dma_semaphore, #tpu.memory_space<semaphore_mem>>) src(%arg17 : memref<40x128xf32, #tpu.memory_space<vmem>>) dst(%dma_wait3A_66 : memref<40x128xf32, #tpu.memory_space<vmem_shared>>)
      tpu.yield
    }) : () -> ()
    %add3A_43 = arith.constant 0 : i32
    %add3A_44 = arith.addi %mul3A_10, %add3A_43 : i32
    "tpu.region"() ({
      %run_scoped3A = tpu.sem_alloc : memref<!tpu.dma_semaphore, #tpu.memory_space<semaphore_mem>>
      %dma_start3A = arith.constant 0 : i32
      %dma_start3A_60 = tpu.memref_slice %arg11[%add3A_44, %dma_start3A] : memref<1280x128xf32, #tpu.memory_space<vmem_shared>> -> memref<40x128xf32, #tpu.memory_space<vmem_shared>>
      %dma_start3A_61 = arith.constant 0 : i32
      %dma_start3A_62 = tpu.memref_slice %arg11[%add3A_44, %dma_start3A_61] : memref<1280x128xf32, #tpu.memory_space<vmem_shared>> -> memref<40x128xf32, #tpu.memory_space<vmem_shared>>
      tpu.enqueue_dma source(%arg21 : memref<40x128xf32, #tpu.memory_space<vmem>>) target(%dma_start3A_62 : memref<40x128xf32, #tpu.memory_space<vmem_shared>>) target_semaphore(%run_scoped3A : memref<!tpu.dma_semaphore, #tpu.memory_space<semaphore_mem>>)
      %dma_wait3A_63 = arith.constant 0 : i32
      %dma_wait3A_64 = tpu.memref_slice %arg11[%add3A_44, %dma_wait3A_63] : memref<1280x128xf32, #tpu.memory_space<vmem_shared>> -> memref<40x128xf32, #tpu.memory_space<vmem_shared>>
      %dma_wait3A_65 = arith.constant 0 : i32
      %dma_wait3A_66 = tpu.memref_slice %arg11[%add3A_44, %dma_wait3A_65] : memref<1280x128xf32, #tpu.memory_space<vmem_shared>> -> memref<40x128xf32, #tpu.memory_space<vmem_shared>>
      tpu.wait_dma2 semaphore(%run_scoped3A : memref<!tpu.dma_semaphore, #tpu.memory_space<semaphore_mem>>) src(%arg21 : memref<40x128xf32, #tpu.memory_space<vmem>>) dst(%dma_wait3A_66 : memref<40x128xf32, #tpu.memory_space<vmem_shared>>)
      tpu.yield
    }) : () -> ()
    %add3A_45 = arith.constant 40 : i32
    %add3A_46 = arith.addi %mul3A_10, %add3A_45 : i32
    "tpu.region"() ({
      %run_scoped3A = tpu.sem_alloc : memref<!tpu.dma_semaphore, #tpu.memory_space<semaphore_mem>>
      %dma_start3A = arith.constant 0 : i32
      %dma_start3A_60 = tpu.memref_slice %arg11[%add3A_46, %dma_start3A] : memref<1280x128xf32, #tpu.memory_space<vmem_shared>> -> memref<40x128xf32, #tpu.memory_space<vmem_shared>>
      %dma_start3A_61 = arith.constant 0 : i32
      %dma_start3A_62 = tpu.memref_slice %arg11[%add3A_46, %dma_start3A_61] : memref<1280x128xf32, #tpu.memory_space<vmem_shared>> -> memref<40x128xf32, #tpu.memory_space<vmem_shared>>
      tpu.enqueue_dma source(%arg21 : memref<40x128xf32, #tpu.memory_space<vmem>>) target(%dma_start3A_62 : memref<40x128xf32, #tpu.memory_space<vmem_shared>>) target_semaphore(%run_scoped3A : memref<!tpu.dma_semaphore, #tpu.memory_space<semaphore_mem>>)
      %dma_wait3A_63 = arith.constant 0 : i32
      %dma_wait3A_64 = tpu.memref_slice %arg11[%add3A_46, %dma_wait3A_63] : memref<1280x128xf32, #tpu.memory_space<vmem_shared>> -> memref<40x128xf32, #tpu.memory_space<vmem_shared>>
      %dma_wait3A_65 = arith.constant 0 : i32
      %dma_wait3A_66 = tpu.memref_slice %arg11[%add3A_46, %dma_wait3A_65] : memref<1280x128xf32, #tpu.memory_space<vmem_shared>> -> memref<40x128xf32, #tpu.memory_space<vmem_shared>>
      tpu.wait_dma2 semaphore(%run_scoped3A : memref<!tpu.dma_semaphore, #tpu.memory_space<semaphore_mem>>) src(%arg21 : memref<40x128xf32, #tpu.memory_space<vmem>>) dst(%dma_wait3A_66 : memref<40x128xf32, #tpu.memory_space<vmem_shared>>)
      tpu.yield
    }) : () -> ()
    %barrier3A = arith.constant 0 : index
    tpu.barrier barrier_id(%barrier3A)
    "tpu.region"() ({
      %run_scoped3A = tpu.sem_alloc : memref<!tpu.dma_semaphore, #tpu.memory_space<semaphore_mem>>
      tpu.enqueue_dma source(%arg7 : memref<128xf32, #tpu.memory_space<hbm>>) target(%arg12 : memref<128xf32, #tpu.memory_space<vmem>>) target_semaphore(%run_scoped3A : memref<!tpu.dma_semaphore, #tpu.memory_space<semaphore_mem>>)
      tpu.wait_dma2 semaphore(%run_scoped3A : memref<!tpu.dma_semaphore, #tpu.memory_space<semaphore_mem>>) src(%arg7 : memref<128xf32, #tpu.memory_space<hbm>>) dst(%arg12 : memref<128xf32, #tpu.memory_space<vmem>>)
      tpu.yield
    }) : () -> ()
    %scan3A_47 = arith.constant 0 : i32
    %scan3A_48 = arith.constant 0 : i32
    %scan3A_49 = arith.constant 25 : i32
    %scan3A_50 = arith.addi %scan3A_48, %scan3A_49 : i32
    %scan3A_51 = arith.constant 1 : i32
    %scan3A_52 = scf.for %scan3A_60 = %scan3A_48 to %scan3A_50 step %scan3A_51 iter_args(%scan3A_61 = %scan3A_47) -> (i32)  : i32 {
      %mul3A_62 = arith.constant 10000 : i32
      %mul3A_63 = arith.muli %add3A, %mul3A_62 : i32
      %mul3A_64 = arith.constant 10 : i32
      %mul3A_65 = arith.muli %scan3A_60, %mul3A_64 : i32
      %mul3A_66 = arith.constant 40 : i32
      %mul3A_67 = arith.muli %mul3A_65, %mul3A_66 : i32
      %add3A_68 = arith.addi %mul3A_63, %mul3A_67 : i32
      "tpu.region"() ({
        %run_scoped3A = tpu.sem_alloc : memref<!tpu.dma_semaphore, #tpu.memory_space<semaphore_mem>>
        %dma_start3A = tpu.memref_slice %arg5[%add3A_68] : memref<320000xi32, #tpu.memory_space<hbm>> -> memref<400xi32, #tpu.memory_space<hbm>>
        %dma_start3A_86 = tpu.memref_slice %arg5[%add3A_68] : memref<320000xi32, #tpu.memory_space<hbm>> -> memref<400xi32, #tpu.memory_space<hbm>>
        tpu.enqueue_dma source(%dma_start3A_86 : memref<400xi32, #tpu.memory_space<hbm>>) target(%arg13 : memref<400xi32, #tpu.memory_space<vmem>>) target_semaphore(%run_scoped3A : memref<!tpu.dma_semaphore, #tpu.memory_space<semaphore_mem>>)
        %dma_wait3A_87 = tpu.memref_slice %arg5[%add3A_68] : memref<320000xi32, #tpu.memory_space<hbm>> -> memref<400xi32, #tpu.memory_space<hbm>>
        %dma_wait3A_88 = tpu.memref_slice %arg5[%add3A_68] : memref<320000xi32, #tpu.memory_space<hbm>> -> memref<400xi32, #tpu.memory_space<hbm>>
        tpu.wait_dma2 semaphore(%run_scoped3A : memref<!tpu.dma_semaphore, #tpu.memory_space<semaphore_mem>>) src(%dma_wait3A_88 : memref<400xi32, #tpu.memory_space<hbm>>) dst(%arg13 : memref<400xi32, #tpu.memory_space<vmem>>)
        tpu.yield
      }) : () -> ()
      "tpu.region"() ({
        %run_scoped3A = tpu.sem_alloc : memref<!tpu.dma_semaphore, #tpu.memory_space<semaphore_mem>>
        %dma_start3A = tpu.memref_slice %arg6[%add3A_68] : memref<320000xi32, #tpu.memory_space<hbm>> -> memref<400xi32, #tpu.memory_space<hbm>>
        %dma_start3A_86 = tpu.memref_slice %arg6[%add3A_68] : memref<320000xi32, #tpu.memory_space<hbm>> -> memref<400xi32, #tpu.memory_space<hbm>>
        tpu.enqueue_dma source(%dma_start3A_86 : memref<400xi32, #tpu.memory_space<hbm>>) target(%arg14 : memref<400xi32, #tpu.memory_space<vmem>>) target_semaphore(%run_scoped3A : memref<!tpu.dma_semaphore, #tpu.memory_space<semaphore_mem>>)
        %dma_wait3A_87 = tpu.memref_slice %arg6[%add3A_68] : memref<320000xi32, #tpu.memory_space<hbm>> -> memref<400xi32, #tpu.memory_space<hbm>>
        %dma_wait3A_88 = tpu.memref_slice %arg6[%add3A_68] : memref<320000xi32, #tpu.memory_space<hbm>> -> memref<400xi32, #tpu.memory_space<hbm>>
        tpu.wait_dma2 semaphore(%run_scoped3A : memref<!tpu.dma_semaphore, #tpu.memory_space<semaphore_mem>>) src(%dma_wait3A_88 : memref<400xi32, #tpu.memory_space<hbm>>) dst(%arg14 : memref<400xi32, #tpu.memory_space<vmem>>)
        tpu.yield
      }) : () -> ()
      %mul3A_69 = arith.constant 10 : i32
      %mul3A_70 = arith.muli %scan3A_60, %mul3A_69 : i32
      %add3A_71 = arith.constant 1 : i32
      %add3A_72 = arith.addi %scan3A_60, %add3A_71 : i32
      %mul3A_73 = arith.constant 10 : i32
      %mul3A_74 = arith.muli %add3A_72, %mul3A_73 : i32
      %while3A = arith.constant 0 : i32
      %while3A_75 = arith.subi %mul3A_74, %mul3A_70 : i32
      %while3A_76 = arith.addi %mul3A_70, %while3A_75 : i32
      %while3A_77 = arith.constant 1 : i32
      %while3A_78 = arith.divsi %while3A_75, %while3A_77 : i32
      %while3A_79 = arith.muli %while3A_78, %while3A_77 : i32
      %while3A_80 = arith.addi %mul3A_70, %while3A_79 : i32
      %while3A_81 = arith.constant 1 : i32
      %while3A_82 = scf.for %while3A_86 = %mul3A_70 to %while3A_80 step %while3A_81 iter_args(%while3A_87 = %while3A) -> (i32)  : i32 {
        %jit3A = arith.constant 10 : i32
        %eq3A = arith.constant 0 : i32
        %eq3A_88 = arith.cmpi eq, %jit3A, %eq3A : i32
        %jit3A_89 = arith.constant 1 : i32
        %select_n3A = arith.select %eq3A_88, %jit3A_89, %jit3A : i32
        %rem3A = arith.remsi %while3A_86, %select_n3A : i32
        %ne3A = arith.constant 0 : i32
        %ne3A_90 = arith.cmpi ne, %rem3A, %ne3A : i32
        %lt3A = arith.constant 0 : i32
        %lt3A_91 = arith.cmpi slt, %rem3A, %lt3A : i32
        %lt3A_92 = arith.constant 0 : i32
        %lt3A_93 = arith.cmpi slt, %select_n3A, %lt3A_92 : i32
        %ne3A_94 = arith.xori %lt3A_91, %lt3A_93 : i1
        %and3A = arith.andi %ne3A_94, %ne3A_90 : i1
        %add3A_95 = arith.addi %rem3A, %select_n3A : i32
        %select_n3A_96 = arith.select %and3A, %add3A_95, %rem3A : i32
        %mul3A_97 = arith.constant 40 : i32
        %mul3A_98 = arith.muli %select_n3A_96, %mul3A_97 : i32
        %gt3A = arith.constant 0 : i32
        %gt3A_99 = arith.cmpi sgt, %while3A_86, %gt3A : i32
        %convert_element_type3A = arith.extui %gt3A_99 : i1 to i32
        %cond3A = arith.constant 0 : i32
        %cond3A_100 = arith.cmpi ne, %convert_element_type3A, %cond3A : i32
        scf.if %cond3A_100 {
          %dma_wait3A_1057 = arith.constant 0 : i32
          %dma_wait3A_1058 = arith.constant 0 : i32
          %dma_wait3A_1059 = tpu.memref_slice %arg10[%dma_wait3A_1057, %dma_wait3A_1058] : memref<10240x128xf32, #tpu.memory_space<vmem_shared>> -> memref<10240x128xf32, #tpu.memory_space<vmem_shared>>
          tpu.wait_indirect_dma semaphore(%arg24 : memref<!tpu.dma_semaphore, #tpu.memory_space<semaphore_mem>>) src(%arg17 : memref<40x128xf32, #tpu.memory_space<vmem>>) dst(%dma_wait3A_1059 : memref<10240x128xf32, #tpu.memory_space<vmem_shared>>)
          %dma_wait3A_1060 = arith.constant 0 : i32
          %dma_wait3A_1061 = arith.constant 0 : i32
          %dma_wait3A_1062 = tpu.memref_slice %arg11[%dma_wait3A_1060, %dma_wait3A_1061] : memref<1280x128xf32, #tpu.memory_space<vmem_shared>> -> memref<1280x128xf32, #tpu.memory_space<vmem_shared>>
          tpu.wait_indirect_dma semaphore(%arg25 : memref<!tpu.dma_semaphore, #tpu.memory_space<semaphore_mem>>) src(%arg21 : memref<40x128xf32, #tpu.memory_space<vmem>>) dst(%dma_wait3A_1062 : memref<1280x128xf32, #tpu.memory_space<vmem_shared>>)
        } else {
        }
        %add3A_101 = arith.constant 0 : i32
        %add3A_102 = arith.addi %mul3A_98, %add3A_101 : i32
        %get3A = arith.index_cast %add3A_102 : i32 to index
        %get3A_103 = tpu.vector_load %arg14[%get3A] {strides = array<i32>} : memref<400xi32, #tpu.memory_space<vmem>>, vector<16xi32>,
        %get3A_104 = vector.shape_cast %get3A_103 : vector<16xi32> to vector<16xi32>
        %swap3A = arith.constant 0 : index
        %swap3A_105 = tpu.vector_load %arg15[%swap3A] {strides = array<i32>} : memref<40xi32, #tpu.memory_space<vmem>>, vector<16xi32>,
        %swap3A_106 = vector.shape_cast %swap3A_105 : vector<16xi32> to vector<16xi32>
        %swap3A_107 = vector.shape_cast %get3A_104 : vector<16xi32> to vector<16xi32>
        tpu.vector_store %arg15[%swap3A], %swap3A_107 {strides = array<i32>} : memref<40xi32, #tpu.memory_space<vmem>>, vector<16xi32>,
        %shift_right_logical3A = arith.constant 3 : i32
        %shift_right_logical3A_108 = vector.broadcast %shift_right_logical3A : i32 to vector<16xi32>
        %shift_right_logical3A_109 = arith.shrui %get3A_104, %shift_right_logical3A_108 : vector<16xi32>
        %swap3A_110 = arith.constant 0 : index
        %swap3A_111 = tpu.vector_load %arg16[%swap3A_110] {strides = array<i32>} : memref<40xi32, #tpu.memory_space<vmem>>, vector<16xi32>,
        %swap3A_112 = vector.shape_cast %swap3A_111 : vector<16xi32> to vector<16xi32>
        %swap3A_113 = vector.shape_cast %shift_right_logical3A_109 : vector<16xi32> to vector<16xi32>
        tpu.vector_store %arg16[%swap3A_110], %swap3A_113 {strides = array<i32>} : memref<40xi32, #tpu.memory_space<vmem>>, vector<16xi32>,
        %add3A_114 = arith.constant 16 : i32
        %add3A_115 = arith.addi %mul3A_98, %add3A_114 : i32
        %get3A_116 = arith.index_cast %add3A_115 : i32 to index
        %get3A_117 = tpu.vector_load %arg14[%get3A_116] {strides = array<i32>} : memref<400xi32, #tpu.memory_space<vmem>>, vector<16xi32>,
        %get3A_118 = vector.shape_cast %get3A_117 : vector<16xi32> to vector<16xi32>
        %swap3A_119 = arith.constant 16 : index
        %swap3A_120 = tpu.vector_load %arg15[%swap3A_119] {strides = array<i32>} : memref<40xi32, #tpu.memory_space<vmem>>, vector<16xi32>,
        %swap3A_121 = vector.shape_cast %swap3A_120 : vector<16xi32> to vector<16xi32>
        %swap3A_122 = vector.shape_cast %get3A_118 : vector<16xi32> to vector<16xi32>
        tpu.vector_store %arg15[%swap3A_119], %swap3A_122 {strides = array<i32>} : memref<40xi32, #tpu.memory_space<vmem>>, vector<16xi32>,
        %shift_right_logical3A_123 = arith.constant 3 : i32
        %shift_right_logical3A_124 = vector.broadcast %shift_right_logical3A_123 : i32 to vector<16xi32>
        %shift_right_logical3A_125 = arith.shrui %get3A_118, %shift_right_logical3A_124 : vector<16xi32>
        %swap3A_126 = arith.constant 16 : index
        %swap3A_127 = tpu.vector_load %arg16[%swap3A_126] {strides = array<i32>} : memref<40xi32, #tpu.memory_space<vmem>>, vector<16xi32>,
        %swap3A_128 = vector.shape_cast %swap3A_127 : vector<16xi32> to vector<16xi32>
        %swap3A_129 = vector.shape_cast %shift_right_logical3A_125 : vector<16xi32> to vector<16xi32>
        tpu.vector_store %arg16[%swap3A_126], %swap3A_129 {strides = array<i32>} : memref<40xi32, #tpu.memory_space<vmem>>, vector<16xi32>,
        %add3A_130 = arith.constant 24 : i32
        %add3A_131 = arith.addi %mul3A_98, %add3A_130 : i32
        %get3A_132 = arith.index_cast %add3A_131 : i32 to index
        %get3A_133 = tpu.vector_load %arg14[%get3A_132] {strides = array<i32>} : memref<400xi32, #tpu.memory_space<vmem>>, vector<16xi32>,
        %get3A_134 = vector.shape_cast %get3A_133 : vector<16xi32> to vector<16xi32>
        %swap3A_135 = arith.constant 24 : index
        %swap3A_136 = tpu.vector_load %arg15[%swap3A_135] {strides = array<i32>} : memref<40xi32, #tpu.memory_space<vmem>>, vector<16xi32>,
        %swap3A_137 = vector.shape_cast %swap3A_136 : vector<16xi32> to vector<16xi32>
        %swap3A_138 = vector.shape_cast %get3A_134 : vector<16xi32> to vector<16xi32>
        tpu.vector_store %arg15[%swap3A_135], %swap3A_138 {strides = array<i32>} : memref<40xi32, #tpu.memory_space<vmem>>, vector<16xi32>,
        %shift_right_logical3A_139 = arith.constant 3 : i32
        %shift_right_logical3A_140 = vector.broadcast %shift_right_logical3A_139 : i32 to vector<16xi32>
        %shift_right_logical3A_141 = arith.shrui %get3A_134, %shift_right_logical3A_140 : vector<16xi32>
        %swap3A_142 = arith.constant 24 : index
        %swap3A_143 = tpu.vector_load %arg16[%swap3A_142] {strides = array<i32>} : memref<40xi32, #tpu.memory_space<vmem>>, vector<16xi32>,
        %swap3A_144 = vector.shape_cast %swap3A_143 : vector<16xi32> to vector<16xi32>
        %swap3A_145 = vector.shape_cast %shift_right_logical3A_141 : vector<16xi32> to vector<16xi32>
        tpu.vector_store %arg16[%swap3A_142], %swap3A_145 {strides = array<i32>} : memref<40xi32, #tpu.memory_space<vmem>>, vector<16xi32>,
        %dma_start3A = tpu.memref_slice %arg13[%mul3A_98] : memref<400xi32, #tpu.memory_space<vmem>> -> memref<40xi32, #tpu.memory_space<vmem>>
        %dma_start3A_146 = arith.constant 0 : i32
        %dma_start3A_147 = arith.constant 0 : i32
        %dma_start3A_148 = tpu.memref_slice %arg2[%dma_start3A_146, %dma_start3A_147] : memref<10000x128xf32, #tpu.memory_space<hbm>> -> memref<10000x128xf32, #tpu.memory_space<hbm>>
        tpu.enqueue_indirect_dma source(%dma_start3A_148 : memref<10000x128xf32, #tpu.memory_space<hbm>>) target(%arg17 : memref<40x128xf32, #tpu.memory_space<vmem>>) offsets(%dma_start3A : memref<40xi32, #tpu.memory_space<vmem>>) semaphore(%arg22 : memref<!tpu.dma_semaphore, #tpu.memory_space<semaphore_mem>>)
        %dma_start3A_149 = arith.constant 0 : i32
        %dma_start3A_150 = arith.constant 0 : i32
        %dma_start3A_151 = tpu.memref_slice %arg3[%dma_start3A_149, %dma_start3A_150] : memref<10000x128xf32, #tpu.memory_space<hbm>> -> memref<10000x128xf32, #tpu.memory_space<hbm>>
        tpu.enqueue_indirect_dma source(%dma_start3A_151 : memref<10000x128xf32, #tpu.memory_space<hbm>>) target(%arg18 : memref<40x128xf32, #tpu.memory_space<vmem>>) offsets(%arg15 : memref<40xi32, #tpu.memory_space<vmem>>) semaphore(%arg23 : memref<!tpu.dma_semaphore, #tpu.memory_space<semaphore_mem>>)
        %mul3A_152 = arith.constant 10000 : i32
        %mul3A_153 = arith.muli %add3A, %mul3A_152 : i32
        %mul3A_154 = arith.constant 40 : i32
        %mul3A_155 = arith.muli %while3A_86, %mul3A_154 : i32
        %add3A_156 = arith.addi %mul3A_153, %mul3A_155 : i32
        "tpu.region"() ({
          %run_scoped3A = tpu.sem_alloc : memref<!tpu.dma_semaphore, #tpu.memory_space<semaphore_mem>>
          %dma_start3A_1057 = arith.constant 0 : i32
          %dma_start3A_1058 = tpu.memref_slice %arg4[%add3A_156, %dma_start3A_1057] : memref<320000x128xf32, #tpu.memory_space<hbm>> -> memref<40x128xf32, #tpu.memory_space<hbm>>
          %dma_start3A_1059 = arith.constant 0 : i32
          %dma_start3A_1060 = tpu.memref_slice %arg4[%add3A_156, %dma_start3A_1059] : memref<320000x128xf32, #tpu.memory_space<hbm>> -> memref<40x128xf32, #tpu.memory_space<hbm>>
          tpu.enqueue_dma source(%dma_start3A_1060 : memref<40x128xf32, #tpu.memory_space<hbm>>) target(%arg19 : memref<40x128xf32, #tpu.memory_space<vmem>>) target_semaphore(%run_scoped3A : memref<!tpu.dma_semaphore, #tpu.memory_space<semaphore_mem>>)
          %dma_wait3A_1061 = arith.constant 0 : i32
          %dma_wait3A_1062 = tpu.memref_slice %arg4[%add3A_156, %dma_wait3A_1061] : memref<320000x128xf32, #tpu.memory_space<hbm>> -> memref<40x128xf32, #tpu.memory_space<hbm>>
          %dma_wait3A_1063 = arith.constant 0 : i32
          %dma_wait3A_1064 = tpu.memref_slice %arg4[%add3A_156, %dma_wait3A_1063] : memref<320000x128xf32, #tpu.memory_space<hbm>> -> memref<40x128xf32, #tpu.memory_space<hbm>>
          tpu.wait_dma2 semaphore(%run_scoped3A : memref<!tpu.dma_semaphore, #tpu.memory_space<semaphore_mem>>) src(%dma_wait3A_1064 : memref<40x128xf32, #tpu.memory_space<hbm>>) dst(%arg19 : memref<40x128xf32, #tpu.memory_space<vmem>>)
          tpu.yield
        }) : () -> ()
        %dma_wait3A_157 = tpu.memref_slice %arg13[%mul3A_98] : memref<400xi32, #tpu.memory_space<vmem>> -> memref<40xi32, #tpu.memory_space<vmem>>
        %dma_wait3A_158 = arith.constant 0 : i32
        %dma_wait3A_159 = arith.constant 0 : i32
        %dma_wait3A_160 = tpu.memref_slice %arg2[%dma_wait3A_158, %dma_wait3A_159] : memref<10000x128xf32, #tpu.memory_space<hbm>> -> memref<10000x128xf32, #tpu.memory_space<hbm>>
        tpu.wait_indirect_dma semaphore(%arg22 : memref<!tpu.dma_semaphore, #tpu.memory_space<semaphore_mem>>) src(%dma_wait3A_160 : memref<10000x128xf32, #tpu.memory_space<hbm>>) dst(%arg17 : memref<40x128xf32, #tpu.memory_space<vmem>>)
        %dma_wait3A_161 = arith.constant 0 : i32
        %dma_wait3A_162 = arith.constant 0 : i32
        %dma_wait3A_163 = tpu.memref_slice %arg3[%dma_wait3A_161, %dma_wait3A_162] : memref<10000x128xf32, #tpu.memory_space<hbm>> -> memref<10000x128xf32, #tpu.memory_space<hbm>>
        tpu.wait_indirect_dma semaphore(%arg23 : memref<!tpu.dma_semaphore, #tpu.memory_space<semaphore_mem>>) src(%dma_wait3A_163 : memref<10000x128xf32, #tpu.memory_space<hbm>>) dst(%arg18 : memref<40x128xf32, #tpu.memory_space<vmem>>)
        %scan3A_164 = arith.constant 0 : i32
        %scan3A_165 = arith.constant 0 : i32
        %scan3A_166 = arith.constant 40 : i32
        %scan3A_167 = arith.addi %scan3A_165, %scan3A_166 : i32
        %scan3A_168 = arith.constant 1 : i32
        %scan3A_169 = scf.for %scan3A_1057 = %scan3A_165 to %scan3A_167 step %scan3A_168 iter_args(%scan3A_1058 = %scan3A_164) -> (i32)  : i32 {
          %broadcast_in_dim3A_1059 = arith.constant 0.000000e+00 : f32
          %broadcast_in_dim3A_1060 = vector.broadcast %broadcast_in_dim3A_1059 : f32 to vector<16xf32>
          %get3A_1061 = arith.index_cast %scan3A_1057 : i32 to index
          %get3A_1062 = arith.constant 0 : index
          %get3A_1063 = tpu.vector_load %arg17[%get3A_1061, %get3A_1062] {strides = array<i32>} : memref<40x128xf32, #tpu.memory_space<vmem>>, vector<1x16xf32>,
          %get3A_1064 = vector.shape_cast %get3A_1063 : vector<1x16xf32> to vector<16xf32>
          %get3A_1065 = arith.index_cast %scan3A_1057 : i32 to index
          %get3A_1066 = arith.constant 0 : index
          %get3A_1067 = tpu.vector_load %arg18[%get3A_1065, %get3A_1066] {strides = array<i32>} : memref<40x128xf32, #tpu.memory_space<vmem>>, vector<1x16xf32>,
          %get3A_1068 = vector.shape_cast %get3A_1067 : vector<1x16xf32> to vector<16xf32>
          %add3A_1069 = arith.addf %get3A_1064, %get3A_1068 : vector<16xf32>
          %get3A_1070 = arith.index_cast %scan3A_1057 : i32 to index
          %get3A_1071 = arith.constant 0 : index
          %get3A_1072 = tpu.vector_load %arg19[%get3A_1070, %get3A_1071] {strides = array<i32>} : memref<40x128xf32, #tpu.memory_space<vmem>>, vector<1x16xf32>,
          %get3A_1073 = vector.shape_cast %get3A_1072 : vector<1x16xf32> to vector<16xf32>
          %add3A_1074 = arith.addf %add3A_1069, %get3A_1073 : vector<16xf32>
          %mul3A_1075 = arith.constant 2.000000e-01 : f32
          %mul3A_1076 = vector.broadcast %mul3A_1075 : f32 to vector<16xf32>
          %mul3A_1077 = arith.mulf %mul3A_1076, %add3A_1074 : vector<16xf32>
          %max3A = arith.maximumf %add3A_1074, %mul3A_1077 : vector<16xf32>
          %get3A_1078 = arith.constant 0 : index
          %get3A_1079 = tpu.vector_load %arg12[%get3A_1078] {strides = array<i32>} : memref<128xf32, #tpu.memory_space<vmem>>, vector<16xf32>,
          %get3A_1080 = vector.shape_cast %get3A_1079 : vector<16xf32> to vector<16xf32>
          %mul3A_1081 = arith.mulf %max3A, %get3A_1080 : vector<16xf32>
          %add3A_1082 = arith.addf %broadcast_in_dim3A_1060, %mul3A_1081 : vector<16xf32>
          %get3A_1083 = arith.index_cast %scan3A_1057 : i32 to index
          %get3A_1084 = arith.constant 16 : index
          %get3A_1085 = tpu.vector_load %arg17[%get3A_1083, %get3A_1084] {strides = array<i32>} : memref<40x128xf32, #tpu.memory_space<vmem>>, vector<1x16xf32>,
          %get3A_1086 = vector.shape_cast %get3A_1085 : vector<1x16xf32> to vector<16xf32>
          %get3A_1087 = arith.index_cast %scan3A_1057 : i32 to index
          %get3A_1088 = arith.constant 16 : index
          %get3A_1089 = tpu.vector_load %arg18[%get3A_1087, %get3A_1088] {strides = array<i32>} : memref<40x128xf32, #tpu.memory_space<vmem>>, vector<1x16xf32>,
          %get3A_1090 = vector.shape_cast %get3A_1089 : vector<1x16xf32> to vector<16xf32>
          %add3A_1091 = arith.addf %get3A_1086, %get3A_1090 : vector<16xf32>
          %get3A_1092 = arith.index_cast %scan3A_1057 : i32 to index
          %get3A_1093 = arith.constant 16 : index
          %get3A_1094 = tpu.vector_load %arg19[%get3A_1092, %get3A_1093] {strides = array<i32>} : memref<40x128xf32, #tpu.memory_space<vmem>>, vector<1x16xf32>,
          %get3A_1095 = vector.shape_cast %get3A_1094 : vector<1x16xf32> to vector<16xf32>
          %add3A_1096 = arith.addf %add3A_1091, %get3A_1095 : vector<16xf32>
          %mul3A_1097 = arith.constant 2.000000e-01 : f32
          %mul3A_1098 = vector.broadcast %mul3A_1097 : f32 to vector<16xf32>
          %mul3A_1099 = arith.mulf %mul3A_1098, %add3A_1096 : vector<16xf32>
          %max3A_1100 = arith.maximumf %add3A_1096, %mul3A_1099 : vector<16xf32>
          %get3A_1101 = arith.constant 16 : index
          %get3A_1102 = tpu.vector_load %arg12[%get3A_1101] {strides = array<i32>} : memref<128xf32, #tpu.memory_space<vmem>>, vector<16xf32>,
          %get3A_1103 = vector.shape_cast %get3A_1102 : vector<16xf32> to vector<16xf32>
          %mul3A_1104 = arith.mulf %max3A_1100, %get3A_1103 : vector<16xf32>
          %add3A_1105 = arith.addf %add3A_1082, %mul3A_1104 : vector<16xf32>
          %get3A_1106 = arith.index_cast %scan3A_1057 : i32 to index
          %get3A_1107 = arith.constant 32 : index
          %get3A_1108 = tpu.vector_load %arg17[%get3A_1106, %get3A_1107] {strides = array<i32>} : memref<40x128xf32, #tpu.memory_space<vmem>>, vector<1x16xf32>,
          %get3A_1109 = vector.shape_cast %get3A_1108 : vector<1x16xf32> to vector<16xf32>
          %get3A_1110 = arith.index_cast %scan3A_1057 : i32 to index
          %get3A_1111 = arith.constant 32 : index
          %get3A_1112 = tpu.vector_load %arg18[%get3A_1110, %get3A_1111] {strides = array<i32>} : memref<40x128xf32, #tpu.memory_space<vmem>>, vector<1x16xf32>,
          %get3A_1113 = vector.shape_cast %get3A_1112 : vector<1x16xf32> to vector<16xf32>
          %add3A_1114 = arith.addf %get3A_1109, %get3A_1113 : vector<16xf32>
          %get3A_1115 = arith.index_cast %scan3A_1057 : i32 to index
          %get3A_1116 = arith.constant 32 : index
          %get3A_1117 = tpu.vector_load %arg19[%get3A_1115, %get3A_1116] {strides = array<i32>} : memref<40x128xf32, #tpu.memory_space<vmem>>, vector<1x16xf32>,
          %get3A_1118 = vector.shape_cast %get3A_1117 : vector<1x16xf32> to vector<16xf32>
          %add3A_1119 = arith.addf %add3A_1114, %get3A_1118 : vector<16xf32>
          %mul3A_1120 = arith.constant 2.000000e-01 : f32
          %mul3A_1121 = vector.broadcast %mul3A_1120 : f32 to vector<16xf32>
          %mul3A_1122 = arith.mulf %mul3A_1121, %add3A_1119 : vector<16xf32>
          %max3A_1123 = arith.maximumf %add3A_1119, %mul3A_1122 : vector<16xf32>
          %get3A_1124 = arith.constant 32 : index
          %get3A_1125 = tpu.vector_load %arg12[%get3A_1124] {strides = array<i32>} : memref<128xf32, #tpu.memory_space<vmem>>, vector<16xf32>,
          %get3A_1126 = vector.shape_cast %get3A_1125 : vector<16xf32> to vector<16xf32>
          %mul3A_1127 = arith.mulf %max3A_1123, %get3A_1126 : vector<16xf32>
          %add3A_1128 = arith.addf %add3A_1105, %mul3A_1127 : vector<16xf32>
          %get3A_1129 = arith.index_cast %scan3A_1057 : i32 to index
          %get3A_1130 = arith.constant 48 : index
          %get3A_1131 = tpu.vector_load %arg17[%get3A_1129, %get3A_1130] {strides = array<i32>} : memref<40x128xf32, #tpu.memory_space<vmem>>, vector<1x16xf32>,
          %get3A_1132 = vector.shape_cast %get3A_1131 : vector<1x16xf32> to vector<16xf32>
          %get3A_1133 = arith.index_cast %scan3A_1057 : i32 to index
          %get3A_1134 = arith.constant 48 : index
          %get3A_1135 = tpu.vector_load %arg18[%get3A_1133, %get3A_1134] {strides = array<i32>} : memref<40x128xf32, #tpu.memory_space<vmem>>, vector<1x16xf32>,
          %get3A_1136 = vector.shape_cast %get3A_1135 : vector<1x16xf32> to vector<16xf32>
          %add3A_1137 = arith.addf %get3A_1132, %get3A_1136 : vector<16xf32>
          %get3A_1138 = arith.index_cast %scan3A_1057 : i32 to index
          %get3A_1139 = arith.constant 48 : index
          %get3A_1140 = tpu.vector_load %arg19[%get3A_1138, %get3A_1139] {strides = array<i32>} : memref<40x128xf32, #tpu.memory_space<vmem>>, vector<1x16xf32>,
          %get3A_1141 = vector.shape_cast %get3A_1140 : vector<1x16xf32> to vector<16xf32>
          %add3A_1142 = arith.addf %add3A_1137, %get3A_1141 : vector<16xf32>
          %mul3A_1143 = arith.constant 2.000000e-01 : f32
          %mul3A_1144 = vector.broadcast %mul3A_1143 : f32 to vector<16xf32>
          %mul3A_1145 = arith.mulf %mul3A_1144, %add3A_1142 : vector<16xf32>
          %max3A_1146 = arith.maximumf %add3A_1142, %mul3A_1145 : vector<16xf32>
          %get3A_1147 = arith.constant 48 : index
          %get3A_1148 = tpu.vector_load %arg12[%get3A_1147] {strides = array<i32>} : memref<128xf32, #tpu.memory_space<vmem>>, vector<16xf32>,
          %get3A_1149 = vector.shape_cast %get3A_1148 : vector<16xf32> to vector<16xf32>
          %mul3A_1150 = arith.mulf %max3A_1146, %get3A_1149 : vector<16xf32>
          %add3A_1151 = arith.addf %add3A_1128, %mul3A_1150 : vector<16xf32>
          %get3A_1152 = arith.index_cast %scan3A_1057 : i32 to index
          %get3A_1153 = arith.constant 64 : index
          %get3A_1154 = tpu.vector_load %arg17[%get3A_1152, %get3A_1153] {strides = array<i32>} : memref<40x128xf32, #tpu.memory_space<vmem>>, vector<1x16xf32>,
          %get3A_1155 = vector.shape_cast %get3A_1154 : vector<1x16xf32> to vector<16xf32>
          %get3A_1156 = arith.index_cast %scan3A_1057 : i32 to index
          %get3A_1157 = arith.constant 64 : index
          %get3A_1158 = tpu.vector_load %arg18[%get3A_1156, %get3A_1157] {strides = array<i32>} : memref<40x128xf32, #tpu.memory_space<vmem>>, vector<1x16xf32>,
          %get3A_1159 = vector.shape_cast %get3A_1158 : vector<1x16xf32> to vector<16xf32>
          %add3A_1160 = arith.addf %get3A_1155, %get3A_1159 : vector<16xf32>
          %get3A_1161 = arith.index_cast %scan3A_1057 : i32 to index
          %get3A_1162 = arith.constant 64 : index
          %get3A_1163 = tpu.vector_load %arg19[%get3A_1161, %get3A_1162] {strides = array<i32>} : memref<40x128xf32, #tpu.memory_space<vmem>>, vector<1x16xf32>,
          %get3A_1164 = vector.shape_cast %get3A_1163 : vector<1x16xf32> to vector<16xf32>
          %add3A_1165 = arith.addf %add3A_1160, %get3A_1164 : vector<16xf32>
          %mul3A_1166 = arith.constant 2.000000e-01 : f32
          %mul3A_1167 = vector.broadcast %mul3A_1166 : f32 to vector<16xf32>
          %mul3A_1168 = arith.mulf %mul3A_1167, %add3A_1165 : vector<16xf32>
          %max3A_1169 = arith.maximumf %add3A_1165, %mul3A_1168 : vector<16xf32>
          %get3A_1170 = arith.constant 64 : index
          %get3A_1171 = tpu.vector_load %arg12[%get3A_1170] {strides = array<i32>} : memref<128xf32, #tpu.memory_space<vmem>>, vector<16xf32>,
          %get3A_1172 = vector.shape_cast %get3A_1171 : vector<16xf32> to vector<16xf32>
          %mul3A_1173 = arith.mulf %max3A_1169, %get3A_1172 : vector<16xf32>
          %add3A_1174 = arith.addf %add3A_1151, %mul3A_1173 : vector<16xf32>
          %get3A_1175 = arith.index_cast %scan3A_1057 : i32 to index
          %get3A_1176 = arith.constant 80 : index
          %get3A_1177 = tpu.vector_load %arg17[%get3A_1175, %get3A_1176] {strides = array<i32>} : memref<40x128xf32, #tpu.memory_space<vmem>>, vector<1x16xf32>,
          %get3A_1178 = vector.shape_cast %get3A_1177 : vector<1x16xf32> to vector<16xf32>
          %get3A_1179 = arith.index_cast %scan3A_1057 : i32 to index
          %get3A_1180 = arith.constant 80 : index
          %get3A_1181 = tpu.vector_load %arg18[%get3A_1179, %get3A_1180] {strides = array<i32>} : memref<40x128xf32, #tpu.memory_space<vmem>>, vector<1x16xf32>,
          %get3A_1182 = vector.shape_cast %get3A_1181 : vector<1x16xf32> to vector<16xf32>
          %add3A_1183 = arith.addf %get3A_1178, %get3A_1182 : vector<16xf32>
          %get3A_1184 = arith.index_cast %scan3A_1057 : i32 to index
          %get3A_1185 = arith.constant 80 : index
          %get3A_1186 = tpu.vector_load %arg19[%get3A_1184, %get3A_1185] {strides = array<i32>} : memref<40x128xf32, #tpu.memory_space<vmem>>, vector<1x16xf32>,
          %get3A_1187 = vector.shape_cast %get3A_1186 : vector<1x16xf32> to vector<16xf32>
          %add3A_1188 = arith.addf %add3A_1183, %get3A_1187 : vector<16xf32>
          %mul3A_1189 = arith.constant 2.000000e-01 : f32
          %mul3A_1190 = vector.broadcast %mul3A_1189 : f32 to vector<16xf32>
          %mul3A_1191 = arith.mulf %mul3A_1190, %add3A_1188 : vector<16xf32>
          %max3A_1192 = arith.maximumf %add3A_1188, %mul3A_1191 : vector<16xf32>
          %get3A_1193 = arith.constant 80 : index
          %get3A_1194 = tpu.vector_load %arg12[%get3A_1193] {strides = array<i32>} : memref<128xf32, #tpu.memory_space<vmem>>, vector<16xf32>,
          %get3A_1195 = vector.shape_cast %get3A_1194 : vector<16xf32> to vector<16xf32>
          %mul3A_1196 = arith.mulf %max3A_1192, %get3A_1195 : vector<16xf32>
          %add3A_1197 = arith.addf %add3A_1174, %mul3A_1196 : vector<16xf32>
          %get3A_1198 = arith.index_cast %scan3A_1057 : i32 to index
          %get3A_1199 = arith.constant 96 : index
          %get3A_1200 = tpu.vector_load %arg17[%get3A_1198, %get3A_1199] {strides = array<i32>} : memref<40x128xf32, #tpu.memory_space<vmem>>, vector<1x16xf32>,
          %get3A_1201 = vector.shape_cast %get3A_1200 : vector<1x16xf32> to vector<16xf32>
          %get3A_1202 = arith.index_cast %scan3A_1057 : i32 to index
          %get3A_1203 = arith.constant 96 : index
          %get3A_1204 = tpu.vector_load %arg18[%get3A_1202, %get3A_1203] {strides = array<i32>} : memref<40x128xf32, #tpu.memory_space<vmem>>, vector<1x16xf32>,
          %get3A_1205 = vector.shape_cast %get3A_1204 : vector<1x16xf32> to vector<16xf32>
          %add3A_1206 = arith.addf %get3A_1201, %get3A_1205 : vector<16xf32>
          %get3A_1207 = arith.index_cast %scan3A_1057 : i32 to index
          %get3A_1208 = arith.constant 96 : index
          %get3A_1209 = tpu.vector_load %arg19[%get3A_1207, %get3A_1208] {strides = array<i32>} : memref<40x128xf32, #tpu.memory_space<vmem>>, vector<1x16xf32>,
          %get3A_1210 = vector.shape_cast %get3A_1209 : vector<1x16xf32> to vector<16xf32>
          %add3A_1211 = arith.addf %add3A_1206, %get3A_1210 : vector<16xf32>
          %mul3A_1212 = arith.constant 2.000000e-01 : f32
          %mul3A_1213 = vector.broadcast %mul3A_1212 : f32 to vector<16xf32>
          %mul3A_1214 = arith.mulf %mul3A_1213, %add3A_1211 : vector<16xf32>
          %max3A_1215 = arith.maximumf %add3A_1211, %mul3A_1214 : vector<16xf32>
          %get3A_1216 = arith.constant 96 : index
          %get3A_1217 = tpu.vector_load %arg12[%get3A_1216] {strides = array<i32>} : memref<128xf32, #tpu.memory_space<vmem>>, vector<16xf32>,
          %get3A_1218 = vector.shape_cast %get3A_1217 : vector<16xf32> to vector<16xf32>
          %mul3A_1219 = arith.mulf %max3A_1215, %get3A_1218 : vector<16xf32>
          %add3A_1220 = arith.addf %add3A_1197, %mul3A_1219 : vector<16xf32>
          %get3A_1221 = arith.index_cast %scan3A_1057 : i32 to index
          %get3A_1222 = arith.constant 112 : index
          %get3A_1223 = tpu.vector_load %arg17[%get3A_1221, %get3A_1222] {strides = array<i32>} : memref<40x128xf32, #tpu.memory_space<vmem>>, vector<1x16xf32>,
          %get3A_1224 = vector.shape_cast %get3A_1223 : vector<1x16xf32> to vector<16xf32>
          %get3A_1225 = arith.index_cast %scan3A_1057 : i32 to index
          %get3A_1226 = arith.constant 112 : index
          %get3A_1227 = tpu.vector_load %arg18[%get3A_1225, %get3A_1226] {strides = array<i32>} : memref<40x128xf32, #tpu.memory_space<vmem>>, vector<1x16xf32>,
          %get3A_1228 = vector.shape_cast %get3A_1227 : vector<1x16xf32> to vector<16xf32>
          %add3A_1229 = arith.addf %get3A_1224, %get3A_1228 : vector<16xf32>
          %get3A_1230 = arith.index_cast %scan3A_1057 : i32 to index
          %get3A_1231 = arith.constant 112 : index
          %get3A_1232 = tpu.vector_load %arg19[%get3A_1230, %get3A_1231] {strides = array<i32>} : memref<40x128xf32, #tpu.memory_space<vmem>>, vector<1x16xf32>,
          %get3A_1233 = vector.shape_cast %get3A_1232 : vector<1x16xf32> to vector<16xf32>
          %add3A_1234 = arith.addf %add3A_1229, %get3A_1233 : vector<16xf32>
          %mul3A_1235 = arith.constant 2.000000e-01 : f32
          %mul3A_1236 = vector.broadcast %mul3A_1235 : f32 to vector<16xf32>
          %mul3A_1237 = arith.mulf %mul3A_1236, %add3A_1234 : vector<16xf32>
          %max3A_1238 = arith.maximumf %add3A_1234, %mul3A_1237 : vector<16xf32>
          %get3A_1239 = arith.constant 112 : index
          %get3A_1240 = tpu.vector_load %arg12[%get3A_1239] {strides = array<i32>} : memref<128xf32, #tpu.memory_space<vmem>>, vector<16xf32>,
          %get3A_1241 = vector.shape_cast %get3A_1240 : vector<16xf32> to vector<16xf32>
          %mul3A_1242 = arith.mulf %max3A_1238, %get3A_1241 : vector<16xf32>
          %add3A_1243 = arith.addf %add3A_1220, %mul3A_1242 : vector<16xf32>
          %iota3A_1244 = tpu.iota {dimensions = array<i32: 0>} : vector<16xi32>
          %xor3A = arith.constant 8 : i32
          %xor3A_1245 = vector.broadcast %xor3A : i32 to vector<16xi32>
          %xor3A_1246 = arith.xori %iota3A_1244, %xor3A_1245 : vector<16xi32>
          %lt3A_1247 = arith.constant 0 : i32
          %lt3A_1248 = vector.broadcast %lt3A_1247 : i32 to vector<16xi32>
          %lt3A_1249 = arith.cmpi slt, %xor3A_1246, %lt3A_1248 : vector<16xi32>
          %add3A_1250 = arith.constant 16 : i32
          %add3A_1251 = vector.broadcast %add3A_1250 : i32 to vector<16xi32>
          %add3A_1252 = arith.addi %xor3A_1246, %add3A_1251 : vector<16xi32>
          %select_n3A_1253 = arith.select %lt3A_1249, %add3A_1252, %xor3A_1246 : vector<16xi1>, vector<16xi32>
          %broadcast_in_dim3A_1254 = vector.shape_cast %select_n3A_1253 : vector<16xi32> to vector<16x1xi32>
          %gather3A = vector.shape_cast %broadcast_in_dim3A_1254 : vector<16x1xi32> to vector<16xi32>
          %gather3A_1255 = tpu.dynamic_gather %add3A_1243[%gather3A] in [0] : vector<16xf32>, vector<16xi32> -> vector<16xf32>
          %add3A_1256 = arith.addf %add3A_1243, %gather3A_1255 : vector<16xf32>
          %iota3A_1257 = tpu.iota {dimensions = array<i32: 0>} : vector<16xi32>
          %xor3A_1258 = arith.constant 4 : i32
          %xor3A_1259 = vector.broadcast %xor3A_1258 : i32 to vector<16xi32>
          %xor3A_1260 = arith.xori %iota3A_1257, %xor3A_1259 : vector<16xi32>
          %lt3A_1261 = arith.constant 0 : i32
          %lt3A_1262 = vector.broadcast %lt3A_1261 : i32 to vector<16xi32>
          %lt3A_1263 = arith.cmpi slt, %xor3A_1260, %lt3A_1262 : vector<16xi32>
          %add3A_1264 = arith.constant 16 : i32
          %add3A_1265 = vector.broadcast %add3A_1264 : i32 to vector<16xi32>
          %add3A_1266 = arith.addi %xor3A_1260, %add3A_1265 : vector<16xi32>
          %select_n3A_1267 = arith.select %lt3A_1263, %add3A_1266, %xor3A_1260 : vector<16xi1>, vector<16xi32>
          %broadcast_in_dim3A_1268 = vector.shape_cast %select_n3A_1267 : vector<16xi32> to vector<16x1xi32>
          %gather3A_1269 = vector.shape_cast %broadcast_in_dim3A_1268 : vector<16x1xi32> to vector<16xi32>
          %gather3A_1270 = tpu.dynamic_gather %add3A_1256[%gather3A_1269] in [0] : vector<16xf32>, vector<16xi32> -> vector<16xf32>
          %add3A_1271 = arith.addf %add3A_1256, %gather3A_1270 : vector<16xf32>
          %iota3A_1272 = tpu.iota {dimensions = array<i32: 0>} : vector<16xi32>
          %xor3A_1273 = arith.constant 2 : i32
          %xor3A_1274 = vector.broadcast %xor3A_1273 : i32 to vector<16xi32>
          %xor3A_1275 = arith.xori %iota3A_1272, %xor3A_1274 : vector<16xi32>
          %lt3A_1276 = arith.constant 0 : i32
          %lt3A_1277 = vector.broadcast %lt3A_1276 : i32 to vector<16xi32>
          %lt3A_1278 = arith.cmpi slt, %xor3A_1275, %lt3A_1277 : vector<16xi32>
          %add3A_1279 = arith.constant 16 : i32
          %add3A_1280 = vector.broadcast %add3A_1279 : i32 to vector<16xi32>
          %add3A_1281 = arith.addi %xor3A_1275, %add3A_1280 : vector<16xi32>
          %select_n3A_1282 = arith.select %lt3A_1278, %add3A_1281, %xor3A_1275 : vector<16xi1>, vector<16xi32>
          %broadcast_in_dim3A_1283 = vector.shape_cast %select_n3A_1282 : vector<16xi32> to vector<16x1xi32>
          %gather3A_1284 = vector.shape_cast %broadcast_in_dim3A_1283 : vector<16x1xi32> to vector<16xi32>
          %gather3A_1285 = tpu.dynamic_gather %add3A_1271[%gather3A_1284] in [0] : vector<16xf32>, vector<16xi32> -> vector<16xf32>
          %add3A_1286 = arith.addf %add3A_1271, %gather3A_1285 : vector<16xf32>
          %iota3A_1287 = tpu.iota {dimensions = array<i32: 0>} : vector<16xi32>
          %xor3A_1288 = arith.constant 1 : i32
          %xor3A_1289 = vector.broadcast %xor3A_1288 : i32 to vector<16xi32>
          %xor3A_1290 = arith.xori %iota3A_1287, %xor3A_1289 : vector<16xi32>
          %lt3A_1291 = arith.constant 0 : i32
          %lt3A_1292 = vector.broadcast %lt3A_1291 : i32 to vector<16xi32>
          %lt3A_1293 = arith.cmpi slt, %xor3A_1290, %lt3A_1292 : vector<16xi32>
          %add3A_1294 = arith.constant 16 : i32
          %add3A_1295 = vector.broadcast %add3A_1294 : i32 to vector<16xi32>
          %add3A_1296 = arith.addi %xor3A_1290, %add3A_1295 : vector<16xi32>
          %select_n3A_1297 = arith.select %lt3A_1293, %add3A_1296, %xor3A_1290 : vector<16xi1>, vector<16xi32>
          %broadcast_in_dim3A_1298 = vector.shape_cast %select_n3A_1297 : vector<16xi32> to vector<16x1xi32>
          %gather3A_1299 = vector.shape_cast %broadcast_in_dim3A_1298 : vector<16x1xi32> to vector<16xi32>
          %gather3A_1300 = tpu.dynamic_gather %add3A_1286[%gather3A_1299] in [0] : vector<16xf32>, vector<16xi32> -> vector<16xf32>
          %add3A_1301 = arith.addf %add3A_1286, %gather3A_1300 : vector<16xf32>
          %exp3A = math.exp %add3A_1301 : vector<16xf32>
          %swap3A_1302 = arith.index_cast %scan3A_1057 : i32 to index
          %swap3A_1303 = arith.constant 0 : index
          %swap3A_1304 = tpu.vector_load %arg20[%swap3A_1302, %swap3A_1303] {strides = array<i32>} : memref<40x16xf32, #tpu.memory_space<vmem>>, vector<1x16xf32>,
          %swap3A_1305 = vector.shape_cast %swap3A_1304 : vector<1x16xf32> to vector<16xf32>
          %swap3A_1306 = vector.shape_cast %exp3A : vector<16xf32> to vector<1x16xf32>
          tpu.vector_store %arg20[%swap3A_1302, %swap3A_1303], %swap3A_1306 {strides = array<i32>} : memref<40x16xf32, #tpu.memory_space<vmem>>, vector<1x16xf32>,
          %get3A_1307 = arith.index_cast %scan3A_1057 : i32 to index
          %get3A_1308 = arith.constant 0 : index
          %get3A_1309 = tpu.vector_load %arg17[%get3A_1307, %get3A_1308] {strides = array<i32>} : memref<40x128xf32, #tpu.memory_space<vmem>>, vector<1x16xf32>,
          %get3A_1310 = vector.shape_cast %get3A_1309 : vector<1x16xf32> to vector<16xf32>
          %mul3A_1311 = arith.mulf %exp3A, %get3A_1310 : vector<16xf32>
          %swap3A_1312 = arith.index_cast %scan3A_1057 : i32 to index
          %swap3A_1313 = arith.constant 0 : index
          %swap3A_1314 = tpu.vector_load %arg17[%swap3A_1312, %swap3A_1313] {strides = array<i32>} : memref<40x128xf32, #tpu.memory_space<vmem>>, vector<1x16xf32>,
          %swap3A_1315 = vector.shape_cast %swap3A_1314 : vector<1x16xf32> to vector<16xf32>
          %swap3A_1316 = vector.shape_cast %mul3A_1311 : vector<16xf32> to vector<1x16xf32>
          tpu.vector_store %arg17[%swap3A_1312, %swap3A_1313], %swap3A_1316 {strides = array<i32>} : memref<40x128xf32, #tpu.memory_space<vmem>>, vector<1x16xf32>,
          %get3A_1317 = arith.index_cast %scan3A_1057 : i32 to index
          %get3A_1318 = arith.constant 16 : index
          %get3A_1319 = tpu.vector_load %arg17[%get3A_1317, %get3A_1318] {strides = array<i32>} : memref<40x128xf32, #tpu.memory_space<vmem>>, vector<1x16xf32>,
          %get3A_1320 = vector.shape_cast %get3A_1319 : vector<1x16xf32> to vector<16xf32>
          %mul3A_1321 = arith.mulf %exp3A, %get3A_1320 : vector<16xf32>
          %swap3A_1322 = arith.index_cast %scan3A_1057 : i32 to index
          %swap3A_1323 = arith.constant 16 : index
          %swap3A_1324 = tpu.vector_load %arg17[%swap3A_1322, %swap3A_1323] {strides = array<i32>} : memref<40x128xf32, #tpu.memory_space<vmem>>, vector<1x16xf32>,
          %swap3A_1325 = vector.shape_cast %swap3A_1324 : vector<1x16xf32> to vector<16xf32>
          %swap3A_1326 = vector.shape_cast %mul3A_1321 : vector<16xf32> to vector<1x16xf32>
          tpu.vector_store %arg17[%swap3A_1322, %swap3A_1323], %swap3A_1326 {strides = array<i32>} : memref<40x128xf32, #tpu.memory_space<vmem>>, vector<1x16xf32>,
          %get3A_1327 = arith.index_cast %scan3A_1057 : i32 to index
          %get3A_1328 = arith.constant 32 : index
          %get3A_1329 = tpu.vector_load %arg17[%get3A_1327, %get3A_1328] {strides = array<i32>} : memref<40x128xf32, #tpu.memory_space<vmem>>, vector<1x16xf32>,
          %get3A_1330 = vector.shape_cast %get3A_1329 : vector<1x16xf32> to vector<16xf32>
          %mul3A_1331 = arith.mulf %exp3A, %get3A_1330 : vector<16xf32>
          %swap3A_1332 = arith.index_cast %scan3A_1057 : i32 to index
          %swap3A_1333 = arith.constant 32 : index
          %swap3A_1334 = tpu.vector_load %arg17[%swap3A_1332, %swap3A_1333] {strides = array<i32>} : memref<40x128xf32, #tpu.memory_space<vmem>>, vector<1x16xf32>,
          %swap3A_1335 = vector.shape_cast %swap3A_1334 : vector<1x16xf32> to vector<16xf32>
          %swap3A_1336 = vector.shape_cast %mul3A_1331 : vector<16xf32> to vector<1x16xf32>
          tpu.vector_store %arg17[%swap3A_1332, %swap3A_1333], %swap3A_1336 {strides = array<i32>} : memref<40x128xf32, #tpu.memory_space<vmem>>, vector<1x16xf32>,
          %get3A_1337 = arith.index_cast %scan3A_1057 : i32 to index
          %get3A_1338 = arith.constant 48 : index
          %get3A_1339 = tpu.vector_load %arg17[%get3A_1337, %get3A_1338] {strides = array<i32>} : memref<40x128xf32, #tpu.memory_space<vmem>>, vector<1x16xf32>,
          %get3A_1340 = vector.shape_cast %get3A_1339 : vector<1x16xf32> to vector<16xf32>
          %mul3A_1341 = arith.mulf %exp3A, %get3A_1340 : vector<16xf32>
          %swap3A_1342 = arith.index_cast %scan3A_1057 : i32 to index
          %swap3A_1343 = arith.constant 48 : index
          %swap3A_1344 = tpu.vector_load %arg17[%swap3A_1342, %swap3A_1343] {strides = array<i32>} : memref<40x128xf32, #tpu.memory_space<vmem>>, vector<1x16xf32>,
          %swap3A_1345 = vector.shape_cast %swap3A_1344 : vector<1x16xf32> to vector<16xf32>
          %swap3A_1346 = vector.shape_cast %mul3A_1341 : vector<16xf32> to vector<1x16xf32>
          tpu.vector_store %arg17[%swap3A_1342, %swap3A_1343], %swap3A_1346 {strides = array<i32>} : memref<40x128xf32, #tpu.memory_space<vmem>>, vector<1x16xf32>,
          %get3A_1347 = arith.index_cast %scan3A_1057 : i32 to index
          %get3A_1348 = arith.constant 64 : index
          %get3A_1349 = tpu.vector_load %arg17[%get3A_1347, %get3A_1348] {strides = array<i32>} : memref<40x128xf32, #tpu.memory_space<vmem>>, vector<1x16xf32>,
          %get3A_1350 = vector.shape_cast %get3A_1349 : vector<1x16xf32> to vector<16xf32>
          %mul3A_1351 = arith.mulf %exp3A, %get3A_1350 : vector<16xf32>
          %swap3A_1352 = arith.index_cast %scan3A_1057 : i32 to index
          %swap3A_1353 = arith.constant 64 : index
          %swap3A_1354 = tpu.vector_load %arg17[%swap3A_1352, %swap3A_1353] {strides = array<i32>} : memref<40x128xf32, #tpu.memory_space<vmem>>, vector<1x16xf32>,
          %swap3A_1355 = vector.shape_cast %swap3A_1354 : vector<1x16xf32> to vector<16xf32>
          %swap3A_1356 = vector.shape_cast %mul3A_1351 : vector<16xf32> to vector<1x16xf32>
          tpu.vector_store %arg17[%swap3A_1352, %swap3A_1353], %swap3A_1356 {strides = array<i32>} : memref<40x128xf32, #tpu.memory_space<vmem>>, vector<1x16xf32>,
          %get3A_1357 = arith.index_cast %scan3A_1057 : i32 to index
          %get3A_1358 = arith.constant 80 : index
          %get3A_1359 = tpu.vector_load %arg17[%get3A_1357, %get3A_1358] {strides = array<i32>} : memref<40x128xf32, #tpu.memory_space<vmem>>, vector<1x16xf32>,
          %get3A_1360 = vector.shape_cast %get3A_1359 : vector<1x16xf32> to vector<16xf32>
          %mul3A_1361 = arith.mulf %exp3A, %get3A_1360 : vector<16xf32>
          %swap3A_1362 = arith.index_cast %scan3A_1057 : i32 to index
          %swap3A_1363 = arith.constant 80 : index
          %swap3A_1364 = tpu.vector_load %arg17[%swap3A_1362, %swap3A_1363] {strides = array<i32>} : memref<40x128xf32, #tpu.memory_space<vmem>>, vector<1x16xf32>,
          %swap3A_1365 = vector.shape_cast %swap3A_1364 : vector<1x16xf32> to vector<16xf32>
          %swap3A_1366 = vector.shape_cast %mul3A_1361 : vector<16xf32> to vector<1x16xf32>
          tpu.vector_store %arg17[%swap3A_1362, %swap3A_1363], %swap3A_1366 {strides = array<i32>} : memref<40x128xf32, #tpu.memory_space<vmem>>, vector<1x16xf32>,
          %get3A_1367 = arith.index_cast %scan3A_1057 : i32 to index
          %get3A_1368 = arith.constant 96 : index
          %get3A_1369 = tpu.vector_load %arg17[%get3A_1367, %get3A_1368] {strides = array<i32>} : memref<40x128xf32, #tpu.memory_space<vmem>>, vector<1x16xf32>,
          %get3A_1370 = vector.shape_cast %get3A_1369 : vector<1x16xf32> to vector<16xf32>
          %mul3A_1371 = arith.mulf %exp3A, %get3A_1370 : vector<16xf32>
          %swap3A_1372 = arith.index_cast %scan3A_1057 : i32 to index
          %swap3A_1373 = arith.constant 96 : index
          %swap3A_1374 = tpu.vector_load %arg17[%swap3A_1372, %swap3A_1373] {strides = array<i32>} : memref<40x128xf32, #tpu.memory_space<vmem>>, vector<1x16xf32>,
          %swap3A_1375 = vector.shape_cast %swap3A_1374 : vector<1x16xf32> to vector<16xf32>
          %swap3A_1376 = vector.shape_cast %mul3A_1371 : vector<16xf32> to vector<1x16xf32>
          tpu.vector_store %arg17[%swap3A_1372, %swap3A_1373], %swap3A_1376 {strides = array<i32>} : memref<40x128xf32, #tpu.memory_space<vmem>>, vector<1x16xf32>,
          %get3A_1377 = arith.index_cast %scan3A_1057 : i32 to index
          %get3A_1378 = arith.constant 112 : index
          %get3A_1379 = tpu.vector_load %arg17[%get3A_1377, %get3A_1378] {strides = array<i32>} : memref<40x128xf32, #tpu.memory_space<vmem>>, vector<1x16xf32>,
          %get3A_1380 = vector.shape_cast %get3A_1379 : vector<1x16xf32> to vector<16xf32>
          %mul3A_1381 = arith.mulf %exp3A, %get3A_1380 : vector<16xf32>
          %swap3A_1382 = arith.index_cast %scan3A_1057 : i32 to index
          %swap3A_1383 = arith.constant 112 : index
          %swap3A_1384 = tpu.vector_load %arg17[%swap3A_1382, %swap3A_1383] {strides = array<i32>} : memref<40x128xf32, #tpu.memory_space<vmem>>, vector<1x16xf32>,
          %swap3A_1385 = vector.shape_cast %swap3A_1384 : vector<1x16xf32> to vector<16xf32>
          %swap3A_1386 = vector.shape_cast %mul3A_1381 : vector<16xf32> to vector<1x16xf32>
          tpu.vector_store %arg17[%swap3A_1382, %swap3A_1383], %swap3A_1386 {strides = array<i32>} : memref<40x128xf32, #tpu.memory_space<vmem>>, vector<1x16xf32>,
          %scan3A_1387 = arith.constant 0 : i32
          scf.yield %scan3A_1387 : i32
        }
        %scan3A_170 = arith.constant 40 : i32
        %iota3A = tpu.iota {dimensions = array<i32: 0>} : vector<16xi32>
        %get3A_171 = arith.constant 0 : index
        %get3A_172 = tpu.vector_load %arg15[%get3A_171] {strides = array<i32>} : memref<40xi32, #tpu.memory_space<vmem>>, vector<16xi32>,
        %get3A_173 = vector.shape_cast %get3A_172 : vector<16xi32> to vector<16xi32>
        %and3A_174 = arith.constant 7 : i32
        %and3A_175 = vector.broadcast %and3A_174 : i32 to vector<16xi32>
        %and3A_176 = arith.andi %get3A_173, %and3A_175 : vector<16xi32>
        %slice3A = vector.extract_strided_slice %and3A_176 {offsets = [0], sizes = [1], strides = [1]} : vector<16xi32> to vector<1xi32>
        %squeeze3A = vector.extract %slice3A[0] : i32 from vector<1xi32>
        %eq3A_177 = vector.broadcast %squeeze3A : i32 to vector<16xi32>
        %eq3A_178 = arith.cmpi eq, %iota3A, %eq3A_177 : vector<16xi32>
        %get3A_179 = arith.constant 0 : i32
        %get3A_180 = arith.index_cast %get3A_179 : i32 to index
        %get3A_181 = arith.constant 0 : index
        %get3A_182 = tpu.vector_load %arg20[%get3A_180, %get3A_181] {strides = array<i32>} : memref<40x16xf32, #tpu.memory_space<vmem>>, vector<1x16xf32>,
        %get3A_183 = vector.shape_cast %get3A_182 : vector<1x16xf32> to vector<16xf32>
        %jit3A_184 = arith.constant 0.000000e+00 : f32
        %broadcast_in_dim3A = vector.broadcast %jit3A_184 : f32 to vector<16xf32>
        %select_n3A_185 = arith.select %eq3A_178, %get3A_183, %broadcast_in_dim3A : vector<16xi1>, vector<16xf32>
        %swap3A_186 = arith.constant 0 : i32
        %swap3A_187 = arith.index_cast %swap3A_186 : i32 to index
        %swap3A_188 = arith.constant 0 : index
        %swap3A_189 = tpu.vector_load %arg21[%swap3A_187, %swap3A_188] {strides = array<i32>} : memref<40x128xf32, #tpu.memory_space<vmem>>, vector<1x16xf32>,
        %swap3A_190 = vector.shape_cast %swap3A_189 : vector<1x16xf32> to vector<16xf32>
        %swap3A_191 = vector.shape_cast %select_n3A_185 : vector<16xf32> to vector<1x16xf32>
        tpu.vector_store %arg21[%swap3A_187, %swap3A_188], %swap3A_191 {strides = array<i32>} : memref<40x128xf32, #tpu.memory_space<vmem>>, vector<1x16xf32>,
        %slice3A_192 = vector.extract_strided_slice %and3A_176 {offsets = [1], sizes = [1], strides = [1]} : vector<16xi32> to vector<1xi32>
        %squeeze3A_193 = vector.extract %slice3A_192[0] : i32 from vector<1xi32>
        %eq3A_194 = vector.broadcast %squeeze3A_193 : i32 to vector<16xi32>
        %eq3A_195 = arith.cmpi eq, %iota3A, %eq3A_194 : vector<16xi32>
        %get3A_196 = arith.constant 1 : i32
        %get3A_197 = arith.index_cast %get3A_196 : i32 to index
        %get3A_198 = arith.constant 0 : index
        %get3A_199 = tpu.vector_load %arg20[%get3A_197, %get3A_198] {strides = array<i32>} : memref<40x16xf32, #tpu.memory_space<vmem>>, vector<1x16xf32>,
        %get3A_200 = vector.shape_cast %get3A_199 : vector<1x16xf32> to vector<16xf32>
        %jit3A_201 = arith.constant 0.000000e+00 : f32
        %broadcast_in_dim3A_202 = vector.broadcast %jit3A_201 : f32 to vector<16xf32>
        %select_n3A_203 = arith.select %eq3A_195, %get3A_200, %broadcast_in_dim3A_202 : vector<16xi1>, vector<16xf32>
        %swap3A_204 = arith.constant 1 : i32
        %swap3A_205 = arith.index_cast %swap3A_204 : i32 to index
        %swap3A_206 = arith.constant 0 : index
        %swap3A_207 = tpu.vector_load %arg21[%swap3A_205, %swap3A_206] {strides = array<i32>} : memref<40x128xf32, #tpu.memory_space<vmem>>, vector<1x16xf32>,
        %swap3A_208 = vector.shape_cast %swap3A_207 : vector<1x16xf32> to vector<16xf32>
        %swap3A_209 = vector.shape_cast %select_n3A_203 : vector<16xf32> to vector<1x16xf32>
        tpu.vector_store %arg21[%swap3A_205, %swap3A_206], %swap3A_209 {strides = array<i32>} : memref<40x128xf32, #tpu.memory_space<vmem>>, vector<1x16xf32>,
        %slice3A_210 = vector.extract_strided_slice %and3A_176 {offsets = [2], sizes = [1], strides = [1]} : vector<16xi32> to vector<1xi32>
        %squeeze3A_211 = vector.extract %slice3A_210[0] : i32 from vector<1xi32>
        %eq3A_212 = vector.broadcast %squeeze3A_211 : i32 to vector<16xi32>
        %eq3A_213 = arith.cmpi eq, %iota3A, %eq3A_212 : vector<16xi32>
        %get3A_214 = arith.constant 2 : i32
        %get3A_215 = arith.index_cast %get3A_214 : i32 to index
        %get3A_216 = arith.constant 0 : index
        %get3A_217 = tpu.vector_load %arg20[%get3A_215, %get3A_216] {strides = array<i32>} : memref<40x16xf32, #tpu.memory_space<vmem>>, vector<1x16xf32>,
        %get3A_218 = vector.shape_cast %get3A_217 : vector<1x16xf32> to vector<16xf32>
        %jit3A_219 = arith.constant 0.000000e+00 : f32
        %broadcast_in_dim3A_220 = vector.broadcast %jit3A_219 : f32 to vector<16xf32>
        %select_n3A_221 = arith.select %eq3A_213, %get3A_218, %broadcast_in_dim3A_220 : vector<16xi1>, vector<16xf32>
        %swap3A_222 = arith.constant 2 : i32
        %swap3A_223 = arith.index_cast %swap3A_222 : i32 to index
        %swap3A_224 = arith.constant 0 : index
        %swap3A_225 = tpu.vector_load %arg21[%swap3A_223, %swap3A_224] {strides = array<i32>} : memref<40x128xf32, #tpu.memory_space<vmem>>, vector<1x16xf32>,
        %swap3A_226 = vector.shape_cast %swap3A_225 : vector<1x16xf32> to vector<16xf32>
        %swap3A_227 = vector.shape_cast %select_n3A_221 : vector<16xf32> to vector<1x16xf32>
        tpu.vector_store %arg21[%swap3A_223, %swap3A_224], %swap3A_227 {strides = array<i32>} : memref<40x128xf32, #tpu.memory_space<vmem>>, vector<1x16xf32>,
        %slice3A_228 = vector.extract_strided_slice %and3A_176 {offsets = [3], sizes = [1], strides = [1]} : vector<16xi32> to vector<1xi32>
        %squeeze3A_229 = vector.extract %slice3A_228[0] : i32 from vector<1xi32>
        %eq3A_230 = vector.broadcast %squeeze3A_229 : i32 to vector<16xi32>
        %eq3A_231 = arith.cmpi eq, %iota3A, %eq3A_230 : vector<16xi32>
        %get3A_232 = arith.constant 3 : i32
        %get3A_233 = arith.index_cast %get3A_232 : i32 to index
        %get3A_234 = arith.constant 0 : index
        %get3A_235 = tpu.vector_load %arg20[%get3A_233, %get3A_234] {strides = array<i32>} : memref<40x16xf32, #tpu.memory_space<vmem>>, vector<1x16xf32>,
        %get3A_236 = vector.shape_cast %get3A_235 : vector<1x16xf32> to vector<16xf32>
        %jit3A_237 = arith.constant 0.000000e+00 : f32
        %broadcast_in_dim3A_238 = vector.broadcast %jit3A_237 : f32 to vector<16xf32>
        %select_n3A_239 = arith.select %eq3A_231, %get3A_236, %broadcast_in_dim3A_238 : vector<16xi1>, vector<16xf32>
        %swap3A_240 = arith.constant 3 : i32
        %swap3A_241 = arith.index_cast %swap3A_240 : i32 to index
        %swap3A_242 = arith.constant 0 : index
        %swap3A_243 = tpu.vector_load %arg21[%swap3A_241, %swap3A_242] {strides = array<i32>} : memref<40x128xf32, #tpu.memory_space<vmem>>, vector<1x16xf32>,
        %swap3A_244 = vector.shape_cast %swap3A_243 : vector<1x16xf32> to vector<16xf32>
        %swap3A_245 = vector.shape_cast %select_n3A_239 : vector<16xf32> to vector<1x16xf32>
        tpu.vector_store %arg21[%swap3A_241, %swap3A_242], %swap3A_245 {strides = array<i32>} : memref<40x128xf32, #tpu.memory_space<vmem>>, vector<1x16xf32>,
        %slice3A_246 = vector.extract_strided_slice %and3A_176 {offsets = [4], sizes = [1], strides = [1]} : vector<16xi32> to vector<1xi32>
        %squeeze3A_247 = vector.extract %slice3A_246[0] : i32 from vector<1xi32>
        %eq3A_248 = vector.broadcast %squeeze3A_247 : i32 to vector<16xi32>
        %eq3A_249 = arith.cmpi eq, %iota3A, %eq3A_248 : vector<16xi32>
        %get3A_250 = arith.constant 4 : i32
        %get3A_251 = arith.index_cast %get3A_250 : i32 to index
        %get3A_252 = arith.constant 0 : index
        %get3A_253 = tpu.vector_load %arg20[%get3A_251, %get3A_252] {strides = array<i32>} : memref<40x16xf32, #tpu.memory_space<vmem>>, vector<1x16xf32>,
        %get3A_254 = vector.shape_cast %get3A_253 : vector<1x16xf32> to vector<16xf32>
        %jit3A_255 = arith.constant 0.000000e+00 : f32
        %broadcast_in_dim3A_256 = vector.broadcast %jit3A_255 : f32 to vector<16xf32>
        %select_n3A_257 = arith.select %eq3A_249, %get3A_254, %broadcast_in_dim3A_256 : vector<16xi1>, vector<16xf32>
        %swap3A_258 = arith.constant 4 : i32
        %swap3A_259 = arith.index_cast %swap3A_258 : i32 to index
        %swap3A_260 = arith.constant 0 : index
        %swap3A_261 = tpu.vector_load %arg21[%swap3A_259, %swap3A_260] {strides = array<i32>} : memref<40x128xf32, #tpu.memory_space<vmem>>, vector<1x16xf32>,
        %swap3A_262 = vector.shape_cast %swap3A_261 : vector<1x16xf32> to vector<16xf32>
        %swap3A_263 = vector.shape_cast %select_n3A_257 : vector<16xf32> to vector<1x16xf32>
        tpu.vector_store %arg21[%swap3A_259, %swap3A_260], %swap3A_263 {strides = array<i32>} : memref<40x128xf32, #tpu.memory_space<vmem>>, vector<1x16xf32>,
        %slice3A_264 = vector.extract_strided_slice %and3A_176 {offsets = [5], sizes = [1], strides = [1]} : vector<16xi32> to vector<1xi32>
        %squeeze3A_265 = vector.extract %slice3A_264[0] : i32 from vector<1xi32>
        %eq3A_266 = vector.broadcast %squeeze3A_265 : i32 to vector<16xi32>
        %eq3A_267 = arith.cmpi eq, %iota3A, %eq3A_266 : vector<16xi32>
        %get3A_268 = arith.constant 5 : i32
        %get3A_269 = arith.index_cast %get3A_268 : i32 to index
        %get3A_270 = arith.constant 0 : index
        %get3A_271 = tpu.vector_load %arg20[%get3A_269, %get3A_270] {strides = array<i32>} : memref<40x16xf32, #tpu.memory_space<vmem>>, vector<1x16xf32>,
        %get3A_272 = vector.shape_cast %get3A_271 : vector<1x16xf32> to vector<16xf32>
        %jit3A_273 = arith.constant 0.000000e+00 : f32
        %broadcast_in_dim3A_274 = vector.broadcast %jit3A_273 : f32 to vector<16xf32>
        %select_n3A_275 = arith.select %eq3A_267, %get3A_272, %broadcast_in_dim3A_274 : vector<16xi1>, vector<16xf32>
        %swap3A_276 = arith.constant 5 : i32
        %swap3A_277 = arith.index_cast %swap3A_276 : i32 to index
        %swap3A_278 = arith.constant 0 : index
        %swap3A_279 = tpu.vector_load %arg21[%swap3A_277, %swap3A_278] {strides = array<i32>} : memref<40x128xf32, #tpu.memory_space<vmem>>, vector<1x16xf32>,
        %swap3A_280 = vector.shape_cast %swap3A_279 : vector<1x16xf32> to vector<16xf32>
        %swap3A_281 = vector.shape_cast %select_n3A_275 : vector<16xf32> to vector<1x16xf32>
        tpu.vector_store %arg21[%swap3A_277, %swap3A_278], %swap3A_281 {strides = array<i32>} : memref<40x128xf32, #tpu.memory_space<vmem>>, vector<1x16xf32>,
        %slice3A_282 = vector.extract_strided_slice %and3A_176 {offsets = [6], sizes = [1], strides = [1]} : vector<16xi32> to vector<1xi32>
        %squeeze3A_283 = vector.extract %slice3A_282[0] : i32 from vector<1xi32>
        %eq3A_284 = vector.broadcast %squeeze3A_283 : i32 to vector<16xi32>
        %eq3A_285 = arith.cmpi eq, %iota3A, %eq3A_284 : vector<16xi32>
        %get3A_286 = arith.constant 6 : i32
        %get3A_287 = arith.index_cast %get3A_286 : i32 to index
        %get3A_288 = arith.constant 0 : index
        %get3A_289 = tpu.vector_load %arg20[%get3A_287, %get3A_288] {strides = array<i32>} : memref<40x16xf32, #tpu.memory_space<vmem>>, vector<1x16xf32>,
        %get3A_290 = vector.shape_cast %get3A_289 : vector<1x16xf32> to vector<16xf32>
        %jit3A_291 = arith.constant 0.000000e+00 : f32
        %broadcast_in_dim3A_292 = vector.broadcast %jit3A_291 : f32 to vector<16xf32>
        %select_n3A_293 = arith.select %eq3A_285, %get3A_290, %broadcast_in_dim3A_292 : vector<16xi1>, vector<16xf32>
        %swap3A_294 = arith.constant 6 : i32
        %swap3A_295 = arith.index_cast %swap3A_294 : i32 to index
        %swap3A_296 = arith.constant 0 : index
        %swap3A_297 = tpu.vector_load %arg21[%swap3A_295, %swap3A_296] {strides = array<i32>} : memref<40x128xf32, #tpu.memory_space<vmem>>, vector<1x16xf32>,
        %swap3A_298 = vector.shape_cast %swap3A_297 : vector<1x16xf32> to vector<16xf32>
        %swap3A_299 = vector.shape_cast %select_n3A_293 : vector<16xf32> to vector<1x16xf32>
        tpu.vector_store %arg21[%swap3A_295, %swap3A_296], %swap3A_299 {strides = array<i32>} : memref<40x128xf32, #tpu.memory_space<vmem>>, vector<1x16xf32>,
        %slice3A_300 = vector.extract_strided_slice %and3A_176 {offsets = [7], sizes = [1], strides = [1]} : vector<16xi32> to vector<1xi32>
        %squeeze3A_301 = vector.extract %slice3A_300[0] : i32 from vector<1xi32>
        %eq3A_302 = vector.broadcast %squeeze3A_301 : i32 to vector<16xi32>
        %eq3A_303 = arith.cmpi eq, %iota3A, %eq3A_302 : vector<16xi32>
        %get3A_304 = arith.constant 7 : i32
        %get3A_305 = arith.index_cast %get3A_304 : i32 to index
        %get3A_306 = arith.constant 0 : index
        %get3A_307 = tpu.vector_load %arg20[%get3A_305, %get3A_306] {strides = array<i32>} : memref<40x16xf32, #tpu.memory_space<vmem>>, vector<1x16xf32>,
        %get3A_308 = vector.shape_cast %get3A_307 : vector<1x16xf32> to vector<16xf32>
        %jit3A_309 = arith.constant 0.000000e+00 : f32
        %broadcast_in_dim3A_310 = vector.broadcast %jit3A_309 : f32 to vector<16xf32>
        %select_n3A_311 = arith.select %eq3A_303, %get3A_308, %broadcast_in_dim3A_310 : vector<16xi1>, vector<16xf32>
        %swap3A_312 = arith.constant 7 : i32
        %swap3A_313 = arith.index_cast %swap3A_312 : i32 to index
        %swap3A_314 = arith.constant 0 : index
        %swap3A_315 = tpu.vector_load %arg21[%swap3A_313, %swap3A_314] {strides = array<i32>} : memref<40x128xf32, #tpu.memory_space<vmem>>, vector<1x16xf32>,
        %swap3A_316 = vector.shape_cast %swap3A_315 : vector<1x16xf32> to vector<16xf32>
        %swap3A_317 = vector.shape_cast %select_n3A_311 : vector<16xf32> to vector<1x16xf32>
        tpu.vector_store %arg21[%swap3A_313, %swap3A_314], %swap3A_317 {strides = array<i32>} : memref<40x128xf32, #tpu.memory_space<vmem>>, vector<1x16xf32>,
        %slice3A_318 = vector.extract_strided_slice %and3A_176 {offsets = [8], sizes = [1], strides = [1]} : vector<16xi32> to vector<1xi32>
        %squeeze3A_319 = vector.extract %slice3A_318[0] : i32 from vector<1xi32>
        %eq3A_320 = vector.broadcast %squeeze3A_319 : i32 to vector<16xi32>
        %eq3A_321 = arith.cmpi eq, %iota3A, %eq3A_320 : vector<16xi32>
        %get3A_322 = arith.constant 8 : i32
        %get3A_323 = arith.index_cast %get3A_322 : i32 to index
        %get3A_324 = arith.constant 0 : index
        %get3A_325 = tpu.vector_load %arg20[%get3A_323, %get3A_324] {strides = array<i32>} : memref<40x16xf32, #tpu.memory_space<vmem>>, vector<1x16xf32>,
        %get3A_326 = vector.shape_cast %get3A_325 : vector<1x16xf32> to vector<16xf32>
        %jit3A_327 = arith.constant 0.000000e+00 : f32
        %broadcast_in_dim3A_328 = vector.broadcast %jit3A_327 : f32 to vector<16xf32>
        %select_n3A_329 = arith.select %eq3A_321, %get3A_326, %broadcast_in_dim3A_328 : vector<16xi1>, vector<16xf32>
        %swap3A_330 = arith.constant 8 : i32
        %swap3A_331 = arith.index_cast %swap3A_330 : i32 to index
        %swap3A_332 = arith.constant 0 : index
        %swap3A_333 = tpu.vector_load %arg21[%swap3A_331, %swap3A_332] {strides = array<i32>} : memref<40x128xf32, #tpu.memory_space<vmem>>, vector<1x16xf32>,
        %swap3A_334 = vector.shape_cast %swap3A_333 : vector<1x16xf32> to vector<16xf32>
        %swap3A_335 = vector.shape_cast %select_n3A_329 : vector<16xf32> to vector<1x16xf32>
        tpu.vector_store %arg21[%swap3A_331, %swap3A_332], %swap3A_335 {strides = array<i32>} : memref<40x128xf32, #tpu.memory_space<vmem>>, vector<1x16xf32>,
        %slice3A_336 = vector.extract_strided_slice %and3A_176 {offsets = [9], sizes = [1], strides = [1]} : vector<16xi32> to vector<1xi32>
        %squeeze3A_337 = vector.extract %slice3A_336[0] : i32 from vector<1xi32>
        %eq3A_338 = vector.broadcast %squeeze3A_337 : i32 to vector<16xi32>
        %eq3A_339 = arith.cmpi eq, %iota3A, %eq3A_338 : vector<16xi32>
        %get3A_340 = arith.constant 9 : i32
        %get3A_341 = arith.index_cast %get3A_340 : i32 to index
        %get3A_342 = arith.constant 0 : index
        %get3A_343 = tpu.vector_load %arg20[%get3A_341, %get3A_342] {strides = array<i32>} : memref<40x16xf32, #tpu.memory_space<vmem>>, vector<1x16xf32>,
        %get3A_344 = vector.shape_cast %get3A_343 : vector<1x16xf32> to vector<16xf32>
        %jit3A_345 = arith.constant 0.000000e+00 : f32
        %broadcast_in_dim3A_346 = vector.broadcast %jit3A_345 : f32 to vector<16xf32>
        %select_n3A_347 = arith.select %eq3A_339, %get3A_344, %broadcast_in_dim3A_346 : vector<16xi1>, vector<16xf32>
        %swap3A_348 = arith.constant 9 : i32
        %swap3A_349 = arith.index_cast %swap3A_348 : i32 to index
        %swap3A_350 = arith.constant 0 : index
        %swap3A_351 = tpu.vector_load %arg21[%swap3A_349, %swap3A_350] {strides = array<i32>} : memref<40x128xf32, #tpu.memory_space<vmem>>, vector<1x16xf32>,
        %swap3A_352 = vector.shape_cast %swap3A_351 : vector<1x16xf32> to vector<16xf32>
        %swap3A_353 = vector.shape_cast %select_n3A_347 : vector<16xf32> to vector<1x16xf32>
        tpu.vector_store %arg21[%swap3A_349, %swap3A_350], %swap3A_353 {strides = array<i32>} : memref<40x128xf32, #tpu.memory_space<vmem>>, vector<1x16xf32>,
        %slice3A_354 = vector.extract_strided_slice %and3A_176 {offsets = [10], sizes = [1], strides = [1]} : vector<16xi32> to vector<1xi32>
        %squeeze3A_355 = vector.extract %slice3A_354[0] : i32 from vector<1xi32>
        %eq3A_356 = vector.broadcast %squeeze3A_355 : i32 to vector<16xi32>
        %eq3A_357 = arith.cmpi eq, %iota3A, %eq3A_356 : vector<16xi32>
        %get3A_358 = arith.constant 10 : i32
        %get3A_359 = arith.index_cast %get3A_358 : i32 to index
        %get3A_360 = arith.constant 0 : index
        %get3A_361 = tpu.vector_load %arg20[%get3A_359, %get3A_360] {strides = array<i32>} : memref<40x16xf32, #tpu.memory_space<vmem>>, vector<1x16xf32>,
        %get3A_362 = vector.shape_cast %get3A_361 : vector<1x16xf32> to vector<16xf32>
        %jit3A_363 = arith.constant 0.000000e+00 : f32
        %broadcast_in_dim3A_364 = vector.broadcast %jit3A_363 : f32 to vector<16xf32>
        %select_n3A_365 = arith.select %eq3A_357, %get3A_362, %broadcast_in_dim3A_364 : vector<16xi1>, vector<16xf32>
        %swap3A_366 = arith.constant 10 : i32
        %swap3A_367 = arith.index_cast %swap3A_366 : i32 to index
        %swap3A_368 = arith.constant 0 : index
        %swap3A_369 = tpu.vector_load %arg21[%swap3A_367, %swap3A_368] {strides = array<i32>} : memref<40x128xf32, #tpu.memory_space<vmem>>, vector<1x16xf32>,
        %swap3A_370 = vector.shape_cast %swap3A_369 : vector<1x16xf32> to vector<16xf32>
        %swap3A_371 = vector.shape_cast %select_n3A_365 : vector<16xf32> to vector<1x16xf32>
        tpu.vector_store %arg21[%swap3A_367, %swap3A_368], %swap3A_371 {strides = array<i32>} : memref<40x128xf32, #tpu.memory_space<vmem>>, vector<1x16xf32>,
        %slice3A_372 = vector.extract_strided_slice %and3A_176 {offsets = [11], sizes = [1], strides = [1]} : vector<16xi32> to vector<1xi32>
        %squeeze3A_373 = vector.extract %slice3A_372[0] : i32 from vector<1xi32>
        %eq3A_374 = vector.broadcast %squeeze3A_373 : i32 to vector<16xi32>
        %eq3A_375 = arith.cmpi eq, %iota3A, %eq3A_374 : vector<16xi32>
        %get3A_376 = arith.constant 11 : i32
        %get3A_377 = arith.index_cast %get3A_376 : i32 to index
        %get3A_378 = arith.constant 0 : index
        %get3A_379 = tpu.vector_load %arg20[%get3A_377, %get3A_378] {strides = array<i32>} : memref<40x16xf32, #tpu.memory_space<vmem>>, vector<1x16xf32>,
        %get3A_380 = vector.shape_cast %get3A_379 : vector<1x16xf32> to vector<16xf32>
        %jit3A_381 = arith.constant 0.000000e+00 : f32
        %broadcast_in_dim3A_382 = vector.broadcast %jit3A_381 : f32 to vector<16xf32>
        %select_n3A_383 = arith.select %eq3A_375, %get3A_380, %broadcast_in_dim3A_382 : vector<16xi1>, vector<16xf32>
        %swap3A_384 = arith.constant 11 : i32
        %swap3A_385 = arith.index_cast %swap3A_384 : i32 to index
        %swap3A_386 = arith.constant 0 : index
        %swap3A_387 = tpu.vector_load %arg21[%swap3A_385, %swap3A_386] {strides = array<i32>} : memref<40x128xf32, #tpu.memory_space<vmem>>, vector<1x16xf32>,
        %swap3A_388 = vector.shape_cast %swap3A_387 : vector<1x16xf32> to vector<16xf32>
        %swap3A_389 = vector.shape_cast %select_n3A_383 : vector<16xf32> to vector<1x16xf32>
        tpu.vector_store %arg21[%swap3A_385, %swap3A_386], %swap3A_389 {strides = array<i32>} : memref<40x128xf32, #tpu.memory_space<vmem>>, vector<1x16xf32>,
        %slice3A_390 = vector.extract_strided_slice %and3A_176 {offsets = [12], sizes = [1], strides = [1]} : vector<16xi32> to vector<1xi32>
        %squeeze3A_391 = vector.extract %slice3A_390[0] : i32 from vector<1xi32>
        %eq3A_392 = vector.broadcast %squeeze3A_391 : i32 to vector<16xi32>
        %eq3A_393 = arith.cmpi eq, %iota3A, %eq3A_392 : vector<16xi32>
        %get3A_394 = arith.constant 12 : i32
        %get3A_395 = arith.index_cast %get3A_394 : i32 to index
        %get3A_396 = arith.constant 0 : index
        %get3A_397 = tpu.vector_load %arg20[%get3A_395, %get3A_396] {strides = array<i32>} : memref<40x16xf32, #tpu.memory_space<vmem>>, vector<1x16xf32>,
        %get3A_398 = vector.shape_cast %get3A_397 : vector<1x16xf32> to vector<16xf32>
        %jit3A_399 = arith.constant 0.000000e+00 : f32
        %broadcast_in_dim3A_400 = vector.broadcast %jit3A_399 : f32 to vector<16xf32>
        %select_n3A_401 = arith.select %eq3A_393, %get3A_398, %broadcast_in_dim3A_400 : vector<16xi1>, vector<16xf32>
        %swap3A_402 = arith.constant 12 : i32
        %swap3A_403 = arith.index_cast %swap3A_402 : i32 to index
        %swap3A_404 = arith.constant 0 : index
        %swap3A_405 = tpu.vector_load %arg21[%swap3A_403, %swap3A_404] {strides = array<i32>} : memref<40x128xf32, #tpu.memory_space<vmem>>, vector<1x16xf32>,
        %swap3A_406 = vector.shape_cast %swap3A_405 : vector<1x16xf32> to vector<16xf32>
        %swap3A_407 = vector.shape_cast %select_n3A_401 : vector<16xf32> to vector<1x16xf32>
        tpu.vector_store %arg21[%swap3A_403, %swap3A_404], %swap3A_407 {strides = array<i32>} : memref<40x128xf32, #tpu.memory_space<vmem>>, vector<1x16xf32>,
        %slice3A_408 = vector.extract_strided_slice %and3A_176 {offsets = [13], sizes = [1], strides = [1]} : vector<16xi32> to vector<1xi32>
        %squeeze3A_409 = vector.extract %slice3A_408[0] : i32 from vector<1xi32>
        %eq3A_410 = vector.broadcast %squeeze3A_409 : i32 to vector<16xi32>
        %eq3A_411 = arith.cmpi eq, %iota3A, %eq3A_410 : vector<16xi32>
        %get3A_412 = arith.constant 13 : i32
        %get3A_413 = arith.index_cast %get3A_412 : i32 to index
        %get3A_414 = arith.constant 0 : index
        %get3A_415 = tpu.vector_load %arg20[%get3A_413, %get3A_414] {strides = array<i32>} : memref<40x16xf32, #tpu.memory_space<vmem>>, vector<1x16xf32>,
        %get3A_416 = vector.shape_cast %get3A_415 : vector<1x16xf32> to vector<16xf32>
        %jit3A_417 = arith.constant 0.000000e+00 : f32
        %broadcast_in_dim3A_418 = vector.broadcast %jit3A_417 : f32 to vector<16xf32>
        %select_n3A_419 = arith.select %eq3A_411, %get3A_416, %broadcast_in_dim3A_418 : vector<16xi1>, vector<16xf32>
        %swap3A_420 = arith.constant 13 : i32
        %swap3A_421 = arith.index_cast %swap3A_420 : i32 to index
        %swap3A_422 = arith.constant 0 : index
        %swap3A_423 = tpu.vector_load %arg21[%swap3A_421, %swap3A_422] {strides = array<i32>} : memref<40x128xf32, #tpu.memory_space<vmem>>, vector<1x16xf32>,
        %swap3A_424 = vector.shape_cast %swap3A_423 : vector<1x16xf32> to vector<16xf32>
        %swap3A_425 = vector.shape_cast %select_n3A_419 : vector<16xf32> to vector<1x16xf32>
        tpu.vector_store %arg21[%swap3A_421, %swap3A_422], %swap3A_425 {strides = array<i32>} : memref<40x128xf32, #tpu.memory_space<vmem>>, vector<1x16xf32>,
        %slice3A_426 = vector.extract_strided_slice %and3A_176 {offsets = [14], sizes = [1], strides = [1]} : vector<16xi32> to vector<1xi32>
        %squeeze3A_427 = vector.extract %slice3A_426[0] : i32 from vector<1xi32>
        %eq3A_428 = vector.broadcast %squeeze3A_427 : i32 to vector<16xi32>
        %eq3A_429 = arith.cmpi eq, %iota3A, %eq3A_428 : vector<16xi32>
        %get3A_430 = arith.constant 14 : i32
        %get3A_431 = arith.index_cast %get3A_430 : i32 to index
        %get3A_432 = arith.constant 0 : index
        %get3A_433 = tpu.vector_load %arg20[%get3A_431, %get3A_432] {strides = array<i32>} : memref<40x16xf32, #tpu.memory_space<vmem>>, vector<1x16xf32>,
        %get3A_434 = vector.shape_cast %get3A_433 : vector<1x16xf32> to vector<16xf32>
        %jit3A_435 = arith.constant 0.000000e+00 : f32
        %broadcast_in_dim3A_436 = vector.broadcast %jit3A_435 : f32 to vector<16xf32>
        %select_n3A_437 = arith.select %eq3A_429, %get3A_434, %broadcast_in_dim3A_436 : vector<16xi1>, vector<16xf32>
        %swap3A_438 = arith.constant 14 : i32
        %swap3A_439 = arith.index_cast %swap3A_438 : i32 to index
        %swap3A_440 = arith.constant 0 : index
        %swap3A_441 = tpu.vector_load %arg21[%swap3A_439, %swap3A_440] {strides = array<i32>} : memref<40x128xf32, #tpu.memory_space<vmem>>, vector<1x16xf32>,
        %swap3A_442 = vector.shape_cast %swap3A_441 : vector<1x16xf32> to vector<16xf32>
        %swap3A_443 = vector.shape_cast %select_n3A_437 : vector<16xf32> to vector<1x16xf32>
        tpu.vector_store %arg21[%swap3A_439, %swap3A_440], %swap3A_443 {strides = array<i32>} : memref<40x128xf32, #tpu.memory_space<vmem>>, vector<1x16xf32>,
        %slice3A_444 = vector.extract_strided_slice %and3A_176 {offsets = [15], sizes = [1], strides = [1]} : vector<16xi32> to vector<1xi32>
        %squeeze3A_445 = vector.extract %slice3A_444[0] : i32 from vector<1xi32>
        %eq3A_446 = vector.broadcast %squeeze3A_445 : i32 to vector<16xi32>
        %eq3A_447 = arith.cmpi eq, %iota3A, %eq3A_446 : vector<16xi32>
        %get3A_448 = arith.constant 15 : i32
        %get3A_449 = arith.index_cast %get3A_448 : i32 to index
        %get3A_450 = arith.constant 0 : index
        %get3A_451 = tpu.vector_load %arg20[%get3A_449, %get3A_450] {strides = array<i32>} : memref<40x16xf32, #tpu.memory_space<vmem>>, vector<1x16xf32>,
        %get3A_452 = vector.shape_cast %get3A_451 : vector<1x16xf32> to vector<16xf32>
        %jit3A_453 = arith.constant 0.000000e+00 : f32
        %broadcast_in_dim3A_454 = vector.broadcast %jit3A_453 : f32 to vector<16xf32>
        %select_n3A_455 = arith.select %eq3A_447, %get3A_452, %broadcast_in_dim3A_454 : vector<16xi1>, vector<16xf32>
        %swap3A_456 = arith.constant 15 : i32
        %swap3A_457 = arith.index_cast %swap3A_456 : i32 to index
        %swap3A_458 = arith.constant 0 : index
        %swap3A_459 = tpu.vector_load %arg21[%swap3A_457, %swap3A_458] {strides = array<i32>} : memref<40x128xf32, #tpu.memory_space<vmem>>, vector<1x16xf32>,
        %swap3A_460 = vector.shape_cast %swap3A_459 : vector<1x16xf32> to vector<16xf32>
        %swap3A_461 = vector.shape_cast %select_n3A_455 : vector<16xf32> to vector<1x16xf32>
        tpu.vector_store %arg21[%swap3A_457, %swap3A_458], %swap3A_461 {strides = array<i32>} : memref<40x128xf32, #tpu.memory_space<vmem>>, vector<1x16xf32>,
        %get3A_462 = arith.constant 16 : index
        %get3A_463 = tpu.vector_load %arg15[%get3A_462] {strides = array<i32>} : memref<40xi32, #tpu.memory_space<vmem>>, vector<16xi32>,
        %get3A_464 = vector.shape_cast %get3A_463 : vector<16xi32> to vector<16xi32>
        %and3A_465 = arith.constant 7 : i32
        %and3A_466 = vector.broadcast %and3A_465 : i32 to vector<16xi32>
        %and3A_467 = arith.andi %get3A_464, %and3A_466 : vector<16xi32>
        %slice3A_468 = vector.extract_strided_slice %and3A_467 {offsets = [0], sizes = [1], strides = [1]} : vector<16xi32> to vector<1xi32>
        %squeeze3A_469 = vector.extract %slice3A_468[0] : i32 from vector<1xi32>
        %eq3A_470 = vector.broadcast %squeeze3A_469 : i32 to vector<16xi32>
        %eq3A_471 = arith.cmpi eq, %iota3A, %eq3A_470 : vector<16xi32>
        %get3A_472 = arith.constant 16 : i32
        %get3A_473 = arith.index_cast %get3A_472 : i32 to index
        %get3A_474 = arith.constant 0 : index
        %get3A_475 = tpu.vector_load %arg20[%get3A_473, %get3A_474] {strides = array<i32>} : memref<40x16xf32, #tpu.memory_space<vmem>>, vector<1x16xf32>,
        %get3A_476 = vector.shape_cast %get3A_475 : vector<1x16xf32> to vector<16xf32>
        %jit3A_477 = arith.constant 0.000000e+00 : f32
        %broadcast_in_dim3A_478 = vector.broadcast %jit3A_477 : f32 to vector<16xf32>
        %select_n3A_479 = arith.select %eq3A_471, %get3A_476, %broadcast_in_dim3A_478 : vector<16xi1>, vector<16xf32>
        %swap3A_480 = arith.constant 16 : i32
        %swap3A_481 = arith.index_cast %swap3A_480 : i32 to index
        %swap3A_482 = arith.constant 0 : index
        %swap3A_483 = tpu.vector_load %arg21[%swap3A_481, %swap3A_482] {strides = array<i32>} : memref<40x128xf32, #tpu.memory_space<vmem>>, vector<1x16xf32>,
        %swap3A_484 = vector.shape_cast %swap3A_483 : vector<1x16xf32> to vector<16xf32>
        %swap3A_485 = vector.shape_cast %select_n3A_479 : vector<16xf32> to vector<1x16xf32>
        tpu.vector_store %arg21[%swap3A_481, %swap3A_482], %swap3A_485 {strides = array<i32>} : memref<40x128xf32, #tpu.memory_space<vmem>>, vector<1x16xf32>,
        %slice3A_486 = vector.extract_strided_slice %and3A_467 {offsets = [1], sizes = [1], strides = [1]} : vector<16xi32> to vector<1xi32>
        %squeeze3A_487 = vector.extract %slice3A_486[0] : i32 from vector<1xi32>
        %eq3A_488 = vector.broadcast %squeeze3A_487 : i32 to vector<16xi32>
        %eq3A_489 = arith.cmpi eq, %iota3A, %eq3A_488 : vector<16xi32>
        %get3A_490 = arith.constant 17 : i32
        %get3A_491 = arith.index_cast %get3A_490 : i32 to index
        %get3A_492 = arith.constant 0 : index
        %get3A_493 = tpu.vector_load %arg20[%get3A_491, %get3A_492] {strides = array<i32>} : memref<40x16xf32, #tpu.memory_space<vmem>>, vector<1x16xf32>,
        %get3A_494 = vector.shape_cast %get3A_493 : vector<1x16xf32> to vector<16xf32>
        %jit3A_495 = arith.constant 0.000000e+00 : f32
        %broadcast_in_dim3A_496 = vector.broadcast %jit3A_495 : f32 to vector<16xf32>
        %select_n3A_497 = arith.select %eq3A_489, %get3A_494, %broadcast_in_dim3A_496 : vector<16xi1>, vector<16xf32>
        %swap3A_498 = arith.constant 17 : i32
        %swap3A_499 = arith.index_cast %swap3A_498 : i32 to index
        %swap3A_500 = arith.constant 0 : index
        %swap3A_501 = tpu.vector_load %arg21[%swap3A_499, %swap3A_500] {strides = array<i32>} : memref<40x128xf32, #tpu.memory_space<vmem>>, vector<1x16xf32>,
        %swap3A_502 = vector.shape_cast %swap3A_501 : vector<1x16xf32> to vector<16xf32>
        %swap3A_503 = vector.shape_cast %select_n3A_497 : vector<16xf32> to vector<1x16xf32>
        tpu.vector_store %arg21[%swap3A_499, %swap3A_500], %swap3A_503 {strides = array<i32>} : memref<40x128xf32, #tpu.memory_space<vmem>>, vector<1x16xf32>,
        %slice3A_504 = vector.extract_strided_slice %and3A_467 {offsets = [2], sizes = [1], strides = [1]} : vector<16xi32> to vector<1xi32>
        %squeeze3A_505 = vector.extract %slice3A_504[0] : i32 from vector<1xi32>
        %eq3A_506 = vector.broadcast %squeeze3A_505 : i32 to vector<16xi32>
        %eq3A_507 = arith.cmpi eq, %iota3A, %eq3A_506 : vector<16xi32>
        %get3A_508 = arith.constant 18 : i32
        %get3A_509 = arith.index_cast %get3A_508 : i32 to index
        %get3A_510 = arith.constant 0 : index
        %get3A_511 = tpu.vector_load %arg20[%get3A_509, %get3A_510] {strides = array<i32>} : memref<40x16xf32, #tpu.memory_space<vmem>>, vector<1x16xf32>,
        %get3A_512 = vector.shape_cast %get3A_511 : vector<1x16xf32> to vector<16xf32>
        %jit3A_513 = arith.constant 0.000000e+00 : f32
        %broadcast_in_dim3A_514 = vector.broadcast %jit3A_513 : f32 to vector<16xf32>
        %select_n3A_515 = arith.select %eq3A_507, %get3A_512, %broadcast_in_dim3A_514 : vector<16xi1>, vector<16xf32>
        %swap3A_516 = arith.constant 18 : i32
        %swap3A_517 = arith.index_cast %swap3A_516 : i32 to index
        %swap3A_518 = arith.constant 0 : index
        %swap3A_519 = tpu.vector_load %arg21[%swap3A_517, %swap3A_518] {strides = array<i32>} : memref<40x128xf32, #tpu.memory_space<vmem>>, vector<1x16xf32>,
        %swap3A_520 = vector.shape_cast %swap3A_519 : vector<1x16xf32> to vector<16xf32>
        %swap3A_521 = vector.shape_cast %select_n3A_515 : vector<16xf32> to vector<1x16xf32>
        tpu.vector_store %arg21[%swap3A_517, %swap3A_518], %swap3A_521 {strides = array<i32>} : memref<40x128xf32, #tpu.memory_space<vmem>>, vector<1x16xf32>,
        %slice3A_522 = vector.extract_strided_slice %and3A_467 {offsets = [3], sizes = [1], strides = [1]} : vector<16xi32> to vector<1xi32>
        %squeeze3A_523 = vector.extract %slice3A_522[0] : i32 from vector<1xi32>
        %eq3A_524 = vector.broadcast %squeeze3A_523 : i32 to vector<16xi32>
        %eq3A_525 = arith.cmpi eq, %iota3A, %eq3A_524 : vector<16xi32>
        %get3A_526 = arith.constant 19 : i32
        %get3A_527 = arith.index_cast %get3A_526 : i32 to index
        %get3A_528 = arith.constant 0 : index
        %get3A_529 = tpu.vector_load %arg20[%get3A_527, %get3A_528] {strides = array<i32>} : memref<40x16xf32, #tpu.memory_space<vmem>>, vector<1x16xf32>,
        %get3A_530 = vector.shape_cast %get3A_529 : vector<1x16xf32> to vector<16xf32>
        %jit3A_531 = arith.constant 0.000000e+00 : f32
        %broadcast_in_dim3A_532 = vector.broadcast %jit3A_531 : f32 to vector<16xf32>
        %select_n3A_533 = arith.select %eq3A_525, %get3A_530, %broadcast_in_dim3A_532 : vector<16xi1>, vector<16xf32>
        %swap3A_534 = arith.constant 19 : i32
        %swap3A_535 = arith.index_cast %swap3A_534 : i32 to index
        %swap3A_536 = arith.constant 0 : index
        %swap3A_537 = tpu.vector_load %arg21[%swap3A_535, %swap3A_536] {strides = array<i32>} : memref<40x128xf32, #tpu.memory_space<vmem>>, vector<1x16xf32>,
        %swap3A_538 = vector.shape_cast %swap3A_537 : vector<1x16xf32> to vector<16xf32>
        %swap3A_539 = vector.shape_cast %select_n3A_533 : vector<16xf32> to vector<1x16xf32>
        tpu.vector_store %arg21[%swap3A_535, %swap3A_536], %swap3A_539 {strides = array<i32>} : memref<40x128xf32, #tpu.memory_space<vmem>>, vector<1x16xf32>,
        %slice3A_540 = vector.extract_strided_slice %and3A_467 {offsets = [4], sizes = [1], strides = [1]} : vector<16xi32> to vector<1xi32>
        %squeeze3A_541 = vector.extract %slice3A_540[0] : i32 from vector<1xi32>
        %eq3A_542 = vector.broadcast %squeeze3A_541 : i32 to vector<16xi32>
        %eq3A_543 = arith.cmpi eq, %iota3A, %eq3A_542 : vector<16xi32>
        %get3A_544 = arith.constant 20 : i32
        %get3A_545 = arith.index_cast %get3A_544 : i32 to index
        %get3A_546 = arith.constant 0 : index
        %get3A_547 = tpu.vector_load %arg20[%get3A_545, %get3A_546] {strides = array<i32>} : memref<40x16xf32, #tpu.memory_space<vmem>>, vector<1x16xf32>,
        %get3A_548 = vector.shape_cast %get3A_547 : vector<1x16xf32> to vector<16xf32>
        %jit3A_549 = arith.constant 0.000000e+00 : f32
        %broadcast_in_dim3A_550 = vector.broadcast %jit3A_549 : f32 to vector<16xf32>
        %select_n3A_551 = arith.select %eq3A_543, %get3A_548, %broadcast_in_dim3A_550 : vector<16xi1>, vector<16xf32>
        %swap3A_552 = arith.constant 20 : i32
        %swap3A_553 = arith.index_cast %swap3A_552 : i32 to index
        %swap3A_554 = arith.constant 0 : index
        %swap3A_555 = tpu.vector_load %arg21[%swap3A_553, %swap3A_554] {strides = array<i32>} : memref<40x128xf32, #tpu.memory_space<vmem>>, vector<1x16xf32>,
        %swap3A_556 = vector.shape_cast %swap3A_555 : vector<1x16xf32> to vector<16xf32>
        %swap3A_557 = vector.shape_cast %select_n3A_551 : vector<16xf32> to vector<1x16xf32>
        tpu.vector_store %arg21[%swap3A_553, %swap3A_554], %swap3A_557 {strides = array<i32>} : memref<40x128xf32, #tpu.memory_space<vmem>>, vector<1x16xf32>,
        %slice3A_558 = vector.extract_strided_slice %and3A_467 {offsets = [5], sizes = [1], strides = [1]} : vector<16xi32> to vector<1xi32>
        %squeeze3A_559 = vector.extract %slice3A_558[0] : i32 from vector<1xi32>
        %eq3A_560 = vector.broadcast %squeeze3A_559 : i32 to vector<16xi32>
        %eq3A_561 = arith.cmpi eq, %iota3A, %eq3A_560 : vector<16xi32>
        %get3A_562 = arith.constant 21 : i32
        %get3A_563 = arith.index_cast %get3A_562 : i32 to index
        %get3A_564 = arith.constant 0 : index
        %get3A_565 = tpu.vector_load %arg20[%get3A_563, %get3A_564] {strides = array<i32>} : memref<40x16xf32, #tpu.memory_space<vmem>>, vector<1x16xf32>,
        %get3A_566 = vector.shape_cast %get3A_565 : vector<1x16xf32> to vector<16xf32>
        %jit3A_567 = arith.constant 0.000000e+00 : f32
        %broadcast_in_dim3A_568 = vector.broadcast %jit3A_567 : f32 to vector<16xf32>
        %select_n3A_569 = arith.select %eq3A_561, %get3A_566, %broadcast_in_dim3A_568 : vector<16xi1>, vector<16xf32>
        %swap3A_570 = arith.constant 21 : i32
        %swap3A_571 = arith.index_cast %swap3A_570 : i32 to index
        %swap3A_572 = arith.constant 0 : index
        %swap3A_573 = tpu.vector_load %arg21[%swap3A_571, %swap3A_572] {strides = array<i32>} : memref<40x128xf32, #tpu.memory_space<vmem>>, vector<1x16xf32>,
        %swap3A_574 = vector.shape_cast %swap3A_573 : vector<1x16xf32> to vector<16xf32>
        %swap3A_575 = vector.shape_cast %select_n3A_569 : vector<16xf32> to vector<1x16xf32>
        tpu.vector_store %arg21[%swap3A_571, %swap3A_572], %swap3A_575 {strides = array<i32>} : memref<40x128xf32, #tpu.memory_space<vmem>>, vector<1x16xf32>,
        %slice3A_576 = vector.extract_strided_slice %and3A_467 {offsets = [6], sizes = [1], strides = [1]} : vector<16xi32> to vector<1xi32>
        %squeeze3A_577 = vector.extract %slice3A_576[0] : i32 from vector<1xi32>
        %eq3A_578 = vector.broadcast %squeeze3A_577 : i32 to vector<16xi32>
        %eq3A_579 = arith.cmpi eq, %iota3A, %eq3A_578 : vector<16xi32>
        %get3A_580 = arith.constant 22 : i32
        %get3A_581 = arith.index_cast %get3A_580 : i32 to index
        %get3A_582 = arith.constant 0 : index
        %get3A_583 = tpu.vector_load %arg20[%get3A_581, %get3A_582] {strides = array<i32>} : memref<40x16xf32, #tpu.memory_space<vmem>>, vector<1x16xf32>,
        %get3A_584 = vector.shape_cast %get3A_583 : vector<1x16xf32> to vector<16xf32>
        %jit3A_585 = arith.constant 0.000000e+00 : f32
        %broadcast_in_dim3A_586 = vector.broadcast %jit3A_585 : f32 to vector<16xf32>
        %select_n3A_587 = arith.select %eq3A_579, %get3A_584, %broadcast_in_dim3A_586 : vector<16xi1>, vector<16xf32>
        %swap3A_588 = arith.constant 22 : i32
        %swap3A_589 = arith.index_cast %swap3A_588 : i32 to index
        %swap3A_590 = arith.constant 0 : index
        %swap3A_591 = tpu.vector_load %arg21[%swap3A_589, %swap3A_590] {strides = array<i32>} : memref<40x128xf32, #tpu.memory_space<vmem>>, vector<1x16xf32>,
        %swap3A_592 = vector.shape_cast %swap3A_591 : vector<1x16xf32> to vector<16xf32>
        %swap3A_593 = vector.shape_cast %select_n3A_587 : vector<16xf32> to vector<1x16xf32>
        tpu.vector_store %arg21[%swap3A_589, %swap3A_590], %swap3A_593 {strides = array<i32>} : memref<40x128xf32, #tpu.memory_space<vmem>>, vector<1x16xf32>,
        %slice3A_594 = vector.extract_strided_slice %and3A_467 {offsets = [7], sizes = [1], strides = [1]} : vector<16xi32> to vector<1xi32>
        %squeeze3A_595 = vector.extract %slice3A_594[0] : i32 from vector<1xi32>
        %eq3A_596 = vector.broadcast %squeeze3A_595 : i32 to vector<16xi32>
        %eq3A_597 = arith.cmpi eq, %iota3A, %eq3A_596 : vector<16xi32>
        %get3A_598 = arith.constant 23 : i32
        %get3A_599 = arith.index_cast %get3A_598 : i32 to index
        %get3A_600 = arith.constant 0 : index
        %get3A_601 = tpu.vector_load %arg20[%get3A_599, %get3A_600] {strides = array<i32>} : memref<40x16xf32, #tpu.memory_space<vmem>>, vector<1x16xf32>,
        %get3A_602 = vector.shape_cast %get3A_601 : vector<1x16xf32> to vector<16xf32>
        %jit3A_603 = arith.constant 0.000000e+00 : f32
        %broadcast_in_dim3A_604 = vector.broadcast %jit3A_603 : f32 to vector<16xf32>
        %select_n3A_605 = arith.select %eq3A_597, %get3A_602, %broadcast_in_dim3A_604 : vector<16xi1>, vector<16xf32>
        %swap3A_606 = arith.constant 23 : i32
        %swap3A_607 = arith.index_cast %swap3A_606 : i32 to index
        %swap3A_608 = arith.constant 0 : index
        %swap3A_609 = tpu.vector_load %arg21[%swap3A_607, %swap3A_608] {strides = array<i32>} : memref<40x128xf32, #tpu.memory_space<vmem>>, vector<1x16xf32>,
        %swap3A_610 = vector.shape_cast %swap3A_609 : vector<1x16xf32> to vector<16xf32>
        %swap3A_611 = vector.shape_cast %select_n3A_605 : vector<16xf32> to vector<1x16xf32>
        tpu.vector_store %arg21[%swap3A_607, %swap3A_608], %swap3A_611 {strides = array<i32>} : memref<40x128xf32, #tpu.memory_space<vmem>>, vector<1x16xf32>,
        %slice3A_612 = vector.extract_strided_slice %and3A_467 {offsets = [8], sizes = [1], strides = [1]} : vector<16xi32> to vector<1xi32>
        %squeeze3A_613 = vector.extract %slice3A_612[0] : i32 from vector<1xi32>
        %eq3A_614 = vector.broadcast %squeeze3A_613 : i32 to vector<16xi32>
        %eq3A_615 = arith.cmpi eq, %iota3A, %eq3A_614 : vector<16xi32>
        %get3A_616 = arith.constant 24 : i32
        %get3A_617 = arith.index_cast %get3A_616 : i32 to index
        %get3A_618 = arith.constant 0 : index
        %get3A_619 = tpu.vector_load %arg20[%get3A_617, %get3A_618] {strides = array<i32>} : memref<40x16xf32, #tpu.memory_space<vmem>>, vector<1x16xf32>,
        %get3A_620 = vector.shape_cast %get3A_619 : vector<1x16xf32> to vector<16xf32>
        %jit3A_621 = arith.constant 0.000000e+00 : f32
        %broadcast_in_dim3A_622 = vector.broadcast %jit3A_621 : f32 to vector<16xf32>
        %select_n3A_623 = arith.select %eq3A_615, %get3A_620, %broadcast_in_dim3A_622 : vector<16xi1>, vector<16xf32>
        %swap3A_624 = arith.constant 24 : i32
        %swap3A_625 = arith.index_cast %swap3A_624 : i32 to index
        %swap3A_626 = arith.constant 0 : index
        %swap3A_627 = tpu.vector_load %arg21[%swap3A_625, %swap3A_626] {strides = array<i32>} : memref<40x128xf32, #tpu.memory_space<vmem>>, vector<1x16xf32>,
        %swap3A_628 = vector.shape_cast %swap3A_627 : vector<1x16xf32> to vector<16xf32>
        %swap3A_629 = vector.shape_cast %select_n3A_623 : vector<16xf32> to vector<1x16xf32>
        tpu.vector_store %arg21[%swap3A_625, %swap3A_626], %swap3A_629 {strides = array<i32>} : memref<40x128xf32, #tpu.memory_space<vmem>>, vector<1x16xf32>,
        %slice3A_630 = vector.extract_strided_slice %and3A_467 {offsets = [9], sizes = [1], strides = [1]} : vector<16xi32> to vector<1xi32>
        %squeeze3A_631 = vector.extract %slice3A_630[0] : i32 from vector<1xi32>
        %eq3A_632 = vector.broadcast %squeeze3A_631 : i32 to vector<16xi32>
        %eq3A_633 = arith.cmpi eq, %iota3A, %eq3A_632 : vector<16xi32>
        %get3A_634 = arith.constant 25 : i32
        %get3A_635 = arith.index_cast %get3A_634 : i32 to index
        %get3A_636 = arith.constant 0 : index
        %get3A_637 = tpu.vector_load %arg20[%get3A_635, %get3A_636] {strides = array<i32>} : memref<40x16xf32, #tpu.memory_space<vmem>>, vector<1x16xf32>,
        %get3A_638 = vector.shape_cast %get3A_637 : vector<1x16xf32> to vector<16xf32>
        %jit3A_639 = arith.constant 0.000000e+00 : f32
        %broadcast_in_dim3A_640 = vector.broadcast %jit3A_639 : f32 to vector<16xf32>
        %select_n3A_641 = arith.select %eq3A_633, %get3A_638, %broadcast_in_dim3A_640 : vector<16xi1>, vector<16xf32>
        %swap3A_642 = arith.constant 25 : i32
        %swap3A_643 = arith.index_cast %swap3A_642 : i32 to index
        %swap3A_644 = arith.constant 0 : index
        %swap3A_645 = tpu.vector_load %arg21[%swap3A_643, %swap3A_644] {strides = array<i32>} : memref<40x128xf32, #tpu.memory_space<vmem>>, vector<1x16xf32>,
        %swap3A_646 = vector.shape_cast %swap3A_645 : vector<1x16xf32> to vector<16xf32>
        %swap3A_647 = vector.shape_cast %select_n3A_641 : vector<16xf32> to vector<1x16xf32>
        tpu.vector_store %arg21[%swap3A_643, %swap3A_644], %swap3A_647 {strides = array<i32>} : memref<40x128xf32, #tpu.memory_space<vmem>>, vector<1x16xf32>,
        %slice3A_648 = vector.extract_strided_slice %and3A_467 {offsets = [10], sizes = [1], strides = [1]} : vector<16xi32> to vector<1xi32>
        %squeeze3A_649 = vector.extract %slice3A_648[0] : i32 from vector<1xi32>
        %eq3A_650 = vector.broadcast %squeeze3A_649 : i32 to vector<16xi32>
        %eq3A_651 = arith.cmpi eq, %iota3A, %eq3A_650 : vector<16xi32>
        %get3A_652 = arith.constant 26 : i32
        %get3A_653 = arith.index_cast %get3A_652 : i32 to index
        %get3A_654 = arith.constant 0 : index
        %get3A_655 = tpu.vector_load %arg20[%get3A_653, %get3A_654] {strides = array<i32>} : memref<40x16xf32, #tpu.memory_space<vmem>>, vector<1x16xf32>,
        %get3A_656 = vector.shape_cast %get3A_655 : vector<1x16xf32> to vector<16xf32>
        %jit3A_657 = arith.constant 0.000000e+00 : f32
        %broadcast_in_dim3A_658 = vector.broadcast %jit3A_657 : f32 to vector<16xf32>
        %select_n3A_659 = arith.select %eq3A_651, %get3A_656, %broadcast_in_dim3A_658 : vector<16xi1>, vector<16xf32>
        %swap3A_660 = arith.constant 26 : i32
        %swap3A_661 = arith.index_cast %swap3A_660 : i32 to index
        %swap3A_662 = arith.constant 0 : index
        %swap3A_663 = tpu.vector_load %arg21[%swap3A_661, %swap3A_662] {strides = array<i32>} : memref<40x128xf32, #tpu.memory_space<vmem>>, vector<1x16xf32>,
        %swap3A_664 = vector.shape_cast %swap3A_663 : vector<1x16xf32> to vector<16xf32>
        %swap3A_665 = vector.shape_cast %select_n3A_659 : vector<16xf32> to vector<1x16xf32>
        tpu.vector_store %arg21[%swap3A_661, %swap3A_662], %swap3A_665 {strides = array<i32>} : memref<40x128xf32, #tpu.memory_space<vmem>>, vector<1x16xf32>,
        %slice3A_666 = vector.extract_strided_slice %and3A_467 {offsets = [11], sizes = [1], strides = [1]} : vector<16xi32> to vector<1xi32>
        %squeeze3A_667 = vector.extract %slice3A_666[0] : i32 from vector<1xi32>
        %eq3A_668 = vector.broadcast %squeeze3A_667 : i32 to vector<16xi32>
        %eq3A_669 = arith.cmpi eq, %iota3A, %eq3A_668 : vector<16xi32>
        %get3A_670 = arith.constant 27 : i32
        %get3A_671 = arith.index_cast %get3A_670 : i32 to index
        %get3A_672 = arith.constant 0 : index
        %get3A_673 = tpu.vector_load %arg20[%get3A_671, %get3A_672] {strides = array<i32>} : memref<40x16xf32, #tpu.memory_space<vmem>>, vector<1x16xf32>,
        %get3A_674 = vector.shape_cast %get3A_673 : vector<1x16xf32> to vector<16xf32>
        %jit3A_675 = arith.constant 0.000000e+00 : f32
        %broadcast_in_dim3A_676 = vector.broadcast %jit3A_675 : f32 to vector<16xf32>
        %select_n3A_677 = arith.select %eq3A_669, %get3A_674, %broadcast_in_dim3A_676 : vector<16xi1>, vector<16xf32>
        %swap3A_678 = arith.constant 27 : i32
        %swap3A_679 = arith.index_cast %swap3A_678 : i32 to index
        %swap3A_680 = arith.constant 0 : index
        %swap3A_681 = tpu.vector_load %arg21[%swap3A_679, %swap3A_680] {strides = array<i32>} : memref<40x128xf32, #tpu.memory_space<vmem>>, vector<1x16xf32>,
        %swap3A_682 = vector.shape_cast %swap3A_681 : vector<1x16xf32> to vector<16xf32>
        %swap3A_683 = vector.shape_cast %select_n3A_677 : vector<16xf32> to vector<1x16xf32>
        tpu.vector_store %arg21[%swap3A_679, %swap3A_680], %swap3A_683 {strides = array<i32>} : memref<40x128xf32, #tpu.memory_space<vmem>>, vector<1x16xf32>,
        %slice3A_684 = vector.extract_strided_slice %and3A_467 {offsets = [12], sizes = [1], strides = [1]} : vector<16xi32> to vector<1xi32>
        %squeeze3A_685 = vector.extract %slice3A_684[0] : i32 from vector<1xi32>
        %eq3A_686 = vector.broadcast %squeeze3A_685 : i32 to vector<16xi32>
        %eq3A_687 = arith.cmpi eq, %iota3A, %eq3A_686 : vector<16xi32>
        %get3A_688 = arith.constant 28 : i32
        %get3A_689 = arith.index_cast %get3A_688 : i32 to index
        %get3A_690 = arith.constant 0 : index
        %get3A_691 = tpu.vector_load %arg20[%get3A_689, %get3A_690] {strides = array<i32>} : memref<40x16xf32, #tpu.memory_space<vmem>>, vector<1x16xf32>,
        %get3A_692 = vector.shape_cast %get3A_691 : vector<1x16xf32> to vector<16xf32>
        %jit3A_693 = arith.constant 0.000000e+00 : f32
        %broadcast_in_dim3A_694 = vector.broadcast %jit3A_693 : f32 to vector<16xf32>
        %select_n3A_695 = arith.select %eq3A_687, %get3A_692, %broadcast_in_dim3A_694 : vector<16xi1>, vector<16xf32>
        %swap3A_696 = arith.constant 28 : i32
        %swap3A_697 = arith.index_cast %swap3A_696 : i32 to index
        %swap3A_698 = arith.constant 0 : index
        %swap3A_699 = tpu.vector_load %arg21[%swap3A_697, %swap3A_698] {strides = array<i32>} : memref<40x128xf32, #tpu.memory_space<vmem>>, vector<1x16xf32>,
        %swap3A_700 = vector.shape_cast %swap3A_699 : vector<1x16xf32> to vector<16xf32>
        %swap3A_701 = vector.shape_cast %select_n3A_695 : vector<16xf32> to vector<1x16xf32>
        tpu.vector_store %arg21[%swap3A_697, %swap3A_698], %swap3A_701 {strides = array<i32>} : memref<40x128xf32, #tpu.memory_space<vmem>>, vector<1x16xf32>,
        %slice3A_702 = vector.extract_strided_slice %and3A_467 {offsets = [13], sizes = [1], strides = [1]} : vector<16xi32> to vector<1xi32>
        %squeeze3A_703 = vector.extract %slice3A_702[0] : i32 from vector<1xi32>
        %eq3A_704 = vector.broadcast %squeeze3A_703 : i32 to vector<16xi32>
        %eq3A_705 = arith.cmpi eq, %iota3A, %eq3A_704 : vector<16xi32>
        %get3A_706 = arith.constant 29 : i32
        %get3A_707 = arith.index_cast %get3A_706 : i32 to index
        %get3A_708 = arith.constant 0 : index
        %get3A_709 = tpu.vector_load %arg20[%get3A_707, %get3A_708] {strides = array<i32>} : memref<40x16xf32, #tpu.memory_space<vmem>>, vector<1x16xf32>,
        %get3A_710 = vector.shape_cast %get3A_709 : vector<1x16xf32> to vector<16xf32>
        %jit3A_711 = arith.constant 0.000000e+00 : f32
        %broadcast_in_dim3A_712 = vector.broadcast %jit3A_711 : f32 to vector<16xf32>
        %select_n3A_713 = arith.select %eq3A_705, %get3A_710, %broadcast_in_dim3A_712 : vector<16xi1>, vector<16xf32>
        %swap3A_714 = arith.constant 29 : i32
        %swap3A_715 = arith.index_cast %swap3A_714 : i32 to index
        %swap3A_716 = arith.constant 0 : index
        %swap3A_717 = tpu.vector_load %arg21[%swap3A_715, %swap3A_716] {strides = array<i32>} : memref<40x128xf32, #tpu.memory_space<vmem>>, vector<1x16xf32>,
        %swap3A_718 = vector.shape_cast %swap3A_717 : vector<1x16xf32> to vector<16xf32>
        %swap3A_719 = vector.shape_cast %select_n3A_713 : vector<16xf32> to vector<1x16xf32>
        tpu.vector_store %arg21[%swap3A_715, %swap3A_716], %swap3A_719 {strides = array<i32>} : memref<40x128xf32, #tpu.memory_space<vmem>>, vector<1x16xf32>,
        %slice3A_720 = vector.extract_strided_slice %and3A_467 {offsets = [14], sizes = [1], strides = [1]} : vector<16xi32> to vector<1xi32>
        %squeeze3A_721 = vector.extract %slice3A_720[0] : i32 from vector<1xi32>
        %eq3A_722 = vector.broadcast %squeeze3A_721 : i32 to vector<16xi32>
        %eq3A_723 = arith.cmpi eq, %iota3A, %eq3A_722 : vector<16xi32>
        %get3A_724 = arith.constant 30 : i32
        %get3A_725 = arith.index_cast %get3A_724 : i32 to index
        %get3A_726 = arith.constant 0 : index
        %get3A_727 = tpu.vector_load %arg20[%get3A_725, %get3A_726] {strides = array<i32>} : memref<40x16xf32, #tpu.memory_space<vmem>>, vector<1x16xf32>,
        %get3A_728 = vector.shape_cast %get3A_727 : vector<1x16xf32> to vector<16xf32>
        %jit3A_729 = arith.constant 0.000000e+00 : f32
        %broadcast_in_dim3A_730 = vector.broadcast %jit3A_729 : f32 to vector<16xf32>
        %select_n3A_731 = arith.select %eq3A_723, %get3A_728, %broadcast_in_dim3A_730 : vector<16xi1>, vector<16xf32>
        %swap3A_732 = arith.constant 30 : i32
        %swap3A_733 = arith.index_cast %swap3A_732 : i32 to index
        %swap3A_734 = arith.constant 0 : index
        %swap3A_735 = tpu.vector_load %arg21[%swap3A_733, %swap3A_734] {strides = array<i32>} : memref<40x128xf32, #tpu.memory_space<vmem>>, vector<1x16xf32>,
        %swap3A_736 = vector.shape_cast %swap3A_735 : vector<1x16xf32> to vector<16xf32>
        %swap3A_737 = vector.shape_cast %select_n3A_731 : vector<16xf32> to vector<1x16xf32>
        tpu.vector_store %arg21[%swap3A_733, %swap3A_734], %swap3A_737 {strides = array<i32>} : memref<40x128xf32, #tpu.memory_space<vmem>>, vector<1x16xf32>,
        %slice3A_738 = vector.extract_strided_slice %and3A_467 {offsets = [15], sizes = [1], strides = [1]} : vector<16xi32> to vector<1xi32>
        %squeeze3A_739 = vector.extract %slice3A_738[0] : i32 from vector<1xi32>
        %eq3A_740 = vector.broadcast %squeeze3A_739 : i32 to vector<16xi32>
        %eq3A_741 = arith.cmpi eq, %iota3A, %eq3A_740 : vector<16xi32>
        %get3A_742 = arith.constant 31 : i32
        %get3A_743 = arith.index_cast %get3A_742 : i32 to index
        %get3A_744 = arith.constant 0 : index
        %get3A_745 = tpu.vector_load %arg20[%get3A_743, %get3A_744] {strides = array<i32>} : memref<40x16xf32, #tpu.memory_space<vmem>>, vector<1x16xf32>,
        %get3A_746 = vector.shape_cast %get3A_745 : vector<1x16xf32> to vector<16xf32>
        %jit3A_747 = arith.constant 0.000000e+00 : f32
        %broadcast_in_dim3A_748 = vector.broadcast %jit3A_747 : f32 to vector<16xf32>
        %select_n3A_749 = arith.select %eq3A_741, %get3A_746, %broadcast_in_dim3A_748 : vector<16xi1>, vector<16xf32>
        %swap3A_750 = arith.constant 31 : i32
        %swap3A_751 = arith.index_cast %swap3A_750 : i32 to index
        %swap3A_752 = arith.constant 0 : index
        %swap3A_753 = tpu.vector_load %arg21[%swap3A_751, %swap3A_752] {strides = array<i32>} : memref<40x128xf32, #tpu.memory_space<vmem>>, vector<1x16xf32>,
        %swap3A_754 = vector.shape_cast %swap3A_753 : vector<1x16xf32> to vector<16xf32>
        %swap3A_755 = vector.shape_cast %select_n3A_749 : vector<16xf32> to vector<1x16xf32>
        tpu.vector_store %arg21[%swap3A_751, %swap3A_752], %swap3A_755 {strides = array<i32>} : memref<40x128xf32, #tpu.memory_space<vmem>>, vector<1x16xf32>,
        %get3A_756 = arith.constant 24 : index
        %get3A_757 = tpu.vector_load %arg15[%get3A_756] {strides = array<i32>} : memref<40xi32, #tpu.memory_space<vmem>>, vector<16xi32>,
        %get3A_758 = vector.shape_cast %get3A_757 : vector<16xi32> to vector<16xi32>
        %and3A_759 = arith.constant 7 : i32
        %and3A_760 = vector.broadcast %and3A_759 : i32 to vector<16xi32>
        %and3A_761 = arith.andi %get3A_758, %and3A_760 : vector<16xi32>
        %slice3A_762 = vector.extract_strided_slice %and3A_761 {offsets = [0], sizes = [1], strides = [1]} : vector<16xi32> to vector<1xi32>
        %squeeze3A_763 = vector.extract %slice3A_762[0] : i32 from vector<1xi32>
        %eq3A_764 = vector.broadcast %squeeze3A_763 : i32 to vector<16xi32>
        %eq3A_765 = arith.cmpi eq, %iota3A, %eq3A_764 : vector<16xi32>
        %get3A_766 = arith.constant 24 : i32
        %get3A_767 = arith.index_cast %get3A_766 : i32 to index
        %get3A_768 = arith.constant 0 : index
        %get3A_769 = tpu.vector_load %arg20[%get3A_767, %get3A_768] {strides = array<i32>} : memref<40x16xf32, #tpu.memory_space<vmem>>, vector<1x16xf32>,
        %get3A_770 = vector.shape_cast %get3A_769 : vector<1x16xf32> to vector<16xf32>
        %jit3A_771 = arith.constant 0.000000e+00 : f32
        %broadcast_in_dim3A_772 = vector.broadcast %jit3A_771 : f32 to vector<16xf32>
        %select_n3A_773 = arith.select %eq3A_765, %get3A_770, %broadcast_in_dim3A_772 : vector<16xi1>, vector<16xf32>
        %swap3A_774 = arith.constant 24 : i32
        %swap3A_775 = arith.index_cast %swap3A_774 : i32 to index
        %swap3A_776 = arith.constant 0 : index
        %swap3A_777 = tpu.vector_load %arg21[%swap3A_775, %swap3A_776] {strides = array<i32>} : memref<40x128xf32, #tpu.memory_space<vmem>>, vector<1x16xf32>,
        %swap3A_778 = vector.shape_cast %swap3A_777 : vector<1x16xf32> to vector<16xf32>
        %swap3A_779 = vector.shape_cast %select_n3A_773 : vector<16xf32> to vector<1x16xf32>
        tpu.vector_store %arg21[%swap3A_775, %swap3A_776], %swap3A_779 {strides = array<i32>} : memref<40x128xf32, #tpu.memory_space<vmem>>, vector<1x16xf32>,
        %slice3A_780 = vector.extract_strided_slice %and3A_761 {offsets = [1], sizes = [1], strides = [1]} : vector<16xi32> to vector<1xi32>
        %squeeze3A_781 = vector.extract %slice3A_780[0] : i32 from vector<1xi32>
        %eq3A_782 = vector.broadcast %squeeze3A_781 : i32 to vector<16xi32>
        %eq3A_783 = arith.cmpi eq, %iota3A, %eq3A_782 : vector<16xi32>
        %get3A_784 = arith.constant 25 : i32
        %get3A_785 = arith.index_cast %get3A_784 : i32 to index
        %get3A_786 = arith.constant 0 : index
        %get3A_787 = tpu.vector_load %arg20[%get3A_785, %get3A_786] {strides = array<i32>} : memref<40x16xf32, #tpu.memory_space<vmem>>, vector<1x16xf32>,
        %get3A_788 = vector.shape_cast %get3A_787 : vector<1x16xf32> to vector<16xf32>
        %jit3A_789 = arith.constant 0.000000e+00 : f32
        %broadcast_in_dim3A_790 = vector.broadcast %jit3A_789 : f32 to vector<16xf32>
        %select_n3A_791 = arith.select %eq3A_783, %get3A_788, %broadcast_in_dim3A_790 : vector<16xi1>, vector<16xf32>
        %swap3A_792 = arith.constant 25 : i32
        %swap3A_793 = arith.index_cast %swap3A_792 : i32 to index
        %swap3A_794 = arith.constant 0 : index
        %swap3A_795 = tpu.vector_load %arg21[%swap3A_793, %swap3A_794] {strides = array<i32>} : memref<40x128xf32, #tpu.memory_space<vmem>>, vector<1x16xf32>,
        %swap3A_796 = vector.shape_cast %swap3A_795 : vector<1x16xf32> to vector<16xf32>
        %swap3A_797 = vector.shape_cast %select_n3A_791 : vector<16xf32> to vector<1x16xf32>
        tpu.vector_store %arg21[%swap3A_793, %swap3A_794], %swap3A_797 {strides = array<i32>} : memref<40x128xf32, #tpu.memory_space<vmem>>, vector<1x16xf32>,
        %slice3A_798 = vector.extract_strided_slice %and3A_761 {offsets = [2], sizes = [1], strides = [1]} : vector<16xi32> to vector<1xi32>
        %squeeze3A_799 = vector.extract %slice3A_798[0] : i32 from vector<1xi32>
        %eq3A_800 = vector.broadcast %squeeze3A_799 : i32 to vector<16xi32>
        %eq3A_801 = arith.cmpi eq, %iota3A, %eq3A_800 : vector<16xi32>
        %get3A_802 = arith.constant 26 : i32
        %get3A_803 = arith.index_cast %get3A_802 : i32 to index
        %get3A_804 = arith.constant 0 : index
        %get3A_805 = tpu.vector_load %arg20[%get3A_803, %get3A_804] {strides = array<i32>} : memref<40x16xf32, #tpu.memory_space<vmem>>, vector<1x16xf32>,
        %get3A_806 = vector.shape_cast %get3A_805 : vector<1x16xf32> to vector<16xf32>
        %jit3A_807 = arith.constant 0.000000e+00 : f32
        %broadcast_in_dim3A_808 = vector.broadcast %jit3A_807 : f32 to vector<16xf32>
        %select_n3A_809 = arith.select %eq3A_801, %get3A_806, %broadcast_in_dim3A_808 : vector<16xi1>, vector<16xf32>
        %swap3A_810 = arith.constant 26 : i32
        %swap3A_811 = arith.index_cast %swap3A_810 : i32 to index
        %swap3A_812 = arith.constant 0 : index
        %swap3A_813 = tpu.vector_load %arg21[%swap3A_811, %swap3A_812] {strides = array<i32>} : memref<40x128xf32, #tpu.memory_space<vmem>>, vector<1x16xf32>,
        %swap3A_814 = vector.shape_cast %swap3A_813 : vector<1x16xf32> to vector<16xf32>
        %swap3A_815 = vector.shape_cast %select_n3A_809 : vector<16xf32> to vector<1x16xf32>
        tpu.vector_store %arg21[%swap3A_811, %swap3A_812], %swap3A_815 {strides = array<i32>} : memref<40x128xf32, #tpu.memory_space<vmem>>, vector<1x16xf32>,
        %slice3A_816 = vector.extract_strided_slice %and3A_761 {offsets = [3], sizes = [1], strides = [1]} : vector<16xi32> to vector<1xi32>
        %squeeze3A_817 = vector.extract %slice3A_816[0] : i32 from vector<1xi32>
        %eq3A_818 = vector.broadcast %squeeze3A_817 : i32 to vector<16xi32>
        %eq3A_819 = arith.cmpi eq, %iota3A, %eq3A_818 : vector<16xi32>
        %get3A_820 = arith.constant 27 : i32
        %get3A_821 = arith.index_cast %get3A_820 : i32 to index
        %get3A_822 = arith.constant 0 : index
        %get3A_823 = tpu.vector_load %arg20[%get3A_821, %get3A_822] {strides = array<i32>} : memref<40x16xf32, #tpu.memory_space<vmem>>, vector<1x16xf32>,
        %get3A_824 = vector.shape_cast %get3A_823 : vector<1x16xf32> to vector<16xf32>
        %jit3A_825 = arith.constant 0.000000e+00 : f32
        %broadcast_in_dim3A_826 = vector.broadcast %jit3A_825 : f32 to vector<16xf32>
        %select_n3A_827 = arith.select %eq3A_819, %get3A_824, %broadcast_in_dim3A_826 : vector<16xi1>, vector<16xf32>
        %swap3A_828 = arith.constant 27 : i32
        %swap3A_829 = arith.index_cast %swap3A_828 : i32 to index
        %swap3A_830 = arith.constant 0 : index
        %swap3A_831 = tpu.vector_load %arg21[%swap3A_829, %swap3A_830] {strides = array<i32>} : memref<40x128xf32, #tpu.memory_space<vmem>>, vector<1x16xf32>,
        %swap3A_832 = vector.shape_cast %swap3A_831 : vector<1x16xf32> to vector<16xf32>
        %swap3A_833 = vector.shape_cast %select_n3A_827 : vector<16xf32> to vector<1x16xf32>
        tpu.vector_store %arg21[%swap3A_829, %swap3A_830], %swap3A_833 {strides = array<i32>} : memref<40x128xf32, #tpu.memory_space<vmem>>, vector<1x16xf32>,
        %slice3A_834 = vector.extract_strided_slice %and3A_761 {offsets = [4], sizes = [1], strides = [1]} : vector<16xi32> to vector<1xi32>
        %squeeze3A_835 = vector.extract %slice3A_834[0] : i32 from vector<1xi32>
        %eq3A_836 = vector.broadcast %squeeze3A_835 : i32 to vector<16xi32>
        %eq3A_837 = arith.cmpi eq, %iota3A, %eq3A_836 : vector<16xi32>
        %get3A_838 = arith.constant 28 : i32
        %get3A_839 = arith.index_cast %get3A_838 : i32 to index
        %get3A_840 = arith.constant 0 : index
        %get3A_841 = tpu.vector_load %arg20[%get3A_839, %get3A_840] {strides = array<i32>} : memref<40x16xf32, #tpu.memory_space<vmem>>, vector<1x16xf32>,
        %get3A_842 = vector.shape_cast %get3A_841 : vector<1x16xf32> to vector<16xf32>
        %jit3A_843 = arith.constant 0.000000e+00 : f32
        %broadcast_in_dim3A_844 = vector.broadcast %jit3A_843 : f32 to vector<16xf32>
        %select_n3A_845 = arith.select %eq3A_837, %get3A_842, %broadcast_in_dim3A_844 : vector<16xi1>, vector<16xf32>
        %swap3A_846 = arith.constant 28 : i32
        %swap3A_847 = arith.index_cast %swap3A_846 : i32 to index
        %swap3A_848 = arith.constant 0 : index
        %swap3A_849 = tpu.vector_load %arg21[%swap3A_847, %swap3A_848] {strides = array<i32>} : memref<40x128xf32, #tpu.memory_space<vmem>>, vector<1x16xf32>,
        %swap3A_850 = vector.shape_cast %swap3A_849 : vector<1x16xf32> to vector<16xf32>
        %swap3A_851 = vector.shape_cast %select_n3A_845 : vector<16xf32> to vector<1x16xf32>
        tpu.vector_store %arg21[%swap3A_847, %swap3A_848], %swap3A_851 {strides = array<i32>} : memref<40x128xf32, #tpu.memory_space<vmem>>, vector<1x16xf32>,
        %slice3A_852 = vector.extract_strided_slice %and3A_761 {offsets = [5], sizes = [1], strides = [1]} : vector<16xi32> to vector<1xi32>
        %squeeze3A_853 = vector.extract %slice3A_852[0] : i32 from vector<1xi32>
        %eq3A_854 = vector.broadcast %squeeze3A_853 : i32 to vector<16xi32>
        %eq3A_855 = arith.cmpi eq, %iota3A, %eq3A_854 : vector<16xi32>
        %get3A_856 = arith.constant 29 : i32
        %get3A_857 = arith.index_cast %get3A_856 : i32 to index
        %get3A_858 = arith.constant 0 : index
        %get3A_859 = tpu.vector_load %arg20[%get3A_857, %get3A_858] {strides = array<i32>} : memref<40x16xf32, #tpu.memory_space<vmem>>, vector<1x16xf32>,
        %get3A_860 = vector.shape_cast %get3A_859 : vector<1x16xf32> to vector<16xf32>
        %jit3A_861 = arith.constant 0.000000e+00 : f32
        %broadcast_in_dim3A_862 = vector.broadcast %jit3A_861 : f32 to vector<16xf32>
        %select_n3A_863 = arith.select %eq3A_855, %get3A_860, %broadcast_in_dim3A_862 : vector<16xi1>, vector<16xf32>
        %swap3A_864 = arith.constant 29 : i32
        %swap3A_865 = arith.index_cast %swap3A_864 : i32 to index
        %swap3A_866 = arith.constant 0 : index
        %swap3A_867 = tpu.vector_load %arg21[%swap3A_865, %swap3A_866] {strides = array<i32>} : memref<40x128xf32, #tpu.memory_space<vmem>>, vector<1x16xf32>,
        %swap3A_868 = vector.shape_cast %swap3A_867 : vector<1x16xf32> to vector<16xf32>
        %swap3A_869 = vector.shape_cast %select_n3A_863 : vector<16xf32> to vector<1x16xf32>
        tpu.vector_store %arg21[%swap3A_865, %swap3A_866], %swap3A_869 {strides = array<i32>} : memref<40x128xf32, #tpu.memory_space<vmem>>, vector<1x16xf32>,
        %slice3A_870 = vector.extract_strided_slice %and3A_761 {offsets = [6], sizes = [1], strides = [1]} : vector<16xi32> to vector<1xi32>
        %squeeze3A_871 = vector.extract %slice3A_870[0] : i32 from vector<1xi32>
        %eq3A_872 = vector.broadcast %squeeze3A_871 : i32 to vector<16xi32>
        %eq3A_873 = arith.cmpi eq, %iota3A, %eq3A_872 : vector<16xi32>
        %get3A_874 = arith.constant 30 : i32
        %get3A_875 = arith.index_cast %get3A_874 : i32 to index
        %get3A_876 = arith.constant 0 : index
        %get3A_877 = tpu.vector_load %arg20[%get3A_875, %get3A_876] {strides = array<i32>} : memref<40x16xf32, #tpu.memory_space<vmem>>, vector<1x16xf32>,
        %get3A_878 = vector.shape_cast %get3A_877 : vector<1x16xf32> to vector<16xf32>
        %jit3A_879 = arith.constant 0.000000e+00 : f32
        %broadcast_in_dim3A_880 = vector.broadcast %jit3A_879 : f32 to vector<16xf32>
        %select_n3A_881 = arith.select %eq3A_873, %get3A_878, %broadcast_in_dim3A_880 : vector<16xi1>, vector<16xf32>
        %swap3A_882 = arith.constant 30 : i32
        %swap3A_883 = arith.index_cast %swap3A_882 : i32 to index
        %swap3A_884 = arith.constant 0 : index
        %swap3A_885 = tpu.vector_load %arg21[%swap3A_883, %swap3A_884] {strides = array<i32>} : memref<40x128xf32, #tpu.memory_space<vmem>>, vector<1x16xf32>,
        %swap3A_886 = vector.shape_cast %swap3A_885 : vector<1x16xf32> to vector<16xf32>
        %swap3A_887 = vector.shape_cast %select_n3A_881 : vector<16xf32> to vector<1x16xf32>
        tpu.vector_store %arg21[%swap3A_883, %swap3A_884], %swap3A_887 {strides = array<i32>} : memref<40x128xf32, #tpu.memory_space<vmem>>, vector<1x16xf32>,
        %slice3A_888 = vector.extract_strided_slice %and3A_761 {offsets = [7], sizes = [1], strides = [1]} : vector<16xi32> to vector<1xi32>
        %squeeze3A_889 = vector.extract %slice3A_888[0] : i32 from vector<1xi32>
        %eq3A_890 = vector.broadcast %squeeze3A_889 : i32 to vector<16xi32>
        %eq3A_891 = arith.cmpi eq, %iota3A, %eq3A_890 : vector<16xi32>
        %get3A_892 = arith.constant 31 : i32
        %get3A_893 = arith.index_cast %get3A_892 : i32 to index
        %get3A_894 = arith.constant 0 : index
        %get3A_895 = tpu.vector_load %arg20[%get3A_893, %get3A_894] {strides = array<i32>} : memref<40x16xf32, #tpu.memory_space<vmem>>, vector<1x16xf32>,
        %get3A_896 = vector.shape_cast %get3A_895 : vector<1x16xf32> to vector<16xf32>
        %jit3A_897 = arith.constant 0.000000e+00 : f32
        %broadcast_in_dim3A_898 = vector.broadcast %jit3A_897 : f32 to vector<16xf32>
        %select_n3A_899 = arith.select %eq3A_891, %get3A_896, %broadcast_in_dim3A_898 : vector<16xi1>, vector<16xf32>
        %swap3A_900 = arith.constant 31 : i32
        %swap3A_901 = arith.index_cast %swap3A_900 : i32 to index
        %swap3A_902 = arith.constant 0 : index
        %swap3A_903 = tpu.vector_load %arg21[%swap3A_901, %swap3A_902] {strides = array<i32>} : memref<40x128xf32, #tpu.memory_space<vmem>>, vector<1x16xf32>,
        %swap3A_904 = vector.shape_cast %swap3A_903 : vector<1x16xf32> to vector<16xf32>
        %swap3A_905 = vector.shape_cast %select_n3A_899 : vector<16xf32> to vector<1x16xf32>
        tpu.vector_store %arg21[%swap3A_901, %swap3A_902], %swap3A_905 {strides = array<i32>} : memref<40x128xf32, #tpu.memory_space<vmem>>, vector<1x16xf32>,
        %slice3A_906 = vector.extract_strided_slice %and3A_761 {offsets = [8], sizes = [1], strides = [1]} : vector<16xi32> to vector<1xi32>
        %squeeze3A_907 = vector.extract %slice3A_906[0] : i32 from vector<1xi32>
        %eq3A_908 = vector.broadcast %squeeze3A_907 : i32 to vector<16xi32>
        %eq3A_909 = arith.cmpi eq, %iota3A, %eq3A_908 : vector<16xi32>
        %get3A_910 = arith.constant 32 : i32
        %get3A_911 = arith.index_cast %get3A_910 : i32 to index
        %get3A_912 = arith.constant 0 : index
        %get3A_913 = tpu.vector_load %arg20[%get3A_911, %get3A_912] {strides = array<i32>} : memref<40x16xf32, #tpu.memory_space<vmem>>, vector<1x16xf32>,
        %get3A_914 = vector.shape_cast %get3A_913 : vector<1x16xf32> to vector<16xf32>
        %jit3A_915 = arith.constant 0.000000e+00 : f32
        %broadcast_in_dim3A_916 = vector.broadcast %jit3A_915 : f32 to vector<16xf32>
        %select_n3A_917 = arith.select %eq3A_909, %get3A_914, %broadcast_in_dim3A_916 : vector<16xi1>, vector<16xf32>
        %swap3A_918 = arith.constant 32 : i32
        %swap3A_919 = arith.index_cast %swap3A_918 : i32 to index
        %swap3A_920 = arith.constant 0 : index
        %swap3A_921 = tpu.vector_load %arg21[%swap3A_919, %swap3A_920] {strides = array<i32>} : memref<40x128xf32, #tpu.memory_space<vmem>>, vector<1x16xf32>,
        %swap3A_922 = vector.shape_cast %swap3A_921 : vector<1x16xf32> to vector<16xf32>
        %swap3A_923 = vector.shape_cast %select_n3A_917 : vector<16xf32> to vector<1x16xf32>
        tpu.vector_store %arg21[%swap3A_919, %swap3A_920], %swap3A_923 {strides = array<i32>} : memref<40x128xf32, #tpu.memory_space<vmem>>, vector<1x16xf32>,
        %slice3A_924 = vector.extract_strided_slice %and3A_761 {offsets = [9], sizes = [1], strides = [1]} : vector<16xi32> to vector<1xi32>
        %squeeze3A_925 = vector.extract %slice3A_924[0] : i32 from vector<1xi32>
        %eq3A_926 = vector.broadcast %squeeze3A_925 : i32 to vector<16xi32>
        %eq3A_927 = arith.cmpi eq, %iota3A, %eq3A_926 : vector<16xi32>
        %get3A_928 = arith.constant 33 : i32
        %get3A_929 = arith.index_cast %get3A_928 : i32 to index
        %get3A_930 = arith.constant 0 : index
        %get3A_931 = tpu.vector_load %arg20[%get3A_929, %get3A_930] {strides = array<i32>} : memref<40x16xf32, #tpu.memory_space<vmem>>, vector<1x16xf32>,
        %get3A_932 = vector.shape_cast %get3A_931 : vector<1x16xf32> to vector<16xf32>
        %jit3A_933 = arith.constant 0.000000e+00 : f32
        %broadcast_in_dim3A_934 = vector.broadcast %jit3A_933 : f32 to vector<16xf32>
        %select_n3A_935 = arith.select %eq3A_927, %get3A_932, %broadcast_in_dim3A_934 : vector<16xi1>, vector<16xf32>
        %swap3A_936 = arith.constant 33 : i32
        %swap3A_937 = arith.index_cast %swap3A_936 : i32 to index
        %swap3A_938 = arith.constant 0 : index
        %swap3A_939 = tpu.vector_load %arg21[%swap3A_937, %swap3A_938] {strides = array<i32>} : memref<40x128xf32, #tpu.memory_space<vmem>>, vector<1x16xf32>,
        %swap3A_940 = vector.shape_cast %swap3A_939 : vector<1x16xf32> to vector<16xf32>
        %swap3A_941 = vector.shape_cast %select_n3A_935 : vector<16xf32> to vector<1x16xf32>
        tpu.vector_store %arg21[%swap3A_937, %swap3A_938], %swap3A_941 {strides = array<i32>} : memref<40x128xf32, #tpu.memory_space<vmem>>, vector<1x16xf32>,
        %slice3A_942 = vector.extract_strided_slice %and3A_761 {offsets = [10], sizes = [1], strides = [1]} : vector<16xi32> to vector<1xi32>
        %squeeze3A_943 = vector.extract %slice3A_942[0] : i32 from vector<1xi32>
        %eq3A_944 = vector.broadcast %squeeze3A_943 : i32 to vector<16xi32>
        %eq3A_945 = arith.cmpi eq, %iota3A, %eq3A_944 : vector<16xi32>
        %get3A_946 = arith.constant 34 : i32
        %get3A_947 = arith.index_cast %get3A_946 : i32 to index
        %get3A_948 = arith.constant 0 : index
        %get3A_949 = tpu.vector_load %arg20[%get3A_947, %get3A_948] {strides = array<i32>} : memref<40x16xf32, #tpu.memory_space<vmem>>, vector<1x16xf32>,
        %get3A_950 = vector.shape_cast %get3A_949 : vector<1x16xf32> to vector<16xf32>
        %jit3A_951 = arith.constant 0.000000e+00 : f32
        %broadcast_in_dim3A_952 = vector.broadcast %jit3A_951 : f32 to vector<16xf32>
        %select_n3A_953 = arith.select %eq3A_945, %get3A_950, %broadcast_in_dim3A_952 : vector<16xi1>, vector<16xf32>
        %swap3A_954 = arith.constant 34 : i32
        %swap3A_955 = arith.index_cast %swap3A_954 : i32 to index
        %swap3A_956 = arith.constant 0 : index
        %swap3A_957 = tpu.vector_load %arg21[%swap3A_955, %swap3A_956] {strides = array<i32>} : memref<40x128xf32, #tpu.memory_space<vmem>>, vector<1x16xf32>,
        %swap3A_958 = vector.shape_cast %swap3A_957 : vector<1x16xf32> to vector<16xf32>
        %swap3A_959 = vector.shape_cast %select_n3A_953 : vector<16xf32> to vector<1x16xf32>
        tpu.vector_store %arg21[%swap3A_955, %swap3A_956], %swap3A_959 {strides = array<i32>} : memref<40x128xf32, #tpu.memory_space<vmem>>, vector<1x16xf32>,
        %slice3A_960 = vector.extract_strided_slice %and3A_761 {offsets = [11], sizes = [1], strides = [1]} : vector<16xi32> to vector<1xi32>
        %squeeze3A_961 = vector.extract %slice3A_960[0] : i32 from vector<1xi32>
        %eq3A_962 = vector.broadcast %squeeze3A_961 : i32 to vector<16xi32>
        %eq3A_963 = arith.cmpi eq, %iota3A, %eq3A_962 : vector<16xi32>
        %get3A_964 = arith.constant 35 : i32
        %get3A_965 = arith.index_cast %get3A_964 : i32 to index
        %get3A_966 = arith.constant 0 : index
        %get3A_967 = tpu.vector_load %arg20[%get3A_965, %get3A_966] {strides = array<i32>} : memref<40x16xf32, #tpu.memory_space<vmem>>, vector<1x16xf32>,
        %get3A_968 = vector.shape_cast %get3A_967 : vector<1x16xf32> to vector<16xf32>
        %jit3A_969 = arith.constant 0.000000e+00 : f32
        %broadcast_in_dim3A_970 = vector.broadcast %jit3A_969 : f32 to vector<16xf32>
        %select_n3A_971 = arith.select %eq3A_963, %get3A_968, %broadcast_in_dim3A_970 : vector<16xi1>, vector<16xf32>
        %swap3A_972 = arith.constant 35 : i32
        %swap3A_973 = arith.index_cast %swap3A_972 : i32 to index
        %swap3A_974 = arith.constant 0 : index
        %swap3A_975 = tpu.vector_load %arg21[%swap3A_973, %swap3A_974] {strides = array<i32>} : memref<40x128xf32, #tpu.memory_space<vmem>>, vector<1x16xf32>,
        %swap3A_976 = vector.shape_cast %swap3A_975 : vector<1x16xf32> to vector<16xf32>
        %swap3A_977 = vector.shape_cast %select_n3A_971 : vector<16xf32> to vector<1x16xf32>
        tpu.vector_store %arg21[%swap3A_973, %swap3A_974], %swap3A_977 {strides = array<i32>} : memref<40x128xf32, #tpu.memory_space<vmem>>, vector<1x16xf32>,
        %slice3A_978 = vector.extract_strided_slice %and3A_761 {offsets = [12], sizes = [1], strides = [1]} : vector<16xi32> to vector<1xi32>
        %squeeze3A_979 = vector.extract %slice3A_978[0] : i32 from vector<1xi32>
        %eq3A_980 = vector.broadcast %squeeze3A_979 : i32 to vector<16xi32>
        %eq3A_981 = arith.cmpi eq, %iota3A, %eq3A_980 : vector<16xi32>
        %get3A_982 = arith.constant 36 : i32
        %get3A_983 = arith.index_cast %get3A_982 : i32 to index
        %get3A_984 = arith.constant 0 : index
        %get3A_985 = tpu.vector_load %arg20[%get3A_983, %get3A_984] {strides = array<i32>} : memref<40x16xf32, #tpu.memory_space<vmem>>, vector<1x16xf32>,
        %get3A_986 = vector.shape_cast %get3A_985 : vector<1x16xf32> to vector<16xf32>
        %jit3A_987 = arith.constant 0.000000e+00 : f32
        %broadcast_in_dim3A_988 = vector.broadcast %jit3A_987 : f32 to vector<16xf32>
        %select_n3A_989 = arith.select %eq3A_981, %get3A_986, %broadcast_in_dim3A_988 : vector<16xi1>, vector<16xf32>
        %swap3A_990 = arith.constant 36 : i32
        %swap3A_991 = arith.index_cast %swap3A_990 : i32 to index
        %swap3A_992 = arith.constant 0 : index
        %swap3A_993 = tpu.vector_load %arg21[%swap3A_991, %swap3A_992] {strides = array<i32>} : memref<40x128xf32, #tpu.memory_space<vmem>>, vector<1x16xf32>,
        %swap3A_994 = vector.shape_cast %swap3A_993 : vector<1x16xf32> to vector<16xf32>
        %swap3A_995 = vector.shape_cast %select_n3A_989 : vector<16xf32> to vector<1x16xf32>
        tpu.vector_store %arg21[%swap3A_991, %swap3A_992], %swap3A_995 {strides = array<i32>} : memref<40x128xf32, #tpu.memory_space<vmem>>, vector<1x16xf32>,
        %slice3A_996 = vector.extract_strided_slice %and3A_761 {offsets = [13], sizes = [1], strides = [1]} : vector<16xi32> to vector<1xi32>
        %squeeze3A_997 = vector.extract %slice3A_996[0] : i32 from vector<1xi32>
        %eq3A_998 = vector.broadcast %squeeze3A_997 : i32 to vector<16xi32>
        %eq3A_999 = arith.cmpi eq, %iota3A, %eq3A_998 : vector<16xi32>
        %get3A_1000 = arith.constant 37 : i32
        %get3A_1001 = arith.index_cast %get3A_1000 : i32 to index
        %get3A_1002 = arith.constant 0 : index
        %get3A_1003 = tpu.vector_load %arg20[%get3A_1001, %get3A_1002] {strides = array<i32>} : memref<40x16xf32, #tpu.memory_space<vmem>>, vector<1x16xf32>,
        %get3A_1004 = vector.shape_cast %get3A_1003 : vector<1x16xf32> to vector<16xf32>
        %jit3A_1005 = arith.constant 0.000000e+00 : f32
        %broadcast_in_dim3A_1006 = vector.broadcast %jit3A_1005 : f32 to vector<16xf32>
        %select_n3A_1007 = arith.select %eq3A_999, %get3A_1004, %broadcast_in_dim3A_1006 : vector<16xi1>, vector<16xf32>
        %swap3A_1008 = arith.constant 37 : i32
        %swap3A_1009 = arith.index_cast %swap3A_1008 : i32 to index
        %swap3A_1010 = arith.constant 0 : index
        %swap3A_1011 = tpu.vector_load %arg21[%swap3A_1009, %swap3A_1010] {strides = array<i32>} : memref<40x128xf32, #tpu.memory_space<vmem>>, vector<1x16xf32>,
        %swap3A_1012 = vector.shape_cast %swap3A_1011 : vector<1x16xf32> to vector<16xf32>
        %swap3A_1013 = vector.shape_cast %select_n3A_1007 : vector<16xf32> to vector<1x16xf32>
        tpu.vector_store %arg21[%swap3A_1009, %swap3A_1010], %swap3A_1013 {strides = array<i32>} : memref<40x128xf32, #tpu.memory_space<vmem>>, vector<1x16xf32>,
        %slice3A_1014 = vector.extract_strided_slice %and3A_761 {offsets = [14], sizes = [1], strides = [1]} : vector<16xi32> to vector<1xi32>
        %squeeze3A_1015 = vector.extract %slice3A_1014[0] : i32 from vector<1xi32>
        %eq3A_1016 = vector.broadcast %squeeze3A_1015 : i32 to vector<16xi32>
        %eq3A_1017 = arith.cmpi eq, %iota3A, %eq3A_1016 : vector<16xi32>
        %get3A_1018 = arith.constant 38 : i32
        %get3A_1019 = arith.index_cast %get3A_1018 : i32 to index
        %get3A_1020 = arith.constant 0 : index
        %get3A_1021 = tpu.vector_load %arg20[%get3A_1019, %get3A_1020] {strides = array<i32>} : memref<40x16xf32, #tpu.memory_space<vmem>>, vector<1x16xf32>,
        %get3A_1022 = vector.shape_cast %get3A_1021 : vector<1x16xf32> to vector<16xf32>
        %jit3A_1023 = arith.constant 0.000000e+00 : f32
        %broadcast_in_dim3A_1024 = vector.broadcast %jit3A_1023 : f32 to vector<16xf32>
        %select_n3A_1025 = arith.select %eq3A_1017, %get3A_1022, %broadcast_in_dim3A_1024 : vector<16xi1>, vector<16xf32>
        %swap3A_1026 = arith.constant 38 : i32
        %swap3A_1027 = arith.index_cast %swap3A_1026 : i32 to index
        %swap3A_1028 = arith.constant 0 : index
        %swap3A_1029 = tpu.vector_load %arg21[%swap3A_1027, %swap3A_1028] {strides = array<i32>} : memref<40x128xf32, #tpu.memory_space<vmem>>, vector<1x16xf32>,
        %swap3A_1030 = vector.shape_cast %swap3A_1029 : vector<1x16xf32> to vector<16xf32>
        %swap3A_1031 = vector.shape_cast %select_n3A_1025 : vector<16xf32> to vector<1x16xf32>
        tpu.vector_store %arg21[%swap3A_1027, %swap3A_1028], %swap3A_1031 {strides = array<i32>} : memref<40x128xf32, #tpu.memory_space<vmem>>, vector<1x16xf32>,
        %slice3A_1032 = vector.extract_strided_slice %and3A_761 {offsets = [15], sizes = [1], strides = [1]} : vector<16xi32> to vector<1xi32>
        %squeeze3A_1033 = vector.extract %slice3A_1032[0] : i32 from vector<1xi32>
        %eq3A_1034 = vector.broadcast %squeeze3A_1033 : i32 to vector<16xi32>
        %eq3A_1035 = arith.cmpi eq, %iota3A, %eq3A_1034 : vector<16xi32>
        %get3A_1036 = arith.constant 39 : i32
        %get3A_1037 = arith.index_cast %get3A_1036 : i32 to index
        %get3A_1038 = arith.constant 0 : index
        %get3A_1039 = tpu.vector_load %arg20[%get3A_1037, %get3A_1038] {strides = array<i32>} : memref<40x16xf32, #tpu.memory_space<vmem>>, vector<1x16xf32>,
        %get3A_1040 = vector.shape_cast %get3A_1039 : vector<1x16xf32> to vector<16xf32>
        %jit3A_1041 = arith.constant 0.000000e+00 : f32
        %broadcast_in_dim3A_1042 = vector.broadcast %jit3A_1041 : f32 to vector<16xf32>
        %select_n3A_1043 = arith.select %eq3A_1035, %get3A_1040, %broadcast_in_dim3A_1042 : vector<16xi1>, vector<16xf32>
        %swap3A_1044 = arith.constant 39 : i32
        %swap3A_1045 = arith.index_cast %swap3A_1044 : i32 to index
        %swap3A_1046 = arith.constant 0 : index
        %swap3A_1047 = tpu.vector_load %arg21[%swap3A_1045, %swap3A_1046] {strides = array<i32>} : memref<40x128xf32, #tpu.memory_space<vmem>>, vector<1x16xf32>,
        %swap3A_1048 = vector.shape_cast %swap3A_1047 : vector<1x16xf32> to vector<16xf32>
        %swap3A_1049 = vector.shape_cast %select_n3A_1043 : vector<16xf32> to vector<1x16xf32>
        tpu.vector_store %arg21[%swap3A_1045, %swap3A_1046], %swap3A_1049 {strides = array<i32>} : memref<40x128xf32, #tpu.memory_space<vmem>>, vector<1x16xf32>,
        %dma_start3A_1050 = arith.constant 0 : i32
        %dma_start3A_1051 = arith.constant 0 : i32
        %dma_start3A_1052 = tpu.memref_slice %arg10[%dma_start3A_1050, %dma_start3A_1051] : memref<10240x128xf32, #tpu.memory_space<vmem_shared>> -> memref<10240x128xf32, #tpu.memory_space<vmem_shared>>
        tpu.enqueue_indirect_dma source(%arg17 : memref<40x128xf32, #tpu.memory_space<vmem>>) target(%dma_start3A_1052 : memref<10240x128xf32, #tpu.memory_space<vmem_shared>>) offsets(%arg15 : memref<40xi32, #tpu.memory_space<vmem>>) semaphore(%arg24 : memref<!tpu.dma_semaphore, #tpu.memory_space<semaphore_mem>>) {add = true}
        %dma_start3A_1053 = arith.constant 0 : i32
        %dma_start3A_1054 = arith.constant 0 : i32
        %dma_start3A_1055 = tpu.memref_slice %arg11[%dma_start3A_1053, %dma_start3A_1054] : memref<1280x128xf32, #tpu.memory_space<vmem_shared>> -> memref<1280x128xf32, #tpu.memory_space<vmem_shared>>
        tpu.enqueue_indirect_dma source(%arg21 : memref<40x128xf32, #tpu.memory_space<vmem>>) target(%dma_start3A_1055 : memref<1280x128xf32, #tpu.memory_space<vmem_shared>>) offsets(%arg16 : memref<40xi32, #tpu.memory_space<vmem>>) semaphore(%arg25 : memref<!tpu.dma_semaphore, #tpu.memory_space<semaphore_mem>>) {add = true}
        %while3A_1056 = arith.constant 0 : i32
        scf.yield %while3A_1056 : i32
      }
      %while3A_83 = arith.constant 1 : i32
      %while3A_84 = scf.for %while3A_86 = %while3A_80 to %while3A_76 step %while3A_83 iter_args(%while3A_87 = %while3A_82) -> (i32)  : i32 {
        %jit3A = arith.constant 10 : i32
        %eq3A = arith.constant 0 : i32
        %eq3A_88 = arith.cmpi eq, %jit3A, %eq3A : i32
        %jit3A_89 = arith.constant 1 : i32
        %select_n3A = arith.select %eq3A_88, %jit3A_89, %jit3A : i32
        %rem3A = arith.remsi %while3A_86, %select_n3A : i32
        %ne3A = arith.constant 0 : i32
        %ne3A_90 = arith.cmpi ne, %rem3A, %ne3A : i32
        %lt3A = arith.constant 0 : i32
        %lt3A_91 = arith.cmpi slt, %rem3A, %lt3A : i32
        %lt3A_92 = arith.constant 0 : i32
        %lt3A_93 = arith.cmpi slt, %select_n3A, %lt3A_92 : i32
        %ne3A_94 = arith.xori %lt3A_91, %lt3A_93 : i1
        %and3A = arith.andi %ne3A_94, %ne3A_90 : i1
        %add3A_95 = arith.addi %rem3A, %select_n3A : i32
        %select_n3A_96 = arith.select %and3A, %add3A_95, %rem3A : i32
        %mul3A_97 = arith.constant 40 : i32
        %mul3A_98 = arith.muli %select_n3A_96, %mul3A_97 : i32
        %gt3A = arith.constant 0 : i32
        %gt3A_99 = arith.cmpi sgt, %while3A_86, %gt3A : i32
        %convert_element_type3A = arith.extui %gt3A_99 : i1 to i32
        %cond3A = arith.constant 0 : i32
        %cond3A_100 = arith.cmpi ne, %convert_element_type3A, %cond3A : i32
        scf.if %cond3A_100 {
          %dma_wait3A_1057 = arith.constant 0 : i32
          %dma_wait3A_1058 = arith.constant 0 : i32
          %dma_wait3A_1059 = tpu.memref_slice %arg10[%dma_wait3A_1057, %dma_wait3A_1058] : memref<10240x128xf32, #tpu.memory_space<vmem_shared>> -> memref<10240x128xf32, #tpu.memory_space<vmem_shared>>
          tpu.wait_indirect_dma semaphore(%arg24 : memref<!tpu.dma_semaphore, #tpu.memory_space<semaphore_mem>>) src(%arg17 : memref<40x128xf32, #tpu.memory_space<vmem>>) dst(%dma_wait3A_1059 : memref<10240x128xf32, #tpu.memory_space<vmem_shared>>)
          %dma_wait3A_1060 = arith.constant 0 : i32
          %dma_wait3A_1061 = arith.constant 0 : i32
          %dma_wait3A_1062 = tpu.memref_slice %arg11[%dma_wait3A_1060, %dma_wait3A_1061] : memref<1280x128xf32, #tpu.memory_space<vmem_shared>> -> memref<1280x128xf32, #tpu.memory_space<vmem_shared>>
          tpu.wait_indirect_dma semaphore(%arg25 : memref<!tpu.dma_semaphore, #tpu.memory_space<semaphore_mem>>) src(%arg21 : memref<40x128xf32, #tpu.memory_space<vmem>>) dst(%dma_wait3A_1062 : memref<1280x128xf32, #tpu.memory_space<vmem_shared>>)
        } else {
        }
        %add3A_101 = arith.constant 0 : i32
        %add3A_102 = arith.addi %mul3A_98, %add3A_101 : i32
        %get3A = arith.index_cast %add3A_102 : i32 to index
        %get3A_103 = tpu.vector_load %arg14[%get3A] {strides = array<i32>} : memref<400xi32, #tpu.memory_space<vmem>>, vector<16xi32>,
        %get3A_104 = vector.shape_cast %get3A_103 : vector<16xi32> to vector<16xi32>
        %swap3A = arith.constant 0 : index
        %swap3A_105 = tpu.vector_load %arg15[%swap3A] {strides = array<i32>} : memref<40xi32, #tpu.memory_space<vmem>>, vector<16xi32>,
        %swap3A_106 = vector.shape_cast %swap3A_105 : vector<16xi32> to vector<16xi32>
        %swap3A_107 = vector.shape_cast %get3A_104 : vector<16xi32> to vector<16xi32>
        tpu.vector_store %arg15[%swap3A], %swap3A_107 {strides = array<i32>} : memref<40xi32, #tpu.memory_space<vmem>>, vector<16xi32>,
        %shift_right_logical3A = arith.constant 3 : i32
        %shift_right_logical3A_108 = vector.broadcast %shift_right_logical3A : i32 to vector<16xi32>
        %shift_right_logical3A_109 = arith.shrui %get3A_104, %shift_right_logical3A_108 : vector<16xi32>
        %swap3A_110 = arith.constant 0 : index
        %swap3A_111 = tpu.vector_load %arg16[%swap3A_110] {strides = array<i32>} : memref<40xi32, #tpu.memory_space<vmem>>, vector<16xi32>,
        %swap3A_112 = vector.shape_cast %swap3A_111 : vector<16xi32> to vector<16xi32>
        %swap3A_113 = vector.shape_cast %shift_right_logical3A_109 : vector<16xi32> to vector<16xi32>
        tpu.vector_store %arg16[%swap3A_110], %swap3A_113 {strides = array<i32>} : memref<40xi32, #tpu.memory_space<vmem>>, vector<16xi32>,
        %add3A_114 = arith.constant 16 : i32
        %add3A_115 = arith.addi %mul3A_98, %add3A_114 : i32
        %get3A_116 = arith.index_cast %add3A_115 : i32 to index
        %get3A_117 = tpu.vector_load %arg14[%get3A_116] {strides = array<i32>} : memref<400xi32, #tpu.memory_space<vmem>>, vector<16xi32>,
        %get3A_118 = vector.shape_cast %get3A_117 : vector<16xi32> to vector<16xi32>
        %swap3A_119 = arith.constant 16 : index
        %swap3A_120 = tpu.vector_load %arg15[%swap3A_119] {strides = array<i32>} : memref<40xi32, #tpu.memory_space<vmem>>, vector<16xi32>,
        %swap3A_121 = vector.shape_cast %swap3A_120 : vector<16xi32> to vector<16xi32>
        %swap3A_122 = vector.shape_cast %get3A_118 : vector<16xi32> to vector<16xi32>
        tpu.vector_store %arg15[%swap3A_119], %swap3A_122 {strides = array<i32>} : memref<40xi32, #tpu.memory_space<vmem>>, vector<16xi32>,
        %shift_right_logical3A_123 = arith.constant 3 : i32
        %shift_right_logical3A_124 = vector.broadcast %shift_right_logical3A_123 : i32 to vector<16xi32>
        %shift_right_logical3A_125 = arith.shrui %get3A_118, %shift_right_logical3A_124 : vector<16xi32>
        %swap3A_126 = arith.constant 16 : index
        %swap3A_127 = tpu.vector_load %arg16[%swap3A_126] {strides = array<i32>} : memref<40xi32, #tpu.memory_space<vmem>>, vector<16xi32>,
        %swap3A_128 = vector.shape_cast %swap3A_127 : vector<16xi32> to vector<16xi32>
        %swap3A_129 = vector.shape_cast %shift_right_logical3A_125 : vector<16xi32> to vector<16xi32>
        tpu.vector_store %arg16[%swap3A_126], %swap3A_129 {strides = array<i32>} : memref<40xi32, #tpu.memory_space<vmem>>, vector<16xi32>,
        %add3A_130 = arith.constant 24 : i32
        %add3A_131 = arith.addi %mul3A_98, %add3A_130 : i32
        %get3A_132 = arith.index_cast %add3A_131 : i32 to index
        %get3A_133 = tpu.vector_load %arg14[%get3A_132] {strides = array<i32>} : memref<400xi32, #tpu.memory_space<vmem>>, vector<16xi32>,
        %get3A_134 = vector.shape_cast %get3A_133 : vector<16xi32> to vector<16xi32>
        %swap3A_135 = arith.constant 24 : index
        %swap3A_136 = tpu.vector_load %arg15[%swap3A_135] {strides = array<i32>} : memref<40xi32, #tpu.memory_space<vmem>>, vector<16xi32>,
        %swap3A_137 = vector.shape_cast %swap3A_136 : vector<16xi32> to vector<16xi32>
        %swap3A_138 = vector.shape_cast %get3A_134 : vector<16xi32> to vector<16xi32>
        tpu.vector_store %arg15[%swap3A_135], %swap3A_138 {strides = array<i32>} : memref<40xi32, #tpu.memory_space<vmem>>, vector<16xi32>,
        %shift_right_logical3A_139 = arith.constant 3 : i32
        %shift_right_logical3A_140 = vector.broadcast %shift_right_logical3A_139 : i32 to vector<16xi32>
        %shift_right_logical3A_141 = arith.shrui %get3A_134, %shift_right_logical3A_140 : vector<16xi32>
        %swap3A_142 = arith.constant 24 : index
        %swap3A_143 = tpu.vector_load %arg16[%swap3A_142] {strides = array<i32>} : memref<40xi32, #tpu.memory_space<vmem>>, vector<16xi32>,
        %swap3A_144 = vector.shape_cast %swap3A_143 : vector<16xi32> to vector<16xi32>
        %swap3A_145 = vector.shape_cast %shift_right_logical3A_141 : vector<16xi32> to vector<16xi32>
        tpu.vector_store %arg16[%swap3A_142], %swap3A_145 {strides = array<i32>} : memref<40xi32, #tpu.memory_space<vmem>>, vector<16xi32>,
        %dma_start3A = tpu.memref_slice %arg13[%mul3A_98] : memref<400xi32, #tpu.memory_space<vmem>> -> memref<40xi32, #tpu.memory_space<vmem>>
        %dma_start3A_146 = arith.constant 0 : i32
        %dma_start3A_147 = arith.constant 0 : i32
        %dma_start3A_148 = tpu.memref_slice %arg2[%dma_start3A_146, %dma_start3A_147] : memref<10000x128xf32, #tpu.memory_space<hbm>> -> memref<10000x128xf32, #tpu.memory_space<hbm>>
        tpu.enqueue_indirect_dma source(%dma_start3A_148 : memref<10000x128xf32, #tpu.memory_space<hbm>>) target(%arg17 : memref<40x128xf32, #tpu.memory_space<vmem>>) offsets(%dma_start3A : memref<40xi32, #tpu.memory_space<vmem>>) semaphore(%arg22 : memref<!tpu.dma_semaphore, #tpu.memory_space<semaphore_mem>>)
        %dma_start3A_149 = arith.constant 0 : i32
        %dma_start3A_150 = arith.constant 0 : i32
        %dma_start3A_151 = tpu.memref_slice %arg3[%dma_start3A_149, %dma_start3A_150] : memref<10000x128xf32, #tpu.memory_space<hbm>> -> memref<10000x128xf32, #tpu.memory_space<hbm>>
        tpu.enqueue_indirect_dma source(%dma_start3A_151 : memref<10000x128xf32, #tpu.memory_space<hbm>>) target(%arg18 : memref<40x128xf32, #tpu.memory_space<vmem>>) offsets(%arg15 : memref<40xi32, #tpu.memory_space<vmem>>) semaphore(%arg23 : memref<!tpu.dma_semaphore, #tpu.memory_space<semaphore_mem>>)
        %mul3A_152 = arith.constant 10000 : i32
        %mul3A_153 = arith.muli %add3A, %mul3A_152 : i32
        %mul3A_154 = arith.constant 40 : i32
        %mul3A_155 = arith.muli %while3A_86, %mul3A_154 : i32
        %add3A_156 = arith.addi %mul3A_153, %mul3A_155 : i32
        "tpu.region"() ({
          %run_scoped3A = tpu.sem_alloc : memref<!tpu.dma_semaphore, #tpu.memory_space<semaphore_mem>>
          %dma_start3A_1057 = arith.constant 0 : i32
          %dma_start3A_1058 = tpu.memref_slice %arg4[%add3A_156, %dma_start3A_1057] : memref<320000x128xf32, #tpu.memory_space<hbm>> -> memref<40x128xf32, #tpu.memory_space<hbm>>
          %dma_start3A_1059 = arith.constant 0 : i32
          %dma_start3A_1060 = tpu.memref_slice %arg4[%add3A_156, %dma_start3A_1059] : memref<320000x128xf32, #tpu.memory_space<hbm>> -> memref<40x128xf32, #tpu.memory_space<hbm>>
          tpu.enqueue_dma source(%dma_start3A_1060 : memref<40x128xf32, #tpu.memory_space<hbm>>) target(%arg19 : memref<40x128xf32, #tpu.memory_space<vmem>>) target_semaphore(%run_scoped3A : memref<!tpu.dma_semaphore, #tpu.memory_space<semaphore_mem>>)
          %dma_wait3A_1061 = arith.constant 0 : i32
          %dma_wait3A_1062 = tpu.memref_slice %arg4[%add3A_156, %dma_wait3A_1061] : memref<320000x128xf32, #tpu.memory_space<hbm>> -> memref<40x128xf32, #tpu.memory_space<hbm>>
          %dma_wait3A_1063 = arith.constant 0 : i32
          %dma_wait3A_1064 = tpu.memref_slice %arg4[%add3A_156, %dma_wait3A_1063] : memref<320000x128xf32, #tpu.memory_space<hbm>> -> memref<40x128xf32, #tpu.memory_space<hbm>>
          tpu.wait_dma2 semaphore(%run_scoped3A : memref<!tpu.dma_semaphore, #tpu.memory_space<semaphore_mem>>) src(%dma_wait3A_1064 : memref<40x128xf32, #tpu.memory_space<hbm>>) dst(%arg19 : memref<40x128xf32, #tpu.memory_space<vmem>>)
          tpu.yield
        }) : () -> ()
        %dma_wait3A_157 = tpu.memref_slice %arg13[%mul3A_98] : memref<400xi32, #tpu.memory_space<vmem>> -> memref<40xi32, #tpu.memory_space<vmem>>
        %dma_wait3A_158 = arith.constant 0 : i32
        %dma_wait3A_159 = arith.constant 0 : i32
        %dma_wait3A_160 = tpu.memref_slice %arg2[%dma_wait3A_158, %dma_wait3A_159] : memref<10000x128xf32, #tpu.memory_space<hbm>> -> memref<10000x128xf32, #tpu.memory_space<hbm>>
        tpu.wait_indirect_dma semaphore(%arg22 : memref<!tpu.dma_semaphore, #tpu.memory_space<semaphore_mem>>) src(%dma_wait3A_160 : memref<10000x128xf32, #tpu.memory_space<hbm>>) dst(%arg17 : memref<40x128xf32, #tpu.memory_space<vmem>>)
        %dma_wait3A_161 = arith.constant 0 : i32
        %dma_wait3A_162 = arith.constant 0 : i32
        %dma_wait3A_163 = tpu.memref_slice %arg3[%dma_wait3A_161, %dma_wait3A_162] : memref<10000x128xf32, #tpu.memory_space<hbm>> -> memref<10000x128xf32, #tpu.memory_space<hbm>>
        tpu.wait_indirect_dma semaphore(%arg23 : memref<!tpu.dma_semaphore, #tpu.memory_space<semaphore_mem>>) src(%dma_wait3A_163 : memref<10000x128xf32, #tpu.memory_space<hbm>>) dst(%arg18 : memref<40x128xf32, #tpu.memory_space<vmem>>)
        %scan3A_164 = arith.constant 0 : i32
        %scan3A_165 = arith.constant 0 : i32
        %scan3A_166 = arith.constant 40 : i32
        %scan3A_167 = arith.addi %scan3A_165, %scan3A_166 : i32
        %scan3A_168 = arith.constant 1 : i32
        %scan3A_169 = scf.for %scan3A_1057 = %scan3A_165 to %scan3A_167 step %scan3A_168 iter_args(%scan3A_1058 = %scan3A_164) -> (i32)  : i32 {
          %broadcast_in_dim3A_1059 = arith.constant 0.000000e+00 : f32
          %broadcast_in_dim3A_1060 = vector.broadcast %broadcast_in_dim3A_1059 : f32 to vector<16xf32>
          %get3A_1061 = arith.index_cast %scan3A_1057 : i32 to index
          %get3A_1062 = arith.constant 0 : index
          %get3A_1063 = tpu.vector_load %arg17[%get3A_1061, %get3A_1062] {strides = array<i32>} : memref<40x128xf32, #tpu.memory_space<vmem>>, vector<1x16xf32>,
          %get3A_1064 = vector.shape_cast %get3A_1063 : vector<1x16xf32> to vector<16xf32>
          %get3A_1065 = arith.index_cast %scan3A_1057 : i32 to index
          %get3A_1066 = arith.constant 0 : index
          %get3A_1067 = tpu.vector_load %arg18[%get3A_1065, %get3A_1066] {strides = array<i32>} : memref<40x128xf32, #tpu.memory_space<vmem>>, vector<1x16xf32>,
          %get3A_1068 = vector.shape_cast %get3A_1067 : vector<1x16xf32> to vector<16xf32>
          %add3A_1069 = arith.addf %get3A_1064, %get3A_1068 : vector<16xf32>
          %get3A_1070 = arith.index_cast %scan3A_1057 : i32 to index
          %get3A_1071 = arith.constant 0 : index
          %get3A_1072 = tpu.vector_load %arg19[%get3A_1070, %get3A_1071] {strides = array<i32>} : memref<40x128xf32, #tpu.memory_space<vmem>>, vector<1x16xf32>,
          %get3A_1073 = vector.shape_cast %get3A_1072 : vector<1x16xf32> to vector<16xf32>
          %add3A_1074 = arith.addf %add3A_1069, %get3A_1073 : vector<16xf32>
          %mul3A_1075 = arith.constant 2.000000e-01 : f32
          %mul3A_1076 = vector.broadcast %mul3A_1075 : f32 to vector<16xf32>
          %mul3A_1077 = arith.mulf %mul3A_1076, %add3A_1074 : vector<16xf32>
          %max3A = arith.maximumf %add3A_1074, %mul3A_1077 : vector<16xf32>
          %get3A_1078 = arith.constant 0 : index
          %get3A_1079 = tpu.vector_load %arg12[%get3A_1078] {strides = array<i32>} : memref<128xf32, #tpu.memory_space<vmem>>, vector<16xf32>,
          %get3A_1080 = vector.shape_cast %get3A_1079 : vector<16xf32> to vector<16xf32>
          %mul3A_1081 = arith.mulf %max3A, %get3A_1080 : vector<16xf32>
          %add3A_1082 = arith.addf %broadcast_in_dim3A_1060, %mul3A_1081 : vector<16xf32>
          %get3A_1083 = arith.index_cast %scan3A_1057 : i32 to index
          %get3A_1084 = arith.constant 16 : index
          %get3A_1085 = tpu.vector_load %arg17[%get3A_1083, %get3A_1084] {strides = array<i32>} : memref<40x128xf32, #tpu.memory_space<vmem>>, vector<1x16xf32>,
          %get3A_1086 = vector.shape_cast %get3A_1085 : vector<1x16xf32> to vector<16xf32>
          %get3A_1087 = arith.index_cast %scan3A_1057 : i32 to index
          %get3A_1088 = arith.constant 16 : index
          %get3A_1089 = tpu.vector_load %arg18[%get3A_1087, %get3A_1088] {strides = array<i32>} : memref<40x128xf32, #tpu.memory_space<vmem>>, vector<1x16xf32>,
          %get3A_1090 = vector.shape_cast %get3A_1089 : vector<1x16xf32> to vector<16xf32>
          %add3A_1091 = arith.addf %get3A_1086, %get3A_1090 : vector<16xf32>
          %get3A_1092 = arith.index_cast %scan3A_1057 : i32 to index
          %get3A_1093 = arith.constant 16 : index
          %get3A_1094 = tpu.vector_load %arg19[%get3A_1092, %get3A_1093] {strides = array<i32>} : memref<40x128xf32, #tpu.memory_space<vmem>>, vector<1x16xf32>,
          %get3A_1095 = vector.shape_cast %get3A_1094 : vector<1x16xf32> to vector<16xf32>
          %add3A_1096 = arith.addf %add3A_1091, %get3A_1095 : vector<16xf32>
          %mul3A_1097 = arith.constant 2.000000e-01 : f32
          %mul3A_1098 = vector.broadcast %mul3A_1097 : f32 to vector<16xf32>
          %mul3A_1099 = arith.mulf %mul3A_1098, %add3A_1096 : vector<16xf32>
          %max3A_1100 = arith.maximumf %add3A_1096, %mul3A_1099 : vector<16xf32>
          %get3A_1101 = arith.constant 16 : index
          %get3A_1102 = tpu.vector_load %arg12[%get3A_1101] {strides = array<i32>} : memref<128xf32, #tpu.memory_space<vmem>>, vector<16xf32>,
          %get3A_1103 = vector.shape_cast %get3A_1102 : vector<16xf32> to vector<16xf32>
          %mul3A_1104 = arith.mulf %max3A_1100, %get3A_1103 : vector<16xf32>
          %add3A_1105 = arith.addf %add3A_1082, %mul3A_1104 : vector<16xf32>
          %get3A_1106 = arith.index_cast %scan3A_1057 : i32 to index
          %get3A_1107 = arith.constant 32 : index
          %get3A_1108 = tpu.vector_load %arg17[%get3A_1106, %get3A_1107] {strides = array<i32>} : memref<40x128xf32, #tpu.memory_space<vmem>>, vector<1x16xf32>,
          %get3A_1109 = vector.shape_cast %get3A_1108 : vector<1x16xf32> to vector<16xf32>
          %get3A_1110 = arith.index_cast %scan3A_1057 : i32 to index
          %get3A_1111 = arith.constant 32 : index
          %get3A_1112 = tpu.vector_load %arg18[%get3A_1110, %get3A_1111] {strides = array<i32>} : memref<40x128xf32, #tpu.memory_space<vmem>>, vector<1x16xf32>,
          %get3A_1113 = vector.shape_cast %get3A_1112 : vector<1x16xf32> to vector<16xf32>
          %add3A_1114 = arith.addf %get3A_1109, %get3A_1113 : vector<16xf32>
          %get3A_1115 = arith.index_cast %scan3A_1057 : i32 to index
          %get3A_1116 = arith.constant 32 : index
          %get3A_1117 = tpu.vector_load %arg19[%get3A_1115, %get3A_1116] {strides = array<i32>} : memref<40x128xf32, #tpu.memory_space<vmem>>, vector<1x16xf32>,
          %get3A_1118 = vector.shape_cast %get3A_1117 : vector<1x16xf32> to vector<16xf32>
          %add3A_1119 = arith.addf %add3A_1114, %get3A_1118 : vector<16xf32>
          %mul3A_1120 = arith.constant 2.000000e-01 : f32
          %mul3A_1121 = vector.broadcast %mul3A_1120 : f32 to vector<16xf32>
          %mul3A_1122 = arith.mulf %mul3A_1121, %add3A_1119 : vector<16xf32>
          %max3A_1123 = arith.maximumf %add3A_1119, %mul3A_1122 : vector<16xf32>
          %get3A_1124 = arith.constant 32 : index
          %get3A_1125 = tpu.vector_load %arg12[%get3A_1124] {strides = array<i32>} : memref<128xf32, #tpu.memory_space<vmem>>, vector<16xf32>,
          %get3A_1126 = vector.shape_cast %get3A_1125 : vector<16xf32> to vector<16xf32>
          %mul3A_1127 = arith.mulf %max3A_1123, %get3A_1126 : vector<16xf32>
          %add3A_1128 = arith.addf %add3A_1105, %mul3A_1127 : vector<16xf32>
          %get3A_1129 = arith.index_cast %scan3A_1057 : i32 to index
          %get3A_1130 = arith.constant 48 : index
          %get3A_1131 = tpu.vector_load %arg17[%get3A_1129, %get3A_1130] {strides = array<i32>} : memref<40x128xf32, #tpu.memory_space<vmem>>, vector<1x16xf32>,
          %get3A_1132 = vector.shape_cast %get3A_1131 : vector<1x16xf32> to vector<16xf32>
          %get3A_1133 = arith.index_cast %scan3A_1057 : i32 to index
          %get3A_1134 = arith.constant 48 : index
          %get3A_1135 = tpu.vector_load %arg18[%get3A_1133, %get3A_1134] {strides = array<i32>} : memref<40x128xf32, #tpu.memory_space<vmem>>, vector<1x16xf32>,
          %get3A_1136 = vector.shape_cast %get3A_1135 : vector<1x16xf32> to vector<16xf32>
          %add3A_1137 = arith.addf %get3A_1132, %get3A_1136 : vector<16xf32>
          %get3A_1138 = arith.index_cast %scan3A_1057 : i32 to index
          %get3A_1139 = arith.constant 48 : index
          %get3A_1140 = tpu.vector_load %arg19[%get3A_1138, %get3A_1139] {strides = array<i32>} : memref<40x128xf32, #tpu.memory_space<vmem>>, vector<1x16xf32>,
          %get3A_1141 = vector.shape_cast %get3A_1140 : vector<1x16xf32> to vector<16xf32>
          %add3A_1142 = arith.addf %add3A_1137, %get3A_1141 : vector<16xf32>
          %mul3A_1143 = arith.constant 2.000000e-01 : f32
          %mul3A_1144 = vector.broadcast %mul3A_1143 : f32 to vector<16xf32>
          %mul3A_1145 = arith.mulf %mul3A_1144, %add3A_1142 : vector<16xf32>
          %max3A_1146 = arith.maximumf %add3A_1142, %mul3A_1145 : vector<16xf32>
          %get3A_1147 = arith.constant 48 : index
          %get3A_1148 = tpu.vector_load %arg12[%get3A_1147] {strides = array<i32>} : memref<128xf32, #tpu.memory_space<vmem>>, vector<16xf32>,
          %get3A_1149 = vector.shape_cast %get3A_1148 : vector<16xf32> to vector<16xf32>
          %mul3A_1150 = arith.mulf %max3A_1146, %get3A_1149 : vector<16xf32>
          %add3A_1151 = arith.addf %add3A_1128, %mul3A_1150 : vector<16xf32>
          %get3A_1152 = arith.index_cast %scan3A_1057 : i32 to index
          %get3A_1153 = arith.constant 64 : index
          %get3A_1154 = tpu.vector_load %arg17[%get3A_1152, %get3A_1153] {strides = array<i32>} : memref<40x128xf32, #tpu.memory_space<vmem>>, vector<1x16xf32>,
          %get3A_1155 = vector.shape_cast %get3A_1154 : vector<1x16xf32> to vector<16xf32>
          %get3A_1156 = arith.index_cast %scan3A_1057 : i32 to index
          %get3A_1157 = arith.constant 64 : index
          %get3A_1158 = tpu.vector_load %arg18[%get3A_1156, %get3A_1157] {strides = array<i32>} : memref<40x128xf32, #tpu.memory_space<vmem>>, vector<1x16xf32>,
          %get3A_1159 = vector.shape_cast %get3A_1158 : vector<1x16xf32> to vector<16xf32>
          %add3A_1160 = arith.addf %get3A_1155, %get3A_1159 : vector<16xf32>
          %get3A_1161 = arith.index_cast %scan3A_1057 : i32 to index
          %get3A_1162 = arith.constant 64 : index
          %get3A_1163 = tpu.vector_load %arg19[%get3A_1161, %get3A_1162] {strides = array<i32>} : memref<40x128xf32, #tpu.memory_space<vmem>>, vector<1x16xf32>,
          %get3A_1164 = vector.shape_cast %get3A_1163 : vector<1x16xf32> to vector<16xf32>
          %add3A_1165 = arith.addf %add3A_1160, %get3A_1164 : vector<16xf32>
          %mul3A_1166 = arith.constant 2.000000e-01 : f32
          %mul3A_1167 = vector.broadcast %mul3A_1166 : f32 to vector<16xf32>
          %mul3A_1168 = arith.mulf %mul3A_1167, %add3A_1165 : vector<16xf32>
          %max3A_1169 = arith.maximumf %add3A_1165, %mul3A_1168 : vector<16xf32>
          %get3A_1170 = arith.constant 64 : index
          %get3A_1171 = tpu.vector_load %arg12[%get3A_1170] {strides = array<i32>} : memref<128xf32, #tpu.memory_space<vmem>>, vector<16xf32>,
          %get3A_1172 = vector.shape_cast %get3A_1171 : vector<16xf32> to vector<16xf32>
          %mul3A_1173 = arith.mulf %max3A_1169, %get3A_1172 : vector<16xf32>
          %add3A_1174 = arith.addf %add3A_1151, %mul3A_1173 : vector<16xf32>
          %get3A_1175 = arith.index_cast %scan3A_1057 : i32 to index
          %get3A_1176 = arith.constant 80 : index
          %get3A_1177 = tpu.vector_load %arg17[%get3A_1175, %get3A_1176] {strides = array<i32>} : memref<40x128xf32, #tpu.memory_space<vmem>>, vector<1x16xf32>,
          %get3A_1178 = vector.shape_cast %get3A_1177 : vector<1x16xf32> to vector<16xf32>
          %get3A_1179 = arith.index_cast %scan3A_1057 : i32 to index
          %get3A_1180 = arith.constant 80 : index
          %get3A_1181 = tpu.vector_load %arg18[%get3A_1179, %get3A_1180] {strides = array<i32>} : memref<40x128xf32, #tpu.memory_space<vmem>>, vector<1x16xf32>,
          %get3A_1182 = vector.shape_cast %get3A_1181 : vector<1x16xf32> to vector<16xf32>
          %add3A_1183 = arith.addf %get3A_1178, %get3A_1182 : vector<16xf32>
          %get3A_1184 = arith.index_cast %scan3A_1057 : i32 to index
          %get3A_1185 = arith.constant 80 : index
          %get3A_1186 = tpu.vector_load %arg19[%get3A_1184, %get3A_1185] {strides = array<i32>} : memref<40x128xf32, #tpu.memory_space<vmem>>, vector<1x16xf32>,
          %get3A_1187 = vector.shape_cast %get3A_1186 : vector<1x16xf32> to vector<16xf32>
          %add3A_1188 = arith.addf %add3A_1183, %get3A_1187 : vector<16xf32>
          %mul3A_1189 = arith.constant 2.000000e-01 : f32
          %mul3A_1190 = vector.broadcast %mul3A_1189 : f32 to vector<16xf32>
          %mul3A_1191 = arith.mulf %mul3A_1190, %add3A_1188 : vector<16xf32>
          %max3A_1192 = arith.maximumf %add3A_1188, %mul3A_1191 : vector<16xf32>
          %get3A_1193 = arith.constant 80 : index
          %get3A_1194 = tpu.vector_load %arg12[%get3A_1193] {strides = array<i32>} : memref<128xf32, #tpu.memory_space<vmem>>, vector<16xf32>,
          %get3A_1195 = vector.shape_cast %get3A_1194 : vector<16xf32> to vector<16xf32>
          %mul3A_1196 = arith.mulf %max3A_1192, %get3A_1195 : vector<16xf32>
          %add3A_1197 = arith.addf %add3A_1174, %mul3A_1196 : vector<16xf32>
          %get3A_1198 = arith.index_cast %scan3A_1057 : i32 to index
          %get3A_1199 = arith.constant 96 : index
          %get3A_1200 = tpu.vector_load %arg17[%get3A_1198, %get3A_1199] {strides = array<i32>} : memref<40x128xf32, #tpu.memory_space<vmem>>, vector<1x16xf32>,
          %get3A_1201 = vector.shape_cast %get3A_1200 : vector<1x16xf32> to vector<16xf32>
          %get3A_1202 = arith.index_cast %scan3A_1057 : i32 to index
          %get3A_1203 = arith.constant 96 : index
          %get3A_1204 = tpu.vector_load %arg18[%get3A_1202, %get3A_1203] {strides = array<i32>} : memref<40x128xf32, #tpu.memory_space<vmem>>, vector<1x16xf32>,
          %get3A_1205 = vector.shape_cast %get3A_1204 : vector<1x16xf32> to vector<16xf32>
          %add3A_1206 = arith.addf %get3A_1201, %get3A_1205 : vector<16xf32>
          %get3A_1207 = arith.index_cast %scan3A_1057 : i32 to index
          %get3A_1208 = arith.constant 96 : index
          %get3A_1209 = tpu.vector_load %arg19[%get3A_1207, %get3A_1208] {strides = array<i32>} : memref<40x128xf32, #tpu.memory_space<vmem>>, vector<1x16xf32>,
          %get3A_1210 = vector.shape_cast %get3A_1209 : vector<1x16xf32> to vector<16xf32>
          %add3A_1211 = arith.addf %add3A_1206, %get3A_1210 : vector<16xf32>
          %mul3A_1212 = arith.constant 2.000000e-01 : f32
          %mul3A_1213 = vector.broadcast %mul3A_1212 : f32 to vector<16xf32>
          %mul3A_1214 = arith.mulf %mul3A_1213, %add3A_1211 : vector<16xf32>
          %max3A_1215 = arith.maximumf %add3A_1211, %mul3A_1214 : vector<16xf32>
          %get3A_1216 = arith.constant 96 : index
          %get3A_1217 = tpu.vector_load %arg12[%get3A_1216] {strides = array<i32>} : memref<128xf32, #tpu.memory_space<vmem>>, vector<16xf32>,
          %get3A_1218 = vector.shape_cast %get3A_1217 : vector<16xf32> to vector<16xf32>
          %mul3A_1219 = arith.mulf %max3A_1215, %get3A_1218 : vector<16xf32>
          %add3A_1220 = arith.addf %add3A_1197, %mul3A_1219 : vector<16xf32>
          %get3A_1221 = arith.index_cast %scan3A_1057 : i32 to index
          %get3A_1222 = arith.constant 112 : index
          %get3A_1223 = tpu.vector_load %arg17[%get3A_1221, %get3A_1222] {strides = array<i32>} : memref<40x128xf32, #tpu.memory_space<vmem>>, vector<1x16xf32>,
          %get3A_1224 = vector.shape_cast %get3A_1223 : vector<1x16xf32> to vector<16xf32>
          %get3A_1225 = arith.index_cast %scan3A_1057 : i32 to index
          %get3A_1226 = arith.constant 112 : index
          %get3A_1227 = tpu.vector_load %arg18[%get3A_1225, %get3A_1226] {strides = array<i32>} : memref<40x128xf32, #tpu.memory_space<vmem>>, vector<1x16xf32>,
          %get3A_1228 = vector.shape_cast %get3A_1227 : vector<1x16xf32> to vector<16xf32>
          %add3A_1229 = arith.addf %get3A_1224, %get3A_1228 : vector<16xf32>
          %get3A_1230 = arith.index_cast %scan3A_1057 : i32 to index
          %get3A_1231 = arith.constant 112 : index
          %get3A_1232 = tpu.vector_load %arg19[%get3A_1230, %get3A_1231] {strides = array<i32>} : memref<40x128xf32, #tpu.memory_space<vmem>>, vector<1x16xf32>,
          %get3A_1233 = vector.shape_cast %get3A_1232 : vector<1x16xf32> to vector<16xf32>
          %add3A_1234 = arith.addf %add3A_1229, %get3A_1233 : vector<16xf32>
          %mul3A_1235 = arith.constant 2.000000e-01 : f32
          %mul3A_1236 = vector.broadcast %mul3A_1235 : f32 to vector<16xf32>
          %mul3A_1237 = arith.mulf %mul3A_1236, %add3A_1234 : vector<16xf32>
          %max3A_1238 = arith.maximumf %add3A_1234, %mul3A_1237 : vector<16xf32>
          %get3A_1239 = arith.constant 112 : index
          %get3A_1240 = tpu.vector_load %arg12[%get3A_1239] {strides = array<i32>} : memref<128xf32, #tpu.memory_space<vmem>>, vector<16xf32>,
          %get3A_1241 = vector.shape_cast %get3A_1240 : vector<16xf32> to vector<16xf32>
          %mul3A_1242 = arith.mulf %max3A_1238, %get3A_1241 : vector<16xf32>
          %add3A_1243 = arith.addf %add3A_1220, %mul3A_1242 : vector<16xf32>
          %iota3A_1244 = tpu.iota {dimensions = array<i32: 0>} : vector<16xi32>
          %xor3A = arith.constant 8 : i32
          %xor3A_1245 = vector.broadcast %xor3A : i32 to vector<16xi32>
          %xor3A_1246 = arith.xori %iota3A_1244, %xor3A_1245 : vector<16xi32>
          %lt3A_1247 = arith.constant 0 : i32
          %lt3A_1248 = vector.broadcast %lt3A_1247 : i32 to vector<16xi32>
          %lt3A_1249 = arith.cmpi slt, %xor3A_1246, %lt3A_1248 : vector<16xi32>
          %add3A_1250 = arith.constant 16 : i32
          %add3A_1251 = vector.broadcast %add3A_1250 : i32 to vector<16xi32>
          %add3A_1252 = arith.addi %xor3A_1246, %add3A_1251 : vector<16xi32>
          %select_n3A_1253 = arith.select %lt3A_1249, %add3A_1252, %xor3A_1246 : vector<16xi1>, vector<16xi32>
          %broadcast_in_dim3A_1254 = vector.shape_cast %select_n3A_1253 : vector<16xi32> to vector<16x1xi32>
          %gather3A = vector.shape_cast %broadcast_in_dim3A_1254 : vector<16x1xi32> to vector<16xi32>
          %gather3A_1255 = tpu.dynamic_gather %add3A_1243[%gather3A] in [0] : vector<16xf32>, vector<16xi32> -> vector<16xf32>
          %add3A_1256 = arith.addf %add3A_1243, %gather3A_1255 : vector<16xf32>
          %iota3A_1257 = tpu.iota {dimensions = array<i32: 0>} : vector<16xi32>
          %xor3A_1258 = arith.constant 4 : i32
          %xor3A_1259 = vector.broadcast %xor3A_1258 : i32 to vector<16xi32>
          %xor3A_1260 = arith.xori %iota3A_1257, %xor3A_1259 : vector<16xi32>
          %lt3A_1261 = arith.constant 0 : i32
          %lt3A_1262 = vector.broadcast %lt3A_1261 : i32 to vector<16xi32>
          %lt3A_1263 = arith.cmpi slt, %xor3A_1260, %lt3A_1262 : vector<16xi32>
          %add3A_1264 = arith.constant 16 : i32
          %add3A_1265 = vector.broadcast %add3A_1264 : i32 to vector<16xi32>
          %add3A_1266 = arith.addi %xor3A_1260, %add3A_1265 : vector<16xi32>
          %select_n3A_1267 = arith.select %lt3A_1263, %add3A_1266, %xor3A_1260 : vector<16xi1>, vector<16xi32>
          %broadcast_in_dim3A_1268 = vector.shape_cast %select_n3A_1267 : vector<16xi32> to vector<16x1xi32>
          %gather3A_1269 = vector.shape_cast %broadcast_in_dim3A_1268 : vector<16x1xi32> to vector<16xi32>
          %gather3A_1270 = tpu.dynamic_gather %add3A_1256[%gather3A_1269] in [0] : vector<16xf32>, vector<16xi32> -> vector<16xf32>
          %add3A_1271 = arith.addf %add3A_1256, %gather3A_1270 : vector<16xf32>
          %iota3A_1272 = tpu.iota {dimensions = array<i32: 0>} : vector<16xi32>
          %xor3A_1273 = arith.constant 2 : i32
          %xor3A_1274 = vector.broadcast %xor3A_1273 : i32 to vector<16xi32>
          %xor3A_1275 = arith.xori %iota3A_1272, %xor3A_1274 : vector<16xi32>
          %lt3A_1276 = arith.constant 0 : i32
          %lt3A_1277 = vector.broadcast %lt3A_1276 : i32 to vector<16xi32>
          %lt3A_1278 = arith.cmpi slt, %xor3A_1275, %lt3A_1277 : vector<16xi32>
          %add3A_1279 = arith.constant 16 : i32
          %add3A_1280 = vector.broadcast %add3A_1279 : i32 to vector<16xi32>
          %add3A_1281 = arith.addi %xor3A_1275, %add3A_1280 : vector<16xi32>
          %select_n3A_1282 = arith.select %lt3A_1278, %add3A_1281, %xor3A_1275 : vector<16xi1>, vector<16xi32>
          %broadcast_in_dim3A_1283 = vector.shape_cast %select_n3A_1282 : vector<16xi32> to vector<16x1xi32>
          %gather3A_1284 = vector.shape_cast %broadcast_in_dim3A_1283 : vector<16x1xi32> to vector<16xi32>
          %gather3A_1285 = tpu.dynamic_gather %add3A_1271[%gather3A_1284] in [0] : vector<16xf32>, vector<16xi32> -> vector<16xf32>
          %add3A_1286 = arith.addf %add3A_1271, %gather3A_1285 : vector<16xf32>
          %iota3A_1287 = tpu.iota {dimensions = array<i32: 0>} : vector<16xi32>
          %xor3A_1288 = arith.constant 1 : i32
          %xor3A_1289 = vector.broadcast %xor3A_1288 : i32 to vector<16xi32>
          %xor3A_1290 = arith.xori %iota3A_1287, %xor3A_1289 : vector<16xi32>
          %lt3A_1291 = arith.constant 0 : i32
          %lt3A_1292 = vector.broadcast %lt3A_1291 : i32 to vector<16xi32>
          %lt3A_1293 = arith.cmpi slt, %xor3A_1290, %lt3A_1292 : vector<16xi32>
          %add3A_1294 = arith.constant 16 : i32
          %add3A_1295 = vector.broadcast %add3A_1294 : i32 to vector<16xi32>
          %add3A_1296 = arith.addi %xor3A_1290, %add3A_1295 : vector<16xi32>
          %select_n3A_1297 = arith.select %lt3A_1293, %add3A_1296, %xor3A_1290 : vector<16xi1>, vector<16xi32>
          %broadcast_in_dim3A_1298 = vector.shape_cast %select_n3A_1297 : vector<16xi32> to vector<16x1xi32>
          %gather3A_1299 = vector.shape_cast %broadcast_in_dim3A_1298 : vector<16x1xi32> to vector<16xi32>
          %gather3A_1300 = tpu.dynamic_gather %add3A_1286[%gather3A_1299] in [0] : vector<16xf32>, vector<16xi32> -> vector<16xf32>
          %add3A_1301 = arith.addf %add3A_1286, %gather3A_1300 : vector<16xf32>
          %exp3A = math.exp %add3A_1301 : vector<16xf32>
          %swap3A_1302 = arith.index_cast %scan3A_1057 : i32 to index
          %swap3A_1303 = arith.constant 0 : index
          %swap3A_1304 = tpu.vector_load %arg20[%swap3A_1302, %swap3A_1303] {strides = array<i32>} : memref<40x16xf32, #tpu.memory_space<vmem>>, vector<1x16xf32>,
          %swap3A_1305 = vector.shape_cast %swap3A_1304 : vector<1x16xf32> to vector<16xf32>
          %swap3A_1306 = vector.shape_cast %exp3A : vector<16xf32> to vector<1x16xf32>
          tpu.vector_store %arg20[%swap3A_1302, %swap3A_1303], %swap3A_1306 {strides = array<i32>} : memref<40x16xf32, #tpu.memory_space<vmem>>, vector<1x16xf32>,
          %get3A_1307 = arith.index_cast %scan3A_1057 : i32 to index
          %get3A_1308 = arith.constant 0 : index
          %get3A_1309 = tpu.vector_load %arg17[%get3A_1307, %get3A_1308] {strides = array<i32>} : memref<40x128xf32, #tpu.memory_space<vmem>>, vector<1x16xf32>,
          %get3A_1310 = vector.shape_cast %get3A_1309 : vector<1x16xf32> to vector<16xf32>
          %mul3A_1311 = arith.mulf %exp3A, %get3A_1310 : vector<16xf32>
          %swap3A_1312 = arith.index_cast %scan3A_1057 : i32 to index
          %swap3A_1313 = arith.constant 0 : index
          %swap3A_1314 = tpu.vector_load %arg17[%swap3A_1312, %swap3A_1313] {strides = array<i32>} : memref<40x128xf32, #tpu.memory_space<vmem>>, vector<1x16xf32>,
          %swap3A_1315 = vector.shape_cast %swap3A_1314 : vector<1x16xf32> to vector<16xf32>
          %swap3A_1316 = vector.shape_cast %mul3A_1311 : vector<16xf32> to vector<1x16xf32>
          tpu.vector_store %arg17[%swap3A_1312, %swap3A_1313], %swap3A_1316 {strides = array<i32>} : memref<40x128xf32, #tpu.memory_space<vmem>>, vector<1x16xf32>,
          %get3A_1317 = arith.index_cast %scan3A_1057 : i32 to index
          %get3A_1318 = arith.constant 16 : index
          %get3A_1319 = tpu.vector_load %arg17[%get3A_1317, %get3A_1318] {strides = array<i32>} : memref<40x128xf32, #tpu.memory_space<vmem>>, vector<1x16xf32>,
          %get3A_1320 = vector.shape_cast %get3A_1319 : vector<1x16xf32> to vector<16xf32>
          %mul3A_1321 = arith.mulf %exp3A, %get3A_1320 : vector<16xf32>
          %swap3A_1322 = arith.index_cast %scan3A_1057 : i32 to index
          %swap3A_1323 = arith.constant 16 : index
          %swap3A_1324 = tpu.vector_load %arg17[%swap3A_1322, %swap3A_1323] {strides = array<i32>} : memref<40x128xf32, #tpu.memory_space<vmem>>, vector<1x16xf32>,
          %swap3A_1325 = vector.shape_cast %swap3A_1324 : vector<1x16xf32> to vector<16xf32>
          %swap3A_1326 = vector.shape_cast %mul3A_1321 : vector<16xf32> to vector<1x16xf32>
          tpu.vector_store %arg17[%swap3A_1322, %swap3A_1323], %swap3A_1326 {strides = array<i32>} : memref<40x128xf32, #tpu.memory_space<vmem>>, vector<1x16xf32>,
          %get3A_1327 = arith.index_cast %scan3A_1057 : i32 to index
          %get3A_1328 = arith.constant 32 : index
          %get3A_1329 = tpu.vector_load %arg17[%get3A_1327, %get3A_1328] {strides = array<i32>} : memref<40x128xf32, #tpu.memory_space<vmem>>, vector<1x16xf32>,
          %get3A_1330 = vector.shape_cast %get3A_1329 : vector<1x16xf32> to vector<16xf32>
          %mul3A_1331 = arith.mulf %exp3A, %get3A_1330 : vector<16xf32>
          %swap3A_1332 = arith.index_cast %scan3A_1057 : i32 to index
          %swap3A_1333 = arith.constant 32 : index
          %swap3A_1334 = tpu.vector_load %arg17[%swap3A_1332, %swap3A_1333] {strides = array<i32>} : memref<40x128xf32, #tpu.memory_space<vmem>>, vector<1x16xf32>,
          %swap3A_1335 = vector.shape_cast %swap3A_1334 : vector<1x16xf32> to vector<16xf32>
          %swap3A_1336 = vector.shape_cast %mul3A_1331 : vector<16xf32> to vector<1x16xf32>
          tpu.vector_store %arg17[%swap3A_1332, %swap3A_1333], %swap3A_1336 {strides = array<i32>} : memref<40x128xf32, #tpu.memory_space<vmem>>, vector<1x16xf32>,
          %get3A_1337 = arith.index_cast %scan3A_1057 : i32 to index
          %get3A_1338 = arith.constant 48 : index
          %get3A_1339 = tpu.vector_load %arg17[%get3A_1337, %get3A_1338] {strides = array<i32>} : memref<40x128xf32, #tpu.memory_space<vmem>>, vector<1x16xf32>,
          %get3A_1340 = vector.shape_cast %get3A_1339 : vector<1x16xf32> to vector<16xf32>
          %mul3A_1341 = arith.mulf %exp3A, %get3A_1340 : vector<16xf32>
          %swap3A_1342 = arith.index_cast %scan3A_1057 : i32 to index
          %swap3A_1343 = arith.constant 48 : index
          %swap3A_1344 = tpu.vector_load %arg17[%swap3A_1342, %swap3A_1343] {strides = array<i32>} : memref<40x128xf32, #tpu.memory_space<vmem>>, vector<1x16xf32>,
          %swap3A_1345 = vector.shape_cast %swap3A_1344 : vector<1x16xf32> to vector<16xf32>
          %swap3A_1346 = vector.shape_cast %mul3A_1341 : vector<16xf32> to vector<1x16xf32>
          tpu.vector_store %arg17[%swap3A_1342, %swap3A_1343], %swap3A_1346 {strides = array<i32>} : memref<40x128xf32, #tpu.memory_space<vmem>>, vector<1x16xf32>,
          %get3A_1347 = arith.index_cast %scan3A_1057 : i32 to index
          %get3A_1348 = arith.constant 64 : index
          %get3A_1349 = tpu.vector_load %arg17[%get3A_1347, %get3A_1348] {strides = array<i32>} : memref<40x128xf32, #tpu.memory_space<vmem>>, vector<1x16xf32>,
          %get3A_1350 = vector.shape_cast %get3A_1349 : vector<1x16xf32> to vector<16xf32>
          %mul3A_1351 = arith.mulf %exp3A, %get3A_1350 : vector<16xf32>
          %swap3A_1352 = arith.index_cast %scan3A_1057 : i32 to index
          %swap3A_1353 = arith.constant 64 : index
          %swap3A_1354 = tpu.vector_load %arg17[%swap3A_1352, %swap3A_1353] {strides = array<i32>} : memref<40x128xf32, #tpu.memory_space<vmem>>, vector<1x16xf32>,
          %swap3A_1355 = vector.shape_cast %swap3A_1354 : vector<1x16xf32> to vector<16xf32>
          %swap3A_1356 = vector.shape_cast %mul3A_1351 : vector<16xf32> to vector<1x16xf32>
          tpu.vector_store %arg17[%swap3A_1352, %swap3A_1353], %swap3A_1356 {strides = array<i32>} : memref<40x128xf32, #tpu.memory_space<vmem>>, vector<1x16xf32>,
          %get3A_1357 = arith.index_cast %scan3A_1057 : i32 to index
          %get3A_1358 = arith.constant 80 : index
          %get3A_1359 = tpu.vector_load %arg17[%get3A_1357, %get3A_1358] {strides = array<i32>} : memref<40x128xf32, #tpu.memory_space<vmem>>, vector<1x16xf32>,
          %get3A_1360 = vector.shape_cast %get3A_1359 : vector<1x16xf32> to vector<16xf32>
          %mul3A_1361 = arith.mulf %exp3A, %get3A_1360 : vector<16xf32>
          %swap3A_1362 = arith.index_cast %scan3A_1057 : i32 to index
          %swap3A_1363 = arith.constant 80 : index
          %swap3A_1364 = tpu.vector_load %arg17[%swap3A_1362, %swap3A_1363] {strides = array<i32>} : memref<40x128xf32, #tpu.memory_space<vmem>>, vector<1x16xf32>,
          %swap3A_1365 = vector.shape_cast %swap3A_1364 : vector<1x16xf32> to vector<16xf32>
          %swap3A_1366 = vector.shape_cast %mul3A_1361 : vector<16xf32> to vector<1x16xf32>
          tpu.vector_store %arg17[%swap3A_1362, %swap3A_1363], %swap3A_1366 {strides = array<i32>} : memref<40x128xf32, #tpu.memory_space<vmem>>, vector<1x16xf32>,
          %get3A_1367 = arith.index_cast %scan3A_1057 : i32 to index
          %get3A_1368 = arith.constant 96 : index
          %get3A_1369 = tpu.vector_load %arg17[%get3A_1367, %get3A_1368] {strides = array<i32>} : memref<40x128xf32, #tpu.memory_space<vmem>>, vector<1x16xf32>,
          %get3A_1370 = vector.shape_cast %get3A_1369 : vector<1x16xf32> to vector<16xf32>
          %mul3A_1371 = arith.mulf %exp3A, %get3A_1370 : vector<16xf32>
          %swap3A_1372 = arith.index_cast %scan3A_1057 : i32 to index
          %swap3A_1373 = arith.constant 96 : index
          %swap3A_1374 = tpu.vector_load %arg17[%swap3A_1372, %swap3A_1373] {strides = array<i32>} : memref<40x128xf32, #tpu.memory_space<vmem>>, vector<1x16xf32>,
          %swap3A_1375 = vector.shape_cast %swap3A_1374 : vector<1x16xf32> to vector<16xf32>
          %swap3A_1376 = vector.shape_cast %mul3A_1371 : vector<16xf32> to vector<1x16xf32>
          tpu.vector_store %arg17[%swap3A_1372, %swap3A_1373], %swap3A_1376 {strides = array<i32>} : memref<40x128xf32, #tpu.memory_space<vmem>>, vector<1x16xf32>,
          %get3A_1377 = arith.index_cast %scan3A_1057 : i32 to index
          %get3A_1378 = arith.constant 112 : index
          %get3A_1379 = tpu.vector_load %arg17[%get3A_1377, %get3A_1378] {strides = array<i32>} : memref<40x128xf32, #tpu.memory_space<vmem>>, vector<1x16xf32>,
          %get3A_1380 = vector.shape_cast %get3A_1379 : vector<1x16xf32> to vector<16xf32>
          %mul3A_1381 = arith.mulf %exp3A, %get3A_1380 : vector<16xf32>
          %swap3A_1382 = arith.index_cast %scan3A_1057 : i32 to index
          %swap3A_1383 = arith.constant 112 : index
          %swap3A_1384 = tpu.vector_load %arg17[%swap3A_1382, %swap3A_1383] {strides = array<i32>} : memref<40x128xf32, #tpu.memory_space<vmem>>, vector<1x16xf32>,
          %swap3A_1385 = vector.shape_cast %swap3A_1384 : vector<1x16xf32> to vector<16xf32>
          %swap3A_1386 = vector.shape_cast %mul3A_1381 : vector<16xf32> to vector<1x16xf32>
          tpu.vector_store %arg17[%swap3A_1382, %swap3A_1383], %swap3A_1386 {strides = array<i32>} : memref<40x128xf32, #tpu.memory_space<vmem>>, vector<1x16xf32>,
          %scan3A_1387 = arith.constant 0 : i32
          scf.yield %scan3A_1387 : i32
        }
        %scan3A_170 = arith.constant 40 : i32
        %iota3A = tpu.iota {dimensions = array<i32: 0>} : vector<16xi32>
        %get3A_171 = arith.constant 0 : index
        %get3A_172 = tpu.vector_load %arg15[%get3A_171] {strides = array<i32>} : memref<40xi32, #tpu.memory_space<vmem>>, vector<16xi32>,
        %get3A_173 = vector.shape_cast %get3A_172 : vector<16xi32> to vector<16xi32>
        %and3A_174 = arith.constant 7 : i32
        %and3A_175 = vector.broadcast %and3A_174 : i32 to vector<16xi32>
        %and3A_176 = arith.andi %get3A_173, %and3A_175 : vector<16xi32>
        %slice3A = vector.extract_strided_slice %and3A_176 {offsets = [0], sizes = [1], strides = [1]} : vector<16xi32> to vector<1xi32>
        %squeeze3A = vector.extract %slice3A[0] : i32 from vector<1xi32>
        %eq3A_177 = vector.broadcast %squeeze3A : i32 to vector<16xi32>
        %eq3A_178 = arith.cmpi eq, %iota3A, %eq3A_177 : vector<16xi32>
        %get3A_179 = arith.constant 0 : i32
        %get3A_180 = arith.index_cast %get3A_179 : i32 to index
        %get3A_181 = arith.constant 0 : index
        %get3A_182 = tpu.vector_load %arg20[%get3A_180, %get3A_181] {strides = array<i32>} : memref<40x16xf32, #tpu.memory_space<vmem>>, vector<1x16xf32>,
        %get3A_183 = vector.shape_cast %get3A_182 : vector<1x16xf32> to vector<16xf32>
        %jit3A_184 = arith.constant 0.000000e+00 : f32
        %broadcast_in_dim3A = vector.broadcast %jit3A_184 : f32 to vector<16xf32>
        %select_n3A_185 = arith.select %eq3A_178, %get3A_183, %broadcast_in_dim3A : vector<16xi1>, vector<16xf32>
        %swap3A_186 = arith.constant 0 : i32
        %swap3A_187 = arith.index_cast %swap3A_186 : i32 to index
        %swap3A_188 = arith.constant 0 : index
        %swap3A_189 = tpu.vector_load %arg21[%swap3A_187, %swap3A_188] {strides = array<i32>} : memref<40x128xf32, #tpu.memory_space<vmem>>, vector<1x16xf32>,
        %swap3A_190 = vector.shape_cast %swap3A_189 : vector<1x16xf32> to vector<16xf32>
        %swap3A_191 = vector.shape_cast %select_n3A_185 : vector<16xf32> to vector<1x16xf32>
        tpu.vector_store %arg21[%swap3A_187, %swap3A_188], %swap3A_191 {strides = array<i32>} : memref<40x128xf32, #tpu.memory_space<vmem>>, vector<1x16xf32>,
        %slice3A_192 = vector.extract_strided_slice %and3A_176 {offsets = [1], sizes = [1], strides = [1]} : vector<16xi32> to vector<1xi32>
        %squeeze3A_193 = vector.extract %slice3A_192[0] : i32 from vector<1xi32>
        %eq3A_194 = vector.broadcast %squeeze3A_193 : i32 to vector<16xi32>
        %eq3A_195 = arith.cmpi eq, %iota3A, %eq3A_194 : vector<16xi32>
        %get3A_196 = arith.constant 1 : i32
        %get3A_197 = arith.index_cast %get3A_196 : i32 to index
        %get3A_198 = arith.constant 0 : index
        %get3A_199 = tpu.vector_load %arg20[%get3A_197, %get3A_198] {strides = array<i32>} : memref<40x16xf32, #tpu.memory_space<vmem>>, vector<1x16xf32>,
        %get3A_200 = vector.shape_cast %get3A_199 : vector<1x16xf32> to vector<16xf32>
        %jit3A_201 = arith.constant 0.000000e+00 : f32
        %broadcast_in_dim3A_202 = vector.broadcast %jit3A_201 : f32 to vector<16xf32>
        %select_n3A_203 = arith.select %eq3A_195, %get3A_200, %broadcast_in_dim3A_202 : vector<16xi1>, vector<16xf32>
        %swap3A_204 = arith.constant 1 : i32
        %swap3A_205 = arith.index_cast %swap3A_204 : i32 to index
        %swap3A_206 = arith.constant 0 : index
        %swap3A_207 = tpu.vector_load %arg21[%swap3A_205, %swap3A_206] {strides = array<i32>} : memref<40x128xf32, #tpu.memory_space<vmem>>, vector<1x16xf32>,
        %swap3A_208 = vector.shape_cast %swap3A_207 : vector<1x16xf32> to vector<16xf32>
        %swap3A_209 = vector.shape_cast %select_n3A_203 : vector<16xf32> to vector<1x16xf32>
        tpu.vector_store %arg21[%swap3A_205, %swap3A_206], %swap3A_209 {strides = array<i32>} : memref<40x128xf32, #tpu.memory_space<vmem>>, vector<1x16xf32>,
        %slice3A_210 = vector.extract_strided_slice %and3A_176 {offsets = [2], sizes = [1], strides = [1]} : vector<16xi32> to vector<1xi32>
        %squeeze3A_211 = vector.extract %slice3A_210[0] : i32 from vector<1xi32>
        %eq3A_212 = vector.broadcast %squeeze3A_211 : i32 to vector<16xi32>
        %eq3A_213 = arith.cmpi eq, %iota3A, %eq3A_212 : vector<16xi32>
        %get3A_214 = arith.constant 2 : i32
        %get3A_215 = arith.index_cast %get3A_214 : i32 to index
        %get3A_216 = arith.constant 0 : index
        %get3A_217 = tpu.vector_load %arg20[%get3A_215, %get3A_216] {strides = array<i32>} : memref<40x16xf32, #tpu.memory_space<vmem>>, vector<1x16xf32>,
        %get3A_218 = vector.shape_cast %get3A_217 : vector<1x16xf32> to vector<16xf32>
        %jit3A_219 = arith.constant 0.000000e+00 : f32
        %broadcast_in_dim3A_220 = vector.broadcast %jit3A_219 : f32 to vector<16xf32>
        %select_n3A_221 = arith.select %eq3A_213, %get3A_218, %broadcast_in_dim3A_220 : vector<16xi1>, vector<16xf32>
        %swap3A_222 = arith.constant 2 : i32
        %swap3A_223 = arith.index_cast %swap3A_222 : i32 to index
        %swap3A_224 = arith.constant 0 : index
        %swap3A_225 = tpu.vector_load %arg21[%swap3A_223, %swap3A_224] {strides = array<i32>} : memref<40x128xf32, #tpu.memory_space<vmem>>, vector<1x16xf32>,
        %swap3A_226 = vector.shape_cast %swap3A_225 : vector<1x16xf32> to vector<16xf32>
        %swap3A_227 = vector.shape_cast %select_n3A_221 : vector<16xf32> to vector<1x16xf32>
        tpu.vector_store %arg21[%swap3A_223, %swap3A_224], %swap3A_227 {strides = array<i32>} : memref<40x128xf32, #tpu.memory_space<vmem>>, vector<1x16xf32>,
        %slice3A_228 = vector.extract_strided_slice %and3A_176 {offsets = [3], sizes = [1], strides = [1]} : vector<16xi32> to vector<1xi32>
        %squeeze3A_229 = vector.extract %slice3A_228[0] : i32 from vector<1xi32>
        %eq3A_230 = vector.broadcast %squeeze3A_229 : i32 to vector<16xi32>
        %eq3A_231 = arith.cmpi eq, %iota3A, %eq3A_230 : vector<16xi32>
        %get3A_232 = arith.constant 3 : i32
        %get3A_233 = arith.index_cast %get3A_232 : i32 to index
        %get3A_234 = arith.constant 0 : index
        %get3A_235 = tpu.vector_load %arg20[%get3A_233, %get3A_234] {strides = array<i32>} : memref<40x16xf32, #tpu.memory_space<vmem>>, vector<1x16xf32>,
        %get3A_236 = vector.shape_cast %get3A_235 : vector<1x16xf32> to vector<16xf32>
        %jit3A_237 = arith.constant 0.000000e+00 : f32
        %broadcast_in_dim3A_238 = vector.broadcast %jit3A_237 : f32 to vector<16xf32>
        %select_n3A_239 = arith.select %eq3A_231, %get3A_236, %broadcast_in_dim3A_238 : vector<16xi1>, vector<16xf32>
        %swap3A_240 = arith.constant 3 : i32
        %swap3A_241 = arith.index_cast %swap3A_240 : i32 to index
        %swap3A_242 = arith.constant 0 : index
        %swap3A_243 = tpu.vector_load %arg21[%swap3A_241, %swap3A_242] {strides = array<i32>} : memref<40x128xf32, #tpu.memory_space<vmem>>, vector<1x16xf32>,
        %swap3A_244 = vector.shape_cast %swap3A_243 : vector<1x16xf32> to vector<16xf32>
        %swap3A_245 = vector.shape_cast %select_n3A_239 : vector<16xf32> to vector<1x16xf32>
        tpu.vector_store %arg21[%swap3A_241, %swap3A_242], %swap3A_245 {strides = array<i32>} : memref<40x128xf32, #tpu.memory_space<vmem>>, vector<1x16xf32>,
        %slice3A_246 = vector.extract_strided_slice %and3A_176 {offsets = [4], sizes = [1], strides = [1]} : vector<16xi32> to vector<1xi32>
        %squeeze3A_247 = vector.extract %slice3A_246[0] : i32 from vector<1xi32>
        %eq3A_248 = vector.broadcast %squeeze3A_247 : i32 to vector<16xi32>
        %eq3A_249 = arith.cmpi eq, %iota3A, %eq3A_248 : vector<16xi32>
        %get3A_250 = arith.constant 4 : i32
        %get3A_251 = arith.index_cast %get3A_250 : i32 to index
        %get3A_252 = arith.constant 0 : index
        %get3A_253 = tpu.vector_load %arg20[%get3A_251, %get3A_252] {strides = array<i32>} : memref<40x16xf32, #tpu.memory_space<vmem>>, vector<1x16xf32>,
        %get3A_254 = vector.shape_cast %get3A_253 : vector<1x16xf32> to vector<16xf32>
        %jit3A_255 = arith.constant 0.000000e+00 : f32
        %broadcast_in_dim3A_256 = vector.broadcast %jit3A_255 : f32 to vector<16xf32>
        %select_n3A_257 = arith.select %eq3A_249, %get3A_254, %broadcast_in_dim3A_256 : vector<16xi1>, vector<16xf32>
        %swap3A_258 = arith.constant 4 : i32
        %swap3A_259 = arith.index_cast %swap3A_258 : i32 to index
        %swap3A_260 = arith.constant 0 : index
        %swap3A_261 = tpu.vector_load %arg21[%swap3A_259, %swap3A_260] {strides = array<i32>} : memref<40x128xf32, #tpu.memory_space<vmem>>, vector<1x16xf32>,
        %swap3A_262 = vector.shape_cast %swap3A_261 : vector<1x16xf32> to vector<16xf32>
        %swap3A_263 = vector.shape_cast %select_n3A_257 : vector<16xf32> to vector<1x16xf32>
        tpu.vector_store %arg21[%swap3A_259, %swap3A_260], %swap3A_263 {strides = array<i32>} : memref<40x128xf32, #tpu.memory_space<vmem>>, vector<1x16xf32>,
        %slice3A_264 = vector.extract_strided_slice %and3A_176 {offsets = [5], sizes = [1], strides = [1]} : vector<16xi32> to vector<1xi32>
        %squeeze3A_265 = vector.extract %slice3A_264[0] : i32 from vector<1xi32>
        %eq3A_266 = vector.broadcast %squeeze3A_265 : i32 to vector<16xi32>
        %eq3A_267 = arith.cmpi eq, %iota3A, %eq3A_266 : vector<16xi32>
        %get3A_268 = arith.constant 5 : i32
        %get3A_269 = arith.index_cast %get3A_268 : i32 to index
        %get3A_270 = arith.constant 0 : index
        %get3A_271 = tpu.vector_load %arg20[%get3A_269, %get3A_270] {strides = array<i32>} : memref<40x16xf32, #tpu.memory_space<vmem>>, vector<1x16xf32>,
        %get3A_272 = vector.shape_cast %get3A_271 : vector<1x16xf32> to vector<16xf32>
        %jit3A_273 = arith.constant 0.000000e+00 : f32
        %broadcast_in_dim3A_274 = vector.broadcast %jit3A_273 : f32 to vector<16xf32>
        %select_n3A_275 = arith.select %eq3A_267, %get3A_272, %broadcast_in_dim3A_274 : vector<16xi1>, vector<16xf32>
        %swap3A_276 = arith.constant 5 : i32
        %swap3A_277 = arith.index_cast %swap3A_276 : i32 to index
        %swap3A_278 = arith.constant 0 : index
        %swap3A_279 = tpu.vector_load %arg21[%swap3A_277, %swap3A_278] {strides = array<i32>} : memref<40x128xf32, #tpu.memory_space<vmem>>, vector<1x16xf32>,
        %swap3A_280 = vector.shape_cast %swap3A_279 : vector<1x16xf32> to vector<16xf32>
        %swap3A_281 = vector.shape_cast %select_n3A_275 : vector<16xf32> to vector<1x16xf32>
        tpu.vector_store %arg21[%swap3A_277, %swap3A_278], %swap3A_281 {strides = array<i32>} : memref<40x128xf32, #tpu.memory_space<vmem>>, vector<1x16xf32>,
        %slice3A_282 = vector.extract_strided_slice %and3A_176 {offsets = [6], sizes = [1], strides = [1]} : vector<16xi32> to vector<1xi32>
        %squeeze3A_283 = vector.extract %slice3A_282[0] : i32 from vector<1xi32>
        %eq3A_284 = vector.broadcast %squeeze3A_283 : i32 to vector<16xi32>
        %eq3A_285 = arith.cmpi eq, %iota3A, %eq3A_284 : vector<16xi32>
        %get3A_286 = arith.constant 6 : i32
        %get3A_287 = arith.index_cast %get3A_286 : i32 to index
        %get3A_288 = arith.constant 0 : index
        %get3A_289 = tpu.vector_load %arg20[%get3A_287, %get3A_288] {strides = array<i32>} : memref<40x16xf32, #tpu.memory_space<vmem>>, vector<1x16xf32>,
        %get3A_290 = vector.shape_cast %get3A_289 : vector<1x16xf32> to vector<16xf32>
        %jit3A_291 = arith.constant 0.000000e+00 : f32
        %broadcast_in_dim3A_292 = vector.broadcast %jit3A_291 : f32 to vector<16xf32>
        %select_n3A_293 = arith.select %eq3A_285, %get3A_290, %broadcast_in_dim3A_292 : vector<16xi1>, vector<16xf32>
        %swap3A_294 = arith.constant 6 : i32
        %swap3A_295 = arith.index_cast %swap3A_294 : i32 to index
        %swap3A_296 = arith.constant 0 : index
        %swap3A_297 = tpu.vector_load %arg21[%swap3A_295, %swap3A_296] {strides = array<i32>} : memref<40x128xf32, #tpu.memory_space<vmem>>, vector<1x16xf32>,
        %swap3A_298 = vector.shape_cast %swap3A_297 : vector<1x16xf32> to vector<16xf32>
        %swap3A_299 = vector.shape_cast %select_n3A_293 : vector<16xf32> to vector<1x16xf32>
        tpu.vector_store %arg21[%swap3A_295, %swap3A_296], %swap3A_299 {strides = array<i32>} : memref<40x128xf32, #tpu.memory_space<vmem>>, vector<1x16xf32>,
        %slice3A_300 = vector.extract_strided_slice %and3A_176 {offsets = [7], sizes = [1], strides = [1]} : vector<16xi32> to vector<1xi32>
        %squeeze3A_301 = vector.extract %slice3A_300[0] : i32 from vector<1xi32>
        %eq3A_302 = vector.broadcast %squeeze3A_301 : i32 to vector<16xi32>
        %eq3A_303 = arith.cmpi eq, %iota3A, %eq3A_302 : vector<16xi32>
        %get3A_304 = arith.constant 7 : i32
        %get3A_305 = arith.index_cast %get3A_304 : i32 to index
        %get3A_306 = arith.constant 0 : index
        %get3A_307 = tpu.vector_load %arg20[%get3A_305, %get3A_306] {strides = array<i32>} : memref<40x16xf32, #tpu.memory_space<vmem>>, vector<1x16xf32>,
        %get3A_308 = vector.shape_cast %get3A_307 : vector<1x16xf32> to vector<16xf32>
        %jit3A_309 = arith.constant 0.000000e+00 : f32
        %broadcast_in_dim3A_310 = vector.broadcast %jit3A_309 : f32 to vector<16xf32>
        %select_n3A_311 = arith.select %eq3A_303, %get3A_308, %broadcast_in_dim3A_310 : vector<16xi1>, vector<16xf32>
        %swap3A_312 = arith.constant 7 : i32
        %swap3A_313 = arith.index_cast %swap3A_312 : i32 to index
        %swap3A_314 = arith.constant 0 : index
        %swap3A_315 = tpu.vector_load %arg21[%swap3A_313, %swap3A_314] {strides = array<i32>} : memref<40x128xf32, #tpu.memory_space<vmem>>, vector<1x16xf32>,
        %swap3A_316 = vector.shape_cast %swap3A_315 : vector<1x16xf32> to vector<16xf32>
        %swap3A_317 = vector.shape_cast %select_n3A_311 : vector<16xf32> to vector<1x16xf32>
        tpu.vector_store %arg21[%swap3A_313, %swap3A_314], %swap3A_317 {strides = array<i32>} : memref<40x128xf32, #tpu.memory_space<vmem>>, vector<1x16xf32>,
        %slice3A_318 = vector.extract_strided_slice %and3A_176 {offsets = [8], sizes = [1], strides = [1]} : vector<16xi32> to vector<1xi32>
        %squeeze3A_319 = vector.extract %slice3A_318[0] : i32 from vector<1xi32>
        %eq3A_320 = vector.broadcast %squeeze3A_319 : i32 to vector<16xi32>
        %eq3A_321 = arith.cmpi eq, %iota3A, %eq3A_320 : vector<16xi32>
        %get3A_322 = arith.constant 8 : i32
        %get3A_323 = arith.index_cast %get3A_322 : i32 to index
        %get3A_324 = arith.constant 0 : index
        %get3A_325 = tpu.vector_load %arg20[%get3A_323, %get3A_324] {strides = array<i32>} : memref<40x16xf32, #tpu.memory_space<vmem>>, vector<1x16xf32>,
        %get3A_326 = vector.shape_cast %get3A_325 : vector<1x16xf32> to vector<16xf32>
        %jit3A_327 = arith.constant 0.000000e+00 : f32
        %broadcast_in_dim3A_328 = vector.broadcast %jit3A_327 : f32 to vector<16xf32>
        %select_n3A_329 = arith.select %eq3A_321, %get3A_326, %broadcast_in_dim3A_328 : vector<16xi1>, vector<16xf32>
        %swap3A_330 = arith.constant 8 : i32
        %swap3A_331 = arith.index_cast %swap3A_330 : i32 to index
        %swap3A_332 = arith.constant 0 : index
        %swap3A_333 = tpu.vector_load %arg21[%swap3A_331, %swap3A_332] {strides = array<i32>} : memref<40x128xf32, #tpu.memory_space<vmem>>, vector<1x16xf32>,
        %swap3A_334 = vector.shape_cast %swap3A_333 : vector<1x16xf32> to vector<16xf32>
        %swap3A_335 = vector.shape_cast %select_n3A_329 : vector<16xf32> to vector<1x16xf32>
        tpu.vector_store %arg21[%swap3A_331, %swap3A_332], %swap3A_335 {strides = array<i32>} : memref<40x128xf32, #tpu.memory_space<vmem>>, vector<1x16xf32>,
        %slice3A_336 = vector.extract_strided_slice %and3A_176 {offsets = [9], sizes = [1], strides = [1]} : vector<16xi32> to vector<1xi32>
        %squeeze3A_337 = vector.extract %slice3A_336[0] : i32 from vector<1xi32>
        %eq3A_338 = vector.broadcast %squeeze3A_337 : i32 to vector<16xi32>
        %eq3A_339 = arith.cmpi eq, %iota3A, %eq3A_338 : vector<16xi32>
        %get3A_340 = arith.constant 9 : i32
        %get3A_341 = arith.index_cast %get3A_340 : i32 to index
        %get3A_342 = arith.constant 0 : index
        %get3A_343 = tpu.vector_load %arg20[%get3A_341, %get3A_342] {strides = array<i32>} : memref<40x16xf32, #tpu.memory_space<vmem>>, vector<1x16xf32>,
        %get3A_344 = vector.shape_cast %get3A_343 : vector<1x16xf32> to vector<16xf32>
        %jit3A_345 = arith.constant 0.000000e+00 : f32
        %broadcast_in_dim3A_346 = vector.broadcast %jit3A_345 : f32 to vector<16xf32>
        %select_n3A_347 = arith.select %eq3A_339, %get3A_344, %broadcast_in_dim3A_346 : vector<16xi1>, vector<16xf32>
        %swap3A_348 = arith.constant 9 : i32
        %swap3A_349 = arith.index_cast %swap3A_348 : i32 to index
        %swap3A_350 = arith.constant 0 : index
        %swap3A_351 = tpu.vector_load %arg21[%swap3A_349, %swap3A_350] {strides = array<i32>} : memref<40x128xf32, #tpu.memory_space<vmem>>, vector<1x16xf32>,
        %swap3A_352 = vector.shape_cast %swap3A_351 : vector<1x16xf32> to vector<16xf32>
        %swap3A_353 = vector.shape_cast %select_n3A_347 : vector<16xf32> to vector<1x16xf32>
        tpu.vector_store %arg21[%swap3A_349, %swap3A_350], %swap3A_353 {strides = array<i32>} : memref<40x128xf32, #tpu.memory_space<vmem>>, vector<1x16xf32>,
        %slice3A_354 = vector.extract_strided_slice %and3A_176 {offsets = [10], sizes = [1], strides = [1]} : vector<16xi32> to vector<1xi32>
        %squeeze3A_355 = vector.extract %slice3A_354[0] : i32 from vector<1xi32>
        %eq3A_356 = vector.broadcast %squeeze3A_355 : i32 to vector<16xi32>
        %eq3A_357 = arith.cmpi eq, %iota3A, %eq3A_356 : vector<16xi32>
        %get3A_358 = arith.constant 10 : i32
        %get3A_359 = arith.index_cast %get3A_358 : i32 to index
        %get3A_360 = arith.constant 0 : index
        %get3A_361 = tpu.vector_load %arg20[%get3A_359, %get3A_360] {strides = array<i32>} : memref<40x16xf32, #tpu.memory_space<vmem>>, vector<1x16xf32>,
        %get3A_362 = vector.shape_cast %get3A_361 : vector<1x16xf32> to vector<16xf32>
        %jit3A_363 = arith.constant 0.000000e+00 : f32
        %broadcast_in_dim3A_364 = vector.broadcast %jit3A_363 : f32 to vector<16xf32>
        %select_n3A_365 = arith.select %eq3A_357, %get3A_362, %broadcast_in_dim3A_364 : vector<16xi1>, vector<16xf32>
        %swap3A_366 = arith.constant 10 : i32
        %swap3A_367 = arith.index_cast %swap3A_366 : i32 to index
        %swap3A_368 = arith.constant 0 : index
        %swap3A_369 = tpu.vector_load %arg21[%swap3A_367, %swap3A_368] {strides = array<i32>} : memref<40x128xf32, #tpu.memory_space<vmem>>, vector<1x16xf32>,
        %swap3A_370 = vector.shape_cast %swap3A_369 : vector<1x16xf32> to vector<16xf32>
        %swap3A_371 = vector.shape_cast %select_n3A_365 : vector<16xf32> to vector<1x16xf32>
        tpu.vector_store %arg21[%swap3A_367, %swap3A_368], %swap3A_371 {strides = array<i32>} : memref<40x128xf32, #tpu.memory_space<vmem>>, vector<1x16xf32>,
        %slice3A_372 = vector.extract_strided_slice %and3A_176 {offsets = [11], sizes = [1], strides = [1]} : vector<16xi32> to vector<1xi32>
        %squeeze3A_373 = vector.extract %slice3A_372[0] : i32 from vector<1xi32>
        %eq3A_374 = vector.broadcast %squeeze3A_373 : i32 to vector<16xi32>
        %eq3A_375 = arith.cmpi eq, %iota3A, %eq3A_374 : vector<16xi32>
        %get3A_376 = arith.constant 11 : i32
        %get3A_377 = arith.index_cast %get3A_376 : i32 to index
        %get3A_378 = arith.constant 0 : index
        %get3A_379 = tpu.vector_load %arg20[%get3A_377, %get3A_378] {strides = array<i32>} : memref<40x16xf32, #tpu.memory_space<vmem>>, vector<1x16xf32>,
        %get3A_380 = vector.shape_cast %get3A_379 : vector<1x16xf32> to vector<16xf32>
        %jit3A_381 = arith.constant 0.000000e+00 : f32
        %broadcast_in_dim3A_382 = vector.broadcast %jit3A_381 : f32 to vector<16xf32>
        %select_n3A_383 = arith.select %eq3A_375, %get3A_380, %broadcast_in_dim3A_382 : vector<16xi1>, vector<16xf32>
        %swap3A_384 = arith.constant 11 : i32
        %swap3A_385 = arith.index_cast %swap3A_384 : i32 to index
        %swap3A_386 = arith.constant 0 : index
        %swap3A_387 = tpu.vector_load %arg21[%swap3A_385, %swap3A_386] {strides = array<i32>} : memref<40x128xf32, #tpu.memory_space<vmem>>, vector<1x16xf32>,
        %swap3A_388 = vector.shape_cast %swap3A_387 : vector<1x16xf32> to vector<16xf32>
        %swap3A_389 = vector.shape_cast %select_n3A_383 : vector<16xf32> to vector<1x16xf32>
        tpu.vector_store %arg21[%swap3A_385, %swap3A_386], %swap3A_389 {strides = array<i32>} : memref<40x128xf32, #tpu.memory_space<vmem>>, vector<1x16xf32>,
        %slice3A_390 = vector.extract_strided_slice %and3A_176 {offsets = [12], sizes = [1], strides = [1]} : vector<16xi32> to vector<1xi32>
        %squeeze3A_391 = vector.extract %slice3A_390[0] : i32 from vector<1xi32>
        %eq3A_392 = vector.broadcast %squeeze3A_391 : i32 to vector<16xi32>
        %eq3A_393 = arith.cmpi eq, %iota3A, %eq3A_392 : vector<16xi32>
        %get3A_394 = arith.constant 12 : i32
        %get3A_395 = arith.index_cast %get3A_394 : i32 to index
        %get3A_396 = arith.constant 0 : index
        %get3A_397 = tpu.vector_load %arg20[%get3A_395, %get3A_396] {strides = array<i32>} : memref<40x16xf32, #tpu.memory_space<vmem>>, vector<1x16xf32>,
        %get3A_398 = vector.shape_cast %get3A_397 : vector<1x16xf32> to vector<16xf32>
        %jit3A_399 = arith.constant 0.000000e+00 : f32
        %broadcast_in_dim3A_400 = vector.broadcast %jit3A_399 : f32 to vector<16xf32>
        %select_n3A_401 = arith.select %eq3A_393, %get3A_398, %broadcast_in_dim3A_400 : vector<16xi1>, vector<16xf32>
        %swap3A_402 = arith.constant 12 : i32
        %swap3A_403 = arith.index_cast %swap3A_402 : i32 to index
        %swap3A_404 = arith.constant 0 : index
        %swap3A_405 = tpu.vector_load %arg21[%swap3A_403, %swap3A_404] {strides = array<i32>} : memref<40x128xf32, #tpu.memory_space<vmem>>, vector<1x16xf32>,
        %swap3A_406 = vector.shape_cast %swap3A_405 : vector<1x16xf32> to vector<16xf32>
        %swap3A_407 = vector.shape_cast %select_n3A_401 : vector<16xf32> to vector<1x16xf32>
        tpu.vector_store %arg21[%swap3A_403, %swap3A_404], %swap3A_407 {strides = array<i32>} : memref<40x128xf32, #tpu.memory_space<vmem>>, vector<1x16xf32>,
        %slice3A_408 = vector.extract_strided_slice %and3A_176 {offsets = [13], sizes = [1], strides = [1]} : vector<16xi32> to vector<1xi32>
        %squeeze3A_409 = vector.extract %slice3A_408[0] : i32 from vector<1xi32>
        %eq3A_410 = vector.broadcast %squeeze3A_409 : i32 to vector<16xi32>
        %eq3A_411 = arith.cmpi eq, %iota3A, %eq3A_410 : vector<16xi32>
        %get3A_412 = arith.constant 13 : i32
        %get3A_413 = arith.index_cast %get3A_412 : i32 to index
        %get3A_414 = arith.constant 0 : index
        %get3A_415 = tpu.vector_load %arg20[%get3A_413, %get3A_414] {strides = array<i32>} : memref<40x16xf32, #tpu.memory_space<vmem>>, vector<1x16xf32>,
        %get3A_416 = vector.shape_cast %get3A_415 : vector<1x16xf32> to vector<16xf32>
        %jit3A_417 = arith.constant 0.000000e+00 : f32
        %broadcast_in_dim3A_418 = vector.broadcast %jit3A_417 : f32 to vector<16xf32>
        %select_n3A_419 = arith.select %eq3A_411, %get3A_416, %broadcast_in_dim3A_418 : vector<16xi1>, vector<16xf32>
        %swap3A_420 = arith.constant 13 : i32
        %swap3A_421 = arith.index_cast %swap3A_420 : i32 to index
        %swap3A_422 = arith.constant 0 : index
        %swap3A_423 = tpu.vector_load %arg21[%swap3A_421, %swap3A_422] {strides = array<i32>} : memref<40x128xf32, #tpu.memory_space<vmem>>, vector<1x16xf32>,
        %swap3A_424 = vector.shape_cast %swap3A_423 : vector<1x16xf32> to vector<16xf32>
        %swap3A_425 = vector.shape_cast %select_n3A_419 : vector<16xf32> to vector<1x16xf32>
        tpu.vector_store %arg21[%swap3A_421, %swap3A_422], %swap3A_425 {strides = array<i32>} : memref<40x128xf32, #tpu.memory_space<vmem>>, vector<1x16xf32>,
        %slice3A_426 = vector.extract_strided_slice %and3A_176 {offsets = [14], sizes = [1], strides = [1]} : vector<16xi32> to vector<1xi32>
        %squeeze3A_427 = vector.extract %slice3A_426[0] : i32 from vector<1xi32>
        %eq3A_428 = vector.broadcast %squeeze3A_427 : i32 to vector<16xi32>
        %eq3A_429 = arith.cmpi eq, %iota3A, %eq3A_428 : vector<16xi32>
        %get3A_430 = arith.constant 14 : i32
        %get3A_431 = arith.index_cast %get3A_430 : i32 to index
        %get3A_432 = arith.constant 0 : index
        %get3A_433 = tpu.vector_load %arg20[%get3A_431, %get3A_432] {strides = array<i32>} : memref<40x16xf32, #tpu.memory_space<vmem>>, vector<1x16xf32>,
        %get3A_434 = vector.shape_cast %get3A_433 : vector<1x16xf32> to vector<16xf32>
        %jit3A_435 = arith.constant 0.000000e+00 : f32
        %broadcast_in_dim3A_436 = vector.broadcast %jit3A_435 : f32 to vector<16xf32>
        %select_n3A_437 = arith.select %eq3A_429, %get3A_434, %broadcast_in_dim3A_436 : vector<16xi1>, vector<16xf32>
        %swap3A_438 = arith.constant 14 : i32
        %swap3A_439 = arith.index_cast %swap3A_438 : i32 to index
        %swap3A_440 = arith.constant 0 : index
        %swap3A_441 = tpu.vector_load %arg21[%swap3A_439, %swap3A_440] {strides = array<i32>} : memref<40x128xf32, #tpu.memory_space<vmem>>, vector<1x16xf32>,
        %swap3A_442 = vector.shape_cast %swap3A_441 : vector<1x16xf32> to vector<16xf32>
        %swap3A_443 = vector.shape_cast %select_n3A_437 : vector<16xf32> to vector<1x16xf32>
        tpu.vector_store %arg21[%swap3A_439, %swap3A_440], %swap3A_443 {strides = array<i32>} : memref<40x128xf32, #tpu.memory_space<vmem>>, vector<1x16xf32>,
        %slice3A_444 = vector.extract_strided_slice %and3A_176 {offsets = [15], sizes = [1], strides = [1]} : vector<16xi32> to vector<1xi32>
        %squeeze3A_445 = vector.extract %slice3A_444[0] : i32 from vector<1xi32>
        %eq3A_446 = vector.broadcast %squeeze3A_445 : i32 to vector<16xi32>
        %eq3A_447 = arith.cmpi eq, %iota3A, %eq3A_446 : vector<16xi32>
        %get3A_448 = arith.constant 15 : i32
        %get3A_449 = arith.index_cast %get3A_448 : i32 to index
        %get3A_450 = arith.constant 0 : index
        %get3A_451 = tpu.vector_load %arg20[%get3A_449, %get3A_450] {strides = array<i32>} : memref<40x16xf32, #tpu.memory_space<vmem>>, vector<1x16xf32>,
        %get3A_452 = vector.shape_cast %get3A_451 : vector<1x16xf32> to vector<16xf32>
        %jit3A_453 = arith.constant 0.000000e+00 : f32
        %broadcast_in_dim3A_454 = vector.broadcast %jit3A_453 : f32 to vector<16xf32>
        %select_n3A_455 = arith.select %eq3A_447, %get3A_452, %broadcast_in_dim3A_454 : vector<16xi1>, vector<16xf32>
        %swap3A_456 = arith.constant 15 : i32
        %swap3A_457 = arith.index_cast %swap3A_456 : i32 to index
        %swap3A_458 = arith.constant 0 : index
        %swap3A_459 = tpu.vector_load %arg21[%swap3A_457, %swap3A_458] {strides = array<i32>} : memref<40x128xf32, #tpu.memory_space<vmem>>, vector<1x16xf32>,
        %swap3A_460 = vector.shape_cast %swap3A_459 : vector<1x16xf32> to vector<16xf32>
        %swap3A_461 = vector.shape_cast %select_n3A_455 : vector<16xf32> to vector<1x16xf32>
        tpu.vector_store %arg21[%swap3A_457, %swap3A_458], %swap3A_461 {strides = array<i32>} : memref<40x128xf32, #tpu.memory_space<vmem>>, vector<1x16xf32>,
        %get3A_462 = arith.constant 16 : index
        %get3A_463 = tpu.vector_load %arg15[%get3A_462] {strides = array<i32>} : memref<40xi32, #tpu.memory_space<vmem>>, vector<16xi32>,
        %get3A_464 = vector.shape_cast %get3A_463 : vector<16xi32> to vector<16xi32>
        %and3A_465 = arith.constant 7 : i32
        %and3A_466 = vector.broadcast %and3A_465 : i32 to vector<16xi32>
        %and3A_467 = arith.andi %get3A_464, %and3A_466 : vector<16xi32>
        %slice3A_468 = vector.extract_strided_slice %and3A_467 {offsets = [0], sizes = [1], strides = [1]} : vector<16xi32> to vector<1xi32>
        %squeeze3A_469 = vector.extract %slice3A_468[0] : i32 from vector<1xi32>
        %eq3A_470 = vector.broadcast %squeeze3A_469 : i32 to vector<16xi32>
        %eq3A_471 = arith.cmpi eq, %iota3A, %eq3A_470 : vector<16xi32>
        %get3A_472 = arith.constant 16 : i32
        %get3A_473 = arith.index_cast %get3A_472 : i32 to index
        %get3A_474 = arith.constant 0 : index
        %get3A_475 = tpu.vector_load %arg20[%get3A_473, %get3A_474] {strides = array<i32>} : memref<40x16xf32, #tpu.memory_space<vmem>>, vector<1x16xf32>,
        %get3A_476 = vector.shape_cast %get3A_475 : vector<1x16xf32> to vector<16xf32>
        %jit3A_477 = arith.constant 0.000000e+00 : f32
        %broadcast_in_dim3A_478 = vector.broadcast %jit3A_477 : f32 to vector<16xf32>
        %select_n3A_479 = arith.select %eq3A_471, %get3A_476, %broadcast_in_dim3A_478 : vector<16xi1>, vector<16xf32>
        %swap3A_480 = arith.constant 16 : i32
        %swap3A_481 = arith.index_cast %swap3A_480 : i32 to index
        %swap3A_482 = arith.constant 0 : index
        %swap3A_483 = tpu.vector_load %arg21[%swap3A_481, %swap3A_482] {strides = array<i32>} : memref<40x128xf32, #tpu.memory_space<vmem>>, vector<1x16xf32>,
        %swap3A_484 = vector.shape_cast %swap3A_483 : vector<1x16xf32> to vector<16xf32>
        %swap3A_485 = vector.shape_cast %select_n3A_479 : vector<16xf32> to vector<1x16xf32>
        tpu.vector_store %arg21[%swap3A_481, %swap3A_482], %swap3A_485 {strides = array<i32>} : memref<40x128xf32, #tpu.memory_space<vmem>>, vector<1x16xf32>,
        %slice3A_486 = vector.extract_strided_slice %and3A_467 {offsets = [1], sizes = [1], strides = [1]} : vector<16xi32> to vector<1xi32>
        %squeeze3A_487 = vector.extract %slice3A_486[0] : i32 from vector<1xi32>
        %eq3A_488 = vector.broadcast %squeeze3A_487 : i32 to vector<16xi32>
        %eq3A_489 = arith.cmpi eq, %iota3A, %eq3A_488 : vector<16xi32>
        %get3A_490 = arith.constant 17 : i32
        %get3A_491 = arith.index_cast %get3A_490 : i32 to index
        %get3A_492 = arith.constant 0 : index
        %get3A_493 = tpu.vector_load %arg20[%get3A_491, %get3A_492] {strides = array<i32>} : memref<40x16xf32, #tpu.memory_space<vmem>>, vector<1x16xf32>,
        %get3A_494 = vector.shape_cast %get3A_493 : vector<1x16xf32> to vector<16xf32>
        %jit3A_495 = arith.constant 0.000000e+00 : f32
        %broadcast_in_dim3A_496 = vector.broadcast %jit3A_495 : f32 to vector<16xf32>
        %select_n3A_497 = arith.select %eq3A_489, %get3A_494, %broadcast_in_dim3A_496 : vector<16xi1>, vector<16xf32>
        %swap3A_498 = arith.constant 17 : i32
        %swap3A_499 = arith.index_cast %swap3A_498 : i32 to index
        %swap3A_500 = arith.constant 0 : index
        %swap3A_501 = tpu.vector_load %arg21[%swap3A_499, %swap3A_500] {strides = array<i32>} : memref<40x128xf32, #tpu.memory_space<vmem>>, vector<1x16xf32>,
        %swap3A_502 = vector.shape_cast %swap3A_501 : vector<1x16xf32> to vector<16xf32>
        %swap3A_503 = vector.shape_cast %select_n3A_497 : vector<16xf32> to vector<1x16xf32>
        tpu.vector_store %arg21[%swap3A_499, %swap3A_500], %swap3A_503 {strides = array<i32>} : memref<40x128xf32, #tpu.memory_space<vmem>>, vector<1x16xf32>,
        %slice3A_504 = vector.extract_strided_slice %and3A_467 {offsets = [2], sizes = [1], strides = [1]} : vector<16xi32> to vector<1xi32>
        %squeeze3A_505 = vector.extract %slice3A_504[0] : i32 from vector<1xi32>
        %eq3A_506 = vector.broadcast %squeeze3A_505 : i32 to vector<16xi32>
        %eq3A_507 = arith.cmpi eq, %iota3A, %eq3A_506 : vector<16xi32>
        %get3A_508 = arith.constant 18 : i32
        %get3A_509 = arith.index_cast %get3A_508 : i32 to index
        %get3A_510 = arith.constant 0 : index
        %get3A_511 = tpu.vector_load %arg20[%get3A_509, %get3A_510] {strides = array<i32>} : memref<40x16xf32, #tpu.memory_space<vmem>>, vector<1x16xf32>,
        %get3A_512 = vector.shape_cast %get3A_511 : vector<1x16xf32> to vector<16xf32>
        %jit3A_513 = arith.constant 0.000000e+00 : f32
        %broadcast_in_dim3A_514 = vector.broadcast %jit3A_513 : f32 to vector<16xf32>
        %select_n3A_515 = arith.select %eq3A_507, %get3A_512, %broadcast_in_dim3A_514 : vector<16xi1>, vector<16xf32>
        %swap3A_516 = arith.constant 18 : i32
        %swap3A_517 = arith.index_cast %swap3A_516 : i32 to index
        %swap3A_518 = arith.constant 0 : index
        %swap3A_519 = tpu.vector_load %arg21[%swap3A_517, %swap3A_518] {strides = array<i32>} : memref<40x128xf32, #tpu.memory_space<vmem>>, vector<1x16xf32>,
        %swap3A_520 = vector.shape_cast %swap3A_519 : vector<1x16xf32> to vector<16xf32>
        %swap3A_521 = vector.shape_cast %select_n3A_515 : vector<16xf32> to vector<1x16xf32>
        tpu.vector_store %arg21[%swap3A_517, %swap3A_518], %swap3A_521 {strides = array<i32>} : memref<40x128xf32, #tpu.memory_space<vmem>>, vector<1x16xf32>,
        %slice3A_522 = vector.extract_strided_slice %and3A_467 {offsets = [3], sizes = [1], strides = [1]} : vector<16xi32> to vector<1xi32>
        %squeeze3A_523 = vector.extract %slice3A_522[0] : i32 from vector<1xi32>
        %eq3A_524 = vector.broadcast %squeeze3A_523 : i32 to vector<16xi32>
        %eq3A_525 = arith.cmpi eq, %iota3A, %eq3A_524 : vector<16xi32>
        %get3A_526 = arith.constant 19 : i32
        %get3A_527 = arith.index_cast %get3A_526 : i32 to index
        %get3A_528 = arith.constant 0 : index
        %get3A_529 = tpu.vector_load %arg20[%get3A_527, %get3A_528] {strides = array<i32>} : memref<40x16xf32, #tpu.memory_space<vmem>>, vector<1x16xf32>,
        %get3A_530 = vector.shape_cast %get3A_529 : vector<1x16xf32> to vector<16xf32>
        %jit3A_531 = arith.constant 0.000000e+00 : f32
        %broadcast_in_dim3A_532 = vector.broadcast %jit3A_531 : f32 to vector<16xf32>
        %select_n3A_533 = arith.select %eq3A_525, %get3A_530, %broadcast_in_dim3A_532 : vector<16xi1>, vector<16xf32>
        %swap3A_534 = arith.constant 19 : i32
        %swap3A_535 = arith.index_cast %swap3A_534 : i32 to index
        %swap3A_536 = arith.constant 0 : index
        %swap3A_537 = tpu.vector_load %arg21[%swap3A_535, %swap3A_536] {strides = array<i32>} : memref<40x128xf32, #tpu.memory_space<vmem>>, vector<1x16xf32>,
        %swap3A_538 = vector.shape_cast %swap3A_537 : vector<1x16xf32> to vector<16xf32>
        %swap3A_539 = vector.shape_cast %select_n3A_533 : vector<16xf32> to vector<1x16xf32>
        tpu.vector_store %arg21[%swap3A_535, %swap3A_536], %swap3A_539 {strides = array<i32>} : memref<40x128xf32, #tpu.memory_space<vmem>>, vector<1x16xf32>,
        %slice3A_540 = vector.extract_strided_slice %and3A_467 {offsets = [4], sizes = [1], strides = [1]} : vector<16xi32> to vector<1xi32>
        %squeeze3A_541 = vector.extract %slice3A_540[0] : i32 from vector<1xi32>
        %eq3A_542 = vector.broadcast %squeeze3A_541 : i32 to vector<16xi32>
        %eq3A_543 = arith.cmpi eq, %iota3A, %eq3A_542 : vector<16xi32>
        %get3A_544 = arith.constant 20 : i32
        %get3A_545 = arith.index_cast %get3A_544 : i32 to index
        %get3A_546 = arith.constant 0 : index
        %get3A_547 = tpu.vector_load %arg20[%get3A_545, %get3A_546] {strides = array<i32>} : memref<40x16xf32, #tpu.memory_space<vmem>>, vector<1x16xf32>,
        %get3A_548 = vector.shape_cast %get3A_547 : vector<1x16xf32> to vector<16xf32>
        %jit3A_549 = arith.constant 0.000000e+00 : f32
        %broadcast_in_dim3A_550 = vector.broadcast %jit3A_549 : f32 to vector<16xf32>
        %select_n3A_551 = arith.select %eq3A_543, %get3A_548, %broadcast_in_dim3A_550 : vector<16xi1>, vector<16xf32>
        %swap3A_552 = arith.constant 20 : i32
        %swap3A_553 = arith.index_cast %swap3A_552 : i32 to index
        %swap3A_554 = arith.constant 0 : index
        %swap3A_555 = tpu.vector_load %arg21[%swap3A_553, %swap3A_554] {strides = array<i32>} : memref<40x128xf32, #tpu.memory_space<vmem>>, vector<1x16xf32>,
        %swap3A_556 = vector.shape_cast %swap3A_555 : vector<1x16xf32> to vector<16xf32>
        %swap3A_557 = vector.shape_cast %select_n3A_551 : vector<16xf32> to vector<1x16xf32>
        tpu.vector_store %arg21[%swap3A_553, %swap3A_554], %swap3A_557 {strides = array<i32>} : memref<40x128xf32, #tpu.memory_space<vmem>>, vector<1x16xf32>,
        %slice3A_558 = vector.extract_strided_slice %and3A_467 {offsets = [5], sizes = [1], strides = [1]} : vector<16xi32> to vector<1xi32>
        %squeeze3A_559 = vector.extract %slice3A_558[0] : i32 from vector<1xi32>
        %eq3A_560 = vector.broadcast %squeeze3A_559 : i32 to vector<16xi32>
        %eq3A_561 = arith.cmpi eq, %iota3A, %eq3A_560 : vector<16xi32>
        %get3A_562 = arith.constant 21 : i32
        %get3A_563 = arith.index_cast %get3A_562 : i32 to index
        %get3A_564 = arith.constant 0 : index
        %get3A_565 = tpu.vector_load %arg20[%get3A_563, %get3A_564] {strides = array<i32>} : memref<40x16xf32, #tpu.memory_space<vmem>>, vector<1x16xf32>,
        %get3A_566 = vector.shape_cast %get3A_565 : vector<1x16xf32> to vector<16xf32>
        %jit3A_567 = arith.constant 0.000000e+00 : f32
        %broadcast_in_dim3A_568 = vector.broadcast %jit3A_567 : f32 to vector<16xf32>
        %select_n3A_569 = arith.select %eq3A_561, %get3A_566, %broadcast_in_dim3A_568 : vector<16xi1>, vector<16xf32>
        %swap3A_570 = arith.constant 21 : i32
        %swap3A_571 = arith.index_cast %swap3A_570 : i32 to index
        %swap3A_572 = arith.constant 0 : index
        %swap3A_573 = tpu.vector_load %arg21[%swap3A_571, %swap3A_572] {strides = array<i32>} : memref<40x128xf32, #tpu.memory_space<vmem>>, vector<1x16xf32>,
        %swap3A_574 = vector.shape_cast %swap3A_573 : vector<1x16xf32> to vector<16xf32>
        %swap3A_575 = vector.shape_cast %select_n3A_569 : vector<16xf32> to vector<1x16xf32>
        tpu.vector_store %arg21[%swap3A_571, %swap3A_572], %swap3A_575 {strides = array<i32>} : memref<40x128xf32, #tpu.memory_space<vmem>>, vector<1x16xf32>,
        %slice3A_576 = vector.extract_strided_slice %and3A_467 {offsets = [6], sizes = [1], strides = [1]} : vector<16xi32> to vector<1xi32>
        %squeeze3A_577 = vector.extract %slice3A_576[0] : i32 from vector<1xi32>
        %eq3A_578 = vector.broadcast %squeeze3A_577 : i32 to vector<16xi32>
        %eq3A_579 = arith.cmpi eq, %iota3A, %eq3A_578 : vector<16xi32>
        %get3A_580 = arith.constant 22 : i32
        %get3A_581 = arith.index_cast %get3A_580 : i32 to index
        %get3A_582 = arith.constant 0 : index
        %get3A_583 = tpu.vector_load %arg20[%get3A_581, %get3A_582] {strides = array<i32>} : memref<40x16xf32, #tpu.memory_space<vmem>>, vector<1x16xf32>,
        %get3A_584 = vector.shape_cast %get3A_583 : vector<1x16xf32> to vector<16xf32>
        %jit3A_585 = arith.constant 0.000000e+00 : f32
        %broadcast_in_dim3A_586 = vector.broadcast %jit3A_585 : f32 to vector<16xf32>
        %select_n3A_587 = arith.select %eq3A_579, %get3A_584, %broadcast_in_dim3A_586 : vector<16xi1>, vector<16xf32>
        %swap3A_588 = arith.constant 22 : i32
        %swap3A_589 = arith.index_cast %swap3A_588 : i32 to index
        %swap3A_590 = arith.constant 0 : index
        %swap3A_591 = tpu.vector_load %arg21[%swap3A_589, %swap3A_590] {strides = array<i32>} : memref<40x128xf32, #tpu.memory_space<vmem>>, vector<1x16xf32>,
        %swap3A_592 = vector.shape_cast %swap3A_591 : vector<1x16xf32> to vector<16xf32>
        %swap3A_593 = vector.shape_cast %select_n3A_587 : vector<16xf32> to vector<1x16xf32>
        tpu.vector_store %arg21[%swap3A_589, %swap3A_590], %swap3A_593 {strides = array<i32>} : memref<40x128xf32, #tpu.memory_space<vmem>>, vector<1x16xf32>,
        %slice3A_594 = vector.extract_strided_slice %and3A_467 {offsets = [7], sizes = [1], strides = [1]} : vector<16xi32> to vector<1xi32>
        %squeeze3A_595 = vector.extract %slice3A_594[0] : i32 from vector<1xi32>
        %eq3A_596 = vector.broadcast %squeeze3A_595 : i32 to vector<16xi32>
        %eq3A_597 = arith.cmpi eq, %iota3A, %eq3A_596 : vector<16xi32>
        %get3A_598 = arith.constant 23 : i32
        %get3A_599 = arith.index_cast %get3A_598 : i32 to index
        %get3A_600 = arith.constant 0 : index
        %get3A_601 = tpu.vector_load %arg20[%get3A_599, %get3A_600] {strides = array<i32>} : memref<40x16xf32, #tpu.memory_space<vmem>>, vector<1x16xf32>,
        %get3A_602 = vector.shape_cast %get3A_601 : vector<1x16xf32> to vector<16xf32>
        %jit3A_603 = arith.constant 0.000000e+00 : f32
        %broadcast_in_dim3A_604 = vector.broadcast %jit3A_603 : f32 to vector<16xf32>
        %select_n3A_605 = arith.select %eq3A_597, %get3A_602, %broadcast_in_dim3A_604 : vector<16xi1>, vector<16xf32>
        %swap3A_606 = arith.constant 23 : i32
        %swap3A_607 = arith.index_cast %swap3A_606 : i32 to index
        %swap3A_608 = arith.constant 0 : index
        %swap3A_609 = tpu.vector_load %arg21[%swap3A_607, %swap3A_608] {strides = array<i32>} : memref<40x128xf32, #tpu.memory_space<vmem>>, vector<1x16xf32>,
        %swap3A_610 = vector.shape_cast %swap3A_609 : vector<1x16xf32> to vector<16xf32>
        %swap3A_611 = vector.shape_cast %select_n3A_605 : vector<16xf32> to vector<1x16xf32>
        tpu.vector_store %arg21[%swap3A_607, %swap3A_608], %swap3A_611 {strides = array<i32>} : memref<40x128xf32, #tpu.memory_space<vmem>>, vector<1x16xf32>,
        %slice3A_612 = vector.extract_strided_slice %and3A_467 {offsets = [8], sizes = [1], strides = [1]} : vector<16xi32> to vector<1xi32>
        %squeeze3A_613 = vector.extract %slice3A_612[0] : i32 from vector<1xi32>
        %eq3A_614 = vector.broadcast %squeeze3A_613 : i32 to vector<16xi32>
        %eq3A_615 = arith.cmpi eq, %iota3A, %eq3A_614 : vector<16xi32>
        %get3A_616 = arith.constant 24 : i32
        %get3A_617 = arith.index_cast %get3A_616 : i32 to index
        %get3A_618 = arith.constant 0 : index
        %get3A_619 = tpu.vector_load %arg20[%get3A_617, %get3A_618] {strides = array<i32>} : memref<40x16xf32, #tpu.memory_space<vmem>>, vector<1x16xf32>,
        %get3A_620 = vector.shape_cast %get3A_619 : vector<1x16xf32> to vector<16xf32>
        %jit3A_621 = arith.constant 0.000000e+00 : f32
        %broadcast_in_dim3A_622 = vector.broadcast %jit3A_621 : f32 to vector<16xf32>
        %select_n3A_623 = arith.select %eq3A_615, %get3A_620, %broadcast_in_dim3A_622 : vector<16xi1>, vector<16xf32>
        %swap3A_624 = arith.constant 24 : i32
        %swap3A_625 = arith.index_cast %swap3A_624 : i32 to index
        %swap3A_626 = arith.constant 0 : index
        %swap3A_627 = tpu.vector_load %arg21[%swap3A_625, %swap3A_626] {strides = array<i32>} : memref<40x128xf32, #tpu.memory_space<vmem>>, vector<1x16xf32>,
        %swap3A_628 = vector.shape_cast %swap3A_627 : vector<1x16xf32> to vector<16xf32>
        %swap3A_629 = vector.shape_cast %select_n3A_623 : vector<16xf32> to vector<1x16xf32>
        tpu.vector_store %arg21[%swap3A_625, %swap3A_626], %swap3A_629 {strides = array<i32>} : memref<40x128xf32, #tpu.memory_space<vmem>>, vector<1x16xf32>,
        %slice3A_630 = vector.extract_strided_slice %and3A_467 {offsets = [9], sizes = [1], strides = [1]} : vector<16xi32> to vector<1xi32>
        %squeeze3A_631 = vector.extract %slice3A_630[0] : i32 from vector<1xi32>
        %eq3A_632 = vector.broadcast %squeeze3A_631 : i32 to vector<16xi32>
        %eq3A_633 = arith.cmpi eq, %iota3A, %eq3A_632 : vector<16xi32>
        %get3A_634 = arith.constant 25 : i32
        %get3A_635 = arith.index_cast %get3A_634 : i32 to index
        %get3A_636 = arith.constant 0 : index
        %get3A_637 = tpu.vector_load %arg20[%get3A_635, %get3A_636] {strides = array<i32>} : memref<40x16xf32, #tpu.memory_space<vmem>>, vector<1x16xf32>,
        %get3A_638 = vector.shape_cast %get3A_637 : vector<1x16xf32> to vector<16xf32>
        %jit3A_639 = arith.constant 0.000000e+00 : f32
        %broadcast_in_dim3A_640 = vector.broadcast %jit3A_639 : f32 to vector<16xf32>
        %select_n3A_641 = arith.select %eq3A_633, %get3A_638, %broadcast_in_dim3A_640 : vector<16xi1>, vector<16xf32>
        %swap3A_642 = arith.constant 25 : i32
        %swap3A_643 = arith.index_cast %swap3A_642 : i32 to index
        %swap3A_644 = arith.constant 0 : index
        %swap3A_645 = tpu.vector_load %arg21[%swap3A_643, %swap3A_644] {strides = array<i32>} : memref<40x128xf32, #tpu.memory_space<vmem>>, vector<1x16xf32>,
        %swap3A_646 = vector.shape_cast %swap3A_645 : vector<1x16xf32> to vector<16xf32>
        %swap3A_647 = vector.shape_cast %select_n3A_641 : vector<16xf32> to vector<1x16xf32>
        tpu.vector_store %arg21[%swap3A_643, %swap3A_644], %swap3A_647 {strides = array<i32>} : memref<40x128xf32, #tpu.memory_space<vmem>>, vector<1x16xf32>,
        %slice3A_648 = vector.extract_strided_slice %and3A_467 {offsets = [10], sizes = [1], strides = [1]} : vector<16xi32> to vector<1xi32>
        %squeeze3A_649 = vector.extract %slice3A_648[0] : i32 from vector<1xi32>
        %eq3A_650 = vector.broadcast %squeeze3A_649 : i32 to vector<16xi32>
        %eq3A_651 = arith.cmpi eq, %iota3A, %eq3A_650 : vector<16xi32>
        %get3A_652 = arith.constant 26 : i32
        %get3A_653 = arith.index_cast %get3A_652 : i32 to index
        %get3A_654 = arith.constant 0 : index
        %get3A_655 = tpu.vector_load %arg20[%get3A_653, %get3A_654] {strides = array<i32>} : memref<40x16xf32, #tpu.memory_space<vmem>>, vector<1x16xf32>,
        %get3A_656 = vector.shape_cast %get3A_655 : vector<1x16xf32> to vector<16xf32>
        %jit3A_657 = arith.constant 0.000000e+00 : f32
        %broadcast_in_dim3A_658 = vector.broadcast %jit3A_657 : f32 to vector<16xf32>
        %select_n3A_659 = arith.select %eq3A_651, %get3A_656, %broadcast_in_dim3A_658 : vector<16xi1>, vector<16xf32>
        %swap3A_660 = arith.constant 26 : i32
        %swap3A_661 = arith.index_cast %swap3A_660 : i32 to index
        %swap3A_662 = arith.constant 0 : index
        %swap3A_663 = tpu.vector_load %arg21[%swap3A_661, %swap3A_662] {strides = array<i32>} : memref<40x128xf32, #tpu.memory_space<vmem>>, vector<1x16xf32>,
        %swap3A_664 = vector.shape_cast %swap3A_663 : vector<1x16xf32> to vector<16xf32>
        %swap3A_665 = vector.shape_cast %select_n3A_659 : vector<16xf32> to vector<1x16xf32>
        tpu.vector_store %arg21[%swap3A_661, %swap3A_662], %swap3A_665 {strides = array<i32>} : memref<40x128xf32, #tpu.memory_space<vmem>>, vector<1x16xf32>,
        %slice3A_666 = vector.extract_strided_slice %and3A_467 {offsets = [11], sizes = [1], strides = [1]} : vector<16xi32> to vector<1xi32>
        %squeeze3A_667 = vector.extract %slice3A_666[0] : i32 from vector<1xi32>
        %eq3A_668 = vector.broadcast %squeeze3A_667 : i32 to vector<16xi32>
        %eq3A_669 = arith.cmpi eq, %iota3A, %eq3A_668 : vector<16xi32>
        %get3A_670 = arith.constant 27 : i32
        %get3A_671 = arith.index_cast %get3A_670 : i32 to index
        %get3A_672 = arith.constant 0 : index
        %get3A_673 = tpu.vector_load %arg20[%get3A_671, %get3A_672] {strides = array<i32>} : memref<40x16xf32, #tpu.memory_space<vmem>>, vector<1x16xf32>,
        %get3A_674 = vector.shape_cast %get3A_673 : vector<1x16xf32> to vector<16xf32>
        %jit3A_675 = arith.constant 0.000000e+00 : f32
        %broadcast_in_dim3A_676 = vector.broadcast %jit3A_675 : f32 to vector<16xf32>
        %select_n3A_677 = arith.select %eq3A_669, %get3A_674, %broadcast_in_dim3A_676 : vector<16xi1>, vector<16xf32>
        %swap3A_678 = arith.constant 27 : i32
        %swap3A_679 = arith.index_cast %swap3A_678 : i32 to index
        %swap3A_680 = arith.constant 0 : index
        %swap3A_681 = tpu.vector_load %arg21[%swap3A_679, %swap3A_680] {strides = array<i32>} : memref<40x128xf32, #tpu.memory_space<vmem>>, vector<1x16xf32>,
        %swap3A_682 = vector.shape_cast %swap3A_681 : vector<1x16xf32> to vector<16xf32>
        %swap3A_683 = vector.shape_cast %select_n3A_677 : vector<16xf32> to vector<1x16xf32>
        tpu.vector_store %arg21[%swap3A_679, %swap3A_680], %swap3A_683 {strides = array<i32>} : memref<40x128xf32, #tpu.memory_space<vmem>>, vector<1x16xf32>,
        %slice3A_684 = vector.extract_strided_slice %and3A_467 {offsets = [12], sizes = [1], strides = [1]} : vector<16xi32> to vector<1xi32>
        %squeeze3A_685 = vector.extract %slice3A_684[0] : i32 from vector<1xi32>
        %eq3A_686 = vector.broadcast %squeeze3A_685 : i32 to vector<16xi32>
        %eq3A_687 = arith.cmpi eq, %iota3A, %eq3A_686 : vector<16xi32>
        %get3A_688 = arith.constant 28 : i32
        %get3A_689 = arith.index_cast %get3A_688 : i32 to index
        %get3A_690 = arith.constant 0 : index
        %get3A_691 = tpu.vector_load %arg20[%get3A_689, %get3A_690] {strides = array<i32>} : memref<40x16xf32, #tpu.memory_space<vmem>>, vector<1x16xf32>,
        %get3A_692 = vector.shape_cast %get3A_691 : vector<1x16xf32> to vector<16xf32>
        %jit3A_693 = arith.constant 0.000000e+00 : f32
        %broadcast_in_dim3A_694 = vector.broadcast %jit3A_693 : f32 to vector<16xf32>
        %select_n3A_695 = arith.select %eq3A_687, %get3A_692, %broadcast_in_dim3A_694 : vector<16xi1>, vector<16xf32>
        %swap3A_696 = arith.constant 28 : i32
        %swap3A_697 = arith.index_cast %swap3A_696 : i32 to index
        %swap3A_698 = arith.constant 0 : index
        %swap3A_699 = tpu.vector_load %arg21[%swap3A_697, %swap3A_698] {strides = array<i32>} : memref<40x128xf32, #tpu.memory_space<vmem>>, vector<1x16xf32>,
        %swap3A_700 = vector.shape_cast %swap3A_699 : vector<1x16xf32> to vector<16xf32>
        %swap3A_701 = vector.shape_cast %select_n3A_695 : vector<16xf32> to vector<1x16xf32>
        tpu.vector_store %arg21[%swap3A_697, %swap3A_698], %swap3A_701 {strides = array<i32>} : memref<40x128xf32, #tpu.memory_space<vmem>>, vector<1x16xf32>,
        %slice3A_702 = vector.extract_strided_slice %and3A_467 {offsets = [13], sizes = [1], strides = [1]} : vector<16xi32> to vector<1xi32>
        %squeeze3A_703 = vector.extract %slice3A_702[0] : i32 from vector<1xi32>
        %eq3A_704 = vector.broadcast %squeeze3A_703 : i32 to vector<16xi32>
        %eq3A_705 = arith.cmpi eq, %iota3A, %eq3A_704 : vector<16xi32>
        %get3A_706 = arith.constant 29 : i32
        %get3A_707 = arith.index_cast %get3A_706 : i32 to index
        %get3A_708 = arith.constant 0 : index
        %get3A_709 = tpu.vector_load %arg20[%get3A_707, %get3A_708] {strides = array<i32>} : memref<40x16xf32, #tpu.memory_space<vmem>>, vector<1x16xf32>,
        %get3A_710 = vector.shape_cast %get3A_709 : vector<1x16xf32> to vector<16xf32>
        %jit3A_711 = arith.constant 0.000000e+00 : f32
        %broadcast_in_dim3A_712 = vector.broadcast %jit3A_711 : f32 to vector<16xf32>
        %select_n3A_713 = arith.select %eq3A_705, %get3A_710, %broadcast_in_dim3A_712 : vector<16xi1>, vector<16xf32>
        %swap3A_714 = arith.constant 29 : i32
        %swap3A_715 = arith.index_cast %swap3A_714 : i32 to index
        %swap3A_716 = arith.constant 0 : index
        %swap3A_717 = tpu.vector_load %arg21[%swap3A_715, %swap3A_716] {strides = array<i32>} : memref<40x128xf32, #tpu.memory_space<vmem>>, vector<1x16xf32>,
        %swap3A_718 = vector.shape_cast %swap3A_717 : vector<1x16xf32> to vector<16xf32>
        %swap3A_719 = vector.shape_cast %select_n3A_713 : vector<16xf32> to vector<1x16xf32>
        tpu.vector_store %arg21[%swap3A_715, %swap3A_716], %swap3A_719 {strides = array<i32>} : memref<40x128xf32, #tpu.memory_space<vmem>>, vector<1x16xf32>,
        %slice3A_720 = vector.extract_strided_slice %and3A_467 {offsets = [14], sizes = [1], strides = [1]} : vector<16xi32> to vector<1xi32>
        %squeeze3A_721 = vector.extract %slice3A_720[0] : i32 from vector<1xi32>
        %eq3A_722 = vector.broadcast %squeeze3A_721 : i32 to vector<16xi32>
        %eq3A_723 = arith.cmpi eq, %iota3A, %eq3A_722 : vector<16xi32>
        %get3A_724 = arith.constant 30 : i32
        %get3A_725 = arith.index_cast %get3A_724 : i32 to index
        %get3A_726 = arith.constant 0 : index
        %get3A_727 = tpu.vector_load %arg20[%get3A_725, %get3A_726] {strides = array<i32>} : memref<40x16xf32, #tpu.memory_space<vmem>>, vector<1x16xf32>,
        %get3A_728 = vector.shape_cast %get3A_727 : vector<1x16xf32> to vector<16xf32>
        %jit3A_729 = arith.constant 0.000000e+00 : f32
        %broadcast_in_dim3A_730 = vector.broadcast %jit3A_729 : f32 to vector<16xf32>
        %select_n3A_731 = arith.select %eq3A_723, %get3A_728, %broadcast_in_dim3A_730 : vector<16xi1>, vector<16xf32>
        %swap3A_732 = arith.constant 30 : i32
        %swap3A_733 = arith.index_cast %swap3A_732 : i32 to index
        %swap3A_734 = arith.constant 0 : index
        %swap3A_735 = tpu.vector_load %arg21[%swap3A_733, %swap3A_734] {strides = array<i32>} : memref<40x128xf32, #tpu.memory_space<vmem>>, vector<1x16xf32>,
        %swap3A_736 = vector.shape_cast %swap3A_735 : vector<1x16xf32> to vector<16xf32>
        %swap3A_737 = vector.shape_cast %select_n3A_731 : vector<16xf32> to vector<1x16xf32>
        tpu.vector_store %arg21[%swap3A_733, %swap3A_734], %swap3A_737 {strides = array<i32>} : memref<40x128xf32, #tpu.memory_space<vmem>>, vector<1x16xf32>,
        %slice3A_738 = vector.extract_strided_slice %and3A_467 {offsets = [15], sizes = [1], strides = [1]} : vector<16xi32> to vector<1xi32>
        %squeeze3A_739 = vector.extract %slice3A_738[0] : i32 from vector<1xi32>
        %eq3A_740 = vector.broadcast %squeeze3A_739 : i32 to vector<16xi32>
        %eq3A_741 = arith.cmpi eq, %iota3A, %eq3A_740 : vector<16xi32>
        %get3A_742 = arith.constant 31 : i32
        %get3A_743 = arith.index_cast %get3A_742 : i32 to index
        %get3A_744 = arith.constant 0 : index
        %get3A_745 = tpu.vector_load %arg20[%get3A_743, %get3A_744] {strides = array<i32>} : memref<40x16xf32, #tpu.memory_space<vmem>>, vector<1x16xf32>,
        %get3A_746 = vector.shape_cast %get3A_745 : vector<1x16xf32> to vector<16xf32>
        %jit3A_747 = arith.constant 0.000000e+00 : f32
        %broadcast_in_dim3A_748 = vector.broadcast %jit3A_747 : f32 to vector<16xf32>
        %select_n3A_749 = arith.select %eq3A_741, %get3A_746, %broadcast_in_dim3A_748 : vector<16xi1>, vector<16xf32>
        %swap3A_750 = arith.constant 31 : i32
        %swap3A_751 = arith.index_cast %swap3A_750 : i32 to index
        %swap3A_752 = arith.constant 0 : index
        %swap3A_753 = tpu.vector_load %arg21[%swap3A_751, %swap3A_752] {strides = array<i32>} : memref<40x128xf32, #tpu.memory_space<vmem>>, vector<1x16xf32>,
        %swap3A_754 = vector.shape_cast %swap3A_753 : vector<1x16xf32> to vector<16xf32>
        %swap3A_755 = vector.shape_cast %select_n3A_749 : vector<16xf32> to vector<1x16xf32>
        tpu.vector_store %arg21[%swap3A_751, %swap3A_752], %swap3A_755 {strides = array<i32>} : memref<40x128xf32, #tpu.memory_space<vmem>>, vector<1x16xf32>,
        %get3A_756 = arith.constant 24 : index
        %get3A_757 = tpu.vector_load %arg15[%get3A_756] {strides = array<i32>} : memref<40xi32, #tpu.memory_space<vmem>>, vector<16xi32>,
        %get3A_758 = vector.shape_cast %get3A_757 : vector<16xi32> to vector<16xi32>
        %and3A_759 = arith.constant 7 : i32
        %and3A_760 = vector.broadcast %and3A_759 : i32 to vector<16xi32>
        %and3A_761 = arith.andi %get3A_758, %and3A_760 : vector<16xi32>
        %slice3A_762 = vector.extract_strided_slice %and3A_761 {offsets = [0], sizes = [1], strides = [1]} : vector<16xi32> to vector<1xi32>
        %squeeze3A_763 = vector.extract %slice3A_762[0] : i32 from vector<1xi32>
        %eq3A_764 = vector.broadcast %squeeze3A_763 : i32 to vector<16xi32>
        %eq3A_765 = arith.cmpi eq, %iota3A, %eq3A_764 : vector<16xi32>
        %get3A_766 = arith.constant 24 : i32
        %get3A_767 = arith.index_cast %get3A_766 : i32 to index
        %get3A_768 = arith.constant 0 : index
        %get3A_769 = tpu.vector_load %arg20[%get3A_767, %get3A_768] {strides = array<i32>} : memref<40x16xf32, #tpu.memory_space<vmem>>, vector<1x16xf32>,
        %get3A_770 = vector.shape_cast %get3A_769 : vector<1x16xf32> to vector<16xf32>
        %jit3A_771 = arith.constant 0.000000e+00 : f32
        %broadcast_in_dim3A_772 = vector.broadcast %jit3A_771 : f32 to vector<16xf32>
        %select_n3A_773 = arith.select %eq3A_765, %get3A_770, %broadcast_in_dim3A_772 : vector<16xi1>, vector<16xf32>
        %swap3A_774 = arith.constant 24 : i32
        %swap3A_775 = arith.index_cast %swap3A_774 : i32 to index
        %swap3A_776 = arith.constant 0 : index
        %swap3A_777 = tpu.vector_load %arg21[%swap3A_775, %swap3A_776] {strides = array<i32>} : memref<40x128xf32, #tpu.memory_space<vmem>>, vector<1x16xf32>,
        %swap3A_778 = vector.shape_cast %swap3A_777 : vector<1x16xf32> to vector<16xf32>
        %swap3A_779 = vector.shape_cast %select_n3A_773 : vector<16xf32> to vector<1x16xf32>
        tpu.vector_store %arg21[%swap3A_775, %swap3A_776], %swap3A_779 {strides = array<i32>} : memref<40x128xf32, #tpu.memory_space<vmem>>, vector<1x16xf32>,
        %slice3A_780 = vector.extract_strided_slice %and3A_761 {offsets = [1], sizes = [1], strides = [1]} : vector<16xi32> to vector<1xi32>
        %squeeze3A_781 = vector.extract %slice3A_780[0] : i32 from vector<1xi32>
        %eq3A_782 = vector.broadcast %squeeze3A_781 : i32 to vector<16xi32>
        %eq3A_783 = arith.cmpi eq, %iota3A, %eq3A_782 : vector<16xi32>
        %get3A_784 = arith.constant 25 : i32
        %get3A_785 = arith.index_cast %get3A_784 : i32 to index
        %get3A_786 = arith.constant 0 : index
        %get3A_787 = tpu.vector_load %arg20[%get3A_785, %get3A_786] {strides = array<i32>} : memref<40x16xf32, #tpu.memory_space<vmem>>, vector<1x16xf32>,
        %get3A_788 = vector.shape_cast %get3A_787 : vector<1x16xf32> to vector<16xf32>
        %jit3A_789 = arith.constant 0.000000e+00 : f32
        %broadcast_in_dim3A_790 = vector.broadcast %jit3A_789 : f32 to vector<16xf32>
        %select_n3A_791 = arith.select %eq3A_783, %get3A_788, %broadcast_in_dim3A_790 : vector<16xi1>, vector<16xf32>
        %swap3A_792 = arith.constant 25 : i32
        %swap3A_793 = arith.index_cast %swap3A_792 : i32 to index
        %swap3A_794 = arith.constant 0 : index
        %swap3A_795 = tpu.vector_load %arg21[%swap3A_793, %swap3A_794] {strides = array<i32>} : memref<40x128xf32, #tpu.memory_space<vmem>>, vector<1x16xf32>,
        %swap3A_796 = vector.shape_cast %swap3A_795 : vector<1x16xf32> to vector<16xf32>
        %swap3A_797 = vector.shape_cast %select_n3A_791 : vector<16xf32> to vector<1x16xf32>
        tpu.vector_store %arg21[%swap3A_793, %swap3A_794], %swap3A_797 {strides = array<i32>} : memref<40x128xf32, #tpu.memory_space<vmem>>, vector<1x16xf32>,
        %slice3A_798 = vector.extract_strided_slice %and3A_761 {offsets = [2], sizes = [1], strides = [1]} : vector<16xi32> to vector<1xi32>
        %squeeze3A_799 = vector.extract %slice3A_798[0] : i32 from vector<1xi32>
        %eq3A_800 = vector.broadcast %squeeze3A_799 : i32 to vector<16xi32>
        %eq3A_801 = arith.cmpi eq, %iota3A, %eq3A_800 : vector<16xi32>
        %get3A_802 = arith.constant 26 : i32
        %get3A_803 = arith.index_cast %get3A_802 : i32 to index
        %get3A_804 = arith.constant 0 : index
        %get3A_805 = tpu.vector_load %arg20[%get3A_803, %get3A_804] {strides = array<i32>} : memref<40x16xf32, #tpu.memory_space<vmem>>, vector<1x16xf32>,
        %get3A_806 = vector.shape_cast %get3A_805 : vector<1x16xf32> to vector<16xf32>
        %jit3A_807 = arith.constant 0.000000e+00 : f32
        %broadcast_in_dim3A_808 = vector.broadcast %jit3A_807 : f32 to vector<16xf32>
        %select_n3A_809 = arith.select %eq3A_801, %get3A_806, %broadcast_in_dim3A_808 : vector<16xi1>, vector<16xf32>
        %swap3A_810 = arith.constant 26 : i32
        %swap3A_811 = arith.index_cast %swap3A_810 : i32 to index
        %swap3A_812 = arith.constant 0 : index
        %swap3A_813 = tpu.vector_load %arg21[%swap3A_811, %swap3A_812] {strides = array<i32>} : memref<40x128xf32, #tpu.memory_space<vmem>>, vector<1x16xf32>,
        %swap3A_814 = vector.shape_cast %swap3A_813 : vector<1x16xf32> to vector<16xf32>
        %swap3A_815 = vector.shape_cast %select_n3A_809 : vector<16xf32> to vector<1x16xf32>
        tpu.vector_store %arg21[%swap3A_811, %swap3A_812], %swap3A_815 {strides = array<i32>} : memref<40x128xf32, #tpu.memory_space<vmem>>, vector<1x16xf32>,
        %slice3A_816 = vector.extract_strided_slice %and3A_761 {offsets = [3], sizes = [1], strides = [1]} : vector<16xi32> to vector<1xi32>
        %squeeze3A_817 = vector.extract %slice3A_816[0] : i32 from vector<1xi32>
        %eq3A_818 = vector.broadcast %squeeze3A_817 : i32 to vector<16xi32>
        %eq3A_819 = arith.cmpi eq, %iota3A, %eq3A_818 : vector<16xi32>
        %get3A_820 = arith.constant 27 : i32
        %get3A_821 = arith.index_cast %get3A_820 : i32 to index
        %get3A_822 = arith.constant 0 : index
        %get3A_823 = tpu.vector_load %arg20[%get3A_821, %get3A_822] {strides = array<i32>} : memref<40x16xf32, #tpu.memory_space<vmem>>, vector<1x16xf32>,
        %get3A_824 = vector.shape_cast %get3A_823 : vector<1x16xf32> to vector<16xf32>
        %jit3A_825 = arith.constant 0.000000e+00 : f32
        %broadcast_in_dim3A_826 = vector.broadcast %jit3A_825 : f32 to vector<16xf32>
        %select_n3A_827 = arith.select %eq3A_819, %get3A_824, %broadcast_in_dim3A_826 : vector<16xi1>, vector<16xf32>
        %swap3A_828 = arith.constant 27 : i32
        %swap3A_829 = arith.index_cast %swap3A_828 : i32 to index
        %swap3A_830 = arith.constant 0 : index
        %swap3A_831 = tpu.vector_load %arg21[%swap3A_829, %swap3A_830] {strides = array<i32>} : memref<40x128xf32, #tpu.memory_space<vmem>>, vector<1x16xf32>,
        %swap3A_832 = vector.shape_cast %swap3A_831 : vector<1x16xf32> to vector<16xf32>
        %swap3A_833 = vector.shape_cast %select_n3A_827 : vector<16xf32> to vector<1x16xf32>
        tpu.vector_store %arg21[%swap3A_829, %swap3A_830], %swap3A_833 {strides = array<i32>} : memref<40x128xf32, #tpu.memory_space<vmem>>, vector<1x16xf32>,
        %slice3A_834 = vector.extract_strided_slice %and3A_761 {offsets = [4], sizes = [1], strides = [1]} : vector<16xi32> to vector<1xi32>
        %squeeze3A_835 = vector.extract %slice3A_834[0] : i32 from vector<1xi32>
        %eq3A_836 = vector.broadcast %squeeze3A_835 : i32 to vector<16xi32>
        %eq3A_837 = arith.cmpi eq, %iota3A, %eq3A_836 : vector<16xi32>
        %get3A_838 = arith.constant 28 : i32
        %get3A_839 = arith.index_cast %get3A_838 : i32 to index
        %get3A_840 = arith.constant 0 : index
        %get3A_841 = tpu.vector_load %arg20[%get3A_839, %get3A_840] {strides = array<i32>} : memref<40x16xf32, #tpu.memory_space<vmem>>, vector<1x16xf32>,
        %get3A_842 = vector.shape_cast %get3A_841 : vector<1x16xf32> to vector<16xf32>
        %jit3A_843 = arith.constant 0.000000e+00 : f32
        %broadcast_in_dim3A_844 = vector.broadcast %jit3A_843 : f32 to vector<16xf32>
        %select_n3A_845 = arith.select %eq3A_837, %get3A_842, %broadcast_in_dim3A_844 : vector<16xi1>, vector<16xf32>
        %swap3A_846 = arith.constant 28 : i32
        %swap3A_847 = arith.index_cast %swap3A_846 : i32 to index
        %swap3A_848 = arith.constant 0 : index
        %swap3A_849 = tpu.vector_load %arg21[%swap3A_847, %swap3A_848] {strides = array<i32>} : memref<40x128xf32, #tpu.memory_space<vmem>>, vector<1x16xf32>,
        %swap3A_850 = vector.shape_cast %swap3A_849 : vector<1x16xf32> to vector<16xf32>
        %swap3A_851 = vector.shape_cast %select_n3A_845 : vector<16xf32> to vector<1x16xf32>
        tpu.vector_store %arg21[%swap3A_847, %swap3A_848], %swap3A_851 {strides = array<i32>} : memref<40x128xf32, #tpu.memory_space<vmem>>, vector<1x16xf32>,
        %slice3A_852 = vector.extract_strided_slice %and3A_761 {offsets = [5], sizes = [1], strides = [1]} : vector<16xi32> to vector<1xi32>
        %squeeze3A_853 = vector.extract %slice3A_852[0] : i32 from vector<1xi32>
        %eq3A_854 = vector.broadcast %squeeze3A_853 : i32 to vector<16xi32>
        %eq3A_855 = arith.cmpi eq, %iota3A, %eq3A_854 : vector<16xi32>
        %get3A_856 = arith.constant 29 : i32
        %get3A_857 = arith.index_cast %get3A_856 : i32 to index
        %get3A_858 = arith.constant 0 : index
        %get3A_859 = tpu.vector_load %arg20[%get3A_857, %get3A_858] {strides = array<i32>} : memref<40x16xf32, #tpu.memory_space<vmem>>, vector<1x16xf32>,
        %get3A_860 = vector.shape_cast %get3A_859 : vector<1x16xf32> to vector<16xf32>
        %jit3A_861 = arith.constant 0.000000e+00 : f32
        %broadcast_in_dim3A_862 = vector.broadcast %jit3A_861 : f32 to vector<16xf32>
        %select_n3A_863 = arith.select %eq3A_855, %get3A_860, %broadcast_in_dim3A_862 : vector<16xi1>, vector<16xf32>
        %swap3A_864 = arith.constant 29 : i32
        %swap3A_865 = arith.index_cast %swap3A_864 : i32 to index
        %swap3A_866 = arith.constant 0 : index
        %swap3A_867 = tpu.vector_load %arg21[%swap3A_865, %swap3A_866] {strides = array<i32>} : memref<40x128xf32, #tpu.memory_space<vmem>>, vector<1x16xf32>,
        %swap3A_868 = vector.shape_cast %swap3A_867 : vector<1x16xf32> to vector<16xf32>
        %swap3A_869 = vector.shape_cast %select_n3A_863 : vector<16xf32> to vector<1x16xf32>
        tpu.vector_store %arg21[%swap3A_865, %swap3A_866], %swap3A_869 {strides = array<i32>} : memref<40x128xf32, #tpu.memory_space<vmem>>, vector<1x16xf32>,
        %slice3A_870 = vector.extract_strided_slice %and3A_761 {offsets = [6], sizes = [1], strides = [1]} : vector<16xi32> to vector<1xi32>
        %squeeze3A_871 = vector.extract %slice3A_870[0] : i32 from vector<1xi32>
        %eq3A_872 = vector.broadcast %squeeze3A_871 : i32 to vector<16xi32>
        %eq3A_873 = arith.cmpi eq, %iota3A, %eq3A_872 : vector<16xi32>
        %get3A_874 = arith.constant 30 : i32
        %get3A_875 = arith.index_cast %get3A_874 : i32 to index
        %get3A_876 = arith.constant 0 : index
        %get3A_877 = tpu.vector_load %arg20[%get3A_875, %get3A_876] {strides = array<i32>} : memref<40x16xf32, #tpu.memory_space<vmem>>, vector<1x16xf32>,
        %get3A_878 = vector.shape_cast %get3A_877 : vector<1x16xf32> to vector<16xf32>
        %jit3A_879 = arith.constant 0.000000e+00 : f32
        %broadcast_in_dim3A_880 = vector.broadcast %jit3A_879 : f32 to vector<16xf32>
        %select_n3A_881 = arith.select %eq3A_873, %get3A_878, %broadcast_in_dim3A_880 : vector<16xi1>, vector<16xf32>
        %swap3A_882 = arith.constant 30 : i32
        %swap3A_883 = arith.index_cast %swap3A_882 : i32 to index
        %swap3A_884 = arith.constant 0 : index
        %swap3A_885 = tpu.vector_load %arg21[%swap3A_883, %swap3A_884] {strides = array<i32>} : memref<40x128xf32, #tpu.memory_space<vmem>>, vector<1x16xf32>,
        %swap3A_886 = vector.shape_cast %swap3A_885 : vector<1x16xf32> to vector<16xf32>
        %swap3A_887 = vector.shape_cast %select_n3A_881 : vector<16xf32> to vector<1x16xf32>
        tpu.vector_store %arg21[%swap3A_883, %swap3A_884], %swap3A_887 {strides = array<i32>} : memref<40x128xf32, #tpu.memory_space<vmem>>, vector<1x16xf32>,
        %slice3A_888 = vector.extract_strided_slice %and3A_761 {offsets = [7], sizes = [1], strides = [1]} : vector<16xi32> to vector<1xi32>
        %squeeze3A_889 = vector.extract %slice3A_888[0] : i32 from vector<1xi32>
        %eq3A_890 = vector.broadcast %squeeze3A_889 : i32 to vector<16xi32>
        %eq3A_891 = arith.cmpi eq, %iota3A, %eq3A_890 : vector<16xi32>
        %get3A_892 = arith.constant 31 : i32
        %get3A_893 = arith.index_cast %get3A_892 : i32 to index
        %get3A_894 = arith.constant 0 : index
        %get3A_895 = tpu.vector_load %arg20[%get3A_893, %get3A_894] {strides = array<i32>} : memref<40x16xf32, #tpu.memory_space<vmem>>, vector<1x16xf32>,
        %get3A_896 = vector.shape_cast %get3A_895 : vector<1x16xf32> to vector<16xf32>
        %jit3A_897 = arith.constant 0.000000e+00 : f32
        %broadcast_in_dim3A_898 = vector.broadcast %jit3A_897 : f32 to vector<16xf32>
        %select_n3A_899 = arith.select %eq3A_891, %get3A_896, %broadcast_in_dim3A_898 : vector<16xi1>, vector<16xf32>
        %swap3A_900 = arith.constant 31 : i32
        %swap3A_901 = arith.index_cast %swap3A_900 : i32 to index
        %swap3A_902 = arith.constant 0 : index
        %swap3A_903 = tpu.vector_load %arg21[%swap3A_901, %swap3A_902] {strides = array<i32>} : memref<40x128xf32, #tpu.memory_space<vmem>>, vector<1x16xf32>,
        %swap3A_904 = vector.shape_cast %swap3A_903 : vector<1x16xf32> to vector<16xf32>
        %swap3A_905 = vector.shape_cast %select_n3A_899 : vector<16xf32> to vector<1x16xf32>
        tpu.vector_store %arg21[%swap3A_901, %swap3A_902], %swap3A_905 {strides = array<i32>} : memref<40x128xf32, #tpu.memory_space<vmem>>, vector<1x16xf32>,
        %slice3A_906 = vector.extract_strided_slice %and3A_761 {offsets = [8], sizes = [1], strides = [1]} : vector<16xi32> to vector<1xi32>
        %squeeze3A_907 = vector.extract %slice3A_906[0] : i32 from vector<1xi32>
        %eq3A_908 = vector.broadcast %squeeze3A_907 : i32 to vector<16xi32>
        %eq3A_909 = arith.cmpi eq, %iota3A, %eq3A_908 : vector<16xi32>
        %get3A_910 = arith.constant 32 : i32
        %get3A_911 = arith.index_cast %get3A_910 : i32 to index
        %get3A_912 = arith.constant 0 : index
        %get3A_913 = tpu.vector_load %arg20[%get3A_911, %get3A_912] {strides = array<i32>} : memref<40x16xf32, #tpu.memory_space<vmem>>, vector<1x16xf32>,
        %get3A_914 = vector.shape_cast %get3A_913 : vector<1x16xf32> to vector<16xf32>
        %jit3A_915 = arith.constant 0.000000e+00 : f32
        %broadcast_in_dim3A_916 = vector.broadcast %jit3A_915 : f32 to vector<16xf32>
        %select_n3A_917 = arith.select %eq3A_909, %get3A_914, %broadcast_in_dim3A_916 : vector<16xi1>, vector<16xf32>
        %swap3A_918 = arith.constant 32 : i32
        %swap3A_919 = arith.index_cast %swap3A_918 : i32 to index
        %swap3A_920 = arith.constant 0 : index
        %swap3A_921 = tpu.vector_load %arg21[%swap3A_919, %swap3A_920] {strides = array<i32>} : memref<40x128xf32, #tpu.memory_space<vmem>>, vector<1x16xf32>,
        %swap3A_922 = vector.shape_cast %swap3A_921 : vector<1x16xf32> to vector<16xf32>
        %swap3A_923 = vector.shape_cast %select_n3A_917 : vector<16xf32> to vector<1x16xf32>
        tpu.vector_store %arg21[%swap3A_919, %swap3A_920], %swap3A_923 {strides = array<i32>} : memref<40x128xf32, #tpu.memory_space<vmem>>, vector<1x16xf32>,
        %slice3A_924 = vector.extract_strided_slice %and3A_761 {offsets = [9], sizes = [1], strides = [1]} : vector<16xi32> to vector<1xi32>
        %squeeze3A_925 = vector.extract %slice3A_924[0] : i32 from vector<1xi32>
        %eq3A_926 = vector.broadcast %squeeze3A_925 : i32 to vector<16xi32>
        %eq3A_927 = arith.cmpi eq, %iota3A, %eq3A_926 : vector<16xi32>
        %get3A_928 = arith.constant 33 : i32
        %get3A_929 = arith.index_cast %get3A_928 : i32 to index
        %get3A_930 = arith.constant 0 : index
        %get3A_931 = tpu.vector_load %arg20[%get3A_929, %get3A_930] {strides = array<i32>} : memref<40x16xf32, #tpu.memory_space<vmem>>, vector<1x16xf32>,
        %get3A_932 = vector.shape_cast %get3A_931 : vector<1x16xf32> to vector<16xf32>
        %jit3A_933 = arith.constant 0.000000e+00 : f32
        %broadcast_in_dim3A_934 = vector.broadcast %jit3A_933 : f32 to vector<16xf32>
        %select_n3A_935 = arith.select %eq3A_927, %get3A_932, %broadcast_in_dim3A_934 : vector<16xi1>, vector<16xf32>
        %swap3A_936 = arith.constant 33 : i32
        %swap3A_937 = arith.index_cast %swap3A_936 : i32 to index
        %swap3A_938 = arith.constant 0 : index
        %swap3A_939 = tpu.vector_load %arg21[%swap3A_937, %swap3A_938] {strides = array<i32>} : memref<40x128xf32, #tpu.memory_space<vmem>>, vector<1x16xf32>,
        %swap3A_940 = vector.shape_cast %swap3A_939 : vector<1x16xf32> to vector<16xf32>
        %swap3A_941 = vector.shape_cast %select_n3A_935 : vector<16xf32> to vector<1x16xf32>
        tpu.vector_store %arg21[%swap3A_937, %swap3A_938], %swap3A_941 {strides = array<i32>} : memref<40x128xf32, #tpu.memory_space<vmem>>, vector<1x16xf32>,
        %slice3A_942 = vector.extract_strided_slice %and3A_761 {offsets = [10], sizes = [1], strides = [1]} : vector<16xi32> to vector<1xi32>
        %squeeze3A_943 = vector.extract %slice3A_942[0] : i32 from vector<1xi32>
        %eq3A_944 = vector.broadcast %squeeze3A_943 : i32 to vector<16xi32>
        %eq3A_945 = arith.cmpi eq, %iota3A, %eq3A_944 : vector<16xi32>
        %get3A_946 = arith.constant 34 : i32
        %get3A_947 = arith.index_cast %get3A_946 : i32 to index
        %get3A_948 = arith.constant 0 : index
        %get3A_949 = tpu.vector_load %arg20[%get3A_947, %get3A_948] {strides = array<i32>} : memref<40x16xf32, #tpu.memory_space<vmem>>, vector<1x16xf32>,
        %get3A_950 = vector.shape_cast %get3A_949 : vector<1x16xf32> to vector<16xf32>
        %jit3A_951 = arith.constant 0.000000e+00 : f32
        %broadcast_in_dim3A_952 = vector.broadcast %jit3A_951 : f32 to vector<16xf32>
        %select_n3A_953 = arith.select %eq3A_945, %get3A_950, %broadcast_in_dim3A_952 : vector<16xi1>, vector<16xf32>
        %swap3A_954 = arith.constant 34 : i32
        %swap3A_955 = arith.index_cast %swap3A_954 : i32 to index
        %swap3A_956 = arith.constant 0 : index
        %swap3A_957 = tpu.vector_load %arg21[%swap3A_955, %swap3A_956] {strides = array<i32>} : memref<40x128xf32, #tpu.memory_space<vmem>>, vector<1x16xf32>,
        %swap3A_958 = vector.shape_cast %swap3A_957 : vector<1x16xf32> to vector<16xf32>
        %swap3A_959 = vector.shape_cast %select_n3A_953 : vector<16xf32> to vector<1x16xf32>
        tpu.vector_store %arg21[%swap3A_955, %swap3A_956], %swap3A_959 {strides = array<i32>} : memref<40x128xf32, #tpu.memory_space<vmem>>, vector<1x16xf32>,
        %slice3A_960 = vector.extract_strided_slice %and3A_761 {offsets = [11], sizes = [1], strides = [1]} : vector<16xi32> to vector<1xi32>
        %squeeze3A_961 = vector.extract %slice3A_960[0] : i32 from vector<1xi32>
        %eq3A_962 = vector.broadcast %squeeze3A_961 : i32 to vector<16xi32>
        %eq3A_963 = arith.cmpi eq, %iota3A, %eq3A_962 : vector<16xi32>
        %get3A_964 = arith.constant 35 : i32
        %get3A_965 = arith.index_cast %get3A_964 : i32 to index
        %get3A_966 = arith.constant 0 : index
        %get3A_967 = tpu.vector_load %arg20[%get3A_965, %get3A_966] {strides = array<i32>} : memref<40x16xf32, #tpu.memory_space<vmem>>, vector<1x16xf32>,
        %get3A_968 = vector.shape_cast %get3A_967 : vector<1x16xf32> to vector<16xf32>
        %jit3A_969 = arith.constant 0.000000e+00 : f32
        %broadcast_in_dim3A_970 = vector.broadcast %jit3A_969 : f32 to vector<16xf32>
        %select_n3A_971 = arith.select %eq3A_963, %get3A_968, %broadcast_in_dim3A_970 : vector<16xi1>, vector<16xf32>
        %swap3A_972 = arith.constant 35 : i32
        %swap3A_973 = arith.index_cast %swap3A_972 : i32 to index
        %swap3A_974 = arith.constant 0 : index
        %swap3A_975 = tpu.vector_load %arg21[%swap3A_973, %swap3A_974] {strides = array<i32>} : memref<40x128xf32, #tpu.memory_space<vmem>>, vector<1x16xf32>,
        %swap3A_976 = vector.shape_cast %swap3A_975 : vector<1x16xf32> to vector<16xf32>
        %swap3A_977 = vector.shape_cast %select_n3A_971 : vector<16xf32> to vector<1x16xf32>
        tpu.vector_store %arg21[%swap3A_973, %swap3A_974], %swap3A_977 {strides = array<i32>} : memref<40x128xf32, #tpu.memory_space<vmem>>, vector<1x16xf32>,
        %slice3A_978 = vector.extract_strided_slice %and3A_761 {offsets = [12], sizes = [1], strides = [1]} : vector<16xi32> to vector<1xi32>
        %squeeze3A_979 = vector.extract %slice3A_978[0] : i32 from vector<1xi32>
        %eq3A_980 = vector.broadcast %squeeze3A_979 : i32 to vector<16xi32>
        %eq3A_981 = arith.cmpi eq, %iota3A, %eq3A_980 : vector<16xi32>
        %get3A_982 = arith.constant 36 : i32
        %get3A_983 = arith.index_cast %get3A_982 : i32 to index
        %get3A_984 = arith.constant 0 : index
        %get3A_985 = tpu.vector_load %arg20[%get3A_983, %get3A_984] {strides = array<i32>} : memref<40x16xf32, #tpu.memory_space<vmem>>, vector<1x16xf32>,
        %get3A_986 = vector.shape_cast %get3A_985 : vector<1x16xf32> to vector<16xf32>
        %jit3A_987 = arith.constant 0.000000e+00 : f32
        %broadcast_in_dim3A_988 = vector.broadcast %jit3A_987 : f32 to vector<16xf32>
        %select_n3A_989 = arith.select %eq3A_981, %get3A_986, %broadcast_in_dim3A_988 : vector<16xi1>, vector<16xf32>
        %swap3A_990 = arith.constant 36 : i32
        %swap3A_991 = arith.index_cast %swap3A_990 : i32 to index
        %swap3A_992 = arith.constant 0 : index
        %swap3A_993 = tpu.vector_load %arg21[%swap3A_991, %swap3A_992] {strides = array<i32>} : memref<40x128xf32, #tpu.memory_space<vmem>>, vector<1x16xf32>,
        %swap3A_994 = vector.shape_cast %swap3A_993 : vector<1x16xf32> to vector<16xf32>
        %swap3A_995 = vector.shape_cast %select_n3A_989 : vector<16xf32> to vector<1x16xf32>
        tpu.vector_store %arg21[%swap3A_991, %swap3A_992], %swap3A_995 {strides = array<i32>} : memref<40x128xf32, #tpu.memory_space<vmem>>, vector<1x16xf32>,
        %slice3A_996 = vector.extract_strided_slice %and3A_761 {offsets = [13], sizes = [1], strides = [1]} : vector<16xi32> to vector<1xi32>
        %squeeze3A_997 = vector.extract %slice3A_996[0] : i32 from vector<1xi32>
        %eq3A_998 = vector.broadcast %squeeze3A_997 : i32 to vector<16xi32>
        %eq3A_999 = arith.cmpi eq, %iota3A, %eq3A_998 : vector<16xi32>
        %get3A_1000 = arith.constant 37 : i32
        %get3A_1001 = arith.index_cast %get3A_1000 : i32 to index
        %get3A_1002 = arith.constant 0 : index
        %get3A_1003 = tpu.vector_load %arg20[%get3A_1001, %get3A_1002] {strides = array<i32>} : memref<40x16xf32, #tpu.memory_space<vmem>>, vector<1x16xf32>,
        %get3A_1004 = vector.shape_cast %get3A_1003 : vector<1x16xf32> to vector<16xf32>
        %jit3A_1005 = arith.constant 0.000000e+00 : f32
        %broadcast_in_dim3A_1006 = vector.broadcast %jit3A_1005 : f32 to vector<16xf32>
        %select_n3A_1007 = arith.select %eq3A_999, %get3A_1004, %broadcast_in_dim3A_1006 : vector<16xi1>, vector<16xf32>
        %swap3A_1008 = arith.constant 37 : i32
        %swap3A_1009 = arith.index_cast %swap3A_1008 : i32 to index
        %swap3A_1010 = arith.constant 0 : index
        %swap3A_1011 = tpu.vector_load %arg21[%swap3A_1009, %swap3A_1010] {strides = array<i32>} : memref<40x128xf32, #tpu.memory_space<vmem>>, vector<1x16xf32>,
        %swap3A_1012 = vector.shape_cast %swap3A_1011 : vector<1x16xf32> to vector<16xf32>
        %swap3A_1013 = vector.shape_cast %select_n3A_1007 : vector<16xf32> to vector<1x16xf32>
        tpu.vector_store %arg21[%swap3A_1009, %swap3A_1010], %swap3A_1013 {strides = array<i32>} : memref<40x128xf32, #tpu.memory_space<vmem>>, vector<1x16xf32>,
        %slice3A_1014 = vector.extract_strided_slice %and3A_761 {offsets = [14], sizes = [1], strides = [1]} : vector<16xi32> to vector<1xi32>
        %squeeze3A_1015 = vector.extract %slice3A_1014[0] : i32 from vector<1xi32>
        %eq3A_1016 = vector.broadcast %squeeze3A_1015 : i32 to vector<16xi32>
        %eq3A_1017 = arith.cmpi eq, %iota3A, %eq3A_1016 : vector<16xi32>
        %get3A_1018 = arith.constant 38 : i32
        %get3A_1019 = arith.index_cast %get3A_1018 : i32 to index
        %get3A_1020 = arith.constant 0 : index
        %get3A_1021 = tpu.vector_load %arg20[%get3A_1019, %get3A_1020] {strides = array<i32>} : memref<40x16xf32, #tpu.memory_space<vmem>>, vector<1x16xf32>,
        %get3A_1022 = vector.shape_cast %get3A_1021 : vector<1x16xf32> to vector<16xf32>
        %jit3A_1023 = arith.constant 0.000000e+00 : f32
        %broadcast_in_dim3A_1024 = vector.broadcast %jit3A_1023 : f32 to vector<16xf32>
        %select_n3A_1025 = arith.select %eq3A_1017, %get3A_1022, %broadcast_in_dim3A_1024 : vector<16xi1>, vector<16xf32>
        %swap3A_1026 = arith.constant 38 : i32
        %swap3A_1027 = arith.index_cast %swap3A_1026 : i32 to index
        %swap3A_1028 = arith.constant 0 : index
        %swap3A_1029 = tpu.vector_load %arg21[%swap3A_1027, %swap3A_1028] {strides = array<i32>} : memref<40x128xf32, #tpu.memory_space<vmem>>, vector<1x16xf32>,
        %swap3A_1030 = vector.shape_cast %swap3A_1029 : vector<1x16xf32> to vector<16xf32>
        %swap3A_1031 = vector.shape_cast %select_n3A_1025 : vector<16xf32> to vector<1x16xf32>
        tpu.vector_store %arg21[%swap3A_1027, %swap3A_1028], %swap3A_1031 {strides = array<i32>} : memref<40x128xf32, #tpu.memory_space<vmem>>, vector<1x16xf32>,
        %slice3A_1032 = vector.extract_strided_slice %and3A_761 {offsets = [15], sizes = [1], strides = [1]} : vector<16xi32> to vector<1xi32>
        %squeeze3A_1033 = vector.extract %slice3A_1032[0] : i32 from vector<1xi32>
        %eq3A_1034 = vector.broadcast %squeeze3A_1033 : i32 to vector<16xi32>
        %eq3A_1035 = arith.cmpi eq, %iota3A, %eq3A_1034 : vector<16xi32>
        %get3A_1036 = arith.constant 39 : i32
        %get3A_1037 = arith.index_cast %get3A_1036 : i32 to index
        %get3A_1038 = arith.constant 0 : index
        %get3A_1039 = tpu.vector_load %arg20[%get3A_1037, %get3A_1038] {strides = array<i32>} : memref<40x16xf32, #tpu.memory_space<vmem>>, vector<1x16xf32>,
        %get3A_1040 = vector.shape_cast %get3A_1039 : vector<1x16xf32> to vector<16xf32>
        %jit3A_1041 = arith.constant 0.000000e+00 : f32
        %broadcast_in_dim3A_1042 = vector.broadcast %jit3A_1041 : f32 to vector<16xf32>
        %select_n3A_1043 = arith.select %eq3A_1035, %get3A_1040, %broadcast_in_dim3A_1042 : vector<16xi1>, vector<16xf32>
        %swap3A_1044 = arith.constant 39 : i32
        %swap3A_1045 = arith.index_cast %swap3A_1044 : i32 to index
        %swap3A_1046 = arith.constant 0 : index
        %swap3A_1047 = tpu.vector_load %arg21[%swap3A_1045, %swap3A_1046] {strides = array<i32>} : memref<40x128xf32, #tpu.memory_space<vmem>>, vector<1x16xf32>,
        %swap3A_1048 = vector.shape_cast %swap3A_1047 : vector<1x16xf32> to vector<16xf32>
        %swap3A_1049 = vector.shape_cast %select_n3A_1043 : vector<16xf32> to vector<1x16xf32>
        tpu.vector_store %arg21[%swap3A_1045, %swap3A_1046], %swap3A_1049 {strides = array<i32>} : memref<40x128xf32, #tpu.memory_space<vmem>>, vector<1x16xf32>,
        %dma_start3A_1050 = arith.constant 0 : i32
        %dma_start3A_1051 = arith.constant 0 : i32
        %dma_start3A_1052 = tpu.memref_slice %arg10[%dma_start3A_1050, %dma_start3A_1051] : memref<10240x128xf32, #tpu.memory_space<vmem_shared>> -> memref<10240x128xf32, #tpu.memory_space<vmem_shared>>
        tpu.enqueue_indirect_dma source(%arg17 : memref<40x128xf32, #tpu.memory_space<vmem>>) target(%dma_start3A_1052 : memref<10240x128xf32, #tpu.memory_space<vmem_shared>>) offsets(%arg15 : memref<40xi32, #tpu.memory_space<vmem>>) semaphore(%arg24 : memref<!tpu.dma_semaphore, #tpu.memory_space<semaphore_mem>>) {add = true}
        %dma_start3A_1053 = arith.constant 0 : i32
        %dma_start3A_1054 = arith.constant 0 : i32
        %dma_start3A_1055 = tpu.memref_slice %arg11[%dma_start3A_1053, %dma_start3A_1054] : memref<1280x128xf32, #tpu.memory_space<vmem_shared>> -> memref<1280x128xf32, #tpu.memory_space<vmem_shared>>
        tpu.enqueue_indirect_dma source(%arg21 : memref<40x128xf32, #tpu.memory_space<vmem>>) target(%dma_start3A_1055 : memref<1280x128xf32, #tpu.memory_space<vmem_shared>>) offsets(%arg16 : memref<40xi32, #tpu.memory_space<vmem>>) semaphore(%arg25 : memref<!tpu.dma_semaphore, #tpu.memory_space<semaphore_mem>>) {add = true}
        %while3A_1056 = arith.constant 0 : i32
        scf.yield %while3A_1056 : i32
      }
      %scan3A_85 = arith.constant 0 : i32
      scf.yield %scan3A_85 : i32
    }
    %scan3A_53 = arith.constant 25 : i32
    %dma_wait3A = arith.constant 0 : i32
    %dma_wait3A_54 = arith.constant 0 : i32
    %dma_wait3A_55 = tpu.memref_slice %arg10[%dma_wait3A, %dma_wait3A_54] : memref<10240x128xf32, #tpu.memory_space<vmem_shared>> -> memref<10240x128xf32, #tpu.memory_space<vmem_shared>>
    tpu.wait_indirect_dma semaphore(%arg24 : memref<!tpu.dma_semaphore, #tpu.memory_space<semaphore_mem>>) src(%arg17 : memref<40x128xf32, #tpu.memory_space<vmem>>) dst(%dma_wait3A_55 : memref<10240x128xf32, #tpu.memory_space<vmem_shared>>)
    %dma_wait3A_56 = arith.constant 0 : i32
    %dma_wait3A_57 = arith.constant 0 : i32
    %dma_wait3A_58 = tpu.memref_slice %arg11[%dma_wait3A_56, %dma_wait3A_57] : memref<1280x128xf32, #tpu.memory_space<vmem_shared>> -> memref<1280x128xf32, #tpu.memory_space<vmem_shared>>
    tpu.wait_indirect_dma semaphore(%arg25 : memref<!tpu.dma_semaphore, #tpu.memory_space<semaphore_mem>>) src(%arg21 : memref<40x128xf32, #tpu.memory_space<vmem>>) dst(%dma_wait3A_58 : memref<1280x128xf32, #tpu.memory_space<vmem_shared>>)
    %barrier3A_59 = arith.constant 0 : index
    tpu.barrier barrier_id(%barrier3A_59)
    "tpu.region"() ({
      %run_scoped3A = tpu.sem_alloc : memref<!tpu.dma_semaphore, #tpu.memory_space<semaphore_mem>>
      %dma_start3A = arith.constant 0 : i32
      %dma_start3A_60 = tpu.memref_slice %arg8[%arg0, %mul3A_8, %dma_start3A] : memref<2x10240x128xf32, #tpu.memory_space<hbm>> -> memref<1x640x128xf32, #tpu.memory_space<hbm>>
      %dma_start3A_61 = tpu.memref_squeeze %dma_start3A_60 : memref<1x640x128xf32, #tpu.memory_space<hbm>> -> memref<640x128xf32, #tpu.memory_space<hbm>>
      %dma_start3A_62 = arith.constant 0 : i32
      %dma_start3A_63 = tpu.memref_slice %arg10[%mul3A_8, %dma_start3A_62] : memref<10240x128xf32, #tpu.memory_space<vmem_shared>> -> memref<640x128xf32, #tpu.memory_space<vmem_shared>>
      tpu.enqueue_dma source(%dma_start3A_63 : memref<640x128xf32, #tpu.memory_space<vmem_shared>>) target(%dma_start3A_61 : memref<640x128xf32, #tpu.memory_space<hbm>>) target_semaphore(%run_scoped3A : memref<!tpu.dma_semaphore, #tpu.memory_space<semaphore_mem>>)
      %dma_wait3A_64 = arith.constant 0 : i32
      %dma_wait3A_65 = tpu.memref_slice %arg8[%arg0, %mul3A_8, %dma_wait3A_64] : memref<2x10240x128xf32, #tpu.memory_space<hbm>> -> memref<1x640x128xf32, #tpu.memory_space<hbm>>
      %dma_wait3A_66 = tpu.memref_squeeze %dma_wait3A_65 : memref<1x640x128xf32, #tpu.memory_space<hbm>> -> memref<640x128xf32, #tpu.memory_space<hbm>>
      %dma_wait3A_67 = arith.constant 0 : i32
      %dma_wait3A_68 = tpu.memref_slice %arg10[%mul3A_8, %dma_wait3A_67] : memref<10240x128xf32, #tpu.memory_space<vmem_shared>> -> memref<640x128xf32, #tpu.memory_space<vmem_shared>>
      tpu.wait_dma2 semaphore(%run_scoped3A : memref<!tpu.dma_semaphore, #tpu.memory_space<semaphore_mem>>) src(%dma_wait3A_68 : memref<640x128xf32, #tpu.memory_space<vmem_shared>>) dst(%dma_wait3A_66 : memref<640x128xf32, #tpu.memory_space<hbm>>)
      tpu.yield
    }) : () -> ()
    "tpu.region"() ({
      %run_scoped3A = tpu.sem_alloc : memref<!tpu.dma_semaphore, #tpu.memory_space<semaphore_mem>>
      %dma_start3A = arith.constant 0 : i32
      %dma_start3A_60 = tpu.memref_slice %arg9[%arg0, %mul3A_10, %dma_start3A] : memref<2x1280x128xf32, #tpu.memory_space<hbm>> -> memref<1x80x128xf32, #tpu.memory_space<hbm>>
      %dma_start3A_61 = tpu.memref_squeeze %dma_start3A_60 : memref<1x80x128xf32, #tpu.memory_space<hbm>> -> memref<80x128xf32, #tpu.memory_space<hbm>>
      %dma_start3A_62 = arith.constant 0 : i32
      %dma_start3A_63 = tpu.memref_slice %arg11[%mul3A_10, %dma_start3A_62] : memref<1280x128xf32, #tpu.memory_space<vmem_shared>> -> memref<80x128xf32, #tpu.memory_space<vmem_shared>>
      tpu.enqueue_dma source(%dma_start3A_63 : memref<80x128xf32, #tpu.memory_space<vmem_shared>>) target(%dma_start3A_61 : memref<80x128xf32, #tpu.memory_space<hbm>>) target_semaphore(%run_scoped3A : memref<!tpu.dma_semaphore, #tpu.memory_space<semaphore_mem>>)
      %dma_wait3A_64 = arith.constant 0 : i32
      %dma_wait3A_65 = tpu.memref_slice %arg9[%arg0, %mul3A_10, %dma_wait3A_64] : memref<2x1280x128xf32, #tpu.memory_space<hbm>> -> memref<1x80x128xf32, #tpu.memory_space<hbm>>
      %dma_wait3A_66 = tpu.memref_squeeze %dma_wait3A_65 : memref<1x80x128xf32, #tpu.memory_space<hbm>> -> memref<80x128xf32, #tpu.memory_space<hbm>>
      %dma_wait3A_67 = arith.constant 0 : i32
      %dma_wait3A_68 = tpu.memref_slice %arg11[%mul3A_10, %dma_wait3A_67] : memref<1280x128xf32, #tpu.memory_space<vmem_shared>> -> memref<80x128xf32, #tpu.memory_space<vmem_shared>>
      tpu.wait_dma2 semaphore(%run_scoped3A : memref<!tpu.dma_semaphore, #tpu.memory_space<semaphore_mem>>) src(%dma_wait3A_68 : memref<80x128xf32, #tpu.memory_space<vmem_shared>>) dst(%dma_wait3A_66 : memref<80x128xf32, #tpu.memory_space<hbm>>)
      tpu.yield
    }) : () -> ()
    return
  }
}

module attributes {stable_mosaic.version = 14 : i64} {
  func.func @_lin_body(%arg0: i32, %arg1: memref<1000x128xf32, #tpu.memory_space<vmem>>, %arg2: memref<128x128xf32, #tpu.memory_space<vmem>>, %arg3: memref<1x128xf32, #tpu.memory_space<vmem>>, %arg4: memref<128x128xf32, #tpu.memory_space<vmem>>, %arg5: memref<1x128xf32, #tpu.memory_space<vmem>>, %arg6: memref<1000x128xf32, #tpu.memory_space<vmem>>, %arg7: memref<1000x128xf32, #tpu.memory_space<vmem>>) attributes {dimension_semantics = [#tpu.dimension_semantics<arbitrary>], iteration_bounds = array<i64: 10>, scalar_prefetch = 0 : i64, scratch_operands = 0 : i64, tpu.core_type = #tpu.core_type<tc>, window_params = [{transform_indices = @transform_0, window_bounds = array<i64: 1000, 128>}, {pipeline_mode = #tpu.pipeline_mode<synchronous>, transform_indices = @transform_1, window_bounds = array<i64: 128, 128>}, {pipeline_mode = #tpu.pipeline_mode<synchronous>, transform_indices = @transform_2, window_bounds = array<i64: 1, 128>}, {pipeline_mode = #tpu.pipeline_mode<synchronous>, transform_indices = @transform_3, window_bounds = array<i64: 128, 128>}, {pipeline_mode = #tpu.pipeline_mode<synchronous>, transform_indices = @transform_4, window_bounds = array<i64: 1, 128>}, {transform_indices = @transform_5, window_bounds = array<i64: 1000, 128>}, {transform_indices = @transform_6, window_bounds = array<i64: 1000, 128>}]} {
    %get3A = arith.constant 0 : index
    %get3A_0 = arith.constant 0 : index
    %get3A_1 = vector.load %arg1[%get3A, %get3A_0] : memref<1000x128xf32, #tpu.memory_space<vmem>>, vector<1000x128xf32>
    %get3A_2 = arith.constant 0 : index
    %get3A_3 = arith.constant 0 : index
    %get3A_4 = vector.load %arg2[%get3A_2, %get3A_3] : memref<128x128xf32, #tpu.memory_space<vmem>>, vector<128x128xf32>
    %dot_general3A = arith.constant dense<0.000000e+00> : vector<1000x128xf32>
    %dot_general3A_5 = tpu.matmul %get3A_1, %get3A_4, %dot_general3A {dimension_numbers = #tpu.dot_dimension_numbers<[1], [0], [0], [1], [0, 0, 1, 1], [], []>, transpose_lhs_hint = false} : vector<1000x128xf32>, vector<128x128xf32>, vector<1000x128xf32> -> vector<1000x128xf32>
    %get3A_6 = arith.constant 0 : index
    %get3A_7 = arith.constant 0 : index
    %get3A_8 = vector.load %arg3[%get3A_6, %get3A_7] : memref<1x128xf32, #tpu.memory_space<vmem>>, vector<1x128xf32>
    %add3A = vector.broadcast %get3A_8 : vector<1x128xf32> to vector<1000x128xf32>
    %add3A_9 = arith.addf %dot_general3A_5, %add3A : vector<1000x128xf32>
    %swap3A = arith.constant 0 : index
    %swap3A_10 = arith.constant 0 : index
    %swap3A_11 = vector.load %arg6[%swap3A, %swap3A_10] : memref<1000x128xf32, #tpu.memory_space<vmem>>, vector<1000x128xf32>
    tpu.vector_store %arg6[%swap3A, %swap3A_10], %add3A_9 {strides = array<i32>} : memref<1000x128xf32, #tpu.memory_space<vmem>>, vector<1000x128xf32>,
    %get3A_12 = arith.constant 0 : index
    %get3A_13 = arith.constant 0 : index
    %get3A_14 = vector.load %arg4[%get3A_12, %get3A_13] : memref<128x128xf32, #tpu.memory_space<vmem>>, vector<128x128xf32>
    %dot_general3A_15 = arith.constant dense<0.000000e+00> : vector<1000x128xf32>
    %dot_general3A_16 = tpu.matmul %get3A_1, %get3A_14, %dot_general3A_15 {dimension_numbers = #tpu.dot_dimension_numbers<[1], [0], [0], [1], [0, 0, 1, 1], [], []>, transpose_lhs_hint = false} : vector<1000x128xf32>, vector<128x128xf32>, vector<1000x128xf32> -> vector<1000x128xf32>
    %get3A_17 = arith.constant 0 : index
    %get3A_18 = arith.constant 0 : index
    %get3A_19 = vector.load %arg5[%get3A_17, %get3A_18] : memref<1x128xf32, #tpu.memory_space<vmem>>, vector<1x128xf32>
    %add3A_20 = vector.broadcast %get3A_19 : vector<1x128xf32> to vector<1000x128xf32>
    %add3A_21 = arith.addf %dot_general3A_16, %add3A_20 : vector<1000x128xf32>
    %swap3A_22 = arith.constant 0 : index
    %swap3A_23 = arith.constant 0 : index
    %swap3A_24 = vector.load %arg7[%swap3A_22, %swap3A_23] : memref<1000x128xf32, #tpu.memory_space<vmem>>, vector<1000x128xf32>
    tpu.vector_store %arg7[%swap3A_22, %swap3A_23], %add3A_21 {strides = array<i32>} : memref<1000x128xf32, #tpu.memory_space<vmem>>, vector<1000x128xf32>,
    return
  }
  func.func @transform_0(%arg0: i32) -> (i32, i32) {
    %c0_i32 = arith.constant 0 : i32
    %c0_i32_0 = arith.constant 0 : i32
    return %arg0, %c0_i32 : i32, i32
  }
  func.func @transform_1(%arg0: i32) -> (i32, i32) {
    %c0_i32 = arith.constant 0 : i32
    %c0_i32_0 = arith.constant 0 : i32
    %c0_i32_1 = arith.constant 0 : i32
    return %c0_i32, %c0_i32_0 : i32, i32
  }
  func.func @transform_2(%arg0: i32) -> (i32, i32) {
    %c0_i32 = arith.constant 0 : i32
    %c0_i32_0 = arith.constant 0 : i32
    %c0_i32_1 = arith.constant 0 : i32
    return %c0_i32, %c0_i32_0 : i32, i32
  }
  func.func @transform_3(%arg0: i32) -> (i32, i32) {
    %c0_i32 = arith.constant 0 : i32
    %c0_i32_0 = arith.constant 0 : i32
    %c0_i32_1 = arith.constant 0 : i32
    return %c0_i32, %c0_i32_0 : i32, i32
  }
  func.func @transform_4(%arg0: i32) -> (i32, i32) {
    %c0_i32 = arith.constant 0 : i32
    %c0_i32_0 = arith.constant 0 : i32
    %c0_i32_1 = arith.constant 0 : i32
    return %c0_i32, %c0_i32_0 : i32, i32
  }
  func.func @transform_5(%arg0: i32) -> (i32, i32) {
    %c0_i32 = arith.constant 0 : i32
    %c0_i32_0 = arith.constant 0 : i32
    return %arg0, %c0_i32 : i32, i32
  }
  func.func @transform_6(%arg0: i32) -> (i32, i32) {
    %c0_i32 = arith.constant 0 : i32
    %c0_i32_0 = arith.constant 0 : i32
    return %arg0, %c0_i32 : i32, i32
  }
}

module attributes {stable_mosaic.version = 14 : i64} {
  func.func @_edge_lin_body(%arg0: i32, %arg1: memref<8000x16xf32, #tpu.memory_space<vmem>>, %arg2: memref<16x128xf32, #tpu.memory_space<vmem>>, %arg3: memref<8000x128xf32, #tpu.memory_space<vmem>>) attributes {dimension_semantics = [#tpu.dimension_semantics<arbitrary>], iteration_bounds = array<i64: 40>, scalar_prefetch = 0 : i64, scratch_operands = 0 : i64, tpu.core_type = #tpu.core_type<tc>, window_params = [{transform_indices = @transform_0, window_bounds = array<i64: 8000, 16>}, {pipeline_mode = #tpu.pipeline_mode<synchronous>, transform_indices = @transform_1, window_bounds = array<i64: 16, 128>}, {transform_indices = @transform_2, window_bounds = array<i64: 8000, 128>}]} {
    %get3A = arith.constant 0 : index
    %get3A_0 = arith.constant 0 : index
    %get3A_1 = vector.load %arg1[%get3A, %get3A_0] : memref<8000x16xf32, #tpu.memory_space<vmem>>, vector<8000x16xf32>
    %get3A_2 = arith.constant 0 : index
    %get3A_3 = arith.constant 0 : index
    %get3A_4 = vector.load %arg2[%get3A_2, %get3A_3] : memref<16x128xf32, #tpu.memory_space<vmem>>, vector<16x128xf32>
    %dot_general3A = arith.constant dense<0.000000e+00> : vector<8000x128xf32>
    %dot_general3A_5 = tpu.matmul %get3A_1, %get3A_4, %dot_general3A {dimension_numbers = #tpu.dot_dimension_numbers<[1], [0], [0], [1], [0, 0, 1, 1], [], []>, transpose_lhs_hint = false} : vector<8000x16xf32>, vector<16x128xf32>, vector<8000x128xf32> -> vector<8000x128xf32>
    %swap3A = arith.constant 0 : index
    %swap3A_6 = arith.constant 0 : index
    %swap3A_7 = vector.load %arg3[%swap3A, %swap3A_6] : memref<8000x128xf32, #tpu.memory_space<vmem>>, vector<8000x128xf32>
    tpu.vector_store %arg3[%swap3A, %swap3A_6], %dot_general3A_5 {strides = array<i32>} : memref<8000x128xf32, #tpu.memory_space<vmem>>, vector<8000x128xf32>,
    return
  }
  func.func @transform_0(%arg0: i32) -> (i32, i32) {
    %c0_i32 = arith.constant 0 : i32
    %c0_i32_0 = arith.constant 0 : i32
    return %arg0, %c0_i32 : i32, i32
  }
  func.func @transform_1(%arg0: i32) -> (i32, i32) {
    %c0_i32 = arith.constant 0 : i32
    %c0_i32_0 = arith.constant 0 : i32
    %c0_i32_1 = arith.constant 0 : i32
    return %c0_i32, %c0_i32_0 : i32, i32
  }
  func.func @transform_2(%arg0: i32) -> (i32, i32) {
    %c0_i32 = arith.constant 0 : i32
    %c0_i32_0 = arith.constant 0 : i32
    return %arg0, %c0_i32 : i32, i32
  }
}

module attributes {stable_mosaic.version = 14 : i64} {
  func.func @_epilogue_body(%arg0: i32, %arg1: memref<2x1000x128xf32, #tpu.memory_space<vmem>>, %arg2: memref<2x1000x1xf32, #tpu.memory_space<vmem>>, %arg3: memref<1x128xf32, #tpu.memory_space<vmem>>, %arg4: memref<1000x128xf32, #tpu.memory_space<vmem>>) attributes {dimension_semantics = [#tpu.dimension_semantics<arbitrary>], iteration_bounds = array<i64: 10>, scalar_prefetch = 0 : i64, scratch_operands = 0 : i64, tpu.core_type = #tpu.core_type<tc>, window_params = [{transform_indices = @transform_0, window_bounds = array<i64: 2, 1000, 128>}, {transform_indices = @transform_1, window_bounds = array<i64: 2, 1000, 1>}, {pipeline_mode = #tpu.pipeline_mode<synchronous>, transform_indices = @transform_2, window_bounds = array<i64: 1, 128>}, {transform_indices = @transform_3, window_bounds = array<i64: 1000, 128>}]} {
    %get3A = arith.constant 0 : index
    %get3A_0 = arith.constant 0 : index
    %get3A_1 = arith.constant 0 : index
    %get3A_2 = vector.load %arg1[%get3A, %get3A_0, %get3A_1] : memref<2x1000x128xf32, #tpu.memory_space<vmem>>, vector<1x1000x128xf32>
    %get3A_3 = vector.shape_cast %get3A_2 : vector<1x1000x128xf32> to vector<1000x128xf32>
    %get3A_4 = arith.constant 1 : index
    %get3A_5 = arith.constant 0 : index
    %get3A_6 = arith.constant 0 : index
    %get3A_7 = vector.load %arg1[%get3A_4, %get3A_5, %get3A_6] : memref<2x1000x128xf32, #tpu.memory_space<vmem>>, vector<1x1000x128xf32>
    %get3A_8 = vector.shape_cast %get3A_7 : vector<1x1000x128xf32> to vector<1000x128xf32>
    %add3A = arith.addf %get3A_3, %get3A_8 : vector<1000x128xf32>
    %get3A_9 = arith.constant 0 : index
    %get3A_10 = arith.constant 0 : index
    %get3A_11 = arith.constant 0 : index
    %get3A_12 = vector.load %arg2[%get3A_9, %get3A_10, %get3A_11] : memref<2x1000x1xf32, #tpu.memory_space<vmem>>, vector<1x1000x1xf32>
    %get3A_13 = vector.shape_cast %get3A_12 : vector<1x1000x1xf32> to vector<1000x1xf32>
    %get3A_14 = arith.constant 1 : index
    %get3A_15 = arith.constant 0 : index
    %get3A_16 = arith.constant 0 : index
    %get3A_17 = vector.load %arg2[%get3A_14, %get3A_15, %get3A_16] : memref<2x1000x1xf32, #tpu.memory_space<vmem>>, vector<1x1000x1xf32>
    %get3A_18 = vector.shape_cast %get3A_17 : vector<1x1000x1xf32> to vector<1000x1xf32>
    %add3A_19 = arith.addf %get3A_13, %get3A_18 : vector<1000x1xf32>
    %add3A_20 = arith.constant 1.000000e-16 : f32
    %add3A_21 = vector.broadcast %add3A_20 : f32 to vector<1000x1xf32>
    %add3A_22 = arith.addf %add3A_19, %add3A_21 : vector<1000x1xf32>
    %div3A = vector.broadcast %add3A_22 : vector<1000x1xf32> to vector<1000x128xf32>
    %div3A_23 = arith.divf %add3A, %div3A : vector<1000x128xf32>
    %get3A_24 = arith.constant 0 : index
    %get3A_25 = arith.constant 0 : index
    %get3A_26 = vector.load %arg3[%get3A_24, %get3A_25] : memref<1x128xf32, #tpu.memory_space<vmem>>, vector<1x128xf32>
    %add3A_27 = vector.broadcast %get3A_26 : vector<1x128xf32> to vector<1000x128xf32>
    %add3A_28 = arith.addf %div3A_23, %add3A_27 : vector<1000x128xf32>
    %swap3A = arith.constant 0 : index
    %swap3A_29 = arith.constant 0 : index
    %swap3A_30 = vector.load %arg4[%swap3A, %swap3A_29] : memref<1000x128xf32, #tpu.memory_space<vmem>>, vector<1000x128xf32>
    tpu.vector_store %arg4[%swap3A, %swap3A_29], %add3A_28 {strides = array<i32>} : memref<1000x128xf32, #tpu.memory_space<vmem>>, vector<1000x128xf32>,
    return
  }
  func.func @transform_0(%arg0: i32) -> (i32, i32, i32) {
    %c0_i32 = arith.constant 0 : i32
    %c0_i32_0 = arith.constant 0 : i32
    %c0_i32_1 = arith.constant 0 : i32
    return %c0_i32, %arg0, %c0_i32_0 : i32, i32, i32
  }
  func.func @transform_1(%arg0: i32) -> (i32, i32, i32) {
    %c0_i32 = arith.constant 0 : i32
    %c0_i32_0 = arith.constant 0 : i32
    %c0_i32_1 = arith.constant 0 : i32
    return %c0_i32, %arg0, %c0_i32_0 : i32, i32, i32
  }
  func.func @transform_2(%arg0: i32) -> (i32, i32) {
    %c0_i32 = arith.constant 0 : i32
    %c0_i32_0 = arith.constant 0 : i32
    %c0_i32_1 = arith.constant 0 : i32
    return %c0_i32, %c0_i32_0 : i32, i32
  }
  func.func @transform_3(%arg0: i32) -> (i32, i32) {
    %c0_i32 = arith.constant 0 : i32
    %c0_i32_0 = arith.constant 0 : i32
    return %arg0, %c0_i32 : i32, i32
  }
}

</mosaic_0001>

<sc_bundles>
// kernel: kernel.6.cloned.1.call-start
scs
__scs_entry_jumppad:
0x0: {  	(pc) =	sbr.rel $0x88, $3  }
0x1: {  	(tag) =	ssettag $0x0;
	lr =	simm.s32 $0x1  }
0x2: {  	[smem:$0x3F97] =	sst lr;
	_ =	strace $0xD0000000  }
0x3: {  	_ = 	snop  }
0x4: {  	_ = 	snop  }
0x5: {  	_ = 	snop  }
0x6: {  	_ = 	snop  }
0x7: {  	_ = 	snop  }
__scs_overlays_trampoline_lowered:
0x8: {  	[smem:$0x3FA6] =	sst s0  }
0x9: {  	[smem:$0x3FA7] =	sst s1  }
0xa: {  	[smem:$0x3FA8] =	sst s2  }
0xb: {  	[smem:$0x3FA9] =	sst s3  }
0xc: {  	[smem:$0x3FAA] =	sst s4  }
0xd: {  	[smem:$0x3FAB] =	sst s5  }
0xe: {  	[smem:$0x3FAC] =	sst s6  }
0xf: {  	[smem:$0x3FAD] =	sst s7  }
0x10: {  	[smem:$0x3FAE] =	sst s8  }
0x11: {  	[smem:$0x3FAF] =	sst s9;
	s0 =	simm.s32 @!p0 $0x0  }
0x12: {  	s1 =	sld [smem:$0x3F95];
	s0 =	simm.s32 @p0 $0x1  }
0x13: {  	[smem:$0x3FB0] =	sst s0;
	s0 =	simm.s32 @!p1 $0x0  }
0x14: {  	s2 =	sld [smem:$0x3F94];
	s0 =	simm.s32 @p1 $0x1  }
0x15: {  	[smem:$0x3FB1] =	sst s0;
	s0 =	simm.s32 @!p2 $0x0  }
0x16: {  	s3 =	sld [smem:$0x3FDB];
	s0 =	simm.s32 @p2 $0x1  }
0x17: {  	s4 =	simm.s32 $0x1BF5;
	[smem:$0x3FB3] =	sst s0  }
0x18: {  	s0 =	sld [smem:$0x3F96];
	_ =	swait.ge [sflag:s4], $0x0  }
0x19: {  	s7 =	sld [smem:$0x3F97]  }
0x1a: {  	s8 =	sadd.s32 $0xFFFFE003, lr  }
0x1b: {  	s9 =	sadd.s32 $0xFFFFFEF7, lr;
	s5 =	simm.s32 $0xFFFFFFFF;
	p2 =	slt.u32 s8, $0xFFFFF086  }
0x1c: {  	p1 =	slt.u32 s9, $0xF7A;
	s5 =	simm.s32 @!p2 $0x0  }
0x1d: {  	s5 =	simm.s32 @p1 $0x1;
	p0 =	seq.s32 s7, s2  }
0x1e: {  	s7 =	smul.u32 @!p0 $0xF7A, s2;
	p2 =	seq.s32 @!p0 s5, $0x0  }
0x1f: {  	s9 =	smul.u32 $0xF7A, s1;
	s8 =	simm.s32 @!p0 $0x1BF5;
	p2 =	por !p2, p0  }
0x20: {  	[sflag:s8] =	ssyncset.s32 @!p0 $0xFFFFF086;
	s6 =	sadd.s32 @!p0 s3, s7;
	s7 =	simm.s32 @!p0 $0x108  }
0x21: {  	s3 =	sadd.s32 s3, s9;
	s6 =	sadd.s32 @!p0 $0x88, s6;
	s7 =	simm.s32 @p2 $0x1082  }
0x22: {  	[simem:s7], [sflag:s8] =	dma.local @!p0 [hbm:s6], $0xF7A  }
0x23: {  	s9 =	sor.u32 $0xD0000000, s2;
	s6 =	simm.s32 $0x108;
	_ =	swait.ge @!p0 [sflag:s8], $0x0  }
0x24: {  	s3 =	sadd.s32 $0x88, s3;
	s6 =	simm.s32 @!p1 $0x1082;
	[sflag:s4] =	ssyncset.s32 $0xFFFFF086  }
0x25: {  	[simem:s6], [sflag:s4] =	dma.local [hbm:s3], $0xF7A  }
0x26: {  	[smem:$0x3F97] =	sst s1;
	(tag) =	ssettag s2;
	_ =	strace s9  }
0x27: {  	s1 =	sld [smem:$0x3FA7]  }
0x28: {  	s2 =	sld [smem:$0x3FA8]  }
0x29: {  	s4 =	sld [smem:$0x3FAA]  }
0x2a: {  	p0 =	seq.s32 s5, $0x0;
	s5 =	sld [smem:$0x3FAB]  }
0x2b: {  	s6 =	sld [smem:$0x3FAC]  }
0x2c: {  	s7 =	sld [smem:$0x3FAD]  }
0x2d: {  	s3 =	simm.s32 $0x108;
	s8 =	sld [smem:$0x3FAE]  }
0x2e: {  	s3 =	simm.s32 @!p0 $0x1082;
	s9 =	sld [smem:$0x3FAF]  }
0x2f: {  	lr =	sadd.s32 s0, s3;
	s0 =	sld [smem:$0x3FA6]  }
0x30: {  	s3 =	sld [smem:$0x3FA9]  }
0x31: {  	[smem:$0x3FB2] =	sst s10  }
0x32: {  	s10 =	sld [smem:$0x3FB0];
	_ =	sdelay $0x3  }
0x33: {  	p0 =	seq.s32 s10, $0x1;
	s10 =	sld [smem:$0x3FB2];
	_ =	sdelay $0x3  }
0x34: {  	[smem:$0x3FB2] =	sst s10  }
0x35: {  	s10 =	sld [smem:$0x3FB1];
	_ =	sdelay $0x3  }
0x36: {  	p1 =	seq.s32 s10, $0x1;
	s10 =	sld [smem:$0x3FB2];
	_ =	sdelay $0x3  }
0x37: {  	[smem:$0x3FB2] =	sst s10  }
0x38: {  	s10 =	sld [smem:$0x3FB3]  }
0x39: {  	_ = 	snop;
	(pc) =	sbr.ind lr, $3  }
0x3a: {  	_ = 	snop  }
0x3b: {  	_ = 	snop  }
0x3c: {  	p2 =	seq.s32 s10, $0x1;
	s10 =	sld [smem:$0x3FB2]  }
0x3d: {  	_ =	shalt  }
0x3e: {  	_ =	shalt  }
0x3f: {  	_ =	shalt  }
0x40: {  	_ =	shalt  }
0x41: {  	_ =	shalt  }
0x42: {  	_ =	shalt  }
0x43: {  	_ =	shalt  }
0x44: {  	_ =	shalt  }
0x45: {  	_ =	shalt  }
0x46: {  	_ =	shalt  }
0x47: {  	_ =	shalt  }
0x48: {  	_ =	shalt  }
0x49: {  	_ =	shalt  }
0x4a: {  	_ =	shalt  }
0x4b: {  	_ =	shalt  }
0x4c: {  	_ =	shalt  }
0x4d: {  	_ =	shalt  }
0x4e: {  	_ =	shalt  }
0x4f: {  	_ =	shalt  }
0x50: {  	_ =	shalt  }
0x51: {  	_ =	shalt  }
0x52: {  	_ =	shalt  }
0x53: {  	_ =	shalt  }
0x54: {  	_ =	shalt  }
0x55: {  	_ =	shalt  }
0x56: {  	_ =	shalt  }
0x57: {  	_ =	shalt  }
0x58: {  	_ =	shalt  }
0x59: {  	_ =	shalt  }
0x5a: {  	_ =	shalt  }
0x5b: {  	_ =	shalt  }
0x5c: {  	_ =	shalt  }
0x5d: {  	_ =	shalt  }
0x5e: {  	_ =	shalt  }
0x5f: {  	_ =	shalt  }
0x60: {  	_ =	shalt  }
0x61: {  	_ =	shalt  }
0x62: {  	_ =	shalt  }
0x63: {  	_ =	shalt  }
0x64: {  	_ =	shalt  }
0x65: {  	_ =	shalt  }
0x66: {  	_ =	shalt  }
0x67: {  	_ =	shalt  }
0x68: {  	_ =	shalt  }
0x69: {  	_ =	shalt  }
0x6a: {  	_ =	shalt  }
0x6b: {  	_ =	shalt  }
0x6c: {  	_ =	shalt  }
0x6d: {  	_ =	shalt  }
0x6e: {  	_ =	shalt  }
0x6f: {  	_ =	shalt  }
0x70: {  	_ =	shalt  }
0x71: {  	_ =	shalt  }
0x72: {  	_ =	shalt  }
0x73: {  	_ =	shalt  }
0x74: {  	_ =	shalt  }
0x75: {  	_ =	shalt  }
0x76: {  	_ =	shalt  }
0x77: {  	_ =	shalt  }
0x78: {  	_ =	shalt  }
0x79: {  	_ =	shalt  }
0x7a: {  	_ =	shalt  }
0x7b: {  	_ =	shalt  }
0x7c: {  	_ =	shalt  }
0x7d: {  	_ =	shalt  }
0x7e: {  	_ =	shalt  }
0x7f: {  	_ =	shalt  }
0x80: {  	_ =	shalt  }
0x81: {  	_ =	shalt  }
0x82: {  	_ =	shalt  }
0x83: {  	_ =	shalt  }
0x84: {  	_ =	shalt  }
0x85: {  	_ =	shalt  }
0x86: {  	_ =	shalt  }
0x87: {  	_ =	shalt  }
.Lfunc_end0:
.L_simem_size_0:
called_computation_lowered:
.L_overlay_start_0:
0x88: {  	s2 =	sld [smem:$0x3FD9]  }
0x89: {  	s3 =	sld [smem:$0x3FFE];
	_ =	sdelay $0x1  }
0x8a: {  	s1 =	srdreg.scid  }
0x8b: {  	s0 =	sand.u32 $0x1, s1  }
0x8c: {  	s17 =	sshll.u32 s0, $0xA;
	s2 =	sadd.s32 s3, s2  }
0x8d: {  	s2 =	sadd.s32 s2, s17  }
0x8e: {  	[smem:$0x3FBE] =	sst s2  }
0x8f: {  	_ = 	snop  }
0x90: {  	s2 =	sld [smem:$0x3FC1]  }
0x91: {  	s18 =	sld [smem:$0x3FD0];
	(tm) =	ssettm $0x1  }
0x92: {  	s4 =	sld [smem:$0x3FFB];
	_ =	sdelay $0x3  }
0x93: {  	_ =	strace s4  }
0x94: {  	s4 =	sld [smem:$0x3FFC];
	_ =	sdelay $0x3  }
0x95: {  	_ =	strace s4  }
0x96: {  	s4 =	sld [smem:$0x3FFD];
	_ =	sdelay $0x3  }
0x97: {  	_ =	strace s4  }
0x98: {  	_ =	strace $0x8FFFFFFF  }
0x99: {  	s19 =	sld [smem:$0x3FDB];
	_ =	sdelay $0x1  }
0x9a: {  	s5 =	simm.s32 $_scs_section_size  }
0x9b: {  	s6 =	simm.s32 $_size__tile_overlayer_lowered;
	s7 =	simm.s32 $_tile_overlayer_lowered  }
0x9c: {  	s22 =	simm.s32 $0x1BFF;
	s21 =	sshll.u32 s7, $0x1;
	s4 =	sadd.s32 s5, s19  }
0x9d: {  	s8 =	simm.s32 $0x0;
	s20 =	sshll.u32 s6, $0x1;
	s6 =	sadd.s32 s21, s4  }
0x9e: {  	[timem:s8], [sflag:s22] =	dma.local [hbm:s6], s20  }
0x9f: {  	_ =	swait.ge [sflag:s22], s20  }
0xa0: {  	s5 =	ssub.s32 $0x0, s20;
	[sflag:s22] =	ssyncset.done $0x0  }
0xa1: {  	[sflag:s22] =	ssyncadd.s32 s5;
	_ =	sdelay $0x1  }
0xa2: {  	s23 =	simm.s32 $0x1B8B  }
0xa3: {  	_ =	swait.ge [sflag:s23], $0x1  }
0xa4: {  	[sflag:s23] =	ssyncset.done $0x0  }
0xa5: {  	s25 =	simm.s32 $0x1B8E;
	s24 =	sld [smem:$0x3FFE];
	[sflag:s23] =	ssyncadd.s32 $0xFFFFFFFF  }
0xa6: {  	s26 =	simm.s32 $execute0_lowered;
	[smem:$0x3FD2] =	sst s25  }
0xa7: {  	s6 =	sshll.u32 s26, $0x1;
	_ =	strace $0x80000046;
	[dreg:$0x1] =	wrdreg $0xFFFFFFFF  }
0xa8: {  	s28 =	simm.s32 $_size_execute0_lowered;
	s4 =	sadd.s32 s4, s6;
	[dreg:$0x0] =	wrdreg $0x0  }
0xa9: {  	s6 =	sshll.u32 s28, $0x1;
	[dreg:$0x2] =	wrdreg s4  }
0xaa: {  	[dreg:$0x3] =	wrdreg s6  }
0xab: {  	[dreg:$0x4] =	wrdreg $0xC0  }
0xac: {  	_ =	task [dreg:s8], $0x5FFFF  }
0xad: {  	[dreg:$0x1] =	wrdreg $0xFFFFFFFF  }
0xae: {  	[dreg:$0x0] =	wrdreg $0x60  }
0xaf: {  	[dreg:$0x2] =	wrdreg s18  }
0xb0: {  	[dreg:$0x3] =	wrdreg s24  }
0xb1: {  	[dreg:$0x4] =	wrdreg s2  }
0xb2: {  	[dreg:$0x5] =	wrdreg $0x0  }
0xb3: {  	[dreg:$0x6] =	wrdreg $0x140000  }
0xb4: {  	[dreg:$0x7] =	wrdreg $0x9  }
0xb5: {  	_ =	task.clear_ibuf [dreg:s8], $0x8FFFF;
	_ =	strace $0x90000046  }
0xb6: {  	s29 =	simm.s32 $0x9;
	_ =	strace $0x80000048  }
0xb7: {  	_ =	swait.ge [sflag:s29], $0x1  }
0xb8: {  	[sflag:s29] =	ssyncadd.s32 $0xFFFFFFFF  }
0xb9: {  	_ =	strace $0x90000048  }
0xba: {  	_ =	sfence  }
0xbb: {  	s30 =	sld [smem:$0x0];
	_ =	sdelay $0x2  }
0xbc: {  	s31 =	sshll.u32 s1, $0xD;
	s1 =	sshrl.u32 s1, $0x2  }
0xbd: {  	s3 =	sand.u32 $0x4000, s31;
	s1 =	sadd.s32 s1, s30  }
0xbe: {  	s0 =	sor.u32 s3, s0;
	s1 =	sshll.u32 s1, $0x11  }
0xbf: {  	s0 =	sor.u32 s1, s0  }
0xc0: {  	s0 =	sadd.s32 $0x8F2B, s0  }
0xc1: {  	[sflag:s0] =	ssyncadd.remote.s32 $0x1  }
0xc2: {  	_ =	sfence.sel $0xFFFF  }
0xc3: {  	[dreg:$0x0] =	wrdreg $0xFFFFFFFF;
	(pc) =	sbr.abs _section_cstart, $3  }
0xc4: {  	[dreg:$0x1] =	wrdreg $0xFFFFFFFF  }
0xc5: {  	_ =	task.clear_ibuf [dreg:s8], $0x2FFFF;
	_ =	strace $0x9FFFFFFF  }
0xc6: {  	(tm) =	ssettm $0x7FFFFFFF  }
0xc7: {  	_ =	shalt  }
tec
execute0_lowered:
.L_overlay_start_1:
0x0: {  	(tag) =	ssettag $0x1  }
0x1: {  	s0 =	rddreg [dreg:$0x0]  }
0x2: {  	s1 =	rddreg [dreg:$0x1]  }
0x3: {  	s4 =	rddreg [dreg:$0x3]  }
0x4: {  	s2 =	srdreg.scid;
	s15 =	stileid.u32  }
0x5: {  	s5 =	rddreg [dreg:$0x4];
	s10 =	smul.u32 $0x14000, s15  }
0x6: {  	s6 =	simm.s32 $0x0;
	s28 =	simm.s32 $0x0;
	s12 =	smul.u32 $0x2800, s15  }
0x7: {  	s2 =	sand.u32 $0x1, s2;
	[smem:$0x7FF] =	sst s6;
	s19 =	smul.u32 $0x50000, s15  }
0x8: {  	s7 =	sadd.s32 $0x1E00, s1;
	s8 =	sadd.s32 $0x4F7A00, s1;
	s3 =	smul.u32 $0x140000, s2  }
0x9: {  	s9 =	sadd.s32 $0x4EDC00, s1;
	s11 =	smul.u32 $0x28000, s2;
	s21 =	ssub.s32 $0x2, s2  }
0xa: {  	s20 =	sshrl.u32 s19, $0x2;
	s14 =	sshrl.u32 s21, $0x1;
	s3 =	sadd.s32 s10, s3  }
0xb: {  	s11 =	sadd.s32 s12, s11;
	s10 =	sadd.s32 $0x4E3E00, s1;
	s19 =	ssub.s32 s21, s14  }
0xc: {  	s3 =	sshrl.u32 s3, $0x3;
	s11 =	sshrl.u32 s11, $0x3;
	s21 =	smax.u32 s19, $0x1  }
0xd: {  	s3 =	sadd.s32 s3, s1;
	s1 =	sadd.s32 s11, s1;
	s11 =	sadd.s32 s20, s4  }
0xe: {  	_ =	strace $0x80000047;
	[dreg:$0x11] =	wrdreg s21;
	s22 =	sadd.s32 $0x1400, s11  }
0xf: {  	s13 =	sshll.u32 s15, $0x1;
	s23 =	sadd.s32 $0x2800, s11;
	[dreg:$0x6] =	wrdreg s22  }
0x10: {  	s25 =	smul.u32 $0xA000, s15;
	s24 =	sadd.s32 $0x3C00, s11;
	[dreg:$0x7] =	wrdreg s23  }
0x11: {  	s15 =	simm.s32 $0x16A80;
	s26 =	sadd.s32 $0x5000, s11;
	[dreg:$0x8] =	wrdreg s24  }
0x12: {  	s2 =	sor.u32 s2, s13;
	s29 =	sadd.s32 $0x6400, s11;
	[dreg:$0x9] =	wrdreg s26  }
0x13: {  	s13 =	sshrl.u32 s25, $0x2;
	s30 =	sadd.s32 $0x7800, s11;
	[dreg:$0xa] =	wrdreg s29  }
0x14: {  	s12 =	simm.s32 $0x5;
	s31 =	sadd.s32 $0x8C00, s11;
	[dreg:$0xb] =	wrdreg s30  }
0x15: {  	v0 =	vimm.s32 $0xFEDCBA98;
	v1 =	vimm.s32 $0x76543210;
	s14 =	simm.s32 $0x16880;
	s16 =	sadd.s32 $0xA000, s11;
	[dreg:$0xc] =	wrdreg s31  }
0x16: {  	v2 =	vimm.s32 $0xBA98FEDC;
	v3 =	vimm.s32 $0x32107654;
	s19 =	simm.s32 $0x19580;
	s17 =	sadd.s32 $0x33000, s3;
	[dreg:$0xd] =	wrdreg s16  }
0x17: {  	v4 =	vimm.s32 $0xDCFE98BA;
	v5 =	vimm.s32 $0x54761032;
	s20 =	smul.u32 $0x2710, s2;
	s18 =	sadd.s32 $0xB400, s11;
	[dreg:$0xe] =	wrdreg s17  }
0x18: {  	v6 =	vimm.s32 $0xEFCDAB89;
	v7 =	vimm.s32 $0x67452301;
	s21 =	simm.s32 $0x1;
	s1 =	sadd.s32 $0x29000, s1;
	[dreg:$0xf] =	wrdreg s18  }
0x19: {  	v0 =	vunpack.c.l.s4.s8 v0;
	v1 =	vunpack.c.l.s4.s8 v1;
	v2 =	vunpack.c.l.s4.s8 v2;
	s25 =	sadd.s32 $0xF000, s11;
	s3 =	simm.s32 $0x16D80;
	[dreg:$0x10] =	wrdreg s1  }
0x1a: {  	v3 =	vunpack.c.l.s4.s8 v3;
	v4 =	vunpack.c.l.s4.s8 v4;
	v5 =	vunpack.c.l.s4.s8 v5;
	s23 =	sadd.s32 s13, s5;
	s22 =	sadd.s32 $0xC800, s11;
	[dreg:$0x14] =	wrdreg s25  }
0x1b: {  	v6 =	vunpack.c.l.s4.s8 v6;
	v7 =	vunpack.c.l.s4.s8 v7;
	v0 =	vunpack.c.0.s8.s32 v0;
	s24 =	sadd.s32 $0xDC00, s11;
	s26 =	sadd.s32 $0x10400, s11;
	[dreg:$0x12] =	wrdreg s22  }
0x1c: {  	v1 =	vunpack.c.0.s8.s32 v1;
	v2 =	vunpack.c.0.s8.s32 v2;
	v3 =	vunpack.c.0.s8.s32 v3;
	s29 =	sadd.s32 $0x11800, s11;
	s30 =	sadd.s32 $0x12C00, s11;
	[dreg:$0x13] =	wrdreg s24  }
0x1d: {  	v4 =	vunpack.c.0.s8.s32 v4;
	v5 =	vunpack.c.0.s8.s32 v5;
	v0 =	vand.u32 $0xF, v0;
	s13 =	simm.s32 $0x1BD80;
	s16 =	simm.s32 $0x28;
	[dreg:$0x15] =	wrdreg s26  }
0x1e: {  	v6 =	vunpack.c.0.s8.s32 v6;
	v7 =	vunpack.c.0.s8.s32 v7;
	v0 =	vcombine.low v0, v1;
	s17 =	simm.s32 $0x16C80;
	s18 =	simm.s32 $0x18180;
	[dreg:$0x16] =	wrdreg s29  }
0x1f: {  	v1 =	vcombine.low v3, v2;
	v2 =	vcombine.low v5, v4;
	[dreg:$0x17] =	wrdreg s30;
	s31 =	sadd.s32 $0x1400, s23;
	s22 =	simm.s32 $0x2  }
0x20: {  	v3 =	vimm.f32 $0.0e+00;
	v4 =	vcombine.low v7, v6;
	v5 =	vlaneseq.u32;
	s24 =	simm.s32 $0x16D00;
	s26 =	simm.s32 $0x4;
	[dreg:$0x18] =	wrdreg s31  }
.LBB2_1:
0x21: {  	s1 =	simm.s32 $0x0;
	s2 =	simm.s32 $0x200  }
.LBB2_2:
0x22: {  	p0 =	sne.s32 s2, $0x4E00;
	[tilespmem:s1+$0x1BDF0] =	vst v3  }
0x23: {  	[tilespmem:s1+$0x16D80] =	vst v3  }
0x24: {  	[tilespmem:s1+$0x1BD80] =	vst v3  }
0x25: {  	[tilespmem:s1+$0x16D90] =	vst v3  }
0x26: {  	[tilespmem:s1+$0x1BD90] =	vst v3  }
0x27: {  	[tilespmem:s1+$0x16DA0] =	vst v3  }
0x28: {  	[tilespmem:s1+$0x1BDA0] =	vst v3  }
0x29: {  	[tilespmem:s1+$0x16DB0] =	vst v3  }
0x2a: {  	[tilespmem:s1+$0x1BDB0] =	vst v3  }
0x2b: {  	[tilespmem:s1+$0x16DC0] =	vst v3  }
0x2c: {  	[tilespmem:s1+$0x1BDC0] =	vst v3  }
.Ltmp0:
0x2d: {  	[tilespmem:s1+$0x16DD0] =	vst v3;
	(pc) =	sbr.rel @p0 .LBB2_2-.Ltmp0, $4  }
0x2e: {  	[tilespmem:s1+$0x1BDD0] =	vst v3  }
0x2f: {  	[tilespmem:s1+$0x16DE0] =	vst v3  }
0x30: {  	[tilespmem:s1+$0x1BDE0] =	vst v3  }
0x31: {  	[tilespmem:s1+$0x16DF0] =	vst v3;
	s1 =	sshra.s32 s2, $0x2;
	s2 =	sadd.s32 $0x200, s2  }
0x32: {  	[tilespmem:s1+$0x1BDF0] =	vst v3  }
0x33: {  	[tilespmem:s1+$0x16D80] =	vst v3  }
0x34: {  	[tilespmem:s1+$0x1BD80] =	vst v3  }
0x35: {  	[tilespmem:s1+$0x16D90] =	vst v3  }
0x36: {  	[tilespmem:s1+$0x1BD90] =	vst v3  }
0x37: {  	[tilespmem:s1+$0x16DA0] =	vst v3  }
0x38: {  	[tilespmem:s1+$0x1BDA0] =	vst v3  }
0x39: {  	[tilespmem:s1+$0x16DB0] =	vst v3  }
0x3a: {  	[tilespmem:s1+$0x1BDB0] =	vst v3  }
0x3b: {  	[tilespmem:s1+$0x16DC0] =	vst v3  }
0x3c: {  	[tilespmem:s1+$0x1BDC0] =	vst v3  }
0x3d: {  	[tilespmem:s1+$0x16DD0] =	vst v3  }
0x3e: {  	[tilespmem:s1+$0x1BDD0] =	vst v3  }
0x3f: {  	[tilespmem:s1+$0x16DE0] =	vst v3  }
0x40: {  	[tilespmem:s1+$0x1BDE0] =	vst v3  }
0x41: {  	[tilespmem:s1+$0x16DF0] =	vst v3  }
0x42: {  	[spmem:s11] =	stream.linear.scatter [tilespmem:s3], [sflag:$0x5], $0x1400, $0x38;
	[tilespmem:$0x1D180] =	vst v63  }
0x43: {  	_ =	swait.ge [sflag:s12], $0x1400  }
0x44: {  	[sflag:s12] =	ssyncset.done $0x0  }
0x45: {  	s25 =	rddreg [dreg:$0x6];
	[sflag:s12] =	ssyncadd.s32 $0xFFFFEC00  }
0x46: {  	[spmem:s25] =	stream.linear.scatter [tilespmem:s3], [sflag:$0x5], $0x1400, $0x38;
	[tilespmem:$0x1D180] =	vst v63  }
0x47: {  	_ =	swait.ge [sflag:s12], $0x1400  }
0x48: {  	[sflag:s12] =	ssyncset.done $0x0  }
0x49: {  	s31 =	rddreg [dreg:$0x7];
	[sflag:s12] =	ssyncadd.s32 $0xFFFFEC00  }
0x4a: {  	[spmem:s31] =	stream.linear.scatter [tilespmem:s3], [sflag:$0x5], $0x1400, $0x38;
	[tilespmem:$0x1D180] =	vst v63  }
0x4b: {  	_ =	swait.ge [sflag:s12], $0x1400  }
0x4c: {  	[sflag:s12] =	ssyncset.done $0x0  }
0x4d: {  	s2 =	rddreg [dreg:$0x8];
	[sflag:s12] =	ssyncadd.s32 $0xFFFFEC00  }
0x4e: {  	[spmem:s2] =	stream.linear.scatter [tilespmem:s3], [sflag:$0x5], $0x1400, $0x38;
	[tilespmem:$0x1D180] =	vst v63  }
0x4f: {  	_ =	swait.ge [sflag:s12], $0x1400  }
0x50: {  	[sflag:s12] =	ssyncset.done $0x0  }
0x51: {  	s25 =	rddreg [dreg:$0x9];
	[sflag:s12] =	ssyncadd.s32 $0xFFFFEC00  }
0x52: {  	[spmem:s25] =	stream.linear.scatter [tilespmem:s3], [sflag:$0x5], $0x1400, $0x38;
	[tilespmem:$0x1D180] =	vst v63  }
0x53: {  	_ =	swait.ge [sflag:s12], $0x1400  }
0x54: {  	[sflag:s12] =	ssyncset.done $0x0  }
0x55: {  	s31 =	rddreg [dreg:$0xa];
	[sflag:s12] =	ssyncadd.s32 $0xFFFFEC00  }
0x56: {  	[spmem:s31] =	stream.linear.scatter [tilespmem:s3], [sflag:$0x5], $0x1400, $0x38;
	[tilespmem:$0x1D180] =	vst v63  }
0x57: {  	_ =	swait.ge [sflag:s12], $0x1400  }
0x58: {  	[sflag:s12] =	ssyncset.done $0x0  }
0x59: {  	s2 =	rddreg [dreg:$0xb];
	[sflag:s12] =	ssyncadd.s32 $0xFFFFEC00  }
0x5a: {  	[spmem:s2] =	stream.linear.scatter [tilespmem:s3], [sflag:$0x5], $0x1400, $0x38;
	[tilespmem:$0x1D180] =	vst v63  }
0x5b: {  	_ =	swait.ge [sflag:s12], $0x1400  }
0x5c: {  	[sflag:s12] =	ssyncset.done $0x0  }
0x5d: {  	s25 =	rddreg [dreg:$0xc];
	[sflag:s12] =	ssyncadd.s32 $0xFFFFEC00  }
0x5e: {  	[spmem:s25] =	stream.linear.scatter [tilespmem:s3], [sflag:$0x5], $0x1400, $0x38;
	[tilespmem:$0x1D180] =	vst v63  }
0x5f: {  	_ =	swait.ge [sflag:s12], $0x1400  }
0x60: {  	[sflag:s12] =	ssyncset.done $0x0  }
0x61: {  	s31 =	rddreg [dreg:$0xd];
	[sflag:s12] =	ssyncadd.s32 $0xFFFFEC00  }
0x62: {  	[spmem:s31] =	stream.linear.scatter [tilespmem:s3], [sflag:$0x5], $0x1400, $0x38;
	[tilespmem:$0x1D180] =	vst v63  }
0x63: {  	_ =	swait.ge [sflag:s12], $0x1400  }
0x64: {  	[sflag:s12] =	ssyncset.done $0x0  }
0x65: {  	s2 =	rddreg [dreg:$0xf];
	[sflag:s12] =	ssyncadd.s32 $0xFFFFEC00  }
0x66: {  	[spmem:s2] =	stream.linear.scatter [tilespmem:s3], [sflag:$0x5], $0x1400, $0x38;
	[tilespmem:$0x1D180] =	vst v63  }
0x67: {  	_ =	swait.ge [sflag:s12], $0x1400  }
0x68: {  	[sflag:s12] =	ssyncset.done $0x0  }
0x69: {  	s25 =	rddreg [dreg:$0x12];
	[sflag:s12] =	ssyncadd.s32 $0xFFFFEC00  }
0x6a: {  	[spmem:s25] =	stream.linear.scatter [tilespmem:s3], [sflag:$0x5], $0x1400, $0x38;
	[tilespmem:$0x1D180] =	vst v63  }
0x6b: {  	_ =	swait.ge [sflag:s12], $0x1400  }
0x6c: {  	[sflag:s12] =	ssyncset.done $0x0  }
0x6d: {  	s31 =	rddreg [dreg:$0x13];
	[sflag:s12] =	ssyncadd.s32 $0xFFFFEC00  }
0x6e: {  	[spmem:s31] =	stream.linear.scatter [tilespmem:s3], [sflag:$0x5], $0x1400, $0x38;
	[tilespmem:$0x1D180] =	vst v63  }
0x6f: {  	_ =	swait.ge [sflag:s12], $0x1400  }
0x70: {  	[sflag:s12] =	ssyncset.done $0x0  }
0x71: {  	s2 =	rddreg [dreg:$0x14];
	[sflag:s12] =	ssyncadd.s32 $0xFFFFEC00  }
0x72: {  	[spmem:s2] =	stream.linear.scatter [tilespmem:s3], [sflag:$0x5], $0x1400, $0x38;
	[tilespmem:$0x1D180] =	vst v63  }
0x73: {  	_ =	swait.ge [sflag:s12], $0x1400  }
0x74: {  	[sflag:s12] =	ssyncset.done $0x0  }
0x75: {  	s25 =	rddreg [dreg:$0x15];
	[sflag:s12] =	ssyncadd.s32 $0xFFFFEC00  }
0x76: {  	[spmem:s25] =	stream.linear.scatter [tilespmem:s3], [sflag:$0x5], $0x1400, $0x38;
	[tilespmem:$0x1D180] =	vst v63  }
0x77: {  	_ =	swait.ge [sflag:s12], $0x1400  }
0x78: {  	[sflag:s12] =	ssyncset.done $0x0  }
0x79: {  	s31 =	rddreg [dreg:$0x16];
	[sflag:s12] =	ssyncadd.s32 $0xFFFFEC00  }
0x7a: {  	[spmem:s31] =	stream.linear.scatter [tilespmem:s3], [sflag:$0x5], $0x1400, $0x38;
	[tilespmem:$0x1D180] =	vst v63  }
0x7b: {  	_ =	swait.ge [sflag:s12], $0x1400  }
0x7c: {  	[sflag:s12] =	ssyncset.done $0x0  }
0x7d: {  	s2 =	rddreg [dreg:$0x17];
	[sflag:s12] =	ssyncadd.s32 $0xFFFFEC00  }
0x7e: {  	[spmem:s2] =	stream.linear.scatter [tilespmem:s3], [sflag:$0x5], $0x1400, $0x38;
	[tilespmem:$0x1D180] =	vst v63  }
0x7f: {  	_ =	swait.ge [sflag:s12], $0x1400  }
0x80: {  	[sflag:s12] =	ssyncset.done $0x0  }
0x81: {  	[sflag:s12] =	ssyncadd.s32 $0xFFFFEC00  }
0x82: {  	[spmem:s23] =	stream.linear.scatter [tilespmem:s13], [sflag:$0x5], $0x1400, $0x38;
	[tilespmem:$0x1D180] =	vst v63  }
0x83: {  	_ =	swait.ge [sflag:s12], $0x1400  }
0x84: {  	[sflag:s12] =	ssyncset.done $0x0  }
0x85: {  	s25 =	rddreg [dreg:$0x18];
	[sflag:s12] =	ssyncadd.s32 $0xFFFFEC00  }
0x86: {  	[spmem:s25] =	stream.linear.scatter [tilespmem:s13], [sflag:$0x5], $0x1400, $0x38;
	[tilespmem:$0x1D180] =	vst v63  }
0x87: {  	_ =	swait.ge [sflag:s12], $0x1400  }
0x88: {  	[sflag:s12] =	ssyncset.done $0x0  }
0x89: {  	[sflag:s12] =	ssyncadd.s32 $0xFFFFEC00  }
0x8a: {  	[bflag:$0x0] =	sbarrier.arrive $0xFFFF  }
0x8b: {  	s30 =	simm.s32 $0x0;
	s2 =	simm.s32 $0x16800;
	s31 =	rddreg [dreg:$0x2]  }
0x8c: {  	[tilespmem:s2], [sflag:$0x5] =	stream.linear.gather [hbm4b:s31+s30], $0x80, $0x38;
	[tilespmem:$0x1D180] =	vst v63  }
0x8d: {  	_ =	swait.ge [sflag:s12], $0x80  }
0x8e: {  	[sflag:s12] =	ssyncset.done $0x0  }
0x8f: {  	s29 =	simm.s32 $0xA;
	[sflag:s12] =	ssyncadd.s32 $0xFFFFFF80  }
.LBB2_5:
0x90: {  	s2 =	smul.u32 $0x190, s30;
	_ =	sdelay $0x1  }
0x91: {  	s2 =	sadd.s32 s20, s2  }
0x92: {  	s2 =	sshrl.u32 s2, $0x3  }
0x93: {  	s25 =	sadd.s32 s9, s2  }
0x94: {  	[tilespmem:s14], [sflag:$0x5] =	stream.linear.gather [hbm4b:s25+s6], $0x190, $0x38;
	[tilespmem:$0x1D180] =	vst v63  }
0x95: {  	_ =	swait.ge [sflag:s12], $0x190  }
0x96: {  	[sflag:s12] =	ssyncset.done $0x0  }
0x97: {  	s2 =	sadd.s32 s10, s2;
	[sflag:s12] =	ssyncadd.s32 $0xFFFFFE70  }
0x98: {  	[tilespmem:s15], [sflag:$0x5] =	stream.linear.gather [hbm4b:s2+s6], $0x190, $0x38;
	[tilespmem:$0x1D180] =	vst v63  }
0x99: {  	_ =	swait.ge [sflag:s12], $0x190  }
0x9a: {  	s1 =	smov.u32 s30;
	[sflag:s12] =	ssyncset.done $0x0  }
0x9b: {  	s30 =	sadd.s32 $0x1, s30;
	s31 =	smul.u32 $0xA, s1;
	[sflag:s12] =	ssyncadd.s32 $0xFFFFFE70  }
.LBB2_6:
0x9c: {  	_ = 	snop  }
0x9d: {  	s1 =	smulhi.u32 $0xCCCCCCCD, s31;
	p0 =	seq.s32 s31, $0x0  }
0x9e: {  	s2 =	simm.s32 @!p0 $0x3  }
0x9f: {  	s1 =	sshrl.u32 s1, $0x3;
	_ =	swait.ge @!p0 [sflag:s2], $0x1400  }
0xa0: {  	s1 =	smul.u32 $0xA, s1;
	[sflag:s2] =	ssyncset.done @!p0 $0x0  }
0xa1: {  	[sflag:s2] =	ssyncadd.s32 @!p0 $0xFFFFEC00;
	s2 =	simm.s32 @!p0 $0x4  }
0xa2: {  	s1 =	ssub.s32 s31, s1;
	_ =	swait.ge @!p0 [sflag:s2], $0x1400  }
0xa3: {  	s1 =	smul.u32 $0x28, s1;
	[sflag:s2] =	ssyncset.done @!p0 $0x0  }
0xa4: {  	[sflag:s2] =	ssyncadd.s32 @!p0 $0xFFFFEC00  }
0xa5: {  	v6 =	vld [tilespmem:s1+$0x16A80];
	_ =	sdelay $0x4  }
0xa6: {  	[tilespmem:$0x16C80] =	vst v6;
	v6 =	vshrl.u32 v6, $0x3  }
0xa7: {  	[tilespmem:$0x16D00] =	vst v6  }
0xa8: {  	v6 =	vld [tilespmem:s1+$0x16A90];
	_ =	sdelay $0x4  }
0xa9: {  	[tilespmem:$0x16C90] =	vst v6;
	v6 =	vshrl.u32 v6, $0x3  }
0xaa: {  	[tilespmem:$0x16D10] =	vst v6  }
0xab: {  	v6 =	vld [tilespmem:s1+$0x16A98];
	_ =	sdelay $0x4  }
0xac: {  	[tilespmem:$0x16C98] =	vst v6;
	v6 =	vshrl.u32 v6, $0x3  }
0xad: {  	s2 =	smul.u32 $0x28, s31;
	s1 =	sadd.s32 $0x16880, s1;
	[tilespmem:$0x16D18] =	vst v6  }
0xae: {  	[tilespmem:s3], [sflag:$0x1] =	stream.indirect.gather [hbm4b:s0+s16], $0x80, s1, s16, $0xb8;
	[tilespmem:$0x1D180] =	vst v63  }
0xaf: {  	s1 =	sadd.s32 s20, s2  }
0xb0: {  	s1 =	sshll.u32 s1, $0x4  }
0xb1: {  	[tilespmem:s18], [sflag:$0x2] =	stream.indirect.gather [hbm4b:s7+s16], $0x80, s17, s16, $0xb8;
	[tilespmem:$0x1D180] =	vst v63  }
0xb2: {  	s25 =	simm.s32 $0x0;
	s1 =	sadd.s32 s8, s1  }
0xb3: {  	[tilespmem:s19], [sflag:$0x5] =	stream.linear.gather [hbm4b:s1+s25], $0x1400, $0x38;
	[tilespmem:$0x1D180] =	vst v63  }
0xb4: {  	_ =	swait.ge [sflag:s12], $0x1400  }
0xb5: {  	[sflag:s12] =	ssyncset.done $0x0  }
0xb6: {  	[sflag:s12] =	ssyncadd.s32 $0xFFFFEC00  }
0xb7: {  	_ =	swait.ge [sflag:s21], $0x1400  }
0xb8: {  	[sflag:s21] =	ssyncset.done $0x0  }
0xb9: {  	[sflag:s21] =	ssyncadd.s32 $0xFFFFEC00  }
0xba: {  	_ =	swait.ge [sflag:s22], $0x1400  }
0xbb: {  	[sflag:s22] =	ssyncset.done $0x0  }
0xbc: {  	s2 =	simm.s32 $0x0;
	[sflag:s22] =	ssyncadd.s32 $0xFFFFEC00  }
0xbd: {  	v6 =	vld [tilespmem:s2+$0x181F0]  }
0xbe: {  	v7 =	vld [tilespmem:s2+$0x181E0]  }
0xbf: {  	v8 =	vld [tilespmem:s2+$0x195D0]  }
0xc0: {  	v9 =	vld [tilespmem:s2+$0x195C0]  }
0xc1: {  	v10 =	vld [tilespmem:s2+$0x181D0]  }
0xc2: {  	v11 =	vld [tilespmem:s2+$0x181C0]  }
0xc3: {  	v12 =	vld [tilespmem:s2+$0x195B0]  }
0xc4: {  	v13 =	vld [tilespmem:s2+$0x195A0]  }
0xc5: {  	v14 =	vld [tilespmem:s2+$0x181B0]  }
0xc6: {  	v15 =	vld [tilespmem:s2+$0x18190]  }
0xc7: {  	v16 =	vld [tilespmem:s2+$0x18180]  }
0xc8: {  	v17 =	vld [tilespmem:s2+$0x16D80]  }
0xc9: {  	v18 =	vld [tilespmem:s2+$0x16D90]  }
0xca: {  	v19 =	vld [tilespmem:s2+$0x19580]  }
0xcb: {  	v20 =	vld [tilespmem:s2+$0x19590]  }
0xcc: {  	v21 =	vld [tilespmem:s2+$0x181A0]  }
0xcd: {  	v22 =	vld [tilespmem:s2+$0x16DA0]  }
0xce: {  	v43 =	vld [tilespmem:s2+$0x16DB0];
	v16 =	vadd.f32 v16, v17  }
0xcf: {  	v44 =	vld [tilespmem:$0x16800]  }
0xd0: {  	v45 =	vld [tilespmem:s2+$0x16DC0];
	v15 =	vadd.f32 v15, v18;
	v16 =	vadd.f32 v19, v16  }
0xd1: {  	v46 =	vld [tilespmem:$0x16810]  }
0xd2: {  	v47 =	vld [tilespmem:s2+$0x16DD0];
	v21 =	vadd.f32 v21, v22;
	v15 =	vadd.f32 v20, v15;
	v23 =	vmul.f32 $2.000000030e-01, v16  }
0xd3: {  	v25 =	vld [tilespmem:$0x16820];
	v14 =	vadd.f32 v14, v43  }
0xd4: {  	v48 =	vld [tilespmem:s2+$0x16DE0];
	v13 =	vadd.f32 v13, v21;
	v24 =	vmul.f32 $2.000000030e-01, v15;
	v16 =	vmax.f32 v16, v23  }
0xd5: {  	v49 =	vld [tilespmem:$0x16830];
	v11 =	vadd.f32 v11, v45;
	v16 =	vmul.f32 v16, v44  }
0xd6: {  	v52 =	vld [tilespmem:s2+$0x16DF0];
	v12 =	vadd.f32 v12, v14;
	v50 =	vmul.f32 $2.000000030e-01, v13;
	v15 =	vmax.f32 v15, v24  }
0xd7: {  	v51 =	vld [tilespmem:s2+$0x195E0];
	v10 =	vadd.f32 v10, v47;
	v15 =	vmul.f32 v15, v46;
	v16 =	vadd.f32 $0.0e+00, v16  }
0xd8: {  	v54 =	vld [tilespmem:$0x16840];
	v9 =	vadd.f32 v9, v11;
	v53 =	vmul.f32 $2.000000030e-01, v12;
	v13 =	vmax.f32 v13, v50  }
0xd9: {  	v55 =	vld [tilespmem:s2+$0x195F0];
	v7 =	vadd.f32 v7, v48;
	v13 =	vmul.f32 v13, v25;
	v15 =	vadd.f32 v15, v16  }
0xda: {  	v57 =	vld [tilespmem:$0x16850];
	v8 =	vadd.f32 v8, v10;
	v58 =	vmul.f32 $2.000000030e-01, v9;
	v56 =	vmax.f32 v12, v53  }
0xdb: {  	v6 =	vadd.f32 v6, v52;
	v10 =	vmul.f32 v56, v49;
	v13 =	vadd.f32 v13, v15  }
0xdc: {  	v60 =	vld [tilespmem:$0x16860];
	v7 =	vadd.f32 v51, v7;
	v59 =	vmul.f32 $2.000000030e-01, v8;
	v9 =	vmax.f32 v9, v58  }
0xdd: {  	v9 =	vmul.f32 v9, v54;
	v10 =	vadd.f32 v10, v13  }
0xde: {  	v62 =	vld [tilespmem:$0x16870];
	v6 =	vadd.f32 v55, v6;
	v61 =	vmul.f32 $2.000000030e-01, v7;
	v8 =	vmax.f32 v8, v59  }
0xdf: {  	v8 =	vmul.f32 v8, v57;
	v9 =	vadd.f32 v9, v10  }
0xe0: {  	v63 =	vmul.f32 $2.000000030e-01, v6;
	v7 =	vmax.f32 v7, v61  }
0xe1: {  	v7 =	vmul.f32 v7, v60;
	v8 =	vadd.f32 v8, v9  }
0xe2: {  	v6 =	vmax.f32 v6, v63  }
0xe3: {  	v6 =	vmul.f32 v6, v62;
	v7 =	vadd.f32 v7, v8;
	_ =	sdelay $0x1  }
0xe4: {  	v6 =	vadd.f32 v6, v7;
	_ =	sdelay $0x1  }
0xe5: {  	s1 =	simm.s32 $0x200;
	v7 =	vperm.xlane v6, v0  }
.LBB2_7:
0xe6: {  	_ = 	snop  }
0xe7: {  	p0 =	sne.s32 s1, $0x4E00;
	s25 =	smov.u32 s1;
	s1 =	sadd.s32 $0x200, s1;
	v6 =	vadd.f32 v6, v7  }
0xe8: {  	s25 =	sshra.s32 s25, $0x2  }
0xe9: {  	v7 =	vperm.xlane v6, v1;
	_ =	sdelay $0x1  }
0xea: {  	v6 =	vadd.f32 v6, v7;
	_ =	sdelay $0x1  }
0xeb: {  	v7 =	vperm.xlane v6, v2;
	_ =	sdelay $0x1  }
0xec: {  	v6 =	vadd.f32 v6, v7  }
0xed: {  	v7 =	vld [tilespmem:s2+$0x16D80]  }
0xee: {  	v8 =	vperm.xlane v6, v4;
	v9 =	vld [tilespmem:s2+$0x16D90]  }
0xef: {  	v10 =	vld [tilespmem:s2+$0x16DC0]  }
0xf0: {  	v6 =	vadd.f32 v6, v8;
	v8 =	vld [tilespmem:s2+$0x16DB0]  }
0xf1: {  	v11 =	vld [tilespmem:s2+$0x16DF0]  }
0xf2: {  	v6 =	vmul.f32 $1.442695020e+00, v6;
	v12 =	vld [tilespmem:s2+$0x16DE0]  }
0xf3: {  	v13 =	vld [tilespmem:s2+$0x16DA0]  }
0xf4: {  	v14 =	vld [tilespmem:s2+$0x16DD0];
	(erf) = vpow2.f32 v6  }
0xf5: {  	v6 =	vld [tilespmem:s25+$0x195F0]  }
0xf6: {  	v15 =	vld [tilespmem:s25+$0x181F0]  }
0xf7: {  	v16 =	vld [tilespmem:s25+$0x181E0]  }
0xf8: {  	v17 =	vld [tilespmem:s25+$0x195D0]  }
0xf9: {  	v18 =	vld [tilespmem:s25+$0x195C0]  }
0xfa: {  	v19 =	vld [tilespmem:s25+$0x181D0]  }
0xfb: {  	v20 =	vld [tilespmem:s25+$0x181C0]  }
0xfc: {  	v21 =	vld [tilespmem:s25+$0x195B0]  }
0xfd: {  	v22 =	vld [tilespmem:s25+$0x195A0];
	v23 =	vpop (erf)  }
0xfe: {  	v24 =	vld [tilespmem:s25+$0x181B0];
	[tilespmem:s2+$0x1A980] =	vst v23;
	v7 =	vmul.f32 v23, v7;
	v9 =	vmul.f32 v23, v9  }
0xff: {  	v13 =	vmul.f32 v13, v23;
	v8 =	vmul.f32 v8, v23;
	v25 =	vld [tilespmem:s25+$0x18190]  }
0x100: {  	v26 =	vld [tilespmem:s25+$0x18180];
	[tilespmem:s2+$0x16D80] =	vst v7;
	v7 =	vmul.f32 v10, v23;
	v10 =	vmul.f32 v14, v23  }
0x101: {  	v11 =	vmul.f32 v11, v23;
	v14 =	vld [tilespmem:s25+$0x16D80];
	[tilespmem:s2+$0x16D90] =	vst v9;
	v9 =	vmul.f32 v12, v23  }
0x102: {  	v12 =	vld [tilespmem:s25+$0x16D90];
	[tilespmem:s2+$0x16DB0] =	vst v8  }
0x103: {  	v8 =	vld [tilespmem:s25+$0x19580];
	[tilespmem:s2+$0x16DC0] =	vst v7  }
0x104: {  	v7 =	vld [tilespmem:s25+$0x19590];
	[tilespmem:s2+$0x16DE0] =	vst v9  }
0x105: {  	v9 =	vld [tilespmem:s25+$0x181A0];
	[tilespmem:s2+$0x16DA0] =	vst v13  }
0x106: {  	v13 =	vadd.f32 v26, v14;
	v14 =	vld [tilespmem:s25+$0x16DA0];
	[tilespmem:s2+$0x16DF0] =	vst v11  }
0x107: {  	v11 =	vadd.f32 v25, v12;
	v12 =	vld [tilespmem:s25+$0x16DB0];
	[tilespmem:s2+$0x16DD0] =	vst v10;
	s2 =	smov.u32 s25  }
0x108: {  	v8 =	vadd.f32 v8, v13;
	v10 =	vld [tilespmem:$0x16800]  }
0x109: {  	v7 =	vadd.f32 v7, v11;
	v11 =	vld [tilespmem:s2+$0x16DC0]  }
0x10a: {  	v13 =	vmul.f32 $2.000000030e-01, v8;
	v23 =	vld [tilespmem:$0x16810]  }
0x10b: {  	v25 =	vmul.f32 $2.000000030e-01, v7;
	v9 =	vadd.f32 v9, v14;
	v14 =	vld [tilespmem:s2+$0x16DD0]  }
0x10c: {  	v8 =	vmax.f32 v8, v13;
	v13 =	vld [tilespmem:$0x16820];
	v12 =	vadd.f32 v24, v12  }
0x10d: {  	v8 =	vmul.f32 v8, v10;
	v7 =	vmax.f32 v7, v25;
	v9 =	vadd.f32 v22, v9;
	v10 =	vld [tilespmem:s2+$0x16DE0]  }
0x10e: {  	v12 =	vadd.f32 v21, v12;
	v21 =	vld [tilespmem:$0x16830];
	v11 =	vadd.f32 v20, v11  }
0x10f: {  	v8 =	vadd.f32 $0.0e+00, v8;
	v7 =	vmul.f32 v7, v23;
	v20 =	vmul.f32 $2.000000030e-01, v9;
	v22 =	vld [tilespmem:s2+$0x195E0]  }
0x110: {  	v23 =	vmul.f32 $2.000000030e-01, v12;
	v14 =	vadd.f32 v19, v14;
	v19 =	vld [tilespmem:s2+$0x16DF0]  }
0x111: {  	v7 =	vadd.f32 v7, v8;
	v8 =	vmax.f32 v9, v20;
	v9 =	vadd.f32 v18, v11;
	v11 =	vld [tilespmem:$0x16840]  }
0x112: {  	v8 =	vmul.f32 v8, v13;
	v12 =	vmax.f32 v12, v23;
	v13 =	vadd.f32 v17, v14;
	v14 =	vld [tilespmem:$0x16850]  }
0x113: {  	v10 =	vadd.f32 v16, v10;
	v12 =	vmul.f32 v12, v21;
	v17 =	vmul.f32 $2.000000030e-01, v9  }
0x114: {  	v7 =	vadd.f32 v8, v7;
	v8 =	vmul.f32 $2.000000030e-01, v13  }
0x115: {  	v10 =	vadd.f32 v22, v10;
	v9 =	vmax.f32 v9, v17;
	v16 =	vld [tilespmem:$0x16860];
	v15 =	vadd.f32 v15, v19  }
0x116: {  	v7 =	vadd.f32 v12, v7;
	v9 =	vmul.f32 v9, v11;
	v8 =	vmax.f32 v13, v8  }
0x117: {  	v11 =	vmul.f32 $2.000000030e-01, v10;
	v8 =	vmul.f32 v8, v14;
	v6 =	vadd.f32 v6, v15;
	v12 =	vld [tilespmem:$0x16870]  }
0x118: {  	v7 =	vadd.f32 v9, v7  }
0x119: {  	v9 =	vmax.f32 v10, v11;
	v10 =	vmul.f32 $2.000000030e-01, v6  }
0x11a: {  	v7 =	vadd.f32 v8, v7;
	v8 =	vmul.f32 v9, v16  }
0x11b: {  	v6 =	vmax.f32 v6, v10  }
.Ltmp1:
0x11c: {  	v7 =	vadd.f32 v8, v7;
	v6 =	vmul.f32 v6, v12;
	(pc) =	sbr.rel @p0 .LBB2_7-.Ltmp1, $3  }
0x11d: {  	_ = 	snop  }
0x11e: {  	v6 =	vadd.f32 v6, v7;
	_ =	sdelay $0x1  }
0x11f: {  	v7 =	vperm.xlane v6, v0  }
0x120: {  	_ = 	snop  }
0x121: {  	v6 =	vadd.f32 v6, v7;
	_ =	sdelay $0x1  }
0x122: {  	v7 =	vperm.xlane v6, v1;
	_ =	sdelay $0x1  }
0x123: {  	v6 =	vadd.f32 v6, v7;
	_ =	sdelay $0x1  }
0x124: {  	v7 =	vperm.xlane v6, v2;
	_ =	sdelay $0x1  }
0x125: {  	v6 =	vadd.f32 v6, v7;
	_ =	sdelay $0x1  }
0x126: {  	v7 =	vperm.xlane v6, v4;
	_ =	sdelay $0x1  }
0x127: {  	v6 =	vadd.f32 v6, v7;
	_ =	sdelay $0x1  }
0x128: {  	v6 =	vmul.f32 $1.442695020e+00, v6;
	_ =	sdelay $0x1  }
0x129: {  	(erf) = vpow2.f32 v6;
	_ =	sdelay $0x4  }
0x12a: {  	v6 =	vld [tilespmem:s2+$0x16D80]  }
0x12b: {  	v7 =	vld [tilespmem:s2+$0x16D90]  }
0x12c: {  	v9 =	vld [tilespmem:s2+$0x16DB0]  }
0x12d: {  	v12 =	vld [tilespmem:s2+$0x16DA0]  }
0x12e: {  	v8 =	vld [tilespmem:s2+$0x16DC0];
	v13 =	vpop (erf)  }
0x12f: {  	v11 =	vld [tilespmem:s2+$0x16DE0];
	v6 =	vmul.f32 v13, v6  }
0x130: {  	v10 =	vld [tilespmem:s2+$0x16DF0];
	[tilespmem:s2+$0x1A980] =	vst v13;
	v7 =	vmul.f32 v13, v7  }
0x131: {  	v14 =	vld [tilespmem:s2+$0x16DD0];
	v9 =	vmul.f32 v9, v13;
	[tilespmem:s2+$0x16D80] =	vst v6  }
0x132: {  	v19 =	vmul.f32 v12, v13;
	[tilespmem:s2+$0x16D90] =	vst v7  }
0x133: {  	v6 =	vmul.f32 v8, v13;
	[tilespmem:s2+$0x16DB0] =	vst v9  }
0x134: {  	v7 =	vmul.f32 v11, v13;
	[tilespmem:s2+$0x16DA0] =	vst v19  }
0x135: {  	[tilespmem:s2+$0x16DC0] =	vst v6;
	v6 =	vmul.f32 v10, v13  }
0x136: {  	[tilespmem:s2+$0x16DE0] =	vst v7;
	v7 =	vmul.f32 v14, v13  }
0x137: {  	[tilespmem:s2+$0x16DF0] =	vst v6  }
0x138: {  	[tilespmem:s2+$0x16DD0] =	vst v7  }
0x139: {  	v6 =	vld [tilespmem:$0x16C80];
	_ =	sdelay $0x3  }
0x13a: {  	v42 =	vld [tilespmem:$0x16C90]  }
0x13b: {  	v7 =	vld [tilespmem:$0x1A980];
	v6 =	vand.u32 $0x7, v6  }
0x13c: {  	v8 =	vld [tilespmem:$0x1AA00];
	v20 =	vbroadcast v6, $0x0;
	v22 =	vbroadcast v6, $0x1  }
0x13d: {  	v9 =	vld [tilespmem:$0x1AA80];
	v24 =	vbroadcast v6, $0x2;
	v26 =	vbroadcast v6, $0x3  }
0x13e: {  	v21 =	vld [tilespmem:$0x1AB00];
	v27 =	vbroadcast v6, $0x4;
	v28 =	vbroadcast v6, $0x5  }
0x13f: {  	v25 =	vld [tilespmem:$0x1AC00];
	v53 =	vand.u32 $0x7, v42;
	v31 =	vbroadcast v6, $0x6;
	v33 =	vbroadcast v6, $0x7  }
0x140: {  	v16 =	vld [tilespmem:$0x1AD00];
	v36 =	vbroadcast v6, $0x8;
	v38 =	vbroadcast v6, $0x9;
	vm0 =	veq.s32 v20, v5  }
0x141: {  	v32 =	vld [tilespmem:$0x1AE00];
	v41 =	vbroadcast v6, $0xA;
	vm6 =	veq.s32 v22, v5;
	v7 =	vnsel vm0, $0x0, v7  }
0x142: {  	v37 =	vld [tilespmem:$0x1AF00];
	v43 =	vbroadcast v6, $0xB;
	vm8 =	veq.s32 v26, v5;
	v8 =	vnsel vm6, $0x0, v8;
	[tilespmem:$0x1BD80] =	vst v7  }
0x143: {  	v47 =	vld [tilespmem:$0x1B080];
	v46 =	vbroadcast v6, $0xC;
	vm10 =	veq.s32 v28, v5;
	v30 =	vnsel vm8, $0x0, v21;
	[tilespmem:$0x1BE00] =	vst v8  }
0x144: {  	v23 =	vld [tilespmem:$0x1AB80];
	v48 =	vbroadcast v6, $0xD;
	vm12 =	veq.s32 v33, v5;
	v35 =	vnsel vm10, $0x0, v25;
	[tilespmem:$0x1BF00] =	vst v30  }
0x145: {  	v52 =	vld [tilespmem:$0x1B180];
	v51 =	vbroadcast v6, $0xE;
	vm14 =	veq.s32 v38, v5;
	v40 =	vnsel vm12, $0x0, v16;
	[tilespmem:$0x1C000] =	vst v35  }
0x146: {  	v15 =	vld [tilespmem:$0x1AC80];
	v6 =	vbroadcast v6, $0xF;
	vm4 =	veq.s32 v43, v5;
	v45 =	vnsel vm14, $0x0, v32;
	[tilespmem:$0x1C100] =	vst v40  }
0x147: {  	v29 =	vld [tilespmem:$0x1AD80];
	v55 =	vbroadcast v53, $0x0;
	vm1 =	veq.s32 v51, v5;
	v50 =	vnsel vm4, $0x0, v37;
	[tilespmem:$0x1C200] =	vst v45  }
0x148: {  	v34 =	vld [tilespmem:$0x1AE80];
	v57 =	vbroadcast v53, $0x1;
	vm7 =	veq.s32 v24, v5;
	v11 =	vnsel vm1, $0x0, v47;
	[tilespmem:$0x1C300] =	vst v50  }
0x149: {  	v39 =	vld [tilespmem:$0x1AF80];
	v62 =	vbroadcast v53, $0x4;
	vm8 =	veq.s32 v55, v5;
	v7 =	vnsel vm7, $0x0, v9;
	[tilespmem:$0x1C480] =	vst v11  }
0x14a: {  	v44 =	vld [tilespmem:$0x1B000];
	vm9 =	veq.s32 v27, v5;
	vm11 =	veq.s32 v31, v5;
	v60 =	vnsel vm8, $0x0, v52;
	[tilespmem:$0x1BE80] =	vst v7  }
0x14b: {  	v49 =	vld [tilespmem:$0x1B100];
	vm7 =	veq.s32 v6, v5;
	v6 =	vbroadcast v53, $0x2;
	v7 =	vnsel vm9, $0x0, v23;
	[tilespmem:$0x1C580] =	vst v60  }
0x14c: {  	v54 =	vld [tilespmem:$0x1B200];
	vm13 =	veq.s32 v36, v5;
	vm15 =	veq.s32 v41, v5;
	[tilespmem:$0x1BF80] =	vst v7;
	v7 =	vnsel vm11, $0x0, v15  }
0x14d: {  	v56 =	vld [tilespmem:$0x1B280];
	vm10 =	veq.s32 v6, v5;
	v6 =	vbroadcast v53, $0x3;
	[tilespmem:$0x1C080] =	vst v7;
	v7 =	vnsel vm13, $0x0, v29  }
0x14e: {  	v58 =	vld [tilespmem:$0x1B300];
	vm5 =	veq.s32 v46, v5;
	vm6 =	veq.s32 v48, v5;
	[tilespmem:$0x1C180] =	vst v7;
	v7 =	vnsel vm15, $0x0, v34  }
0x14f: {  	v21 =	vld [tilespmem:$0x1B580];
	vm11 =	veq.s32 v6, v5;
	v6 =	vbroadcast v53, $0x6;
	[tilespmem:$0x1C280] =	vst v7;
	v7 =	vnsel vm5, $0x0, v39  }
0x150: {  	v61 =	vld [tilespmem:$0x1B400];
	v24 =	vbroadcast v53, $0x8;
	v59 =	vnsel vm7, $0x0, v49;
	[tilespmem:$0x1C380] =	vst v7;
	v7 =	vnsel vm6, $0x0, v44  }
0x151: {  	vm9 =	veq.s32 v57, v5;
	vm14 =	veq.s32 v6, v5;
	v6 =	vbroadcast v53, $0x7;
	[tilespmem:$0x1C400] =	vst v7;
	v7 =	vld [tilespmem:$0x1B380]  }
0x152: {  	v63 =	vld [tilespmem:$0x1B480];
	v19 =	vbroadcast v53, $0x5;
	vm4 =	veq.s32 v24, v5;
	[tilespmem:$0x1C500] =	vst v59;
	v18 =	vnsel vm9, $0x0, v54  }
0x153: {  	v23 =	vld [tilespmem:$0x1B600];
	v10 =	vnsel vm10, $0x0, v56;
	[tilespmem:$0x1C600] =	vst v18;
	vm15 =	veq.s32 v6, v5;
	v6 =	vbroadcast v53, $0xA  }
0x154: {  	v20 =	vld [tilespmem:$0x1B500];
	v27 =	vbroadcast v53, $0x9;
	vm12 =	veq.s32 v62, v5;
	[tilespmem:$0x1C680] =	vst v10;
	v8 =	vnsel vm4, $0x0, v21  }
0x155: {  	v30 =	vld [tilespmem:$0x16C98];
	v22 =	vnsel vm11, $0x0, v58;
	[tilespmem:$0x1C980] =	vst v8;
	vm6 =	veq.s32 v6, v5;
	v6 =	vbroadcast v53, $0xB  }
0x156: {  	v25 =	vld [tilespmem:$0x1B680];
	vm13 =	veq.s32 v19, v5;
	vm5 =	veq.s32 v27, v5;
	[tilespmem:$0x1C700] =	vst v22;
	v7 =	vnsel vm12, $0x0, v7  }
0x157: {  	v28 =	vld [tilespmem:$0x1B700];
	vm7 =	veq.s32 v6, v5;
	v6 =	vbroadcast v53, $0xD;
	[tilespmem:$0x1C780] =	vst v7;
	v7 =	vnsel vm13, $0x0, v61  }
0x158: {  	v33 =	vnsel vm5, $0x0, v23;
	[tilespmem:$0x1C800] =	vst v7;
	v7 =	vld [tilespmem:$0x1B780]  }
0x159: {  	v32 =	vld [tilespmem:$0x1B800];
	v26 =	vnsel vm14, $0x0, v63;
	[tilespmem:$0x1CA00] =	vst v33;
	vm9 =	veq.s32 v6, v5;
	v6 =	vbroadcast v53, $0xF  }
0x15a: {  	v31 =	vbroadcast v53, $0xC;
	v35 =	vld [tilespmem:$0x1B880];
	v40 =	vand.u32 $0x7, v30;
	[tilespmem:$0x1C880] =	vst v26;
	v29 =	vnsel vm15, $0x0, v20  }
0x15b: {  	v36 =	vld [tilespmem:$0x1B900];
	[tilespmem:$0x1C900] =	vst v29;
	v34 =	vnsel vm6, $0x0, v25;
	vm11 =	veq.s32 v6, v5;
	v6 =	vbroadcast v40, $0x1  }
0x15c: {  	v38 =	vbroadcast v53, $0xE;
	vm8 =	veq.s32 v31, v5;
	v39 =	vld [tilespmem:$0x1B580];
	[tilespmem:$0x1CA80] =	vst v34;
	v37 =	vnsel vm7, $0x0, v28  }
0x15d: {  	v41 =	vld [tilespmem:$0x1B600];
	[tilespmem:$0x1CB00] =	vst v37;
	vm13 =	veq.s32 v6, v5;
	v6 =	vbroadcast v40, $0x3;
	v7 =	vnsel vm8, $0x0, v7  }
0x15e: {  	v43 =	vld [tilespmem:$0x1B680];
	vm10 =	veq.s32 v38, v5;
	v42 =	vbroadcast v40, $0x0;
	[tilespmem:$0x1CB80] =	vst v7;
	v7 =	vnsel vm9, $0x0, v32  }
0x15f: {  	v44 =	vld [tilespmem:$0x1B700];
	vm15 =	veq.s32 v6, v5;
	v6 =	vbroadcast v40, $0x5;
	[tilespmem:$0x1CC00] =	vst v7;
	v7 =	vnsel vm10, $0x0, v35  }
0x160: {  	v46 =	vld [tilespmem:$0x1B780];
	v45 =	vbroadcast v40, $0x2;
	vm12 =	veq.s32 v42, v5;
	[tilespmem:$0x1CC80] =	vst v7;
	v7 =	vnsel vm11, $0x0, v36  }
0x161: {  	v47 =	vld [tilespmem:$0x1B800];
	vm5 =	veq.s32 v6, v5;
	v6 =	vbroadcast v40, $0x7;
	[tilespmem:$0x1CD00] =	vst v7;
	v7 =	vnsel vm12, $0x0, v39  }
0x162: {  	v49 =	vld [tilespmem:$0x1B880];
	v48 =	vbroadcast v40, $0x4;
	vm14 =	veq.s32 v45, v5;
	[tilespmem:$0x1C980] =	vst v7;
	v7 =	vnsel vm13, $0x0, v41  }
0x163: {  	v50 =	vld [tilespmem:$0x1B900];
	vm7 =	veq.s32 v6, v5;
	v6 =	vbroadcast v40, $0x9;
	[tilespmem:$0x1CA00] =	vst v7;
	v7 =	vnsel vm14, $0x0, v43  }
0x164: {  	v52 =	vld [tilespmem:$0x1B980];
	v51 =	vbroadcast v40, $0x6;
	vm4 =	veq.s32 v48, v5;
	[tilespmem:$0x1CA80] =	vst v7;
	v7 =	vnsel vm15, $0x0, v44  }
0x165: {  	v53 =	vld [tilespmem:$0x1BA00];
	vm9 =	veq.s32 v6, v5;
	v6 =	vbroadcast v40, $0xB;
	[tilespmem:$0x1CB00] =	vst v7;
	v7 =	vnsel vm4, $0x0, v46  }
0x166: {  	v55 =	vld [tilespmem:$0x1BA80];
	v54 =	vbroadcast v40, $0x8;
	vm6 =	veq.s32 v51, v5;
	[tilespmem:$0x1CB80] =	vst v7;
	v7 =	vnsel vm5, $0x0, v47  }
0x167: {  	v62 =	vld [tilespmem:$0x1BD00];
	vm11 =	veq.s32 v6, v5;
	v6 =	vbroadcast v40, $0xD;
	[tilespmem:$0x1CC00] =	vst v7;
	v7 =	vnsel vm6, $0x0, v49  }
0x168: {  	v56 =	vld [tilespmem:$0x1BB00];
	v57 =	vbroadcast v40, $0xA;
	vm8 =	veq.s32 v54, v5;
	[tilespmem:$0x1CC80] =	vst v7;
	v7 =	vnsel vm7, $0x0, v50  }
0x169: {  	v58 =	vld [tilespmem:$0x1BB80];
	vm13 =	veq.s32 v6, v5;
	v6 =	vbroadcast v40, $0xF;
	[tilespmem:$0x1CD00] =	vst v7;
	v7 =	vnsel vm8, $0x0, v52  }
0x16a: {  	v59 =	vld [tilespmem:$0x1BC00];
	vm10 =	veq.s32 v57, v5;
	[tilespmem:$0x1CD80] =	vst v7;
	v7 =	vnsel vm9, $0x0, v53  }
0x16b: {  	v60 =	vbroadcast v40, $0xC;
	v61 =	vld [tilespmem:$0x1BC80];
	vm15 =	veq.s32 v6, v5;
	[tilespmem:$0x1CE00] =	vst v7;
	v7 =	vnsel vm10, $0x0, v55  }
0x16c: {  	v6 =	vnsel vm15, $0x0, v62;
	[tilespmem:$0x1CE80] =	vst v7  }
0x16d: {  	v63 =	vbroadcast v40, $0xE;
	vm12 =	veq.s32 v60, v5;
	v7 =	vnsel vm11, $0x0, v56;
	[tilespmem:$0x1D100] =	vst v6  }
0x16e: {  	s31 =	sadd.s32 $0x1, s31;
	[tilespmem:$0x1CF00] =	vst v7;
	v7 =	vnsel vm12, $0x0, v58  }
0x16f: {  	p0 =	seq.s32 s31, s29;
	vm14 =	veq.s32 v63, v5;
	[tilespmem:$0x1CF80] =	vst v7;
	v7 =	vnsel vm13, $0x0, v59  }
.Ltmp2:
0x170: {  	[tilespmem:$0x1D000] =	vst v7;
	v7 =	vnsel vm14, $0x0, v61;
	(pc) =	sbr.rel @!p0 .LBB2_6-.Ltmp2, $4  }
0x171: {  	[tilespmem:$0x1D080] =	vst v7  }
0x172: {  	[spmem:s4] =	stream.indirect.scatter.add.f32 [tilespmem:s3], [sflag:$0x3], $0x80, s17, s16, $0xb8;
	[tilespmem:$0x1D180] =	vst v63  }
0x173: {  	_ = 	snop  }
0x174: {  	[spmem:s5] =	stream.indirect.scatter.add.f32 [tilespmem:s13], [sflag:$0x4], $0x80, s24, s16, $0xb8;
	[tilespmem:$0x1D180] =	vst v63  }
0x175: {  	p0 =	seq.s32 s30, $0x19  }
.Ltmp3:
0x176: {  	_ = 	snop;
	(pc) =	sbr.rel @!p0 .LBB2_5-.Ltmp3, $2  }
0x177: {  	_ =	sdelay $0x2  }
0x178: {  	s29 =	sadd.s32 $0xA, s29  }
0x179: {  	s1 =	simm.s32 $0x3  }
0x17a: {  	_ =	swait.ge [sflag:s1], $0x1400  }
0x17b: {  	[sflag:s1] =	ssyncset.done $0x0  }
0x17c: {  	[sflag:s1] =	ssyncadd.s32 $0xFFFFEC00  }
0x17d: {  	_ =	swait.ge [sflag:s26], $0x1400  }
0x17e: {  	[sflag:s26] =	ssyncset.done $0x0  }
0x17f: {  	s25 =	stileid.u32;
	[sflag:s26] =	ssyncadd.s32 $0xFFFFEC00  }
0x180: {  	s1 =	sshll.u32 s25, $0x6;
	[bflag:$0x0] =	sbarrier.arrive $0xFFFF  }
0x181: {  	s2 =	sshrl.u32 s11, $0x3;
	s1 =	sor.u32 $0x1C05, s1;
	s25 =	rddreg [dreg:$0xe]  }
0x182: {  	[hbm:s25], [sflag:s1] =	dma.local [spmem:s2], $0x2800  }
0x183: {  	_ =	swait.ge [sflag:s12], $0x2800  }
0x184: {  	[sflag:s12] =	ssyncset.done $0x0  }
0x185: {  	s29 =	sshrl.u32 s23, $0x3;
	s30 =	rddreg [dreg:$0x10];
	[sflag:s12] =	ssyncadd.s32 $0xFFFFD800  }
0x186: {  	[hbm:s30], [sflag:s1] =	dma.local [spmem:s29], $0x500  }
0x187: {  	_ =	swait.ge [sflag:s12], $0x500  }
0x188: {  	s28 =	sadd.s32 $0x1, s28;
	s31 =	rddreg [dreg:$0x11]  }
0x189: {  	p0 =	sne.s32 s28, s31  }
.Ltmp4:
0x18a: {  	_ = 	snop;
	(pc) =	sbr.rel @p0 .LBB2_1-.Ltmp4, $3  }
0x18b: {  	_ =	sdelay $0x1  }
0x18c: {  	[sflag:s12] =	ssyncset.done $0x0  }
0x18d: {  	[sflag:s12] =	ssyncadd.s32 $0xFFFFFB00  }
0x18e: {  	_ =	sfence.sel $0x180000  }
0x18f: {  	[bflag:$0x0] =	sbarrier.arrive $0xFFFF  }
0x190: {  	_ =	strace $0x90000047  }
0x191: {  	s0 =	stileid.u32;
	[bflag:$0x2] =	sbarrier.arrive $0xFFFF  }
0x192: {  	p0 =	sne.s32 s0, $0x0;
	s0 =	rddreg [dreg:$0x5]  }
0x193: {  	s0 =	sadd.s32 @!p0 $0x100000, s0  }
0x194: {  	[sflag:s0] =	ssyncadd.tile.s32 @!p0 $0x1;
	_ =	shalt  }
.Lfunc_end2:
_tile_overlayer_lowered:
.L_overlay_start_2:
0x195: {  	(tag) =	ssettag $0x2  }
0x196: {  	s0 =	rddreg [dreg:$0x0];
	s2 =	stileid.u32  }
0x197: {  	s1 =	rddreg [dreg:$0x1];
	p0 =	sne.s32 s2, $0x0  }
0x198: {  	s3 =	rddreg [dreg:$0x2];
	[bflag:$0x3] =	sbarrier.arrive $0xFFFF;
	s2 =	simm.s32 @!p0 $0x1C05  }
0x199: {  	[timem:s3], [sflag:s2] =	dma.local @!p0 [hbm:s0], s1  }
0x19a: {  	s0 =	simm.s32 @!p0 $0x5  }
0x19b: {  	_ =	swait.ge @!p0 [sflag:s0], s1  }
0x19c: {  	s1 =	ssub.s32 @!p0 $0x0, s1;
	[sflag:s0] =	ssyncset.done @!p0 $0x0  }
0x19d: {  	[sflag:s0] =	ssyncadd.s32 @!p0 s1  }
0x19e: {  	[bflag:$0x3] =	sbarrier.arrive $0xFFFF  }
0x19f: {  	_ =	shalt  }

</sc_bundles>
